<compile_context>
chip_gen: v7x
topology: tpu7x:2x2x1
jax: 0.10.2.dev20260603
libtpu: 0.0.44.dev20260713+nightly
codegen_flags: <defaults>
</compile_context>

<pallas_src>
import functools

import jax
import jax.numpy as jnp
from jax import lax
from jax.experimental import pallas as pl
from jax.experimental.pallas import tpu as pltpu
from jax.experimental.pallas import tpu_sc as plsc

BATCH = 16384
NUM_SKILLS = 100000
SKILL_DIM = 64
HIDDEN_DIM = 128
LIST_LEN = 20

NUM_CORES = 2
NUM_SUBCORES = 16
NW = NUM_CORES * NUM_SUBCORES

CHUNK = 32
IDS_PER_UNIT = CHUNK * LIST_LEN
UNIT_ROWS = IDS_PER_UNIT // 128
CHUNKS_PER_W = BATCH // (NW * CHUNK)
TOTAL_CHUNKS = BATCH // CHUNK


def _pooling_sc(table, idx1, idx2, nbatch):
    chunks_per_w = nbatch // (NW * CHUNK)
    mesh = plsc.VectorSubcoreMesh(
        core_axis_name="c", subcore_axis_name="s",
        num_cores=NUM_CORES, num_subcores=NUM_SUBCORES)

    @functools.partial(
        pl.kernel,
        out_type=jax.ShapeDtypeStruct((nbatch, 2 * SKILL_DIM), jnp.float32),
        mesh=mesh,
        scratch_types=[
            pltpu.VMEM((2, UNIT_ROWS, 128), jnp.int32),
            pltpu.VMEM((2, UNIT_ROWS, 128), jnp.int32),
            pltpu.VMEM((IDS_PER_UNIT, SKILL_DIM), jnp.bfloat16),
            pltpu.VMEM((IDS_PER_UNIT, SKILL_DIM), jnp.bfloat16),
            pltpu.VMEM((CHUNK, 2 * SKILL_DIM), jnp.float32),
            pltpu.SemaphoreType.DMA,
            pltpu.SemaphoreType.DMA,
            pltpu.SemaphoreType.DMA,
            pltpu.SemaphoreType.DMA,
        ],
        compiler_params=pltpu.CompilerParams(
            use_tc_tiling_on_sc=False, needs_layout_passes=False),
    )
    def k(table_hbm, idx1_hbm, idx2_hbm, out_hbm,
          idx_a, idx_b, rows_a, rows_b, out_v,
          sem_a, sem_b, isem_a, isem_b):
        wid = lax.axis_index("s") * NUM_CORES + lax.axis_index("c")
        base = wid * chunks_per_w

        def idx_copy(kk, src_hbm, idx_v, p, isem):
            pltpu.async_copy(src_hbm.at[kk], idx_v.at[p], isem)

        def fire(kk, src_hbm, idx_v, p, isem, rows_v, sem):
            pltpu.make_async_copy(src_hbm.at[kk], idx_v.at[p], isem).wait()
            for j in range(UNIT_ROWS):
                pltpu.async_copy(
                    table_hbm.at[idx_v.at[p, j]],
                    rows_v.at[pl.ds(j * 128, 128)], sem)

        def drain(idx_v, p, rows_v, sem):
            for j in range(UNIT_ROWS):
                pltpu.make_async_copy(
                    table_hbm.at[idx_v.at[p, j]],
                    rows_v.at[pl.ds(j * 128, 128)], sem).wait()

        def reduce(rows_v, half):
            @pl.loop(0, CHUNK)
            def _elem(i):
                rbase = i * LIST_LEN
                for d2 in range(SKILL_DIM // 32):
                    v = rows_v[rbase, pl.ds(d2 * 32, 32)]
                    acc_e, acc_o = plsc.unpack(
                        v, format=plsc.PackFormat.INTERLEAVED)
                    for r in range(1, LIST_LEN):
                        v = rows_v[rbase + r, pl.ds(d2 * 32, 32)]
                        e, o = plsc.unpack(
                            v, format=plsc.PackFormat.INTERLEAVED)
                        acc_e = acc_e + e
                        acc_o = acc_o + o
                    col = half * SKILL_DIM + d2 * 32
                    out_v[i, pl.ds(col, 16)] = acc_e
                    out_v[i, pl.ds(col + 16, 16)] = acc_o

        idx_copy(base, idx1_hbm, idx_a, 0, isem_a)
        idx_copy(base, idx2_hbm, idx_b, 0, isem_b)
        idx_copy(base + 1, idx1_hbm, idx_a, 1, isem_a)
        idx_copy(base + 1, idx2_hbm, idx_b, 1, isem_b)
        fire(base, idx1_hbm, idx_a, 0, isem_a, rows_a, sem_a)

        @pl.loop(0, chunks_per_w)
        def _chunk(c):
            kk = base + c
            p = c % 2
            fire(kk, idx2_hbm, idx_b, p, isem_b, rows_b, sem_b)
            drain(idx_a, p, rows_a, sem_a)

            @pl.when(c < chunks_per_w - 2)
            def _():
                idx_copy(kk + 2, idx1_hbm, idx_a, p, isem_a)

            reduce(rows_a, 0)

            @pl.when(c < chunks_per_w - 1)
            def _():
                fire(kk + 1, idx1_hbm, idx_a, 1 - p, isem_a, rows_a, sem_a)

            drain(idx_b, p, rows_b, sem_b)

            @pl.when(c < chunks_per_w - 2)
            def _():
                idx_copy(kk + 2, idx2_hbm, idx_b, p, isem_b)

            reduce(rows_b, 1)
            pltpu.sync_copy(out_v, out_hbm.at[pl.ds(kk * CHUNK, CHUNK)])

    return k(table, idx1, idx2)


def _mlp_body(x_ref, w1t_ref, b1_ref, w2_ref, b2_ref, o_ref):
    h = jnp.dot(x_ref[...], w1t_ref[...], preferred_element_type=jnp.float32)
    h = jnp.maximum(h + b1_ref[...], 0.0)
    z = jnp.sum(h * w2_ref[...], axis=1, keepdims=True) + b2_ref[...]
    o_ref[...] = 1.0 / (1.0 + jnp.exp(-z))


def _mlp_tc(x, w1t, b1, w2, b2):
    BM = 1024
    nbatch = x.shape[0]
    grid = (nbatch // BM,)
    return pl.pallas_call(
        _mlp_body,
        grid=grid,
        in_specs=[
            pl.BlockSpec((BM, 2 * SKILL_DIM), lambda i: (i, 0)),
            pl.BlockSpec((2 * SKILL_DIM, HIDDEN_DIM), lambda i: (0, 0)),
            pl.BlockSpec((1, HIDDEN_DIM), lambda i: (0, 0)),
            pl.BlockSpec((1, HIDDEN_DIM), lambda i: (0, 0)),
            pl.BlockSpec((1, 1), lambda i: (0, 0)),
        ],
        out_specs=pl.BlockSpec((BM, 1), lambda i: (i, 0)),
        out_shape=jax.ShapeDtypeStruct((nbatch, 1), jnp.float32),
    )(x, w1t, b1, w2, b2)


def kernel(skill_ids_1, skill_ids_2, table, W1, b1, W2, b2):
    ids1 = skill_ids_1.astype(jnp.int32)
    ids2 = skill_ids_2.astype(jnp.int32)
    table_bf = table.astype(jnp.bfloat16)
    w1t = W1.T * (1.0 / LIST_LEN)
    perm = []
    for hh in range(2):
        for d2 in range(SKILL_DIM // 32):
            for sub in range(2):
                for s in range(16):
                    perm.append(hh * SKILL_DIM + d2 * 32 + 2 * s + sub)
    w1t = w1t[jnp.array(perm), :]
    b1r = b1.reshape(1, -1)
    b2r = b2.reshape(1, 1)
    h = BATCH // 2
    hc = h // CHUNK
    outs = []
    for s in range(2):
        i1 = ids1[s * h:(s + 1) * h].reshape(hc, UNIT_ROWS, 128)
        i2 = ids2[s * h:(s + 1) * h].reshape(hc, UNIT_ROWS, 128)
        pooled = _pooling_sc(table_bf, i1, i2, h)
        outs.append(_mlp_tc(pooled, w1t, b1r, W2, b2r))
    return jnp.concatenate(outs, axis=0)

# --- scband reference (transcript-rebuilt; emitter-appended) ---
"""Pipeline reference for scband-skill-compatibility-scoring-54769422958786 (READ-ONLY COPY).

The authoritative reference and input builder live on the scoring server;
editing this copy changes nothing except your own understanding.
"""

import jax, jax.numpy as jnp
import numpy as np

BATCH = 16384
NUM_SKILLS = 100000
SKILL_DIM = 64
HIDDEN_DIM = 128
LIST_LEN = 20

def setup_inputs(seed: int = 0) -> dict:
    key = jax.random.key(seed)
    k1, k2, k3, k4, k5, k6, k7 = jax.random.split(key, 7)
    skill_ids_1 = jax.random.randint(k1, (BATCH, LIST_LEN), 0, NUM_SKILLS, dtype=jnp.int64 if jax.config.read('jax_enable_x64') else jnp.int32)
    skill_ids_2 = jax.random.randint(k2, (BATCH, LIST_LEN), 0, NUM_SKILLS, dtype=jnp.int64 if jax.config.read('jax_enable_x64') else jnp.int32)
    table = jax.random.normal(k3, (NUM_SKILLS, SKILL_DIM), dtype=jnp.float32)
    # Linear 1: in = skill_dim*2, out = hidden_dim
    lim1 = 1.0 / np.sqrt(SKILL_DIM * 2)
    W1 = jax.random.uniform(k4, (HIDDEN_DIM, SKILL_DIM * 2), minval=-lim1, maxval=lim1, dtype=jnp.float32)
    b1 = jax.random.uniform(k5, (HIDDEN_DIM,), minval=-lim1, maxval=lim1, dtype=jnp.float32)
    # Linear 2: in = hidden_dim, out = 1
    lim2 = 1.0 / np.sqrt(HIDDEN_DIM)
    W2 = jax.random.uniform(k6, (1, HIDDEN_DIM), minval=-lim2, maxval=lim2, dtype=jnp.float32)
    b2 = jax.random.uniform(k7, (1,), minval=-lim2, maxval=lim2, dtype=jnp.float32)
    return {"skill_ids_1": skill_ids_1, "skill_ids_2": skill_ids_2, "table": table, "W1": W1, "b1": b1, "W2": W2, "b2": b2}

def reference(skill_ids_1, skill_ids_2, table, W1, b1, W2, b2):
    skills_1 = jnp.take(table, skill_ids_1, axis=0)  # [B, L1, D]
    skills_2 = jnp.take(table, skill_ids_2, axis=0)  # [B, L2, D]
    skills_1_avg = skills_1.mean(axis=1)
    skills_2_avg = skills_2.mean(axis=1)
    combined = jnp.concatenate([skills_1_avg, skills_2_avg], axis=1)  # [B, 2D]
    h = jnp.maximum(combined @ W1.T + b1, 0.0)
    out = jax.nn.sigmoid(h @ W2.T + b2)
    return out

if __name__ == "__main__":
    import jax
    _d = setup_inputs()
    print(jax.jit(kernel)(*tuple(_d.values())))

</pallas_src>

<mosaic_0001>
#map = affine_map<(d0, d1) -> (0, 0)>
#map1 = affine_map<(d0, d1) -> (0, 0, 0)>
module attributes {stable_mosaic.version = 14 : i64} {
  func.func @k(%arg0: i32, %arg1: i32, %arg2: memref<100000x64xbf16, #tpu.memory_space<hbm>>, %arg3: memref<256x5x128xi32, #tpu.memory_space<hbm>>, %arg4: memref<256x5x128xi32, #tpu.memory_space<hbm>>, %arg5: memref<8192x128xf32, #tpu.memory_space<hbm>>, %arg6: memref<2x5x128xi32, #tpu.memory_space<vmem>>, %arg7: memref<2x5x128xi32, #tpu.memory_space<vmem>>, %arg8: memref<640x64xbf16, #tpu.memory_space<vmem>>, %arg9: memref<640x64xbf16, #tpu.memory_space<vmem>>, %arg10: memref<32x128xf32, #tpu.memory_space<vmem>>, %arg11: memref<!tpu.dma_semaphore, #tpu.memory_space<semaphore_mem>>, %arg12: memref<!tpu.dma_semaphore, #tpu.memory_space<semaphore_mem>>, %arg13: memref<!tpu.dma_semaphore, #tpu.memory_space<semaphore_mem>>, %arg14: memref<!tpu.dma_semaphore, #tpu.memory_space<semaphore_mem>>) attributes {dimension_semantics = [#tpu.dimension_semantics<core_parallel>, #tpu.dimension_semantics<subcore_parallel>], iteration_bounds = array<i64: 2, 16>, scalar_prefetch = 0 : i64, scratch_operands = 9 : i64, tpu.core_type = #tpu.core_type<sc_vector_subcore>, window_params = [{transform_indices = #map}, {transform_indices = #map1}, {transform_indices = #map1}, {transform_indices = #map}]} {
    %mul3A = arith.constant 2 : i32
    %mul3A_0 = arith.muli %arg1, %mul3A : i32
    %add3A = arith.addi %mul3A_0, %arg0 : i32
    %mul3A_1 = arith.constant 8 : i32
    %mul3A_2 = arith.muli %add3A, %mul3A_1 : i32
    %dma_start3A = arith.constant 0 : i32
    %dma_start3A_3 = arith.constant 0 : i32
    %dma_start3A_4 = arith.constant 0 : i32
    %dma_start3A_5 = tpu.memref_slice %arg6[%dma_start3A, %dma_start3A_3, %dma_start3A_4] : memref<2x5x128xi32, #tpu.memory_space<vmem>> -> memref<1x5x128xi32, #tpu.memory_space<vmem>>
    %dma_start3A_6 = tpu.memref_squeeze %dma_start3A_5 : memref<1x5x128xi32, #tpu.memory_space<vmem>> -> memref<5x128xi32, #tpu.memory_space<vmem>>
    %dma_start3A_7 = arith.constant 0 : i32
    %dma_start3A_8 = arith.constant 0 : i32
    %dma_start3A_9 = tpu.memref_slice %arg3[%mul3A_2, %dma_start3A_7, %dma_start3A_8] : memref<256x5x128xi32, #tpu.memory_space<hbm>> -> memref<1x5x128xi32, #tpu.memory_space<hbm>>
    %dma_start3A_10 = tpu.memref_squeeze %dma_start3A_9 : memref<1x5x128xi32, #tpu.memory_space<hbm>> -> memref<5x128xi32, #tpu.memory_space<hbm>>
    %dma_start3A_11 = arith.constant 0 : i32
    %dma_start3A_12 = arith.constant 0 : i32
    %dma_start3A_13 = tpu.memref_slice %arg6[%dma_start3A, %dma_start3A_11, %dma_start3A_12] : memref<2x5x128xi32, #tpu.memory_space<vmem>> -> memref<1x5x128xi32, #tpu.memory_space<vmem>>
    %dma_start3A_14 = tpu.memref_squeeze %dma_start3A_13 : memref<1x5x128xi32, #tpu.memory_space<vmem>> -> memref<5x128xi32, #tpu.memory_space<vmem>>
    %dma_start3A_15 = arith.constant 0 : i32
    %dma_start3A_16 = arith.constant 0 : i32
    %dma_start3A_17 = tpu.memref_slice %arg3[%mul3A_2, %dma_start3A_15, %dma_start3A_16] : memref<256x5x128xi32, #tpu.memory_space<hbm>> -> memref<1x5x128xi32, #tpu.memory_space<hbm>>
    %dma_start3A_18 = tpu.memref_squeeze %dma_start3A_17 : memref<1x5x128xi32, #tpu.memory_space<hbm>> -> memref<5x128xi32, #tpu.memory_space<hbm>>
    tpu.enqueue_dma source(%dma_start3A_18 : memref<5x128xi32, #tpu.memory_space<hbm>>) target(%dma_start3A_14 : memref<5x128xi32, #tpu.memory_space<vmem>>) target_semaphore(%arg13 : memref<!tpu.dma_semaphore, #tpu.memory_space<semaphore_mem>>)
    %dma_start3A_19 = arith.constant 0 : i32
    %dma_start3A_20 = arith.constant 0 : i32
    %dma_start3A_21 = arith.constant 0 : i32
    %dma_start3A_22 = tpu.memref_slice %arg7[%dma_start3A_19, %dma_start3A_20, %dma_start3A_21] : memref<2x5x128xi32, #tpu.memory_space<vmem>> -> memref<1x5x128xi32, #tpu.memory_space<vmem>>
    %dma_start3A_23 = tpu.memref_squeeze %dma_start3A_22 : memref<1x5x128xi32, #tpu.memory_space<vmem>> -> memref<5x128xi32, #tpu.memory_space<vmem>>
    %dma_start3A_24 = arith.constant 0 : i32
    %dma_start3A_25 = arith.constant 0 : i32
    %dma_start3A_26 = tpu.memref_slice %arg4[%mul3A_2, %dma_start3A_24, %dma_start3A_25] : memref<256x5x128xi32, #tpu.memory_space<hbm>> -> memref<1x5x128xi32, #tpu.memory_space<hbm>>
    %dma_start3A_27 = tpu.memref_squeeze %dma_start3A_26 : memref<1x5x128xi32, #tpu.memory_space<hbm>> -> memref<5x128xi32, #tpu.memory_space<hbm>>
    %dma_start3A_28 = arith.constant 0 : i32
    %dma_start3A_29 = arith.constant 0 : i32
    %dma_start3A_30 = tpu.memref_slice %arg7[%dma_start3A_19, %dma_start3A_28, %dma_start3A_29] : memref<2x5x128xi32, #tpu.memory_space<vmem>> -> memref<1x5x128xi32, #tpu.memory_space<vmem>>
    %dma_start3A_31 = tpu.memref_squeeze %dma_start3A_30 : memref<1x5x128xi32, #tpu.memory_space<vmem>> -> memref<5x128xi32, #tpu.memory_space<vmem>>
    %dma_start3A_32 = arith.constant 0 : i32
    %dma_start3A_33 = arith.constant 0 : i32
    %dma_start3A_34 = tpu.memref_slice %arg4[%mul3A_2, %dma_start3A_32, %dma_start3A_33] : memref<256x5x128xi32, #tpu.memory_space<hbm>> -> memref<1x5x128xi32, #tpu.memory_space<hbm>>
    %dma_start3A_35 = tpu.memref_squeeze %dma_start3A_34 : memref<1x5x128xi32, #tpu.memory_space<hbm>> -> memref<5x128xi32, #tpu.memory_space<hbm>>
    tpu.enqueue_dma source(%dma_start3A_35 : memref<5x128xi32, #tpu.memory_space<hbm>>) target(%dma_start3A_31 : memref<5x128xi32, #tpu.memory_space<vmem>>) target_semaphore(%arg14 : memref<!tpu.dma_semaphore, #tpu.memory_space<semaphore_mem>>)
    %add3A_36 = arith.constant 1 : i32
    %add3A_37 = arith.addi %mul3A_2, %add3A_36 : i32
    %dma_start3A_38 = arith.constant 1 : i32
    %dma_start3A_39 = arith.constant 0 : i32
    %dma_start3A_40 = arith.constant 0 : i32
    %dma_start3A_41 = tpu.memref_slice %arg6[%dma_start3A_38, %dma_start3A_39, %dma_start3A_40] : memref<2x5x128xi32, #tpu.memory_space<vmem>> -> memref<1x5x128xi32, #tpu.memory_space<vmem>>
    %dma_start3A_42 = tpu.memref_squeeze %dma_start3A_41 : memref<1x5x128xi32, #tpu.memory_space<vmem>> -> memref<5x128xi32, #tpu.memory_space<vmem>>
    %dma_start3A_43 = arith.constant 0 : i32
    %dma_start3A_44 = arith.constant 0 : i32
    %dma_start3A_45 = tpu.memref_slice %arg3[%add3A_37, %dma_start3A_43, %dma_start3A_44] : memref<256x5x128xi32, #tpu.memory_space<hbm>> -> memref<1x5x128xi32, #tpu.memory_space<hbm>>
    %dma_start3A_46 = tpu.memref_squeeze %dma_start3A_45 : memref<1x5x128xi32, #tpu.memory_space<hbm>> -> memref<5x128xi32, #tpu.memory_space<hbm>>
    %dma_start3A_47 = arith.constant 0 : i32
    %dma_start3A_48 = arith.constant 0 : i32
    %dma_start3A_49 = tpu.memref_slice %arg6[%dma_start3A_38, %dma_start3A_47, %dma_start3A_48] : memref<2x5x128xi32, #tpu.memory_space<vmem>> -> memref<1x5x128xi32, #tpu.memory_space<vmem>>
    %dma_start3A_50 = tpu.memref_squeeze %dma_start3A_49 : memref<1x5x128xi32, #tpu.memory_space<vmem>> -> memref<5x128xi32, #tpu.memory_space<vmem>>
    %dma_start3A_51 = arith.constant 0 : i32
    %dma_start3A_52 = arith.constant 0 : i32
    %dma_start3A_53 = tpu.memref_slice %arg3[%add3A_37, %dma_start3A_51, %dma_start3A_52] : memref<256x5x128xi32, #tpu.memory_space<hbm>> -> memref<1x5x128xi32, #tpu.memory_space<hbm>>
    %dma_start3A_54 = tpu.memref_squeeze %dma_start3A_53 : memref<1x5x128xi32, #tpu.memory_space<hbm>> -> memref<5x128xi32, #tpu.memory_space<hbm>>
    tpu.enqueue_dma source(%dma_start3A_54 : memref<5x128xi32, #tpu.memory_space<hbm>>) target(%dma_start3A_50 : memref<5x128xi32, #tpu.memory_space<vmem>>) target_semaphore(%arg13 : memref<!tpu.dma_semaphore, #tpu.memory_space<semaphore_mem>>)
    %add3A_55 = arith.constant 1 : i32
    %add3A_56 = arith.addi %mul3A_2, %add3A_55 : i32
    %dma_start3A_57 = arith.constant 1 : i32
    %dma_start3A_58 = arith.constant 0 : i32
    %dma_start3A_59 = arith.constant 0 : i32
    %dma_start3A_60 = tpu.memref_slice %arg7[%dma_start3A_57, %dma_start3A_58, %dma_start3A_59] : memref<2x5x128xi32, #tpu.memory_space<vmem>> -> memref<1x5x128xi32, #tpu.memory_space<vmem>>
    %dma_start3A_61 = tpu.memref_squeeze %dma_start3A_60 : memref<1x5x128xi32, #tpu.memory_space<vmem>> -> memref<5x128xi32, #tpu.memory_space<vmem>>
    %dma_start3A_62 = arith.constant 0 : i32
    %dma_start3A_63 = arith.constant 0 : i32
    %dma_start3A_64 = tpu.memref_slice %arg4[%add3A_56, %dma_start3A_62, %dma_start3A_63] : memref<256x5x128xi32, #tpu.memory_space<hbm>> -> memref<1x5x128xi32, #tpu.memory_space<hbm>>
    %dma_start3A_65 = tpu.memref_squeeze %dma_start3A_64 : memref<1x5x128xi32, #tpu.memory_space<hbm>> -> memref<5x128xi32, #tpu.memory_space<hbm>>
    %dma_start3A_66 = arith.constant 0 : i32
    %dma_start3A_67 = arith.constant 0 : i32
    %dma_start3A_68 = tpu.memref_slice %arg7[%dma_start3A_57, %dma_start3A_66, %dma_start3A_67] : memref<2x5x128xi32, #tpu.memory_space<vmem>> -> memref<1x5x128xi32, #tpu.memory_space<vmem>>
    %dma_start3A_69 = tpu.memref_squeeze %dma_start3A_68 : memref<1x5x128xi32, #tpu.memory_space<vmem>> -> memref<5x128xi32, #tpu.memory_space<vmem>>
    %dma_start3A_70 = arith.constant 0 : i32
    %dma_start3A_71 = arith.constant 0 : i32
    %dma_start3A_72 = tpu.memref_slice %arg4[%add3A_56, %dma_start3A_70, %dma_start3A_71] : memref<256x5x128xi32, #tpu.memory_space<hbm>> -> memref<1x5x128xi32, #tpu.memory_space<hbm>>
    %dma_start3A_73 = tpu.memref_squeeze %dma_start3A_72 : memref<1x5x128xi32, #tpu.memory_space<hbm>> -> memref<5x128xi32, #tpu.memory_space<hbm>>
    tpu.enqueue_dma source(%dma_start3A_73 : memref<5x128xi32, #tpu.memory_space<hbm>>) target(%dma_start3A_69 : memref<5x128xi32, #tpu.memory_space<vmem>>) target_semaphore(%arg14 : memref<!tpu.dma_semaphore, #tpu.memory_space<semaphore_mem>>)
    %dma_wait3A = arith.constant 0 : i32
    %dma_wait3A_74 = arith.constant 0 : i32
    %dma_wait3A_75 = arith.constant 0 : i32
    %dma_wait3A_76 = tpu.memref_slice %arg6[%dma_wait3A, %dma_wait3A_74, %dma_wait3A_75] : memref<2x5x128xi32, #tpu.memory_space<vmem>> -> memref<1x5x128xi32, #tpu.memory_space<vmem>>
    %dma_wait3A_77 = tpu.memref_squeeze %dma_wait3A_76 : memref<1x5x128xi32, #tpu.memory_space<vmem>> -> memref<5x128xi32, #tpu.memory_space<vmem>>
    %dma_wait3A_78 = arith.constant 0 : i32
    %dma_wait3A_79 = arith.constant 0 : i32
    %dma_wait3A_80 = tpu.memref_slice %arg3[%mul3A_2, %dma_wait3A_78, %dma_wait3A_79] : memref<256x5x128xi32, #tpu.memory_space<hbm>> -> memref<1x5x128xi32, #tpu.memory_space<hbm>>
    %dma_wait3A_81 = tpu.memref_squeeze %dma_wait3A_80 : memref<1x5x128xi32, #tpu.memory_space<hbm>> -> memref<5x128xi32, #tpu.memory_space<hbm>>
    %dma_wait3A_82 = arith.constant 0 : i32
    %dma_wait3A_83 = arith.constant 0 : i32
    %dma_wait3A_84 = tpu.memref_slice %arg6[%dma_wait3A, %dma_wait3A_82, %dma_wait3A_83] : memref<2x5x128xi32, #tpu.memory_space<vmem>> -> memref<1x5x128xi32, #tpu.memory_space<vmem>>
    %dma_wait3A_85 = tpu.memref_squeeze %dma_wait3A_84 : memref<1x5x128xi32, #tpu.memory_space<vmem>> -> memref<5x128xi32, #tpu.memory_space<vmem>>
    %dma_wait3A_86 = arith.constant 0 : i32
    %dma_wait3A_87 = arith.constant 0 : i32
    %dma_wait3A_88 = tpu.memref_slice %arg3[%mul3A_2, %dma_wait3A_86, %dma_wait3A_87] : memref<256x5x128xi32, #tpu.memory_space<hbm>> -> memref<1x5x128xi32, #tpu.memory_space<hbm>>
    %dma_wait3A_89 = tpu.memref_squeeze %dma_wait3A_88 : memref<1x5x128xi32, #tpu.memory_space<hbm>> -> memref<5x128xi32, #tpu.memory_space<hbm>>
    tpu.wait_dma2 semaphore(%arg13 : memref<!tpu.dma_semaphore, #tpu.memory_space<semaphore_mem>>) src(%dma_wait3A_89 : memref<5x128xi32, #tpu.memory_space<hbm>>) dst(%dma_wait3A_85 : memref<5x128xi32, #tpu.memory_space<vmem>>)
    %dma_start3A_90 = arith.constant 0 : i32
    %dma_start3A_91 = arith.constant 0 : i32
    %dma_start3A_92 = arith.constant 0 : i32
    %dma_start3A_93 = arith.constant 0 : i32
    %dma_start3A_94 = tpu.memref_slice %arg8[%dma_start3A_92, %dma_start3A_93] : memref<640x64xbf16, #tpu.memory_space<vmem>> -> memref<128x64xbf16, #tpu.memory_space<vmem>>
    %dma_start3A_95 = arith.constant 0 : i32
    %dma_start3A_96 = tpu.memref_slice %arg6[%dma_start3A_90, %dma_start3A_91, %dma_start3A_95] : memref<2x5x128xi32, #tpu.memory_space<vmem>> -> memref<1x1x128xi32, #tpu.memory_space<vmem>>
    %dma_start3A_97 = tpu.memref_squeeze %dma_start3A_96 : memref<1x1x128xi32, #tpu.memory_space<vmem>> -> memref<128xi32, #tpu.memory_space<vmem>>
    %dma_start3A_98 = arith.constant 0 : i32
    %dma_start3A_99 = arith.constant 0 : i32
    %dma_start3A_100 = tpu.memref_slice %arg2[%dma_start3A_98, %dma_start3A_99] : memref<100000x64xbf16, #tpu.memory_space<hbm>> -> memref<100000x64xbf16, #tpu.memory_space<hbm>>
    tpu.enqueue_indirect_dma source(%dma_start3A_100 : memref<100000x64xbf16, #tpu.memory_space<hbm>>) target(%dma_start3A_94 : memref<128x64xbf16, #tpu.memory_space<vmem>>) offsets(%dma_start3A_97 : memref<128xi32, #tpu.memory_space<vmem>>) semaphore(%arg11 : memref<!tpu.dma_semaphore, #tpu.memory_space<semaphore_mem>>)
    %dma_start3A_101 = arith.constant 0 : i32
    %dma_start3A_102 = arith.constant 1 : i32
    %dma_start3A_103 = arith.constant 128 : i32
    %dma_start3A_104 = arith.constant 0 : i32
    %dma_start3A_105 = tpu.memref_slice %arg8[%dma_start3A_103, %dma_start3A_104] : memref<640x64xbf16, #tpu.memory_space<vmem>> -> memref<128x64xbf16, #tpu.memory_space<vmem>>
    %dma_start3A_106 = arith.constant 0 : i32
    %dma_start3A_107 = tpu.memref_slice %arg6[%dma_start3A_101, %dma_start3A_102, %dma_start3A_106] : memref<2x5x128xi32, #tpu.memory_space<vmem>> -> memref<1x1x128xi32, #tpu.memory_space<vmem>>
    %dma_start3A_108 = tpu.memref_squeeze %dma_start3A_107 : memref<1x1x128xi32, #tpu.memory_space<vmem>> -> memref<128xi32, #tpu.memory_space<vmem>>
    %dma_start3A_109 = arith.constant 0 : i32
    %dma_start3A_110 = arith.constant 0 : i32
    %dma_start3A_111 = tpu.memref_slice %arg2[%dma_start3A_109, %dma_start3A_110] : memref<100000x64xbf16, #tpu.memory_space<hbm>> -> memref<100000x64xbf16, #tpu.memory_space<hbm>>
    tpu.enqueue_indirect_dma source(%dma_start3A_111 : memref<100000x64xbf16, #tpu.memory_space<hbm>>) target(%dma_start3A_105 : memref<128x64xbf16, #tpu.memory_space<vmem>>) offsets(%dma_start3A_108 : memref<128xi32, #tpu.memory_space<vmem>>) semaphore(%arg11 : memref<!tpu.dma_semaphore, #tpu.memory_space<semaphore_mem>>)
    %dma_start3A_112 = arith.constant 0 : i32
    %dma_start3A_113 = arith.constant 2 : i32
    %dma_start3A_114 = arith.constant 256 : i32
    %dma_start3A_115 = arith.constant 0 : i32
    %dma_start3A_116 = tpu.memref_slice %arg8[%dma_start3A_114, %dma_start3A_115] : memref<640x64xbf16, #tpu.memory_space<vmem>> -> memref<128x64xbf16, #tpu.memory_space<vmem>>
    %dma_start3A_117 = arith.constant 0 : i32
    %dma_start3A_118 = tpu.memref_slice %arg6[%dma_start3A_112, %dma_start3A_113, %dma_start3A_117] : memref<2x5x128xi32, #tpu.memory_space<vmem>> -> memref<1x1x128xi32, #tpu.memory_space<vmem>>
    %dma_start3A_119 = tpu.memref_squeeze %dma_start3A_118 : memref<1x1x128xi32, #tpu.memory_space<vmem>> -> memref<128xi32, #tpu.memory_space<vmem>>
    %dma_start3A_120 = arith.constant 0 : i32
    %dma_start3A_121 = arith.constant 0 : i32
    %dma_start3A_122 = tpu.memref_slice %arg2[%dma_start3A_120, %dma_start3A_121] : memref<100000x64xbf16, #tpu.memory_space<hbm>> -> memref<100000x64xbf16, #tpu.memory_space<hbm>>
    tpu.enqueue_indirect_dma source(%dma_start3A_122 : memref<100000x64xbf16, #tpu.memory_space<hbm>>) target(%dma_start3A_116 : memref<128x64xbf16, #tpu.memory_space<vmem>>) offsets(%dma_start3A_119 : memref<128xi32, #tpu.memory_space<vmem>>) semaphore(%arg11 : memref<!tpu.dma_semaphore, #tpu.memory_space<semaphore_mem>>)
    %dma_start3A_123 = arith.constant 0 : i32
    %dma_start3A_124 = arith.constant 3 : i32
    %dma_start3A_125 = arith.constant 384 : i32
    %dma_start3A_126 = arith.constant 0 : i32
    %dma_start3A_127 = tpu.memref_slice %arg8[%dma_start3A_125, %dma_start3A_126] : memref<640x64xbf16, #tpu.memory_space<vmem>> -> memref<128x64xbf16, #tpu.memory_space<vmem>>
    %dma_start3A_128 = arith.constant 0 : i32
    %dma_start3A_129 = tpu.memref_slice %arg6[%dma_start3A_123, %dma_start3A_124, %dma_start3A_128] : memref<2x5x128xi32, #tpu.memory_space<vmem>> -> memref<1x1x128xi32, #tpu.memory_space<vmem>>
    %dma_start3A_130 = tpu.memref_squeeze %dma_start3A_129 : memref<1x1x128xi32, #tpu.memory_space<vmem>> -> memref<128xi32, #tpu.memory_space<vmem>>
    %dma_start3A_131 = arith.constant 0 : i32
    %dma_start3A_132 = arith.constant 0 : i32
    %dma_start3A_133 = tpu.memref_slice %arg2[%dma_start3A_131, %dma_start3A_132] : memref<100000x64xbf16, #tpu.memory_space<hbm>> -> memref<100000x64xbf16, #tpu.memory_space<hbm>>
    tpu.enqueue_indirect_dma source(%dma_start3A_133 : memref<100000x64xbf16, #tpu.memory_space<hbm>>) target(%dma_start3A_127 : memref<128x64xbf16, #tpu.memory_space<vmem>>) offsets(%dma_start3A_130 : memref<128xi32, #tpu.memory_space<vmem>>) semaphore(%arg11 : memref<!tpu.dma_semaphore, #tpu.memory_space<semaphore_mem>>)
    %dma_start3A_134 = arith.constant 0 : i32
    %dma_start3A_135 = arith.constant 4 : i32
    %dma_start3A_136 = arith.constant 512 : i32
    %dma_start3A_137 = arith.constant 0 : i32
    %dma_start3A_138 = tpu.memref_slice %arg8[%dma_start3A_136, %dma_start3A_137] : memref<640x64xbf16, #tpu.memory_space<vmem>> -> memref<128x64xbf16, #tpu.memory_space<vmem>>
    %dma_start3A_139 = arith.constant 0 : i32
    %dma_start3A_140 = tpu.memref_slice %arg6[%dma_start3A_134, %dma_start3A_135, %dma_start3A_139] : memref<2x5x128xi32, #tpu.memory_space<vmem>> -> memref<1x1x128xi32, #tpu.memory_space<vmem>>
    %dma_start3A_141 = tpu.memref_squeeze %dma_start3A_140 : memref<1x1x128xi32, #tpu.memory_space<vmem>> -> memref<128xi32, #tpu.memory_space<vmem>>
    %dma_start3A_142 = arith.constant 0 : i32
    %dma_start3A_143 = arith.constant 0 : i32
    %dma_start3A_144 = tpu.memref_slice %arg2[%dma_start3A_142, %dma_start3A_143] : memref<100000x64xbf16, #tpu.memory_space<hbm>> -> memref<100000x64xbf16, #tpu.memory_space<hbm>>
    tpu.enqueue_indirect_dma source(%dma_start3A_144 : memref<100000x64xbf16, #tpu.memory_space<hbm>>) target(%dma_start3A_138 : memref<128x64xbf16, #tpu.memory_space<vmem>>) offsets(%dma_start3A_141 : memref<128xi32, #tpu.memory_space<vmem>>) semaphore(%arg11 : memref<!tpu.dma_semaphore, #tpu.memory_space<semaphore_mem>>)
    %scan3A = arith.constant 0 : i32
    %scan3A_145 = arith.constant 8 : i32
    %scan3A_146 = arith.addi %scan3A, %scan3A_145 : i32
    %scan3A_147 = arith.constant 1 : i32
    scf.for %scan3A_149 = %scan3A to %scan3A_146 step %scan3A_147  : i32 {
      %mul3A_150 = arith.constant 1 : i32
      %mul3A_151 = arith.muli %scan3A_149, %mul3A_150 : i32
      %add3A_152 = arith.constant 0 : i32
      %add3A_153 = arith.addi %add3A_152, %mul3A_151 : i32
      %add3A_154 = arith.addi %mul3A_2, %add3A_153 : i32
      %jit3A = arith.constant 2 : i32
      %eq3A = arith.constant 0 : i32
      %eq3A_155 = arith.cmpi eq, %jit3A, %eq3A : i32
      %jit3A_156 = arith.constant 1 : i32
      %select_n3A = arith.select %eq3A_155, %jit3A_156, %jit3A : i32
      %rem3A = arith.remsi %add3A_153, %select_n3A : i32
      %ne3A = arith.constant 0 : i32
      %ne3A_157 = arith.cmpi ne, %rem3A, %ne3A : i32
      %lt3A = arith.constant 0 : i32
      %lt3A_158 = arith.cmpi slt, %rem3A, %lt3A : i32
      %lt3A_159 = arith.constant 0 : i32
      %lt3A_160 = arith.cmpi slt, %select_n3A, %lt3A_159 : i32
      %ne3A_161 = arith.xori %lt3A_158, %lt3A_160 : i1
      %and3A = arith.andi %ne3A_161, %ne3A_157 : i1
      %add3A_162 = arith.addi %rem3A, %select_n3A : i32
      %select_n3A_163 = arith.select %and3A, %add3A_162, %rem3A : i32
      %dma_wait3A_164 = arith.constant 0 : i32
      %dma_wait3A_165 = arith.constant 0 : i32
      %dma_wait3A_166 = tpu.memref_slice %arg7[%select_n3A_163, %dma_wait3A_164, %dma_wait3A_165] : memref<2x5x128xi32, #tpu.memory_space<vmem>> -> memref<1x5x128xi32, #tpu.memory_space<vmem>>
      %dma_wait3A_167 = tpu.memref_squeeze %dma_wait3A_166 : memref<1x5x128xi32, #tpu.memory_space<vmem>> -> memref<5x128xi32, #tpu.memory_space<vmem>>
      %dma_wait3A_168 = arith.constant 0 : i32
      %dma_wait3A_169 = arith.constant 0 : i32
      %dma_wait3A_170 = tpu.memref_slice %arg4[%add3A_154, %dma_wait3A_168, %dma_wait3A_169] : memref<256x5x128xi32, #tpu.memory_space<hbm>> -> memref<1x5x128xi32, #tpu.memory_space<hbm>>
      %dma_wait3A_171 = tpu.memref_squeeze %dma_wait3A_170 : memref<1x5x128xi32, #tpu.memory_space<hbm>> -> memref<5x128xi32, #tpu.memory_space<hbm>>
      %dma_wait3A_172 = arith.constant 0 : i32
      %dma_wait3A_173 = arith.constant 0 : i32
      %dma_wait3A_174 = tpu.memref_slice %arg7[%select_n3A_163, %dma_wait3A_172, %dma_wait3A_173] : memref<2x5x128xi32, #tpu.memory_space<vmem>> -> memref<1x5x128xi32, #tpu.memory_space<vmem>>
      %dma_wait3A_175 = tpu.memref_squeeze %dma_wait3A_174 : memref<1x5x128xi32, #tpu.memory_space<vmem>> -> memref<5x128xi32, #tpu.memory_space<vmem>>
      %dma_wait3A_176 = arith.constant 0 : i32
      %dma_wait3A_177 = arith.constant 0 : i32
      %dma_wait3A_178 = tpu.memref_slice %arg4[%add3A_154, %dma_wait3A_176, %dma_wait3A_177] : memref<256x5x128xi32, #tpu.memory_space<hbm>> -> memref<1x5x128xi32, #tpu.memory_space<hbm>>
      %dma_wait3A_179 = tpu.memref_squeeze %dma_wait3A_178 : memref<1x5x128xi32, #tpu.memory_space<hbm>> -> memref<5x128xi32, #tpu.memory_space<hbm>>
      tpu.wait_dma2 semaphore(%arg14 : memref<!tpu.dma_semaphore, #tpu.memory_space<semaphore_mem>>) src(%dma_wait3A_179 : memref<5x128xi32, #tpu.memory_space<hbm>>) dst(%dma_wait3A_175 : memref<5x128xi32, #tpu.memory_space<vmem>>)
      %dma_start3A_180 = arith.constant 0 : i32
      %dma_start3A_181 = arith.constant 0 : i32
      %dma_start3A_182 = arith.constant 0 : i32
      %dma_start3A_183 = tpu.memref_slice %arg9[%dma_start3A_181, %dma_start3A_182] : memref<640x64xbf16, #tpu.memory_space<vmem>> -> memref<128x64xbf16, #tpu.memory_space<vmem>>
      %dma_start3A_184 = arith.constant 0 : i32
      %dma_start3A_185 = tpu.memref_slice %arg7[%select_n3A_163, %dma_start3A_180, %dma_start3A_184] : memref<2x5x128xi32, #tpu.memory_space<vmem>> -> memref<1x1x128xi32, #tpu.memory_space<vmem>>
      %dma_start3A_186 = tpu.memref_squeeze %dma_start3A_185 : memref<1x1x128xi32, #tpu.memory_space<vmem>> -> memref<128xi32, #tpu.memory_space<vmem>>
      %dma_start3A_187 = arith.constant 0 : i32
      %dma_start3A_188 = arith.constant 0 : i32
      %dma_start3A_189 = tpu.memref_slice %arg2[%dma_start3A_187, %dma_start3A_188] : memref<100000x64xbf16, #tpu.memory_space<hbm>> -> memref<100000x64xbf16, #tpu.memory_space<hbm>>
      tpu.enqueue_indirect_dma source(%dma_start3A_189 : memref<100000x64xbf16, #tpu.memory_space<hbm>>) target(%dma_start3A_183 : memref<128x64xbf16, #tpu.memory_space<vmem>>) offsets(%dma_start3A_186 : memref<128xi32, #tpu.memory_space<vmem>>) semaphore(%arg12 : memref<!tpu.dma_semaphore, #tpu.memory_space<semaphore_mem>>)
      %dma_start3A_190 = arith.constant 1 : i32
      %dma_start3A_191 = arith.constant 128 : i32
      %dma_start3A_192 = arith.constant 0 : i32
      %dma_start3A_193 = tpu.memref_slice %arg9[%dma_start3A_191, %dma_start3A_192] : memref<640x64xbf16, #tpu.memory_space<vmem>> -> memref<128x64xbf16, #tpu.memory_space<vmem>>
      %dma_start3A_194 = arith.constant 0 : i32
      %dma_start3A_195 = tpu.memref_slice %arg7[%select_n3A_163, %dma_start3A_190, %dma_start3A_194] : memref<2x5x128xi32, #tpu.memory_space<vmem>> -> memref<1x1x128xi32, #tpu.memory_space<vmem>>
      %dma_start3A_196 = tpu.memref_squeeze %dma_start3A_195 : memref<1x1x128xi32, #tpu.memory_space<vmem>> -> memref<128xi32, #tpu.memory_space<vmem>>
      %dma_start3A_197 = arith.constant 0 : i32
      %dma_start3A_198 = arith.constant 0 : i32
      %dma_start3A_199 = tpu.memref_slice %arg2[%dma_start3A_197, %dma_start3A_198] : memref<100000x64xbf16, #tpu.memory_space<hbm>> -> memref<100000x64xbf16, #tpu.memory_space<hbm>>
      tpu.enqueue_indirect_dma source(%dma_start3A_199 : memref<100000x64xbf16, #tpu.memory_space<hbm>>) target(%dma_start3A_193 : memref<128x64xbf16, #tpu.memory_space<vmem>>) offsets(%dma_start3A_196 : memref<128xi32, #tpu.memory_space<vmem>>) semaphore(%arg12 : memref<!tpu.dma_semaphore, #tpu.memory_space<semaphore_mem>>)
      %dma_start3A_200 = arith.constant 2 : i32
      %dma_start3A_201 = arith.constant 256 : i32
      %dma_start3A_202 = arith.constant 0 : i32
      %dma_start3A_203 = tpu.memref_slice %arg9[%dma_start3A_201, %dma_start3A_202] : memref<640x64xbf16, #tpu.memory_space<vmem>> -> memref<128x64xbf16, #tpu.memory_space<vmem>>
      %dma_start3A_204 = arith.constant 0 : i32
      %dma_start3A_205 = tpu.memref_slice %arg7[%select_n3A_163, %dma_start3A_200, %dma_start3A_204] : memref<2x5x128xi32, #tpu.memory_space<vmem>> -> memref<1x1x128xi32, #tpu.memory_space<vmem>>
      %dma_start3A_206 = tpu.memref_squeeze %dma_start3A_205 : memref<1x1x128xi32, #tpu.memory_space<vmem>> -> memref<128xi32, #tpu.memory_space<vmem>>
      %dma_start3A_207 = arith.constant 0 : i32
      %dma_start3A_208 = arith.constant 0 : i32
      %dma_start3A_209 = tpu.memref_slice %arg2[%dma_start3A_207, %dma_start3A_208] : memref<100000x64xbf16, #tpu.memory_space<hbm>> -> memref<100000x64xbf16, #tpu.memory_space<hbm>>
      tpu.enqueue_indirect_dma source(%dma_start3A_209 : memref<100000x64xbf16, #tpu.memory_space<hbm>>) target(%dma_start3A_203 : memref<128x64xbf16, #tpu.memory_space<vmem>>) offsets(%dma_start3A_206 : memref<128xi32, #tpu.memory_space<vmem>>) semaphore(%arg12 : memref<!tpu.dma_semaphore, #tpu.memory_space<semaphore_mem>>)
      %dma_start3A_210 = arith.constant 3 : i32
      %dma_start3A_211 = arith.constant 384 : i32
      %dma_start3A_212 = arith.constant 0 : i32
      %dma_start3A_213 = tpu.memref_slice %arg9[%dma_start3A_211, %dma_start3A_212] : memref<640x64xbf16, #tpu.memory_space<vmem>> -> memref<128x64xbf16, #tpu.memory_space<vmem>>
      %dma_start3A_214 = arith.constant 0 : i32
      %dma_start3A_215 = tpu.memref_slice %arg7[%select_n3A_163, %dma_start3A_210, %dma_start3A_214] : memref<2x5x128xi32, #tpu.memory_space<vmem>> -> memref<1x1x128xi32, #tpu.memory_space<vmem>>
      %dma_start3A_216 = tpu.memref_squeeze %dma_start3A_215 : memref<1x1x128xi32, #tpu.memory_space<vmem>> -> memref<128xi32, #tpu.memory_space<vmem>>
      %dma_start3A_217 = arith.constant 0 : i32
      %dma_start3A_218 = arith.constant 0 : i32
      %dma_start3A_219 = tpu.memref_slice %arg2[%dma_start3A_217, %dma_start3A_218] : memref<100000x64xbf16, #tpu.memory_space<hbm>> -> memref<100000x64xbf16, #tpu.memory_space<hbm>>
      tpu.enqueue_indirect_dma source(%dma_start3A_219 : memref<100000x64xbf16, #tpu.memory_space<hbm>>) target(%dma_start3A_213 : memref<128x64xbf16, #tpu.memory_space<vmem>>) offsets(%dma_start3A_216 : memref<128xi32, #tpu.memory_space<vmem>>) semaphore(%arg12 : memref<!tpu.dma_semaphore, #tpu.memory_space<semaphore_mem>>)
      %dma_start3A_220 = arith.constant 4 : i32
      %dma_start3A_221 = arith.constant 512 : i32
      %dma_start3A_222 = arith.constant 0 : i32
      %dma_start3A_223 = tpu.memref_slice %arg9[%dma_start3A_221, %dma_start3A_222] : memref<640x64xbf16, #tpu.memory_space<vmem>> -> memref<128x64xbf16, #tpu.memory_space<vmem>>
      %dma_start3A_224 = arith.constant 0 : i32
      %dma_start3A_225 = tpu.memref_slice %arg7[%select_n3A_163, %dma_start3A_220, %dma_start3A_224] : memref<2x5x128xi32, #tpu.memory_space<vmem>> -> memref<1x1x128xi32, #tpu.memory_space<vmem>>
      %dma_start3A_226 = tpu.memref_squeeze %dma_start3A_225 : memref<1x1x128xi32, #tpu.memory_space<vmem>> -> memref<128xi32, #tpu.memory_space<vmem>>
      %dma_start3A_227 = arith.constant 0 : i32
      %dma_start3A_228 = arith.constant 0 : i32
      %dma_start3A_229 = tpu.memref_slice %arg2[%dma_start3A_227, %dma_start3A_228] : memref<100000x64xbf16, #tpu.memory_space<hbm>> -> memref<100000x64xbf16, #tpu.memory_space<hbm>>
      tpu.enqueue_indirect_dma source(%dma_start3A_229 : memref<100000x64xbf16, #tpu.memory_space<hbm>>) target(%dma_start3A_223 : memref<128x64xbf16, #tpu.memory_space<vmem>>) offsets(%dma_start3A_226 : memref<128xi32, #tpu.memory_space<vmem>>) semaphore(%arg12 : memref<!tpu.dma_semaphore, #tpu.memory_space<semaphore_mem>>)
      %dma_wait3A_230 = arith.constant 0 : i32
      %dma_wait3A_231 = arith.constant 0 : i32
      %dma_wait3A_232 = arith.constant 0 : i32
      %dma_wait3A_233 = tpu.memref_slice %arg8[%dma_wait3A_231, %dma_wait3A_232] : memref<640x64xbf16, #tpu.memory_space<vmem>> -> memref<128x64xbf16, #tpu.memory_space<vmem>>
      %dma_wait3A_234 = arith.constant 0 : i32
      %dma_wait3A_235 = tpu.memref_slice %arg6[%select_n3A_163, %dma_wait3A_230, %dma_wait3A_234] : memref<2x5x128xi32, #tpu.memory_space<vmem>> -> memref<1x1x128xi32, #tpu.memory_space<vmem>>
      %dma_wait3A_236 = tpu.memref_squeeze %dma_wait3A_235 : memref<1x1x128xi32, #tpu.memory_space<vmem>> -> memref<128xi32, #tpu.memory_space<vmem>>
      %dma_wait3A_237 = arith.constant 0 : i32
      %dma_wait3A_238 = arith.constant 0 : i32
      %dma_wait3A_239 = tpu.memref_slice %arg2[%dma_wait3A_237, %dma_wait3A_238] : memref<100000x64xbf16, #tpu.memory_space<hbm>> -> memref<100000x64xbf16, #tpu.memory_space<hbm>>
      tpu.wait_indirect_dma semaphore(%arg11 : memref<!tpu.dma_semaphore, #tpu.memory_space<semaphore_mem>>) src(%dma_wait3A_239 : memref<100000x64xbf16, #tpu.memory_space<hbm>>) dst(%dma_wait3A_233 : memref<128x64xbf16, #tpu.memory_space<vmem>>)
      %dma_wait3A_240 = arith.constant 1 : i32
      %dma_wait3A_241 = arith.constant 128 : i32
      %dma_wait3A_242 = arith.constant 0 : i32
      %dma_wait3A_243 = tpu.memref_slice %arg8[%dma_wait3A_241, %dma_wait3A_242] : memref<640x64xbf16, #tpu.memory_space<vmem>> -> memref<128x64xbf16, #tpu.memory_space<vmem>>
      %dma_wait3A_244 = arith.constant 0 : i32
      %dma_wait3A_245 = tpu.memref_slice %arg6[%select_n3A_163, %dma_wait3A_240, %dma_wait3A_244] : memref<2x5x128xi32, #tpu.memory_space<vmem>> -> memref<1x1x128xi32, #tpu.memory_space<vmem>>
      %dma_wait3A_246 = tpu.memref_squeeze %dma_wait3A_245 : memref<1x1x128xi32, #tpu.memory_space<vmem>> -> memref<128xi32, #tpu.memory_space<vmem>>
      %dma_wait3A_247 = arith.constant 0 : i32
      %dma_wait3A_248 = arith.constant 0 : i32
      %dma_wait3A_249 = tpu.memref_slice %arg2[%dma_wait3A_247, %dma_wait3A_248] : memref<100000x64xbf16, #tpu.memory_space<hbm>> -> memref<100000x64xbf16, #tpu.memory_space<hbm>>
      tpu.wait_indirect_dma semaphore(%arg11 : memref<!tpu.dma_semaphore, #tpu.memory_space<semaphore_mem>>) src(%dma_wait3A_249 : memref<100000x64xbf16, #tpu.memory_space<hbm>>) dst(%dma_wait3A_243 : memref<128x64xbf16, #tpu.memory_space<vmem>>)
      %dma_wait3A_250 = arith.constant 2 : i32
      %dma_wait3A_251 = arith.constant 256 : i32
      %dma_wait3A_252 = arith.constant 0 : i32
      %dma_wait3A_253 = tpu.memref_slice %arg8[%dma_wait3A_251, %dma_wait3A_252] : memref<640x64xbf16, #tpu.memory_space<vmem>> -> memref<128x64xbf16, #tpu.memory_space<vmem>>
      %dma_wait3A_254 = arith.constant 0 : i32
      %dma_wait3A_255 = tpu.memref_slice %arg6[%select_n3A_163, %dma_wait3A_250, %dma_wait3A_254] : memref<2x5x128xi32, #tpu.memory_space<vmem>> -> memref<1x1x128xi32, #tpu.memory_space<vmem>>
      %dma_wait3A_256 = tpu.memref_squeeze %dma_wait3A_255 : memref<1x1x128xi32, #tpu.memory_space<vmem>> -> memref<128xi32, #tpu.memory_space<vmem>>
      %dma_wait3A_257 = arith.constant 0 : i32
      %dma_wait3A_258 = arith.constant 0 : i32
      %dma_wait3A_259 = tpu.memref_slice %arg2[%dma_wait3A_257, %dma_wait3A_258] : memref<100000x64xbf16, #tpu.memory_space<hbm>> -> memref<100000x64xbf16, #tpu.memory_space<hbm>>
      tpu.wait_indirect_dma semaphore(%arg11 : memref<!tpu.dma_semaphore, #tpu.memory_space<semaphore_mem>>) src(%dma_wait3A_259 : memref<100000x64xbf16, #tpu.memory_space<hbm>>) dst(%dma_wait3A_253 : memref<128x64xbf16, #tpu.memory_space<vmem>>)
      %dma_wait3A_260 = arith.constant 3 : i32
      %dma_wait3A_261 = arith.constant 384 : i32
      %dma_wait3A_262 = arith.constant 0 : i32
      %dma_wait3A_263 = tpu.memref_slice %arg8[%dma_wait3A_261, %dma_wait3A_262] : memref<640x64xbf16, #tpu.memory_space<vmem>> -> memref<128x64xbf16, #tpu.memory_space<vmem>>
      %dma_wait3A_264 = arith.constant 0 : i32
      %dma_wait3A_265 = tpu.memref_slice %arg6[%select_n3A_163, %dma_wait3A_260, %dma_wait3A_264] : memref<2x5x128xi32, #tpu.memory_space<vmem>> -> memref<1x1x128xi32, #tpu.memory_space<vmem>>
      %dma_wait3A_266 = tpu.memref_squeeze %dma_wait3A_265 : memref<1x1x128xi32, #tpu.memory_space<vmem>> -> memref<128xi32, #tpu.memory_space<vmem>>
      %dma_wait3A_267 = arith.constant 0 : i32
      %dma_wait3A_268 = arith.constant 0 : i32
      %dma_wait3A_269 = tpu.memref_slice %arg2[%dma_wait3A_267, %dma_wait3A_268] : memref<100000x64xbf16, #tpu.memory_space<hbm>> -> memref<100000x64xbf16, #tpu.memory_space<hbm>>
      tpu.wait_indirect_dma semaphore(%arg11 : memref<!tpu.dma_semaphore, #tpu.memory_space<semaphore_mem>>) src(%dma_wait3A_269 : memref<100000x64xbf16, #tpu.memory_space<hbm>>) dst(%dma_wait3A_263 : memref<128x64xbf16, #tpu.memory_space<vmem>>)
      %dma_wait3A_270 = arith.constant 4 : i32
      %dma_wait3A_271 = arith.constant 512 : i32
      %dma_wait3A_272 = arith.constant 0 : i32
      %dma_wait3A_273 = tpu.memref_slice %arg8[%dma_wait3A_271, %dma_wait3A_272] : memref<640x64xbf16, #tpu.memory_space<vmem>> -> memref<128x64xbf16, #tpu.memory_space<vmem>>
      %dma_wait3A_274 = arith.constant 0 : i32
      %dma_wait3A_275 = tpu.memref_slice %arg6[%select_n3A_163, %dma_wait3A_270, %dma_wait3A_274] : memref<2x5x128xi32, #tpu.memory_space<vmem>> -> memref<1x1x128xi32, #tpu.memory_space<vmem>>
      %dma_wait3A_276 = tpu.memref_squeeze %dma_wait3A_275 : memref<1x1x128xi32, #tpu.memory_space<vmem>> -> memref<128xi32, #tpu.memory_space<vmem>>
      %dma_wait3A_277 = arith.constant 0 : i32
      %dma_wait3A_278 = arith.constant 0 : i32
      %dma_wait3A_279 = tpu.memref_slice %arg2[%dma_wait3A_277, %dma_wait3A_278] : memref<100000x64xbf16, #tpu.memory_space<hbm>> -> memref<100000x64xbf16, #tpu.memory_space<hbm>>
      tpu.wait_indirect_dma semaphore(%arg11 : memref<!tpu.dma_semaphore, #tpu.memory_space<semaphore_mem>>) src(%dma_wait3A_279 : memref<100000x64xbf16, #tpu.memory_space<hbm>>) dst(%dma_wait3A_273 : memref<128x64xbf16, #tpu.memory_space<vmem>>)
      %lt3A_280 = arith.constant 6 : i32
      %lt3A_281 = arith.cmpi slt, %add3A_153, %lt3A_280 : i32
      %convert_element_type3A = arith.extui %lt3A_281 : i1 to i32
      %cond3A = arith.constant 0 : i32
      %cond3A_282 = arith.cmpi ne, %convert_element_type3A, %cond3A : i32
      scf.if %cond3A_282 {
        %add3A_355 = arith.constant 2 : i32
        %add3A_356 = arith.addi %add3A_154, %add3A_355 : i32
        %dma_start3A_357 = arith.constant 0 : i32
        %dma_start3A_358 = arith.constant 0 : i32
        %dma_start3A_359 = tpu.memref_slice %arg6[%select_n3A_163, %dma_start3A_357, %dma_start3A_358] : memref<2x5x128xi32, #tpu.memory_space<vmem>> -> memref<1x5x128xi32, #tpu.memory_space<vmem>>
        %dma_start3A_360 = tpu.memref_squeeze %dma_start3A_359 : memref<1x5x128xi32, #tpu.memory_space<vmem>> -> memref<5x128xi32, #tpu.memory_space<vmem>>
        %dma_start3A_361 = arith.constant 0 : i32
        %dma_start3A_362 = arith.constant 0 : i32
        %dma_start3A_363 = tpu.memref_slice %arg3[%add3A_356, %dma_start3A_361, %dma_start3A_362] : memref<256x5x128xi32, #tpu.memory_space<hbm>> -> memref<1x5x128xi32, #tpu.memory_space<hbm>>
        %dma_start3A_364 = tpu.memref_squeeze %dma_start3A_363 : memref<1x5x128xi32, #tpu.memory_space<hbm>> -> memref<5x128xi32, #tpu.memory_space<hbm>>
        %dma_start3A_365 = arith.constant 0 : i32
        %dma_start3A_366 = arith.constant 0 : i32
        %dma_start3A_367 = tpu.memref_slice %arg6[%select_n3A_163, %dma_start3A_365, %dma_start3A_366] : memref<2x5x128xi32, #tpu.memory_space<vmem>> -> memref<1x5x128xi32, #tpu.memory_space<vmem>>
        %dma_start3A_368 = tpu.memref_squeeze %dma_start3A_367 : memref<1x5x128xi32, #tpu.memory_space<vmem>> -> memref<5x128xi32, #tpu.memory_space<vmem>>
        %dma_start3A_369 = arith.constant 0 : i32
        %dma_start3A_370 = arith.constant 0 : i32
        %dma_start3A_371 = tpu.memref_slice %arg3[%add3A_356, %dma_start3A_369, %dma_start3A_370] : memref<256x5x128xi32, #tpu.memory_space<hbm>> -> memref<1x5x128xi32, #tpu.memory_space<hbm>>
        %dma_start3A_372 = tpu.memref_squeeze %dma_start3A_371 : memref<1x5x128xi32, #tpu.memory_space<hbm>> -> memref<5x128xi32, #tpu.memory_space<hbm>>
        tpu.enqueue_dma source(%dma_start3A_372 : memref<5x128xi32, #tpu.memory_space<hbm>>) target(%dma_start3A_368 : memref<5x128xi32, #tpu.memory_space<vmem>>) target_semaphore(%arg13 : memref<!tpu.dma_semaphore, #tpu.memory_space<semaphore_mem>>)
      } else {
      }
      %scan3A_283 = arith.constant 0 : i32
      %scan3A_284 = arith.constant 32 : i32
      %scan3A_285 = arith.addi %scan3A_283, %scan3A_284 : i32
      %scan3A_286 = arith.constant 1 : i32
      scf.for %scan3A_355 = %scan3A_283 to %scan3A_285 step %scan3A_286  : i32 {
        %mul3A_356 = arith.constant 1 : i32
        %mul3A_357 = arith.muli %scan3A_355, %mul3A_356 : i32
        %add3A_358 = arith.constant 0 : i32
        %add3A_359 = arith.addi %add3A_358, %mul3A_357 : i32
        %mul3A_360 = arith.constant 20 : i32
        %mul3A_361 = arith.muli %add3A_359, %mul3A_360 : i32
        %get3A = arith.index_cast %mul3A_361 : i32 to index
        %get3A_362 = arith.constant 0 : index
        %get3A_363 = tpu.vector_load %arg8[%get3A, %get3A_362] {strides = array<i32>} : memref<640x64xbf16, #tpu.memory_space<vmem>>, vector<32xbf16>,
        %unpack3A = tpu.unpack_subelements %get3A_363, 0 {pack_format = #tpu.pack_format<interleaved>} : vector<32xbf16> -> vector<16xf32>
        %unpack3A_364 = tpu.unpack_subelements %get3A_363, 1 {pack_format = #tpu.pack_format<interleaved>} : vector<32xbf16> -> vector<16xf32>
        %add3A_365 = arith.constant 1 : i32
        %add3A_366 = arith.addi %mul3A_361, %add3A_365 : i32
        %get3A_367 = arith.index_cast %add3A_366 : i32 to index
        %get3A_368 = arith.constant 0 : index
        %get3A_369 = tpu.vector_load %arg8[%get3A_367, %get3A_368] {strides = array<i32>} : memref<640x64xbf16, #tpu.memory_space<vmem>>, vector<32xbf16>,
        %unpack3A_370 = tpu.unpack_subelements %get3A_369, 0 {pack_format = #tpu.pack_format<interleaved>} : vector<32xbf16> -> vector<16xf32>
        %unpack3A_371 = tpu.unpack_subelements %get3A_369, 1 {pack_format = #tpu.pack_format<interleaved>} : vector<32xbf16> -> vector<16xf32>
        %add3A_372 = arith.addf %unpack3A, %unpack3A_370 : vector<16xf32>
        %add3A_373 = arith.addf %unpack3A_364, %unpack3A_371 : vector<16xf32>
        %add3A_374 = arith.constant 2 : i32
        %add3A_375 = arith.addi %mul3A_361, %add3A_374 : i32
        %get3A_376 = arith.index_cast %add3A_375 : i32 to index
        %get3A_377 = arith.constant 0 : index
        %get3A_378 = tpu.vector_load %arg8[%get3A_376, %get3A_377] {strides = array<i32>} : memref<640x64xbf16, #tpu.memory_space<vmem>>, vector<32xbf16>,
        %unpack3A_379 = tpu.unpack_subelements %get3A_378, 0 {pack_format = #tpu.pack_format<interleaved>} : vector<32xbf16> -> vector<16xf32>
        %unpack3A_380 = tpu.unpack_subelements %get3A_378, 1 {pack_format = #tpu.pack_format<interleaved>} : vector<32xbf16> -> vector<16xf32>
        %add3A_381 = arith.addf %add3A_372, %unpack3A_379 : vector<16xf32>
        %add3A_382 = arith.addf %add3A_373, %unpack3A_380 : vector<16xf32>
        %add3A_383 = arith.constant 3 : i32
        %add3A_384 = arith.addi %mul3A_361, %add3A_383 : i32
        %get3A_385 = arith.index_cast %add3A_384 : i32 to index
        %get3A_386 = arith.constant 0 : index
        %get3A_387 = tpu.vector_load %arg8[%get3A_385, %get3A_386] {strides = array<i32>} : memref<640x64xbf16, #tpu.memory_space<vmem>>, vector<32xbf16>,
        %unpack3A_388 = tpu.unpack_subelements %get3A_387, 0 {pack_format = #tpu.pack_format<interleaved>} : vector<32xbf16> -> vector<16xf32>
        %unpack3A_389 = tpu.unpack_subelements %get3A_387, 1 {pack_format = #tpu.pack_format<interleaved>} : vector<32xbf16> -> vector<16xf32>
        %add3A_390 = arith.addf %add3A_381, %unpack3A_388 : vector<16xf32>
        %add3A_391 = arith.addf %add3A_382, %unpack3A_389 : vector<16xf32>
        %add3A_392 = arith.constant 4 : i32
        %add3A_393 = arith.addi %mul3A_361, %add3A_392 : i32
        %get3A_394 = arith.index_cast %add3A_393 : i32 to index
        %get3A_395 = arith.constant 0 : index
        %get3A_396 = tpu.vector_load %arg8[%get3A_394, %get3A_395] {strides = array<i32>} : memref<640x64xbf16, #tpu.memory_space<vmem>>, vector<32xbf16>,
        %unpack3A_397 = tpu.unpack_subelements %get3A_396, 0 {pack_format = #tpu.pack_format<interleaved>} : vector<32xbf16> -> vector<16xf32>
        %unpack3A_398 = tpu.unpack_subelements %get3A_396, 1 {pack_format = #tpu.pack_format<interleaved>} : vector<32xbf16> -> vector<16xf32>
        %add3A_399 = arith.addf %add3A_390, %unpack3A_397 : vector<16xf32>
        %add3A_400 = arith.addf %add3A_391, %unpack3A_398 : vector<16xf32>
        %add3A_401 = arith.constant 5 : i32
        %add3A_402 = arith.addi %mul3A_361, %add3A_401 : i32
        %get3A_403 = arith.index_cast %add3A_402 : i32 to index
        %get3A_404 = arith.constant 0 : index
        %get3A_405 = tpu.vector_load %arg8[%get3A_403, %get3A_404] {strides = array<i32>} : memref<640x64xbf16, #tpu.memory_space<vmem>>, vector<32xbf16>,
        %unpack3A_406 = tpu.unpack_subelements %get3A_405, 0 {pack_format = #tpu.pack_format<interleaved>} : vector<32xbf16> -> vector<16xf32>
        %unpack3A_407 = tpu.unpack_subelements %get3A_405, 1 {pack_format = #tpu.pack_format<interleaved>} : vector<32xbf16> -> vector<16xf32>
        %add3A_408 = arith.addf %add3A_399, %unpack3A_406 : vector<16xf32>
        %add3A_409 = arith.addf %add3A_400, %unpack3A_407 : vector<16xf32>
        %add3A_410 = arith.constant 6 : i32
        %add3A_411 = arith.addi %mul3A_361, %add3A_410 : i32
        %get3A_412 = arith.index_cast %add3A_411 : i32 to index
        %get3A_413 = arith.constant 0 : index
        %get3A_414 = tpu.vector_load %arg8[%get3A_412, %get3A_413] {strides = array<i32>} : memref<640x64xbf16, #tpu.memory_space<vmem>>, vector<32xbf16>,
        %unpack3A_415 = tpu.unpack_subelements %get3A_414, 0 {pack_format = #tpu.pack_format<interleaved>} : vector<32xbf16> -> vector<16xf32>
        %unpack3A_416 = tpu.unpack_subelements %get3A_414, 1 {pack_format = #tpu.pack_format<interleaved>} : vector<32xbf16> -> vector<16xf32>
        %add3A_417 = arith.addf %add3A_408, %unpack3A_415 : vector<16xf32>
        %add3A_418 = arith.addf %add3A_409, %unpack3A_416 : vector<16xf32>
        %add3A_419 = arith.constant 7 : i32
        %add3A_420 = arith.addi %mul3A_361, %add3A_419 : i32
        %get3A_421 = arith.index_cast %add3A_420 : i32 to index
        %get3A_422 = arith.constant 0 : index
        %get3A_423 = tpu.vector_load %arg8[%get3A_421, %get3A_422] {strides = array<i32>} : memref<640x64xbf16, #tpu.memory_space<vmem>>, vector<32xbf16>,
        %unpack3A_424 = tpu.unpack_subelements %get3A_423, 0 {pack_format = #tpu.pack_format<interleaved>} : vector<32xbf16> -> vector<16xf32>
        %unpack3A_425 = tpu.unpack_subelements %get3A_423, 1 {pack_format = #tpu.pack_format<interleaved>} : vector<32xbf16> -> vector<16xf32>
        %add3A_426 = arith.addf %add3A_417, %unpack3A_424 : vector<16xf32>
        %add3A_427 = arith.addf %add3A_418, %unpack3A_425 : vector<16xf32>
        %add3A_428 = arith.constant 8 : i32
        %add3A_429 = arith.addi %mul3A_361, %add3A_428 : i32
        %get3A_430 = arith.index_cast %add3A_429 : i32 to index
        %get3A_431 = arith.constant 0 : index
        %get3A_432 = tpu.vector_load %arg8[%get3A_430, %get3A_431] {strides = array<i32>} : memref<640x64xbf16, #tpu.memory_space<vmem>>, vector<32xbf16>,
        %unpack3A_433 = tpu.unpack_subelements %get3A_432, 0 {pack_format = #tpu.pack_format<interleaved>} : vector<32xbf16> -> vector<16xf32>
        %unpack3A_434 = tpu.unpack_subelements %get3A_432, 1 {pack_format = #tpu.pack_format<interleaved>} : vector<32xbf16> -> vector<16xf32>
        %add3A_435 = arith.addf %add3A_426, %unpack3A_433 : vector<16xf32>
        %add3A_436 = arith.addf %add3A_427, %unpack3A_434 : vector<16xf32>
        %add3A_437 = arith.constant 9 : i32
        %add3A_438 = arith.addi %mul3A_361, %add3A_437 : i32
        %get3A_439 = arith.index_cast %add3A_438 : i32 to index
        %get3A_440 = arith.constant 0 : index
        %get3A_441 = tpu.vector_load %arg8[%get3A_439, %get3A_440] {strides = array<i32>} : memref<640x64xbf16, #tpu.memory_space<vmem>>, vector<32xbf16>,
        %unpack3A_442 = tpu.unpack_subelements %get3A_441, 0 {pack_format = #tpu.pack_format<interleaved>} : vector<32xbf16> -> vector<16xf32>
        %unpack3A_443 = tpu.unpack_subelements %get3A_441, 1 {pack_format = #tpu.pack_format<interleaved>} : vector<32xbf16> -> vector<16xf32>
        %add3A_444 = arith.addf %add3A_435, %unpack3A_442 : vector<16xf32>
        %add3A_445 = arith.addf %add3A_436, %unpack3A_443 : vector<16xf32>
        %add3A_446 = arith.constant 10 : i32
        %add3A_447 = arith.addi %mul3A_361, %add3A_446 : i32
        %get3A_448 = arith.index_cast %add3A_447 : i32 to index
        %get3A_449 = arith.constant 0 : index
        %get3A_450 = tpu.vector_load %arg8[%get3A_448, %get3A_449] {strides = array<i32>} : memref<640x64xbf16, #tpu.memory_space<vmem>>, vector<32xbf16>,
        %unpack3A_451 = tpu.unpack_subelements %get3A_450, 0 {pack_format = #tpu.pack_format<interleaved>} : vector<32xbf16> -> vector<16xf32>
        %unpack3A_452 = tpu.unpack_subelements %get3A_450, 1 {pack_format = #tpu.pack_format<interleaved>} : vector<32xbf16> -> vector<16xf32>
        %add3A_453 = arith.addf %add3A_444, %unpack3A_451 : vector<16xf32>
        %add3A_454 = arith.addf %add3A_445, %unpack3A_452 : vector<16xf32>
        %add3A_455 = arith.constant 11 : i32
        %add3A_456 = arith.addi %mul3A_361, %add3A_455 : i32
        %get3A_457 = arith.index_cast %add3A_456 : i32 to index
        %get3A_458 = arith.constant 0 : index
        %get3A_459 = tpu.vector_load %arg8[%get3A_457, %get3A_458] {strides = array<i32>} : memref<640x64xbf16, #tpu.memory_space<vmem>>, vector<32xbf16>,
        %unpack3A_460 = tpu.unpack_subelements %get3A_459, 0 {pack_format = #tpu.pack_format<interleaved>} : vector<32xbf16> -> vector<16xf32>
        %unpack3A_461 = tpu.unpack_subelements %get3A_459, 1 {pack_format = #tpu.pack_format<interleaved>} : vector<32xbf16> -> vector<16xf32>
        %add3A_462 = arith.addf %add3A_453, %unpack3A_460 : vector<16xf32>
        %add3A_463 = arith.addf %add3A_454, %unpack3A_461 : vector<16xf32>
        %add3A_464 = arith.constant 12 : i32
        %add3A_465 = arith.addi %mul3A_361, %add3A_464 : i32
        %get3A_466 = arith.index_cast %add3A_465 : i32 to index
        %get3A_467 = arith.constant 0 : index
        %get3A_468 = tpu.vector_load %arg8[%get3A_466, %get3A_467] {strides = array<i32>} : memref<640x64xbf16, #tpu.memory_space<vmem>>, vector<32xbf16>,
        %unpack3A_469 = tpu.unpack_subelements %get3A_468, 0 {pack_format = #tpu.pack_format<interleaved>} : vector<32xbf16> -> vector<16xf32>
        %unpack3A_470 = tpu.unpack_subelements %get3A_468, 1 {pack_format = #tpu.pack_format<interleaved>} : vector<32xbf16> -> vector<16xf32>
        %add3A_471 = arith.addf %add3A_462, %unpack3A_469 : vector<16xf32>
        %add3A_472 = arith.addf %add3A_463, %unpack3A_470 : vector<16xf32>
        %add3A_473 = arith.constant 13 : i32
        %add3A_474 = arith.addi %mul3A_361, %add3A_473 : i32
        %get3A_475 = arith.index_cast %add3A_474 : i32 to index
        %get3A_476 = arith.constant 0 : index
        %get3A_477 = tpu.vector_load %arg8[%get3A_475, %get3A_476] {strides = array<i32>} : memref<640x64xbf16, #tpu.memory_space<vmem>>, vector<32xbf16>,
        %unpack3A_478 = tpu.unpack_subelements %get3A_477, 0 {pack_format = #tpu.pack_format<interleaved>} : vector<32xbf16> -> vector<16xf32>
        %unpack3A_479 = tpu.unpack_subelements %get3A_477, 1 {pack_format = #tpu.pack_format<interleaved>} : vector<32xbf16> -> vector<16xf32>
        %add3A_480 = arith.addf %add3A_471, %unpack3A_478 : vector<16xf32>
        %add3A_481 = arith.addf %add3A_472, %unpack3A_479 : vector<16xf32>
        %add3A_482 = arith.constant 14 : i32
        %add3A_483 = arith.addi %mul3A_361, %add3A_482 : i32
        %get3A_484 = arith.index_cast %add3A_483 : i32 to index
        %get3A_485 = arith.constant 0 : index
        %get3A_486 = tpu.vector_load %arg8[%get3A_484, %get3A_485] {strides = array<i32>} : memref<640x64xbf16, #tpu.memory_space<vmem>>, vector<32xbf16>,
        %unpack3A_487 = tpu.unpack_subelements %get3A_486, 0 {pack_format = #tpu.pack_format<interleaved>} : vector<32xbf16> -> vector<16xf32>
        %unpack3A_488 = tpu.unpack_subelements %get3A_486, 1 {pack_format = #tpu.pack_format<interleaved>} : vector<32xbf16> -> vector<16xf32>
        %add3A_489 = arith.addf %add3A_480, %unpack3A_487 : vector<16xf32>
        %add3A_490 = arith.addf %add3A_481, %unpack3A_488 : vector<16xf32>
        %add3A_491 = arith.constant 15 : i32
        %add3A_492 = arith.addi %mul3A_361, %add3A_491 : i32
        %get3A_493 = arith.index_cast %add3A_492 : i32 to index
        %get3A_494 = arith.constant 0 : index
        %get3A_495 = tpu.vector_load %arg8[%get3A_493, %get3A_494] {strides = array<i32>} : memref<640x64xbf16, #tpu.memory_space<vmem>>, vector<32xbf16>,
        %unpack3A_496 = tpu.unpack_subelements %get3A_495, 0 {pack_format = #tpu.pack_format<interleaved>} : vector<32xbf16> -> vector<16xf32>
        %unpack3A_497 = tpu.unpack_subelements %get3A_495, 1 {pack_format = #tpu.pack_format<interleaved>} : vector<32xbf16> -> vector<16xf32>
        %add3A_498 = arith.addf %add3A_489, %unpack3A_496 : vector<16xf32>
        %add3A_499 = arith.addf %add3A_490, %unpack3A_497 : vector<16xf32>
        %add3A_500 = arith.constant 16 : i32
        %add3A_501 = arith.addi %mul3A_361, %add3A_500 : i32
        %get3A_502 = arith.index_cast %add3A_501 : i32 to index
        %get3A_503 = arith.constant 0 : index
        %get3A_504 = tpu.vector_load %arg8[%get3A_502, %get3A_503] {strides = array<i32>} : memref<640x64xbf16, #tpu.memory_space<vmem>>, vector<32xbf16>,
        %unpack3A_505 = tpu.unpack_subelements %get3A_504, 0 {pack_format = #tpu.pack_format<interleaved>} : vector<32xbf16> -> vector<16xf32>
        %unpack3A_506 = tpu.unpack_subelements %get3A_504, 1 {pack_format = #tpu.pack_format<interleaved>} : vector<32xbf16> -> vector<16xf32>
        %add3A_507 = arith.addf %add3A_498, %unpack3A_505 : vector<16xf32>
        %add3A_508 = arith.addf %add3A_499, %unpack3A_506 : vector<16xf32>
        %add3A_509 = arith.constant 17 : i32
        %add3A_510 = arith.addi %mul3A_361, %add3A_509 : i32
        %get3A_511 = arith.index_cast %add3A_510 : i32 to index
        %get3A_512 = arith.constant 0 : index
        %get3A_513 = tpu.vector_load %arg8[%get3A_511, %get3A_512] {strides = array<i32>} : memref<640x64xbf16, #tpu.memory_space<vmem>>, vector<32xbf16>,
        %unpack3A_514 = tpu.unpack_subelements %get3A_513, 0 {pack_format = #tpu.pack_format<interleaved>} : vector<32xbf16> -> vector<16xf32>
        %unpack3A_515 = tpu.unpack_subelements %get3A_513, 1 {pack_format = #tpu.pack_format<interleaved>} : vector<32xbf16> -> vector<16xf32>
        %add3A_516 = arith.addf %add3A_507, %unpack3A_514 : vector<16xf32>
        %add3A_517 = arith.addf %add3A_508, %unpack3A_515 : vector<16xf32>
        %add3A_518 = arith.constant 18 : i32
        %add3A_519 = arith.addi %mul3A_361, %add3A_518 : i32
        %get3A_520 = arith.index_cast %add3A_519 : i32 to index
        %get3A_521 = arith.constant 0 : index
        %get3A_522 = tpu.vector_load %arg8[%get3A_520, %get3A_521] {strides = array<i32>} : memref<640x64xbf16, #tpu.memory_space<vmem>>, vector<32xbf16>,
        %unpack3A_523 = tpu.unpack_subelements %get3A_522, 0 {pack_format = #tpu.pack_format<interleaved>} : vector<32xbf16> -> vector<16xf32>
        %unpack3A_524 = tpu.unpack_subelements %get3A_522, 1 {pack_format = #tpu.pack_format<interleaved>} : vector<32xbf16> -> vector<16xf32>
        %add3A_525 = arith.addf %add3A_516, %unpack3A_523 : vector<16xf32>
        %add3A_526 = arith.addf %add3A_517, %unpack3A_524 : vector<16xf32>
        %add3A_527 = arith.constant 19 : i32
        %add3A_528 = arith.addi %mul3A_361, %add3A_527 : i32
        %get3A_529 = arith.index_cast %add3A_528 : i32 to index
        %get3A_530 = arith.constant 0 : index
        %get3A_531 = tpu.vector_load %arg8[%get3A_529, %get3A_530] {strides = array<i32>} : memref<640x64xbf16, #tpu.memory_space<vmem>>, vector<32xbf16>,
        %unpack3A_532 = tpu.unpack_subelements %get3A_531, 0 {pack_format = #tpu.pack_format<interleaved>} : vector<32xbf16> -> vector<16xf32>
        %unpack3A_533 = tpu.unpack_subelements %get3A_531, 1 {pack_format = #tpu.pack_format<interleaved>} : vector<32xbf16> -> vector<16xf32>
        %add3A_534 = arith.addf %add3A_525, %unpack3A_532 : vector<16xf32>
        %add3A_535 = arith.addf %add3A_526, %unpack3A_533 : vector<16xf32>
        %swap3A = arith.index_cast %add3A_359 : i32 to index
        %swap3A_536 = arith.constant 0 : index
        %swap3A_537 = tpu.vector_load %arg10[%swap3A, %swap3A_536] {strides = array<i32>} : memref<32x128xf32, #tpu.memory_space<vmem>>, vector<16xf32>,
        tpu.vector_store %arg10[%swap3A, %swap3A_536], %add3A_534 {strides = array<i32>} : memref<32x128xf32, #tpu.memory_space<vmem>>, vector<16xf32>,
        %swap3A_538 = arith.index_cast %add3A_359 : i32 to index
        %swap3A_539 = arith.constant 16 : index
        %swap3A_540 = tpu.vector_load %arg10[%swap3A_538, %swap3A_539] {strides = array<i32>} : memref<32x128xf32, #tpu.memory_space<vmem>>, vector<16xf32>,
        tpu.vector_store %arg10[%swap3A_538, %swap3A_539], %add3A_535 {strides = array<i32>} : memref<32x128xf32, #tpu.memory_space<vmem>>, vector<16xf32>,
        %get3A_541 = arith.index_cast %mul3A_361 : i32 to index
        %get3A_542 = arith.constant 32 : index
        %get3A_543 = tpu.vector_load %arg8[%get3A_541, %get3A_542] {strides = array<i32>} : memref<640x64xbf16, #tpu.memory_space<vmem>>, vector<32xbf16>,
        %unpack3A_544 = tpu.unpack_subelements %get3A_543, 0 {pack_format = #tpu.pack_format<interleaved>} : vector<32xbf16> -> vector<16xf32>
        %unpack3A_545 = tpu.unpack_subelements %get3A_543, 1 {pack_format = #tpu.pack_format<interleaved>} : vector<32xbf16> -> vector<16xf32>
        %add3A_546 = arith.constant 1 : i32
        %add3A_547 = arith.addi %mul3A_361, %add3A_546 : i32
        %get3A_548 = arith.index_cast %add3A_547 : i32 to index
        %get3A_549 = arith.constant 32 : index
        %get3A_550 = tpu.vector_load %arg8[%get3A_548, %get3A_549] {strides = array<i32>} : memref<640x64xbf16, #tpu.memory_space<vmem>>, vector<32xbf16>,
        %unpack3A_551 = tpu.unpack_subelements %get3A_550, 0 {pack_format = #tpu.pack_format<interleaved>} : vector<32xbf16> -> vector<16xf32>
        %unpack3A_552 = tpu.unpack_subelements %get3A_550, 1 {pack_format = #tpu.pack_format<interleaved>} : vector<32xbf16> -> vector<16xf32>
        %add3A_553 = arith.addf %unpack3A_544, %unpack3A_551 : vector<16xf32>
        %add3A_554 = arith.addf %unpack3A_545, %unpack3A_552 : vector<16xf32>
        %add3A_555 = arith.constant 2 : i32
        %add3A_556 = arith.addi %mul3A_361, %add3A_555 : i32
        %get3A_557 = arith.index_cast %add3A_556 : i32 to index
        %get3A_558 = arith.constant 32 : index
        %get3A_559 = tpu.vector_load %arg8[%get3A_557, %get3A_558] {strides = array<i32>} : memref<640x64xbf16, #tpu.memory_space<vmem>>, vector<32xbf16>,
        %unpack3A_560 = tpu.unpack_subelements %get3A_559, 0 {pack_format = #tpu.pack_format<interleaved>} : vector<32xbf16> -> vector<16xf32>
        %unpack3A_561 = tpu.unpack_subelements %get3A_559, 1 {pack_format = #tpu.pack_format<interleaved>} : vector<32xbf16> -> vector<16xf32>
        %add3A_562 = arith.addf %add3A_553, %unpack3A_560 : vector<16xf32>
        %add3A_563 = arith.addf %add3A_554, %unpack3A_561 : vector<16xf32>
        %add3A_564 = arith.constant 3 : i32
        %add3A_565 = arith.addi %mul3A_361, %add3A_564 : i32
        %get3A_566 = arith.index_cast %add3A_565 : i32 to index
        %get3A_567 = arith.constant 32 : index
        %get3A_568 = tpu.vector_load %arg8[%get3A_566, %get3A_567] {strides = array<i32>} : memref<640x64xbf16, #tpu.memory_space<vmem>>, vector<32xbf16>,
        %unpack3A_569 = tpu.unpack_subelements %get3A_568, 0 {pack_format = #tpu.pack_format<interleaved>} : vector<32xbf16> -> vector<16xf32>
        %unpack3A_570 = tpu.unpack_subelements %get3A_568, 1 {pack_format = #tpu.pack_format<interleaved>} : vector<32xbf16> -> vector<16xf32>
        %add3A_571 = arith.addf %add3A_562, %unpack3A_569 : vector<16xf32>
        %add3A_572 = arith.addf %add3A_563, %unpack3A_570 : vector<16xf32>
        %add3A_573 = arith.constant 4 : i32
        %add3A_574 = arith.addi %mul3A_361, %add3A_573 : i32
        %get3A_575 = arith.index_cast %add3A_574 : i32 to index
        %get3A_576 = arith.constant 32 : index
        %get3A_577 = tpu.vector_load %arg8[%get3A_575, %get3A_576] {strides = array<i32>} : memref<640x64xbf16, #tpu.memory_space<vmem>>, vector<32xbf16>,
        %unpack3A_578 = tpu.unpack_subelements %get3A_577, 0 {pack_format = #tpu.pack_format<interleaved>} : vector<32xbf16> -> vector<16xf32>
        %unpack3A_579 = tpu.unpack_subelements %get3A_577, 1 {pack_format = #tpu.pack_format<interleaved>} : vector<32xbf16> -> vector<16xf32>
        %add3A_580 = arith.addf %add3A_571, %unpack3A_578 : vector<16xf32>
        %add3A_581 = arith.addf %add3A_572, %unpack3A_579 : vector<16xf32>
        %add3A_582 = arith.constant 5 : i32
        %add3A_583 = arith.addi %mul3A_361, %add3A_582 : i32
        %get3A_584 = arith.index_cast %add3A_583 : i32 to index
        %get3A_585 = arith.constant 32 : index
        %get3A_586 = tpu.vector_load %arg8[%get3A_584, %get3A_585] {strides = array<i32>} : memref<640x64xbf16, #tpu.memory_space<vmem>>, vector<32xbf16>,
        %unpack3A_587 = tpu.unpack_subelements %get3A_586, 0 {pack_format = #tpu.pack_format<interleaved>} : vector<32xbf16> -> vector<16xf32>
        %unpack3A_588 = tpu.unpack_subelements %get3A_586, 1 {pack_format = #tpu.pack_format<interleaved>} : vector<32xbf16> -> vector<16xf32>
        %add3A_589 = arith.addf %add3A_580, %unpack3A_587 : vector<16xf32>
        %add3A_590 = arith.addf %add3A_581, %unpack3A_588 : vector<16xf32>
        %add3A_591 = arith.constant 6 : i32
        %add3A_592 = arith.addi %mul3A_361, %add3A_591 : i32
        %get3A_593 = arith.index_cast %add3A_592 : i32 to index
        %get3A_594 = arith.constant 32 : index
        %get3A_595 = tpu.vector_load %arg8[%get3A_593, %get3A_594] {strides = array<i32>} : memref<640x64xbf16, #tpu.memory_space<vmem>>, vector<32xbf16>,
        %unpack3A_596 = tpu.unpack_subelements %get3A_595, 0 {pack_format = #tpu.pack_format<interleaved>} : vector<32xbf16> -> vector<16xf32>
        %unpack3A_597 = tpu.unpack_subelements %get3A_595, 1 {pack_format = #tpu.pack_format<interleaved>} : vector<32xbf16> -> vector<16xf32>
        %add3A_598 = arith.addf %add3A_589, %unpack3A_596 : vector<16xf32>
        %add3A_599 = arith.addf %add3A_590, %unpack3A_597 : vector<16xf32>
        %add3A_600 = arith.constant 7 : i32
        %add3A_601 = arith.addi %mul3A_361, %add3A_600 : i32
        %get3A_602 = arith.index_cast %add3A_601 : i32 to index
        %get3A_603 = arith.constant 32 : index
        %get3A_604 = tpu.vector_load %arg8[%get3A_602, %get3A_603] {strides = array<i32>} : memref<640x64xbf16, #tpu.memory_space<vmem>>, vector<32xbf16>,
        %unpack3A_605 = tpu.unpack_subelements %get3A_604, 0 {pack_format = #tpu.pack_format<interleaved>} : vector<32xbf16> -> vector<16xf32>
        %unpack3A_606 = tpu.unpack_subelements %get3A_604, 1 {pack_format = #tpu.pack_format<interleaved>} : vector<32xbf16> -> vector<16xf32>
        %add3A_607 = arith.addf %add3A_598, %unpack3A_605 : vector<16xf32>
        %add3A_608 = arith.addf %add3A_599, %unpack3A_606 : vector<16xf32>
        %add3A_609 = arith.constant 8 : i32
        %add3A_610 = arith.addi %mul3A_361, %add3A_609 : i32
        %get3A_611 = arith.index_cast %add3A_610 : i32 to index
        %get3A_612 = arith.constant 32 : index
        %get3A_613 = tpu.vector_load %arg8[%get3A_611, %get3A_612] {strides = array<i32>} : memref<640x64xbf16, #tpu.memory_space<vmem>>, vector<32xbf16>,
        %unpack3A_614 = tpu.unpack_subelements %get3A_613, 0 {pack_format = #tpu.pack_format<interleaved>} : vector<32xbf16> -> vector<16xf32>
        %unpack3A_615 = tpu.unpack_subelements %get3A_613, 1 {pack_format = #tpu.pack_format<interleaved>} : vector<32xbf16> -> vector<16xf32>
        %add3A_616 = arith.addf %add3A_607, %unpack3A_614 : vector<16xf32>
        %add3A_617 = arith.addf %add3A_608, %unpack3A_615 : vector<16xf32>
        %add3A_618 = arith.constant 9 : i32
        %add3A_619 = arith.addi %mul3A_361, %add3A_618 : i32
        %get3A_620 = arith.index_cast %add3A_619 : i32 to index
        %get3A_621 = arith.constant 32 : index
        %get3A_622 = tpu.vector_load %arg8[%get3A_620, %get3A_621] {strides = array<i32>} : memref<640x64xbf16, #tpu.memory_space<vmem>>, vector<32xbf16>,
        %unpack3A_623 = tpu.unpack_subelements %get3A_622, 0 {pack_format = #tpu.pack_format<interleaved>} : vector<32xbf16> -> vector<16xf32>
        %unpack3A_624 = tpu.unpack_subelements %get3A_622, 1 {pack_format = #tpu.pack_format<interleaved>} : vector<32xbf16> -> vector<16xf32>
        %add3A_625 = arith.addf %add3A_616, %unpack3A_623 : vector<16xf32>
        %add3A_626 = arith.addf %add3A_617, %unpack3A_624 : vector<16xf32>
        %add3A_627 = arith.constant 10 : i32
        %add3A_628 = arith.addi %mul3A_361, %add3A_627 : i32
        %get3A_629 = arith.index_cast %add3A_628 : i32 to index
        %get3A_630 = arith.constant 32 : index
        %get3A_631 = tpu.vector_load %arg8[%get3A_629, %get3A_630] {strides = array<i32>} : memref<640x64xbf16, #tpu.memory_space<vmem>>, vector<32xbf16>,
        %unpack3A_632 = tpu.unpack_subelements %get3A_631, 0 {pack_format = #tpu.pack_format<interleaved>} : vector<32xbf16> -> vector<16xf32>
        %unpack3A_633 = tpu.unpack_subelements %get3A_631, 1 {pack_format = #tpu.pack_format<interleaved>} : vector<32xbf16> -> vector<16xf32>
        %add3A_634 = arith.addf %add3A_625, %unpack3A_632 : vector<16xf32>
        %add3A_635 = arith.addf %add3A_626, %unpack3A_633 : vector<16xf32>
        %add3A_636 = arith.constant 11 : i32
        %add3A_637 = arith.addi %mul3A_361, %add3A_636 : i32
        %get3A_638 = arith.index_cast %add3A_637 : i32 to index
        %get3A_639 = arith.constant 32 : index
        %get3A_640 = tpu.vector_load %arg8[%get3A_638, %get3A_639] {strides = array<i32>} : memref<640x64xbf16, #tpu.memory_space<vmem>>, vector<32xbf16>,
        %unpack3A_641 = tpu.unpack_subelements %get3A_640, 0 {pack_format = #tpu.pack_format<interleaved>} : vector<32xbf16> -> vector<16xf32>
        %unpack3A_642 = tpu.unpack_subelements %get3A_640, 1 {pack_format = #tpu.pack_format<interleaved>} : vector<32xbf16> -> vector<16xf32>
        %add3A_643 = arith.addf %add3A_634, %unpack3A_641 : vector<16xf32>
        %add3A_644 = arith.addf %add3A_635, %unpack3A_642 : vector<16xf32>
        %add3A_645 = arith.constant 12 : i32
        %add3A_646 = arith.addi %mul3A_361, %add3A_645 : i32
        %get3A_647 = arith.index_cast %add3A_646 : i32 to index
        %get3A_648 = arith.constant 32 : index
        %get3A_649 = tpu.vector_load %arg8[%get3A_647, %get3A_648] {strides = array<i32>} : memref<640x64xbf16, #tpu.memory_space<vmem>>, vector<32xbf16>,
        %unpack3A_650 = tpu.unpack_subelements %get3A_649, 0 {pack_format = #tpu.pack_format<interleaved>} : vector<32xbf16> -> vector<16xf32>
        %unpack3A_651 = tpu.unpack_subelements %get3A_649, 1 {pack_format = #tpu.pack_format<interleaved>} : vector<32xbf16> -> vector<16xf32>
        %add3A_652 = arith.addf %add3A_643, %unpack3A_650 : vector<16xf32>
        %add3A_653 = arith.addf %add3A_644, %unpack3A_651 : vector<16xf32>
        %add3A_654 = arith.constant 13 : i32
        %add3A_655 = arith.addi %mul3A_361, %add3A_654 : i32
        %get3A_656 = arith.index_cast %add3A_655 : i32 to index
        %get3A_657 = arith.constant 32 : index
        %get3A_658 = tpu.vector_load %arg8[%get3A_656, %get3A_657] {strides = array<i32>} : memref<640x64xbf16, #tpu.memory_space<vmem>>, vector<32xbf16>,
        %unpack3A_659 = tpu.unpack_subelements %get3A_658, 0 {pack_format = #tpu.pack_format<interleaved>} : vector<32xbf16> -> vector<16xf32>
        %unpack3A_660 = tpu.unpack_subelements %get3A_658, 1 {pack_format = #tpu.pack_format<interleaved>} : vector<32xbf16> -> vector<16xf32>
        %add3A_661 = arith.addf %add3A_652, %unpack3A_659 : vector<16xf32>
        %add3A_662 = arith.addf %add3A_653, %unpack3A_660 : vector<16xf32>
        %add3A_663 = arith.constant 14 : i32
        %add3A_664 = arith.addi %mul3A_361, %add3A_663 : i32
        %get3A_665 = arith.index_cast %add3A_664 : i32 to index
        %get3A_666 = arith.constant 32 : index
        %get3A_667 = tpu.vector_load %arg8[%get3A_665, %get3A_666] {strides = array<i32>} : memref<640x64xbf16, #tpu.memory_space<vmem>>, vector<32xbf16>,
        %unpack3A_668 = tpu.unpack_subelements %get3A_667, 0 {pack_format = #tpu.pack_format<interleaved>} : vector<32xbf16> -> vector<16xf32>
        %unpack3A_669 = tpu.unpack_subelements %get3A_667, 1 {pack_format = #tpu.pack_format<interleaved>} : vector<32xbf16> -> vector<16xf32>
        %add3A_670 = arith.addf %add3A_661, %unpack3A_668 : vector<16xf32>
        %add3A_671 = arith.addf %add3A_662, %unpack3A_669 : vector<16xf32>
        %add3A_672 = arith.constant 15 : i32
        %add3A_673 = arith.addi %mul3A_361, %add3A_672 : i32
        %get3A_674 = arith.index_cast %add3A_673 : i32 to index
        %get3A_675 = arith.constant 32 : index
        %get3A_676 = tpu.vector_load %arg8[%get3A_674, %get3A_675] {strides = array<i32>} : memref<640x64xbf16, #tpu.memory_space<vmem>>, vector<32xbf16>,
        %unpack3A_677 = tpu.unpack_subelements %get3A_676, 0 {pack_format = #tpu.pack_format<interleaved>} : vector<32xbf16> -> vector<16xf32>
        %unpack3A_678 = tpu.unpack_subelements %get3A_676, 1 {pack_format = #tpu.pack_format<interleaved>} : vector<32xbf16> -> vector<16xf32>
        %add3A_679 = arith.addf %add3A_670, %unpack3A_677 : vector<16xf32>
        %add3A_680 = arith.addf %add3A_671, %unpack3A_678 : vector<16xf32>
        %add3A_681 = arith.constant 16 : i32
        %add3A_682 = arith.addi %mul3A_361, %add3A_681 : i32
        %get3A_683 = arith.index_cast %add3A_682 : i32 to index
        %get3A_684 = arith.constant 32 : index
        %get3A_685 = tpu.vector_load %arg8[%get3A_683, %get3A_684] {strides = array<i32>} : memref<640x64xbf16, #tpu.memory_space<vmem>>, vector<32xbf16>,
        %unpack3A_686 = tpu.unpack_subelements %get3A_685, 0 {pack_format = #tpu.pack_format<interleaved>} : vector<32xbf16> -> vector<16xf32>
        %unpack3A_687 = tpu.unpack_subelements %get3A_685, 1 {pack_format = #tpu.pack_format<interleaved>} : vector<32xbf16> -> vector<16xf32>
        %add3A_688 = arith.addf %add3A_679, %unpack3A_686 : vector<16xf32>
        %add3A_689 = arith.addf %add3A_680, %unpack3A_687 : vector<16xf32>
        %add3A_690 = arith.constant 17 : i32
        %add3A_691 = arith.addi %mul3A_361, %add3A_690 : i32
        %get3A_692 = arith.index_cast %add3A_691 : i32 to index
        %get3A_693 = arith.constant 32 : index
        %get3A_694 = tpu.vector_load %arg8[%get3A_692, %get3A_693] {strides = array<i32>} : memref<640x64xbf16, #tpu.memory_space<vmem>>, vector<32xbf16>,
        %unpack3A_695 = tpu.unpack_subelements %get3A_694, 0 {pack_format = #tpu.pack_format<interleaved>} : vector<32xbf16> -> vector<16xf32>
        %unpack3A_696 = tpu.unpack_subelements %get3A_694, 1 {pack_format = #tpu.pack_format<interleaved>} : vector<32xbf16> -> vector<16xf32>
        %add3A_697 = arith.addf %add3A_688, %unpack3A_695 : vector<16xf32>
        %add3A_698 = arith.addf %add3A_689, %unpack3A_696 : vector<16xf32>
        %add3A_699 = arith.constant 18 : i32
        %add3A_700 = arith.addi %mul3A_361, %add3A_699 : i32
        %get3A_701 = arith.index_cast %add3A_700 : i32 to index
        %get3A_702 = arith.constant 32 : index
        %get3A_703 = tpu.vector_load %arg8[%get3A_701, %get3A_702] {strides = array<i32>} : memref<640x64xbf16, #tpu.memory_space<vmem>>, vector<32xbf16>,
        %unpack3A_704 = tpu.unpack_subelements %get3A_703, 0 {pack_format = #tpu.pack_format<interleaved>} : vector<32xbf16> -> vector<16xf32>
        %unpack3A_705 = tpu.unpack_subelements %get3A_703, 1 {pack_format = #tpu.pack_format<interleaved>} : vector<32xbf16> -> vector<16xf32>
        %add3A_706 = arith.addf %add3A_697, %unpack3A_704 : vector<16xf32>
        %add3A_707 = arith.addf %add3A_698, %unpack3A_705 : vector<16xf32>
        %add3A_708 = arith.constant 19 : i32
        %add3A_709 = arith.addi %mul3A_361, %add3A_708 : i32
        %get3A_710 = arith.index_cast %add3A_709 : i32 to index
        %get3A_711 = arith.constant 32 : index
        %get3A_712 = tpu.vector_load %arg8[%get3A_710, %get3A_711] {strides = array<i32>} : memref<640x64xbf16, #tpu.memory_space<vmem>>, vector<32xbf16>,
        %unpack3A_713 = tpu.unpack_subelements %get3A_712, 0 {pack_format = #tpu.pack_format<interleaved>} : vector<32xbf16> -> vector<16xf32>
        %unpack3A_714 = tpu.unpack_subelements %get3A_712, 1 {pack_format = #tpu.pack_format<interleaved>} : vector<32xbf16> -> vector<16xf32>
        %add3A_715 = arith.addf %add3A_706, %unpack3A_713 : vector<16xf32>
        %add3A_716 = arith.addf %add3A_707, %unpack3A_714 : vector<16xf32>
        %swap3A_717 = arith.index_cast %add3A_359 : i32 to index
        %swap3A_718 = arith.constant 32 : index
        %swap3A_719 = tpu.vector_load %arg10[%swap3A_717, %swap3A_718] {strides = array<i32>} : memref<32x128xf32, #tpu.memory_space<vmem>>, vector<16xf32>,
        tpu.vector_store %arg10[%swap3A_717, %swap3A_718], %add3A_715 {strides = array<i32>} : memref<32x128xf32, #tpu.memory_space<vmem>>, vector<16xf32>,
        %swap3A_720 = arith.index_cast %add3A_359 : i32 to index
        %swap3A_721 = arith.constant 48 : index
        %swap3A_722 = tpu.vector_load %arg10[%swap3A_720, %swap3A_721] {strides = array<i32>} : memref<32x128xf32, #tpu.memory_space<vmem>>, vector<16xf32>,
        tpu.vector_store %arg10[%swap3A_720, %swap3A_721], %add3A_716 {strides = array<i32>} : memref<32x128xf32, #tpu.memory_space<vmem>>, vector<16xf32>,
      }
      %scan3A_287 = arith.constant 32 : i32
      %lt3A_288 = arith.constant 7 : i32
      %lt3A_289 = arith.cmpi slt, %add3A_153, %lt3A_288 : i32
      %convert_element_type3A_290 = arith.extui %lt3A_289 : i1 to i32
      %cond3A_291 = arith.constant 0 : i32
      %cond3A_292 = arith.cmpi ne, %convert_element_type3A_290, %cond3A_291 : i32
      scf.if %cond3A_292 {
        %add3A_355 = arith.constant 1 : i32
        %add3A_356 = arith.addi %add3A_154, %add3A_355 : i32
        %sub3A = arith.constant 1 : i32
        %sub3A_357 = arith.subi %sub3A, %select_n3A_163 : i32
        %dma_wait3A_358 = arith.constant 0 : i32
        %dma_wait3A_359 = arith.constant 0 : i32
        %dma_wait3A_360 = tpu.memref_slice %arg6[%sub3A_357, %dma_wait3A_358, %dma_wait3A_359] : memref<2x5x128xi32, #tpu.memory_space<vmem>> -> memref<1x5x128xi32, #tpu.memory_space<vmem>>
        %dma_wait3A_361 = tpu.memref_squeeze %dma_wait3A_360 : memref<1x5x128xi32, #tpu.memory_space<vmem>> -> memref<5x128xi32, #tpu.memory_space<vmem>>
        %dma_wait3A_362 = arith.constant 0 : i32
        %dma_wait3A_363 = arith.constant 0 : i32
        %dma_wait3A_364 = tpu.memref_slice %arg3[%add3A_356, %dma_wait3A_362, %dma_wait3A_363] : memref<256x5x128xi32, #tpu.memory_space<hbm>> -> memref<1x5x128xi32, #tpu.memory_space<hbm>>
        %dma_wait3A_365 = tpu.memref_squeeze %dma_wait3A_364 : memref<1x5x128xi32, #tpu.memory_space<hbm>> -> memref<5x128xi32, #tpu.memory_space<hbm>>
        %dma_wait3A_366 = arith.constant 0 : i32
        %dma_wait3A_367 = arith.constant 0 : i32
        %dma_wait3A_368 = tpu.memref_slice %arg6[%sub3A_357, %dma_wait3A_366, %dma_wait3A_367] : memref<2x5x128xi32, #tpu.memory_space<vmem>> -> memref<1x5x128xi32, #tpu.memory_space<vmem>>
        %dma_wait3A_369 = tpu.memref_squeeze %dma_wait3A_368 : memref<1x5x128xi32, #tpu.memory_space<vmem>> -> memref<5x128xi32, #tpu.memory_space<vmem>>
        %dma_wait3A_370 = arith.constant 0 : i32
        %dma_wait3A_371 = arith.constant 0 : i32
        %dma_wait3A_372 = tpu.memref_slice %arg3[%add3A_356, %dma_wait3A_370, %dma_wait3A_371] : memref<256x5x128xi32, #tpu.memory_space<hbm>> -> memref<1x5x128xi32, #tpu.memory_space<hbm>>
        %dma_wait3A_373 = tpu.memref_squeeze %dma_wait3A_372 : memref<1x5x128xi32, #tpu.memory_space<hbm>> -> memref<5x128xi32, #tpu.memory_space<hbm>>
        tpu.wait_dma2 semaphore(%arg13 : memref<!tpu.dma_semaphore, #tpu.memory_space<semaphore_mem>>) src(%dma_wait3A_373 : memref<5x128xi32, #tpu.memory_space<hbm>>) dst(%dma_wait3A_369 : memref<5x128xi32, #tpu.memory_space<vmem>>)
        %dma_start3A_374 = arith.constant 0 : i32
        %dma_start3A_375 = arith.constant 0 : i32
        %dma_start3A_376 = arith.constant 0 : i32
        %dma_start3A_377 = tpu.memref_slice %arg8[%dma_start3A_375, %dma_start3A_376] : memref<640x64xbf16, #tpu.memory_space<vmem>> -> memref<128x64xbf16, #tpu.memory_space<vmem>>
        %dma_start3A_378 = arith.constant 0 : i32
        %dma_start3A_379 = tpu.memref_slice %arg6[%sub3A_357, %dma_start3A_374, %dma_start3A_378] : memref<2x5x128xi32, #tpu.memory_space<vmem>> -> memref<1x1x128xi32, #tpu.memory_space<vmem>>
        %dma_start3A_380 = tpu.memref_squeeze %dma_start3A_379 : memref<1x1x128xi32, #tpu.memory_space<vmem>> -> memref<128xi32, #tpu.memory_space<vmem>>
        %dma_start3A_381 = arith.constant 0 : i32
        %dma_start3A_382 = arith.constant 0 : i32
        %dma_start3A_383 = tpu.memref_slice %arg2[%dma_start3A_381, %dma_start3A_382] : memref<100000x64xbf16, #tpu.memory_space<hbm>> -> memref<100000x64xbf16, #tpu.memory_space<hbm>>
        tpu.enqueue_indirect_dma source(%dma_start3A_383 : memref<100000x64xbf16, #tpu.memory_space<hbm>>) target(%dma_start3A_377 : memref<128x64xbf16, #tpu.memory_space<vmem>>) offsets(%dma_start3A_380 : memref<128xi32, #tpu.memory_space<vmem>>) semaphore(%arg11 : memref<!tpu.dma_semaphore, #tpu.memory_space<semaphore_mem>>)
        %dma_start3A_384 = arith.constant 1 : i32
        %dma_start3A_385 = arith.constant 128 : i32
        %dma_start3A_386 = arith.constant 0 : i32
        %dma_start3A_387 = tpu.memref_slice %arg8[%dma_start3A_385, %dma_start3A_386] : memref<640x64xbf16, #tpu.memory_space<vmem>> -> memref<128x64xbf16, #tpu.memory_space<vmem>>
        %dma_start3A_388 = arith.constant 0 : i32
        %dma_start3A_389 = tpu.memref_slice %arg6[%sub3A_357, %dma_start3A_384, %dma_start3A_388] : memref<2x5x128xi32, #tpu.memory_space<vmem>> -> memref<1x1x128xi32, #tpu.memory_space<vmem>>
        %dma_start3A_390 = tpu.memref_squeeze %dma_start3A_389 : memref<1x1x128xi32, #tpu.memory_space<vmem>> -> memref<128xi32, #tpu.memory_space<vmem>>
        %dma_start3A_391 = arith.constant 0 : i32
        %dma_start3A_392 = arith.constant 0 : i32
        %dma_start3A_393 = tpu.memref_slice %arg2[%dma_start3A_391, %dma_start3A_392] : memref<100000x64xbf16, #tpu.memory_space<hbm>> -> memref<100000x64xbf16, #tpu.memory_space<hbm>>
        tpu.enqueue_indirect_dma source(%dma_start3A_393 : memref<100000x64xbf16, #tpu.memory_space<hbm>>) target(%dma_start3A_387 : memref<128x64xbf16, #tpu.memory_space<vmem>>) offsets(%dma_start3A_390 : memref<128xi32, #tpu.memory_space<vmem>>) semaphore(%arg11 : memref<!tpu.dma_semaphore, #tpu.memory_space<semaphore_mem>>)
        %dma_start3A_394 = arith.constant 2 : i32
        %dma_start3A_395 = arith.constant 256 : i32
        %dma_start3A_396 = arith.constant 0 : i32
        %dma_start3A_397 = tpu.memref_slice %arg8[%dma_start3A_395, %dma_start3A_396] : memref<640x64xbf16, #tpu.memory_space<vmem>> -> memref<128x64xbf16, #tpu.memory_space<vmem>>
        %dma_start3A_398 = arith.constant 0 : i32
        %dma_start3A_399 = tpu.memref_slice %arg6[%sub3A_357, %dma_start3A_394, %dma_start3A_398] : memref<2x5x128xi32, #tpu.memory_space<vmem>> -> memref<1x1x128xi32, #tpu.memory_space<vmem>>
        %dma_start3A_400 = tpu.memref_squeeze %dma_start3A_399 : memref<1x1x128xi32, #tpu.memory_space<vmem>> -> memref<128xi32, #tpu.memory_space<vmem>>
        %dma_start3A_401 = arith.constant 0 : i32
        %dma_start3A_402 = arith.constant 0 : i32
        %dma_start3A_403 = tpu.memref_slice %arg2[%dma_start3A_401, %dma_start3A_402] : memref<100000x64xbf16, #tpu.memory_space<hbm>> -> memref<100000x64xbf16, #tpu.memory_space<hbm>>
        tpu.enqueue_indirect_dma source(%dma_start3A_403 : memref<100000x64xbf16, #tpu.memory_space<hbm>>) target(%dma_start3A_397 : memref<128x64xbf16, #tpu.memory_space<vmem>>) offsets(%dma_start3A_400 : memref<128xi32, #tpu.memory_space<vmem>>) semaphore(%arg11 : memref<!tpu.dma_semaphore, #tpu.memory_space<semaphore_mem>>)
        %dma_start3A_404 = arith.constant 3 : i32
        %dma_start3A_405 = arith.constant 384 : i32
        %dma_start3A_406 = arith.constant 0 : i32
        %dma_start3A_407 = tpu.memref_slice %arg8[%dma_start3A_405, %dma_start3A_406] : memref<640x64xbf16, #tpu.memory_space<vmem>> -> memref<128x64xbf16, #tpu.memory_space<vmem>>
        %dma_start3A_408 = arith.constant 0 : i32
        %dma_start3A_409 = tpu.memref_slice %arg6[%sub3A_357, %dma_start3A_404, %dma_start3A_408] : memref<2x5x128xi32, #tpu.memory_space<vmem>> -> memref<1x1x128xi32, #tpu.memory_space<vmem>>
        %dma_start3A_410 = tpu.memref_squeeze %dma_start3A_409 : memref<1x1x128xi32, #tpu.memory_space<vmem>> -> memref<128xi32, #tpu.memory_space<vmem>>
        %dma_start3A_411 = arith.constant 0 : i32
        %dma_start3A_412 = arith.constant 0 : i32
        %dma_start3A_413 = tpu.memref_slice %arg2[%dma_start3A_411, %dma_start3A_412] : memref<100000x64xbf16, #tpu.memory_space<hbm>> -> memref<100000x64xbf16, #tpu.memory_space<hbm>>
        tpu.enqueue_indirect_dma source(%dma_start3A_413 : memref<100000x64xbf16, #tpu.memory_space<hbm>>) target(%dma_start3A_407 : memref<128x64xbf16, #tpu.memory_space<vmem>>) offsets(%dma_start3A_410 : memref<128xi32, #tpu.memory_space<vmem>>) semaphore(%arg11 : memref<!tpu.dma_semaphore, #tpu.memory_space<semaphore_mem>>)
        %dma_start3A_414 = arith.constant 4 : i32
        %dma_start3A_415 = arith.constant 512 : i32
        %dma_start3A_416 = arith.constant 0 : i32
        %dma_start3A_417 = tpu.memref_slice %arg8[%dma_start3A_415, %dma_start3A_416] : memref<640x64xbf16, #tpu.memory_space<vmem>> -> memref<128x64xbf16, #tpu.memory_space<vmem>>
        %dma_start3A_418 = arith.constant 0 : i32
        %dma_start3A_419 = tpu.memref_slice %arg6[%sub3A_357, %dma_start3A_414, %dma_start3A_418] : memref<2x5x128xi32, #tpu.memory_space<vmem>> -> memref<1x1x128xi32, #tpu.memory_space<vmem>>
        %dma_start3A_420 = tpu.memref_squeeze %dma_start3A_419 : memref<1x1x128xi32, #tpu.memory_space<vmem>> -> memref<128xi32, #tpu.memory_space<vmem>>
        %dma_start3A_421 = arith.constant 0 : i32
        %dma_start3A_422 = arith.constant 0 : i32
        %dma_start3A_423 = tpu.memref_slice %arg2[%dma_start3A_421, %dma_start3A_422] : memref<100000x64xbf16, #tpu.memory_space<hbm>> -> memref<100000x64xbf16, #tpu.memory_space<hbm>>
        tpu.enqueue_indirect_dma source(%dma_start3A_423 : memref<100000x64xbf16, #tpu.memory_space<hbm>>) target(%dma_start3A_417 : memref<128x64xbf16, #tpu.memory_space<vmem>>) offsets(%dma_start3A_420 : memref<128xi32, #tpu.memory_space<vmem>>) semaphore(%arg11 : memref<!tpu.dma_semaphore, #tpu.memory_space<semaphore_mem>>)
      } else {
      }
      %dma_wait3A_293 = arith.constant 0 : i32
      %dma_wait3A_294 = arith.constant 0 : i32
      %dma_wait3A_295 = arith.constant 0 : i32
      %dma_wait3A_296 = tpu.memref_slice %arg9[%dma_wait3A_294, %dma_wait3A_295] : memref<640x64xbf16, #tpu.memory_space<vmem>> -> memref<128x64xbf16, #tpu.memory_space<vmem>>
      %dma_wait3A_297 = arith.constant 0 : i32
      %dma_wait3A_298 = tpu.memref_slice %arg7[%select_n3A_163, %dma_wait3A_293, %dma_wait3A_297] : memref<2x5x128xi32, #tpu.memory_space<vmem>> -> memref<1x1x128xi32, #tpu.memory_space<vmem>>
      %dma_wait3A_299 = tpu.memref_squeeze %dma_wait3A_298 : memref<1x1x128xi32, #tpu.memory_space<vmem>> -> memref<128xi32, #tpu.memory_space<vmem>>
      %dma_wait3A_300 = arith.constant 0 : i32
      %dma_wait3A_301 = arith.constant 0 : i32
      %dma_wait3A_302 = tpu.memref_slice %arg2[%dma_wait3A_300, %dma_wait3A_301] : memref<100000x64xbf16, #tpu.memory_space<hbm>> -> memref<100000x64xbf16, #tpu.memory_space<hbm>>
      tpu.wait_indirect_dma semaphore(%arg12 : memref<!tpu.dma_semaphore, #tpu.memory_space<semaphore_mem>>) src(%dma_wait3A_302 : memref<100000x64xbf16, #tpu.memory_space<hbm>>) dst(%dma_wait3A_296 : memref<128x64xbf16, #tpu.memory_space<vmem>>)
      %dma_wait3A_303 = arith.constant 1 : i32
      %dma_wait3A_304 = arith.constant 128 : i32
      %dma_wait3A_305 = arith.constant 0 : i32
      %dma_wait3A_306 = tpu.memref_slice %arg9[%dma_wait3A_304, %dma_wait3A_305] : memref<640x64xbf16, #tpu.memory_space<vmem>> -> memref<128x64xbf16, #tpu.memory_space<vmem>>
      %dma_wait3A_307 = arith.constant 0 : i32
      %dma_wait3A_308 = tpu.memref_slice %arg7[%select_n3A_163, %dma_wait3A_303, %dma_wait3A_307] : memref<2x5x128xi32, #tpu.memory_space<vmem>> -> memref<1x1x128xi32, #tpu.memory_space<vmem>>
      %dma_wait3A_309 = tpu.memref_squeeze %dma_wait3A_308 : memref<1x1x128xi32, #tpu.memory_space<vmem>> -> memref<128xi32, #tpu.memory_space<vmem>>
      %dma_wait3A_310 = arith.constant 0 : i32
      %dma_wait3A_311 = arith.constant 0 : i32
      %dma_wait3A_312 = tpu.memref_slice %arg2[%dma_wait3A_310, %dma_wait3A_311] : memref<100000x64xbf16, #tpu.memory_space<hbm>> -> memref<100000x64xbf16, #tpu.memory_space<hbm>>
      tpu.wait_indirect_dma semaphore(%arg12 : memref<!tpu.dma_semaphore, #tpu.memory_space<semaphore_mem>>) src(%dma_wait3A_312 : memref<100000x64xbf16, #tpu.memory_space<hbm>>) dst(%dma_wait3A_306 : memref<128x64xbf16, #tpu.memory_space<vmem>>)
      %dma_wait3A_313 = arith.constant 2 : i32
      %dma_wait3A_314 = arith.constant 256 : i32
      %dma_wait3A_315 = arith.constant 0 : i32
      %dma_wait3A_316 = tpu.memref_slice %arg9[%dma_wait3A_314, %dma_wait3A_315] : memref<640x64xbf16, #tpu.memory_space<vmem>> -> memref<128x64xbf16, #tpu.memory_space<vmem>>
      %dma_wait3A_317 = arith.constant 0 : i32
      %dma_wait3A_318 = tpu.memref_slice %arg7[%select_n3A_163, %dma_wait3A_313, %dma_wait3A_317] : memref<2x5x128xi32, #tpu.memory_space<vmem>> -> memref<1x1x128xi32, #tpu.memory_space<vmem>>
      %dma_wait3A_319 = tpu.memref_squeeze %dma_wait3A_318 : memref<1x1x128xi32, #tpu.memory_space<vmem>> -> memref<128xi32, #tpu.memory_space<vmem>>
      %dma_wait3A_320 = arith.constant 0 : i32
      %dma_wait3A_321 = arith.constant 0 : i32
      %dma_wait3A_322 = tpu.memref_slice %arg2[%dma_wait3A_320, %dma_wait3A_321] : memref<100000x64xbf16, #tpu.memory_space<hbm>> -> memref<100000x64xbf16, #tpu.memory_space<hbm>>
      tpu.wait_indirect_dma semaphore(%arg12 : memref<!tpu.dma_semaphore, #tpu.memory_space<semaphore_mem>>) src(%dma_wait3A_322 : memref<100000x64xbf16, #tpu.memory_space<hbm>>) dst(%dma_wait3A_316 : memref<128x64xbf16, #tpu.memory_space<vmem>>)
      %dma_wait3A_323 = arith.constant 3 : i32
      %dma_wait3A_324 = arith.constant 384 : i32
      %dma_wait3A_325 = arith.constant 0 : i32
      %dma_wait3A_326 = tpu.memref_slice %arg9[%dma_wait3A_324, %dma_wait3A_325] : memref<640x64xbf16, #tpu.memory_space<vmem>> -> memref<128x64xbf16, #tpu.memory_space<vmem>>
      %dma_wait3A_327 = arith.constant 0 : i32
      %dma_wait3A_328 = tpu.memref_slice %arg7[%select_n3A_163, %dma_wait3A_323, %dma_wait3A_327] : memref<2x5x128xi32, #tpu.memory_space<vmem>> -> memref<1x1x128xi32, #tpu.memory_space<vmem>>
      %dma_wait3A_329 = tpu.memref_squeeze %dma_wait3A_328 : memref<1x1x128xi32, #tpu.memory_space<vmem>> -> memref<128xi32, #tpu.memory_space<vmem>>
      %dma_wait3A_330 = arith.constant 0 : i32
      %dma_wait3A_331 = arith.constant 0 : i32
      %dma_wait3A_332 = tpu.memref_slice %arg2[%dma_wait3A_330, %dma_wait3A_331] : memref<100000x64xbf16, #tpu.memory_space<hbm>> -> memref<100000x64xbf16, #tpu.memory_space<hbm>>
      tpu.wait_indirect_dma semaphore(%arg12 : memref<!tpu.dma_semaphore, #tpu.memory_space<semaphore_mem>>) src(%dma_wait3A_332 : memref<100000x64xbf16, #tpu.memory_space<hbm>>) dst(%dma_wait3A_326 : memref<128x64xbf16, #tpu.memory_space<vmem>>)
      %dma_wait3A_333 = arith.constant 4 : i32
      %dma_wait3A_334 = arith.constant 512 : i32
      %dma_wait3A_335 = arith.constant 0 : i32
      %dma_wait3A_336 = tpu.memref_slice %arg9[%dma_wait3A_334, %dma_wait3A_335] : memref<640x64xbf16, #tpu.memory_space<vmem>> -> memref<128x64xbf16, #tpu.memory_space<vmem>>
      %dma_wait3A_337 = arith.constant 0 : i32
      %dma_wait3A_338 = tpu.memref_slice %arg7[%select_n3A_163, %dma_wait3A_333, %dma_wait3A_337] : memref<2x5x128xi32, #tpu.memory_space<vmem>> -> memref<1x1x128xi32, #tpu.memory_space<vmem>>
      %dma_wait3A_339 = tpu.memref_squeeze %dma_wait3A_338 : memref<1x1x128xi32, #tpu.memory_space<vmem>> -> memref<128xi32, #tpu.memory_space<vmem>>
      %dma_wait3A_340 = arith.constant 0 : i32
      %dma_wait3A_341 = arith.constant 0 : i32
      %dma_wait3A_342 = tpu.memref_slice %arg2[%dma_wait3A_340, %dma_wait3A_341] : memref<100000x64xbf16, #tpu.memory_space<hbm>> -> memref<100000x64xbf16, #tpu.memory_space<hbm>>
      tpu.wait_indirect_dma semaphore(%arg12 : memref<!tpu.dma_semaphore, #tpu.memory_space<semaphore_mem>>) src(%dma_wait3A_342 : memref<100000x64xbf16, #tpu.memory_space<hbm>>) dst(%dma_wait3A_336 : memref<128x64xbf16, #tpu.memory_space<vmem>>)
      %lt3A_343 = arith.constant 6 : i32
      %lt3A_344 = arith.cmpi slt, %add3A_153, %lt3A_343 : i32
      %convert_element_type3A_345 = arith.extui %lt3A_344 : i1 to i32
      %cond3A_346 = arith.constant 0 : i32
      %cond3A_347 = arith.cmpi ne, %convert_element_type3A_345, %cond3A_346 : i32
      scf.if %cond3A_347 {
        %add3A_355 = arith.constant 2 : i32
        %add3A_356 = arith.addi %add3A_154, %add3A_355 : i32
        %dma_start3A_357 = arith.constant 0 : i32
        %dma_start3A_358 = arith.constant 0 : i32
        %dma_start3A_359 = tpu.memref_slice %arg7[%select_n3A_163, %dma_start3A_357, %dma_start3A_358] : memref<2x5x128xi32, #tpu.memory_space<vmem>> -> memref<1x5x128xi32, #tpu.memory_space<vmem>>
        %dma_start3A_360 = tpu.memref_squeeze %dma_start3A_359 : memref<1x5x128xi32, #tpu.memory_space<vmem>> -> memref<5x128xi32, #tpu.memory_space<vmem>>
        %dma_start3A_361 = arith.constant 0 : i32
        %dma_start3A_362 = arith.constant 0 : i32
        %dma_start3A_363 = tpu.memref_slice %arg4[%add3A_356, %dma_start3A_361, %dma_start3A_362] : memref<256x5x128xi32, #tpu.memory_space<hbm>> -> memref<1x5x128xi32, #tpu.memory_space<hbm>>
        %dma_start3A_364 = tpu.memref_squeeze %dma_start3A_363 : memref<1x5x128xi32, #tpu.memory_space<hbm>> -> memref<5x128xi32, #tpu.memory_space<hbm>>
        %dma_start3A_365 = arith.constant 0 : i32
        %dma_start3A_366 = arith.constant 0 : i32
        %dma_start3A_367 = tpu.memref_slice %arg7[%select_n3A_163, %dma_start3A_365, %dma_start3A_366] : memref<2x5x128xi32, #tpu.memory_space<vmem>> -> memref<1x5x128xi32, #tpu.memory_space<vmem>>
        %dma_start3A_368 = tpu.memref_squeeze %dma_start3A_367 : memref<1x5x128xi32, #tpu.memory_space<vmem>> -> memref<5x128xi32, #tpu.memory_space<vmem>>
        %dma_start3A_369 = arith.constant 0 : i32
        %dma_start3A_370 = arith.constant 0 : i32
        %dma_start3A_371 = tpu.memref_slice %arg4[%add3A_356, %dma_start3A_369, %dma_start3A_370] : memref<256x5x128xi32, #tpu.memory_space<hbm>> -> memref<1x5x128xi32, #tpu.memory_space<hbm>>
        %dma_start3A_372 = tpu.memref_squeeze %dma_start3A_371 : memref<1x5x128xi32, #tpu.memory_space<hbm>> -> memref<5x128xi32, #tpu.memory_space<hbm>>
        tpu.enqueue_dma source(%dma_start3A_372 : memref<5x128xi32, #tpu.memory_space<hbm>>) target(%dma_start3A_368 : memref<5x128xi32, #tpu.memory_space<vmem>>) target_semaphore(%arg14 : memref<!tpu.dma_semaphore, #tpu.memory_space<semaphore_mem>>)
      } else {
      }
      %scan3A_348 = arith.constant 0 : i32
      %scan3A_349 = arith.constant 32 : i32
      %scan3A_350 = arith.addi %scan3A_348, %scan3A_349 : i32
      %scan3A_351 = arith.constant 1 : i32
      scf.for %scan3A_355 = %scan3A_348 to %scan3A_350 step %scan3A_351  : i32 {
        %mul3A_356 = arith.constant 1 : i32
        %mul3A_357 = arith.muli %scan3A_355, %mul3A_356 : i32
        %add3A_358 = arith.constant 0 : i32
        %add3A_359 = arith.addi %add3A_358, %mul3A_357 : i32
        %mul3A_360 = arith.constant 20 : i32
        %mul3A_361 = arith.muli %add3A_359, %mul3A_360 : i32
        %get3A = arith.index_cast %mul3A_361 : i32 to index
        %get3A_362 = arith.constant 0 : index
        %get3A_363 = tpu.vector_load %arg9[%get3A, %get3A_362] {strides = array<i32>} : memref<640x64xbf16, #tpu.memory_space<vmem>>, vector<32xbf16>,
        %unpack3A = tpu.unpack_subelements %get3A_363, 0 {pack_format = #tpu.pack_format<interleaved>} : vector<32xbf16> -> vector<16xf32>
        %unpack3A_364 = tpu.unpack_subelements %get3A_363, 1 {pack_format = #tpu.pack_format<interleaved>} : vector<32xbf16> -> vector<16xf32>
        %add3A_365 = arith.constant 1 : i32
        %add3A_366 = arith.addi %mul3A_361, %add3A_365 : i32
        %get3A_367 = arith.index_cast %add3A_366 : i32 to index
        %get3A_368 = arith.constant 0 : index
        %get3A_369 = tpu.vector_load %arg9[%get3A_367, %get3A_368] {strides = array<i32>} : memref<640x64xbf16, #tpu.memory_space<vmem>>, vector<32xbf16>,
        %unpack3A_370 = tpu.unpack_subelements %get3A_369, 0 {pack_format = #tpu.pack_format<interleaved>} : vector<32xbf16> -> vector<16xf32>
        %unpack3A_371 = tpu.unpack_subelements %get3A_369, 1 {pack_format = #tpu.pack_format<interleaved>} : vector<32xbf16> -> vector<16xf32>
        %add3A_372 = arith.addf %unpack3A, %unpack3A_370 : vector<16xf32>
        %add3A_373 = arith.addf %unpack3A_364, %unpack3A_371 : vector<16xf32>
        %add3A_374 = arith.constant 2 : i32
        %add3A_375 = arith.addi %mul3A_361, %add3A_374 : i32
        %get3A_376 = arith.index_cast %add3A_375 : i32 to index
        %get3A_377 = arith.constant 0 : index
        %get3A_378 = tpu.vector_load %arg9[%get3A_376, %get3A_377] {strides = array<i32>} : memref<640x64xbf16, #tpu.memory_space<vmem>>, vector<32xbf16>,
        %unpack3A_379 = tpu.unpack_subelements %get3A_378, 0 {pack_format = #tpu.pack_format<interleaved>} : vector<32xbf16> -> vector<16xf32>
        %unpack3A_380 = tpu.unpack_subelements %get3A_378, 1 {pack_format = #tpu.pack_format<interleaved>} : vector<32xbf16> -> vector<16xf32>
        %add3A_381 = arith.addf %add3A_372, %unpack3A_379 : vector<16xf32>
        %add3A_382 = arith.addf %add3A_373, %unpack3A_380 : vector<16xf32>
        %add3A_383 = arith.constant 3 : i32
        %add3A_384 = arith.addi %mul3A_361, %add3A_383 : i32
        %get3A_385 = arith.index_cast %add3A_384 : i32 to index
        %get3A_386 = arith.constant 0 : index
        %get3A_387 = tpu.vector_load %arg9[%get3A_385, %get3A_386] {strides = array<i32>} : memref<640x64xbf16, #tpu.memory_space<vmem>>, vector<32xbf16>,
        %unpack3A_388 = tpu.unpack_subelements %get3A_387, 0 {pack_format = #tpu.pack_format<interleaved>} : vector<32xbf16> -> vector<16xf32>
        %unpack3A_389 = tpu.unpack_subelements %get3A_387, 1 {pack_format = #tpu.pack_format<interleaved>} : vector<32xbf16> -> vector<16xf32>
        %add3A_390 = arith.addf %add3A_381, %unpack3A_388 : vector<16xf32>
        %add3A_391 = arith.addf %add3A_382, %unpack3A_389 : vector<16xf32>
        %add3A_392 = arith.constant 4 : i32
        %add3A_393 = arith.addi %mul3A_361, %add3A_392 : i32
        %get3A_394 = arith.index_cast %add3A_393 : i32 to index
        %get3A_395 = arith.constant 0 : index
        %get3A_396 = tpu.vector_load %arg9[%get3A_394, %get3A_395] {strides = array<i32>} : memref<640x64xbf16, #tpu.memory_space<vmem>>, vector<32xbf16>,
        %unpack3A_397 = tpu.unpack_subelements %get3A_396, 0 {pack_format = #tpu.pack_format<interleaved>} : vector<32xbf16> -> vector<16xf32>
        %unpack3A_398 = tpu.unpack_subelements %get3A_396, 1 {pack_format = #tpu.pack_format<interleaved>} : vector<32xbf16> -> vector<16xf32>
        %add3A_399 = arith.addf %add3A_390, %unpack3A_397 : vector<16xf32>
        %add3A_400 = arith.addf %add3A_391, %unpack3A_398 : vector<16xf32>
        %add3A_401 = arith.constant 5 : i32
        %add3A_402 = arith.addi %mul3A_361, %add3A_401 : i32
        %get3A_403 = arith.index_cast %add3A_402 : i32 to index
        %get3A_404 = arith.constant 0 : index
        %get3A_405 = tpu.vector_load %arg9[%get3A_403, %get3A_404] {strides = array<i32>} : memref<640x64xbf16, #tpu.memory_space<vmem>>, vector<32xbf16>,
        %unpack3A_406 = tpu.unpack_subelements %get3A_405, 0 {pack_format = #tpu.pack_format<interleaved>} : vector<32xbf16> -> vector<16xf32>
        %unpack3A_407 = tpu.unpack_subelements %get3A_405, 1 {pack_format = #tpu.pack_format<interleaved>} : vector<32xbf16> -> vector<16xf32>
        %add3A_408 = arith.addf %add3A_399, %unpack3A_406 : vector<16xf32>
        %add3A_409 = arith.addf %add3A_400, %unpack3A_407 : vector<16xf32>
        %add3A_410 = arith.constant 6 : i32
        %add3A_411 = arith.addi %mul3A_361, %add3A_410 : i32
        %get3A_412 = arith.index_cast %add3A_411 : i32 to index
        %get3A_413 = arith.constant 0 : index
        %get3A_414 = tpu.vector_load %arg9[%get3A_412, %get3A_413] {strides = array<i32>} : memref<640x64xbf16, #tpu.memory_space<vmem>>, vector<32xbf16>,
        %unpack3A_415 = tpu.unpack_subelements %get3A_414, 0 {pack_format = #tpu.pack_format<interleaved>} : vector<32xbf16> -> vector<16xf32>
        %unpack3A_416 = tpu.unpack_subelements %get3A_414, 1 {pack_format = #tpu.pack_format<interleaved>} : vector<32xbf16> -> vector<16xf32>
        %add3A_417 = arith.addf %add3A_408, %unpack3A_415 : vector<16xf32>
        %add3A_418 = arith.addf %add3A_409, %unpack3A_416 : vector<16xf32>
        %add3A_419 = arith.constant 7 : i32
        %add3A_420 = arith.addi %mul3A_361, %add3A_419 : i32
        %get3A_421 = arith.index_cast %add3A_420 : i32 to index
        %get3A_422 = arith.constant 0 : index
        %get3A_423 = tpu.vector_load %arg9[%get3A_421, %get3A_422] {strides = array<i32>} : memref<640x64xbf16, #tpu.memory_space<vmem>>, vector<32xbf16>,
        %unpack3A_424 = tpu.unpack_subelements %get3A_423, 0 {pack_format = #tpu.pack_format<interleaved>} : vector<32xbf16> -> vector<16xf32>
        %unpack3A_425 = tpu.unpack_subelements %get3A_423, 1 {pack_format = #tpu.pack_format<interleaved>} : vector<32xbf16> -> vector<16xf32>
        %add3A_426 = arith.addf %add3A_417, %unpack3A_424 : vector<16xf32>
        %add3A_427 = arith.addf %add3A_418, %unpack3A_425 : vector<16xf32>
        %add3A_428 = arith.constant 8 : i32
        %add3A_429 = arith.addi %mul3A_361, %add3A_428 : i32
        %get3A_430 = arith.index_cast %add3A_429 : i32 to index
        %get3A_431 = arith.constant 0 : index
        %get3A_432 = tpu.vector_load %arg9[%get3A_430, %get3A_431] {strides = array<i32>} : memref<640x64xbf16, #tpu.memory_space<vmem>>, vector<32xbf16>,
        %unpack3A_433 = tpu.unpack_subelements %get3A_432, 0 {pack_format = #tpu.pack_format<interleaved>} : vector<32xbf16> -> vector<16xf32>
        %unpack3A_434 = tpu.unpack_subelements %get3A_432, 1 {pack_format = #tpu.pack_format<interleaved>} : vector<32xbf16> -> vector<16xf32>
        %add3A_435 = arith.addf %add3A_426, %unpack3A_433 : vector<16xf32>
        %add3A_436 = arith.addf %add3A_427, %unpack3A_434 : vector<16xf32>
        %add3A_437 = arith.constant 9 : i32
        %add3A_438 = arith.addi %mul3A_361, %add3A_437 : i32
        %get3A_439 = arith.index_cast %add3A_438 : i32 to index
        %get3A_440 = arith.constant 0 : index
        %get3A_441 = tpu.vector_load %arg9[%get3A_439, %get3A_440] {strides = array<i32>} : memref<640x64xbf16, #tpu.memory_space<vmem>>, vector<32xbf16>,
        %unpack3A_442 = tpu.unpack_subelements %get3A_441, 0 {pack_format = #tpu.pack_format<interleaved>} : vector<32xbf16> -> vector<16xf32>
        %unpack3A_443 = tpu.unpack_subelements %get3A_441, 1 {pack_format = #tpu.pack_format<interleaved>} : vector<32xbf16> -> vector<16xf32>
        %add3A_444 = arith.addf %add3A_435, %unpack3A_442 : vector<16xf32>
        %add3A_445 = arith.addf %add3A_436, %unpack3A_443 : vector<16xf32>
        %add3A_446 = arith.constant 10 : i32
        %add3A_447 = arith.addi %mul3A_361, %add3A_446 : i32
        %get3A_448 = arith.index_cast %add3A_447 : i32 to index
        %get3A_449 = arith.constant 0 : index
        %get3A_450 = tpu.vector_load %arg9[%get3A_448, %get3A_449] {strides = array<i32>} : memref<640x64xbf16, #tpu.memory_space<vmem>>, vector<32xbf16>,
        %unpack3A_451 = tpu.unpack_subelements %get3A_450, 0 {pack_format = #tpu.pack_format<interleaved>} : vector<32xbf16> -> vector<16xf32>
        %unpack3A_452 = tpu.unpack_subelements %get3A_450, 1 {pack_format = #tpu.pack_format<interleaved>} : vector<32xbf16> -> vector<16xf32>
        %add3A_453 = arith.addf %add3A_444, %unpack3A_451 : vector<16xf32>
        %add3A_454 = arith.addf %add3A_445, %unpack3A_452 : vector<16xf32>
        %add3A_455 = arith.constant 11 : i32
        %add3A_456 = arith.addi %mul3A_361, %add3A_455 : i32
        %get3A_457 = arith.index_cast %add3A_456 : i32 to index
        %get3A_458 = arith.constant 0 : index
        %get3A_459 = tpu.vector_load %arg9[%get3A_457, %get3A_458] {strides = array<i32>} : memref<640x64xbf16, #tpu.memory_space<vmem>>, vector<32xbf16>,
        %unpack3A_460 = tpu.unpack_subelements %get3A_459, 0 {pack_format = #tpu.pack_format<interleaved>} : vector<32xbf16> -> vector<16xf32>
        %unpack3A_461 = tpu.unpack_subelements %get3A_459, 1 {pack_format = #tpu.pack_format<interleaved>} : vector<32xbf16> -> vector<16xf32>
        %add3A_462 = arith.addf %add3A_453, %unpack3A_460 : vector<16xf32>
        %add3A_463 = arith.addf %add3A_454, %unpack3A_461 : vector<16xf32>
        %add3A_464 = arith.constant 12 : i32
        %add3A_465 = arith.addi %mul3A_361, %add3A_464 : i32
        %get3A_466 = arith.index_cast %add3A_465 : i32 to index
        %get3A_467 = arith.constant 0 : index
        %get3A_468 = tpu.vector_load %arg9[%get3A_466, %get3A_467] {strides = array<i32>} : memref<640x64xbf16, #tpu.memory_space<vmem>>, vector<32xbf16>,
        %unpack3A_469 = tpu.unpack_subelements %get3A_468, 0 {pack_format = #tpu.pack_format<interleaved>} : vector<32xbf16> -> vector<16xf32>
        %unpack3A_470 = tpu.unpack_subelements %get3A_468, 1 {pack_format = #tpu.pack_format<interleaved>} : vector<32xbf16> -> vector<16xf32>
        %add3A_471 = arith.addf %add3A_462, %unpack3A_469 : vector<16xf32>
        %add3A_472 = arith.addf %add3A_463, %unpack3A_470 : vector<16xf32>
        %add3A_473 = arith.constant 13 : i32
        %add3A_474 = arith.addi %mul3A_361, %add3A_473 : i32
        %get3A_475 = arith.index_cast %add3A_474 : i32 to index
        %get3A_476 = arith.constant 0 : index
        %get3A_477 = tpu.vector_load %arg9[%get3A_475, %get3A_476] {strides = array<i32>} : memref<640x64xbf16, #tpu.memory_space<vmem>>, vector<32xbf16>,
        %unpack3A_478 = tpu.unpack_subelements %get3A_477, 0 {pack_format = #tpu.pack_format<interleaved>} : vector<32xbf16> -> vector<16xf32>
        %unpack3A_479 = tpu.unpack_subelements %get3A_477, 1 {pack_format = #tpu.pack_format<interleaved>} : vector<32xbf16> -> vector<16xf32>
        %add3A_480 = arith.addf %add3A_471, %unpack3A_478 : vector<16xf32>
        %add3A_481 = arith.addf %add3A_472, %unpack3A_479 : vector<16xf32>
        %add3A_482 = arith.constant 14 : i32
        %add3A_483 = arith.addi %mul3A_361, %add3A_482 : i32
        %get3A_484 = arith.index_cast %add3A_483 : i32 to index
        %get3A_485 = arith.constant 0 : index
        %get3A_486 = tpu.vector_load %arg9[%get3A_484, %get3A_485] {strides = array<i32>} : memref<640x64xbf16, #tpu.memory_space<vmem>>, vector<32xbf16>,
        %unpack3A_487 = tpu.unpack_subelements %get3A_486, 0 {pack_format = #tpu.pack_format<interleaved>} : vector<32xbf16> -> vector<16xf32>
        %unpack3A_488 = tpu.unpack_subelements %get3A_486, 1 {pack_format = #tpu.pack_format<interleaved>} : vector<32xbf16> -> vector<16xf32>
        %add3A_489 = arith.addf %add3A_480, %unpack3A_487 : vector<16xf32>
        %add3A_490 = arith.addf %add3A_481, %unpack3A_488 : vector<16xf32>
        %add3A_491 = arith.constant 15 : i32
        %add3A_492 = arith.addi %mul3A_361, %add3A_491 : i32
        %get3A_493 = arith.index_cast %add3A_492 : i32 to index
        %get3A_494 = arith.constant 0 : index
        %get3A_495 = tpu.vector_load %arg9[%get3A_493, %get3A_494] {strides = array<i32>} : memref<640x64xbf16, #tpu.memory_space<vmem>>, vector<32xbf16>,
        %unpack3A_496 = tpu.unpack_subelements %get3A_495, 0 {pack_format = #tpu.pack_format<interleaved>} : vector<32xbf16> -> vector<16xf32>
        %unpack3A_497 = tpu.unpack_subelements %get3A_495, 1 {pack_format = #tpu.pack_format<interleaved>} : vector<32xbf16> -> vector<16xf32>
        %add3A_498 = arith.addf %add3A_489, %unpack3A_496 : vector<16xf32>
        %add3A_499 = arith.addf %add3A_490, %unpack3A_497 : vector<16xf32>
        %add3A_500 = arith.constant 16 : i32
        %add3A_501 = arith.addi %mul3A_361, %add3A_500 : i32
        %get3A_502 = arith.index_cast %add3A_501 : i32 to index
        %get3A_503 = arith.constant 0 : index
        %get3A_504 = tpu.vector_load %arg9[%get3A_502, %get3A_503] {strides = array<i32>} : memref<640x64xbf16, #tpu.memory_space<vmem>>, vector<32xbf16>,
        %unpack3A_505 = tpu.unpack_subelements %get3A_504, 0 {pack_format = #tpu.pack_format<interleaved>} : vector<32xbf16> -> vector<16xf32>
        %unpack3A_506 = tpu.unpack_subelements %get3A_504, 1 {pack_format = #tpu.pack_format<interleaved>} : vector<32xbf16> -> vector<16xf32>
        %add3A_507 = arith.addf %add3A_498, %unpack3A_505 : vector<16xf32>
        %add3A_508 = arith.addf %add3A_499, %unpack3A_506 : vector<16xf32>
        %add3A_509 = arith.constant 17 : i32
        %add3A_510 = arith.addi %mul3A_361, %add3A_509 : i32
        %get3A_511 = arith.index_cast %add3A_510 : i32 to index
        %get3A_512 = arith.constant 0 : index
        %get3A_513 = tpu.vector_load %arg9[%get3A_511, %get3A_512] {strides = array<i32>} : memref<640x64xbf16, #tpu.memory_space<vmem>>, vector<32xbf16>,
        %unpack3A_514 = tpu.unpack_subelements %get3A_513, 0 {pack_format = #tpu.pack_format<interleaved>} : vector<32xbf16> -> vector<16xf32>
        %unpack3A_515 = tpu.unpack_subelements %get3A_513, 1 {pack_format = #tpu.pack_format<interleaved>} : vector<32xbf16> -> vector<16xf32>
        %add3A_516 = arith.addf %add3A_507, %unpack3A_514 : vector<16xf32>
        %add3A_517 = arith.addf %add3A_508, %unpack3A_515 : vector<16xf32>
        %add3A_518 = arith.constant 18 : i32
        %add3A_519 = arith.addi %mul3A_361, %add3A_518 : i32
        %get3A_520 = arith.index_cast %add3A_519 : i32 to index
        %get3A_521 = arith.constant 0 : index
        %get3A_522 = tpu.vector_load %arg9[%get3A_520, %get3A_521] {strides = array<i32>} : memref<640x64xbf16, #tpu.memory_space<vmem>>, vector<32xbf16>,
        %unpack3A_523 = tpu.unpack_subelements %get3A_522, 0 {pack_format = #tpu.pack_format<interleaved>} : vector<32xbf16> -> vector<16xf32>
        %unpack3A_524 = tpu.unpack_subelements %get3A_522, 1 {pack_format = #tpu.pack_format<interleaved>} : vector<32xbf16> -> vector<16xf32>
        %add3A_525 = arith.addf %add3A_516, %unpack3A_523 : vector<16xf32>
        %add3A_526 = arith.addf %add3A_517, %unpack3A_524 : vector<16xf32>
        %add3A_527 = arith.constant 19 : i32
        %add3A_528 = arith.addi %mul3A_361, %add3A_527 : i32
        %get3A_529 = arith.index_cast %add3A_528 : i32 to index
        %get3A_530 = arith.constant 0 : index
        %get3A_531 = tpu.vector_load %arg9[%get3A_529, %get3A_530] {strides = array<i32>} : memref<640x64xbf16, #tpu.memory_space<vmem>>, vector<32xbf16>,
        %unpack3A_532 = tpu.unpack_subelements %get3A_531, 0 {pack_format = #tpu.pack_format<interleaved>} : vector<32xbf16> -> vector<16xf32>
        %unpack3A_533 = tpu.unpack_subelements %get3A_531, 1 {pack_format = #tpu.pack_format<interleaved>} : vector<32xbf16> -> vector<16xf32>
        %add3A_534 = arith.addf %add3A_525, %unpack3A_532 : vector<16xf32>
        %add3A_535 = arith.addf %add3A_526, %unpack3A_533 : vector<16xf32>
        %swap3A = arith.index_cast %add3A_359 : i32 to index
        %swap3A_536 = arith.constant 64 : index
        %swap3A_537 = tpu.vector_load %arg10[%swap3A, %swap3A_536] {strides = array<i32>} : memref<32x128xf32, #tpu.memory_space<vmem>>, vector<16xf32>,
        tpu.vector_store %arg10[%swap3A, %swap3A_536], %add3A_534 {strides = array<i32>} : memref<32x128xf32, #tpu.memory_space<vmem>>, vector<16xf32>,
        %swap3A_538 = arith.index_cast %add3A_359 : i32 to index
        %swap3A_539 = arith.constant 80 : index
        %swap3A_540 = tpu.vector_load %arg10[%swap3A_538, %swap3A_539] {strides = array<i32>} : memref<32x128xf32, #tpu.memory_space<vmem>>, vector<16xf32>,
        tpu.vector_store %arg10[%swap3A_538, %swap3A_539], %add3A_535 {strides = array<i32>} : memref<32x128xf32, #tpu.memory_space<vmem>>, vector<16xf32>,
        %get3A_541 = arith.index_cast %mul3A_361 : i32 to index
        %get3A_542 = arith.constant 32 : index
        %get3A_543 = tpu.vector_load %arg9[%get3A_541, %get3A_542] {strides = array<i32>} : memref<640x64xbf16, #tpu.memory_space<vmem>>, vector<32xbf16>,
        %unpack3A_544 = tpu.unpack_subelements %get3A_543, 0 {pack_format = #tpu.pack_format<interleaved>} : vector<32xbf16> -> vector<16xf32>
        %unpack3A_545 = tpu.unpack_subelements %get3A_543, 1 {pack_format = #tpu.pack_format<interleaved>} : vector<32xbf16> -> vector<16xf32>
        %add3A_546 = arith.constant 1 : i32
        %add3A_547 = arith.addi %mul3A_361, %add3A_546 : i32
        %get3A_548 = arith.index_cast %add3A_547 : i32 to index
        %get3A_549 = arith.constant 32 : index
        %get3A_550 = tpu.vector_load %arg9[%get3A_548, %get3A_549] {strides = array<i32>} : memref<640x64xbf16, #tpu.memory_space<vmem>>, vector<32xbf16>,
        %unpack3A_551 = tpu.unpack_subelements %get3A_550, 0 {pack_format = #tpu.pack_format<interleaved>} : vector<32xbf16> -> vector<16xf32>
        %unpack3A_552 = tpu.unpack_subelements %get3A_550, 1 {pack_format = #tpu.pack_format<interleaved>} : vector<32xbf16> -> vector<16xf32>
        %add3A_553 = arith.addf %unpack3A_544, %unpack3A_551 : vector<16xf32>
        %add3A_554 = arith.addf %unpack3A_545, %unpack3A_552 : vector<16xf32>
        %add3A_555 = arith.constant 2 : i32
        %add3A_556 = arith.addi %mul3A_361, %add3A_555 : i32
        %get3A_557 = arith.index_cast %add3A_556 : i32 to index
        %get3A_558 = arith.constant 32 : index
        %get3A_559 = tpu.vector_load %arg9[%get3A_557, %get3A_558] {strides = array<i32>} : memref<640x64xbf16, #tpu.memory_space<vmem>>, vector<32xbf16>,
        %unpack3A_560 = tpu.unpack_subelements %get3A_559, 0 {pack_format = #tpu.pack_format<interleaved>} : vector<32xbf16> -> vector<16xf32>
        %unpack3A_561 = tpu.unpack_subelements %get3A_559, 1 {pack_format = #tpu.pack_format<interleaved>} : vector<32xbf16> -> vector<16xf32>
        %add3A_562 = arith.addf %add3A_553, %unpack3A_560 : vector<16xf32>
        %add3A_563 = arith.addf %add3A_554, %unpack3A_561 : vector<16xf32>
        %add3A_564 = arith.constant 3 : i32
        %add3A_565 = arith.addi %mul3A_361, %add3A_564 : i32
        %get3A_566 = arith.index_cast %add3A_565 : i32 to index
        %get3A_567 = arith.constant 32 : index
        %get3A_568 = tpu.vector_load %arg9[%get3A_566, %get3A_567] {strides = array<i32>} : memref<640x64xbf16, #tpu.memory_space<vmem>>, vector<32xbf16>,
        %unpack3A_569 = tpu.unpack_subelements %get3A_568, 0 {pack_format = #tpu.pack_format<interleaved>} : vector<32xbf16> -> vector<16xf32>
        %unpack3A_570 = tpu.unpack_subelements %get3A_568, 1 {pack_format = #tpu.pack_format<interleaved>} : vector<32xbf16> -> vector<16xf32>
        %add3A_571 = arith.addf %add3A_562, %unpack3A_569 : vector<16xf32>
        %add3A_572 = arith.addf %add3A_563, %unpack3A_570 : vector<16xf32>
        %add3A_573 = arith.constant 4 : i32
        %add3A_574 = arith.addi %mul3A_361, %add3A_573 : i32
        %get3A_575 = arith.index_cast %add3A_574 : i32 to index
        %get3A_576 = arith.constant 32 : index
        %get3A_577 = tpu.vector_load %arg9[%get3A_575, %get3A_576] {strides = array<i32>} : memref<640x64xbf16, #tpu.memory_space<vmem>>, vector<32xbf16>,
        %unpack3A_578 = tpu.unpack_subelements %get3A_577, 0 {pack_format = #tpu.pack_format<interleaved>} : vector<32xbf16> -> vector<16xf32>
        %unpack3A_579 = tpu.unpack_subelements %get3A_577, 1 {pack_format = #tpu.pack_format<interleaved>} : vector<32xbf16> -> vector<16xf32>
        %add3A_580 = arith.addf %add3A_571, %unpack3A_578 : vector<16xf32>
        %add3A_581 = arith.addf %add3A_572, %unpack3A_579 : vector<16xf32>
        %add3A_582 = arith.constant 5 : i32
        %add3A_583 = arith.addi %mul3A_361, %add3A_582 : i32
        %get3A_584 = arith.index_cast %add3A_583 : i32 to index
        %get3A_585 = arith.constant 32 : index
        %get3A_586 = tpu.vector_load %arg9[%get3A_584, %get3A_585] {strides = array<i32>} : memref<640x64xbf16, #tpu.memory_space<vmem>>, vector<32xbf16>,
        %unpack3A_587 = tpu.unpack_subelements %get3A_586, 0 {pack_format = #tpu.pack_format<interleaved>} : vector<32xbf16> -> vector<16xf32>
        %unpack3A_588 = tpu.unpack_subelements %get3A_586, 1 {pack_format = #tpu.pack_format<interleaved>} : vector<32xbf16> -> vector<16xf32>
        %add3A_589 = arith.addf %add3A_580, %unpack3A_587 : vector<16xf32>
        %add3A_590 = arith.addf %add3A_581, %unpack3A_588 : vector<16xf32>
        %add3A_591 = arith.constant 6 : i32
        %add3A_592 = arith.addi %mul3A_361, %add3A_591 : i32
        %get3A_593 = arith.index_cast %add3A_592 : i32 to index
        %get3A_594 = arith.constant 32 : index
        %get3A_595 = tpu.vector_load %arg9[%get3A_593, %get3A_594] {strides = array<i32>} : memref<640x64xbf16, #tpu.memory_space<vmem>>, vector<32xbf16>,
        %unpack3A_596 = tpu.unpack_subelements %get3A_595, 0 {pack_format = #tpu.pack_format<interleaved>} : vector<32xbf16> -> vector<16xf32>
        %unpack3A_597 = tpu.unpack_subelements %get3A_595, 1 {pack_format = #tpu.pack_format<interleaved>} : vector<32xbf16> -> vector<16xf32>
        %add3A_598 = arith.addf %add3A_589, %unpack3A_596 : vector<16xf32>
        %add3A_599 = arith.addf %add3A_590, %unpack3A_597 : vector<16xf32>
        %add3A_600 = arith.constant 7 : i32
        %add3A_601 = arith.addi %mul3A_361, %add3A_600 : i32
        %get3A_602 = arith.index_cast %add3A_601 : i32 to index
        %get3A_603 = arith.constant 32 : index
        %get3A_604 = tpu.vector_load %arg9[%get3A_602, %get3A_603] {strides = array<i32>} : memref<640x64xbf16, #tpu.memory_space<vmem>>, vector<32xbf16>,
        %unpack3A_605 = tpu.unpack_subelements %get3A_604, 0 {pack_format = #tpu.pack_format<interleaved>} : vector<32xbf16> -> vector<16xf32>
        %unpack3A_606 = tpu.unpack_subelements %get3A_604, 1 {pack_format = #tpu.pack_format<interleaved>} : vector<32xbf16> -> vector<16xf32>
        %add3A_607 = arith.addf %add3A_598, %unpack3A_605 : vector<16xf32>
        %add3A_608 = arith.addf %add3A_599, %unpack3A_606 : vector<16xf32>
        %add3A_609 = arith.constant 8 : i32
        %add3A_610 = arith.addi %mul3A_361, %add3A_609 : i32
        %get3A_611 = arith.index_cast %add3A_610 : i32 to index
        %get3A_612 = arith.constant 32 : index
        %get3A_613 = tpu.vector_load %arg9[%get3A_611, %get3A_612] {strides = array<i32>} : memref<640x64xbf16, #tpu.memory_space<vmem>>, vector<32xbf16>,
        %unpack3A_614 = tpu.unpack_subelements %get3A_613, 0 {pack_format = #tpu.pack_format<interleaved>} : vector<32xbf16> -> vector<16xf32>
        %unpack3A_615 = tpu.unpack_subelements %get3A_613, 1 {pack_format = #tpu.pack_format<interleaved>} : vector<32xbf16> -> vector<16xf32>
        %add3A_616 = arith.addf %add3A_607, %unpack3A_614 : vector<16xf32>
        %add3A_617 = arith.addf %add3A_608, %unpack3A_615 : vector<16xf32>
        %add3A_618 = arith.constant 9 : i32
        %add3A_619 = arith.addi %mul3A_361, %add3A_618 : i32
        %get3A_620 = arith.index_cast %add3A_619 : i32 to index
        %get3A_621 = arith.constant 32 : index
        %get3A_622 = tpu.vector_load %arg9[%get3A_620, %get3A_621] {strides = array<i32>} : memref<640x64xbf16, #tpu.memory_space<vmem>>, vector<32xbf16>,
        %unpack3A_623 = tpu.unpack_subelements %get3A_622, 0 {pack_format = #tpu.pack_format<interleaved>} : vector<32xbf16> -> vector<16xf32>
        %unpack3A_624 = tpu.unpack_subelements %get3A_622, 1 {pack_format = #tpu.pack_format<interleaved>} : vector<32xbf16> -> vector<16xf32>
        %add3A_625 = arith.addf %add3A_616, %unpack3A_623 : vector<16xf32>
        %add3A_626 = arith.addf %add3A_617, %unpack3A_624 : vector<16xf32>
        %add3A_627 = arith.constant 10 : i32
        %add3A_628 = arith.addi %mul3A_361, %add3A_627 : i32
        %get3A_629 = arith.index_cast %add3A_628 : i32 to index
        %get3A_630 = arith.constant 32 : index
        %get3A_631 = tpu.vector_load %arg9[%get3A_629, %get3A_630] {strides = array<i32>} : memref<640x64xbf16, #tpu.memory_space<vmem>>, vector<32xbf16>,
        %unpack3A_632 = tpu.unpack_subelements %get3A_631, 0 {pack_format = #tpu.pack_format<interleaved>} : vector<32xbf16> -> vector<16xf32>
        %unpack3A_633 = tpu.unpack_subelements %get3A_631, 1 {pack_format = #tpu.pack_format<interleaved>} : vector<32xbf16> -> vector<16xf32>
        %add3A_634 = arith.addf %add3A_625, %unpack3A_632 : vector<16xf32>
        %add3A_635 = arith.addf %add3A_626, %unpack3A_633 : vector<16xf32>
        %add3A_636 = arith.constant 11 : i32
        %add3A_637 = arith.addi %mul3A_361, %add3A_636 : i32
        %get3A_638 = arith.index_cast %add3A_637 : i32 to index
        %get3A_639 = arith.constant 32 : index
        %get3A_640 = tpu.vector_load %arg9[%get3A_638, %get3A_639] {strides = array<i32>} : memref<640x64xbf16, #tpu.memory_space<vmem>>, vector<32xbf16>,
        %unpack3A_641 = tpu.unpack_subelements %get3A_640, 0 {pack_format = #tpu.pack_format<interleaved>} : vector<32xbf16> -> vector<16xf32>
        %unpack3A_642 = tpu.unpack_subelements %get3A_640, 1 {pack_format = #tpu.pack_format<interleaved>} : vector<32xbf16> -> vector<16xf32>
        %add3A_643 = arith.addf %add3A_634, %unpack3A_641 : vector<16xf32>
        %add3A_644 = arith.addf %add3A_635, %unpack3A_642 : vector<16xf32>
        %add3A_645 = arith.constant 12 : i32
        %add3A_646 = arith.addi %mul3A_361, %add3A_645 : i32
        %get3A_647 = arith.index_cast %add3A_646 : i32 to index
        %get3A_648 = arith.constant 32 : index
        %get3A_649 = tpu.vector_load %arg9[%get3A_647, %get3A_648] {strides = array<i32>} : memref<640x64xbf16, #tpu.memory_space<vmem>>, vector<32xbf16>,
        %unpack3A_650 = tpu.unpack_subelements %get3A_649, 0 {pack_format = #tpu.pack_format<interleaved>} : vector<32xbf16> -> vector<16xf32>
        %unpack3A_651 = tpu.unpack_subelements %get3A_649, 1 {pack_format = #tpu.pack_format<interleaved>} : vector<32xbf16> -> vector<16xf32>
        %add3A_652 = arith.addf %add3A_643, %unpack3A_650 : vector<16xf32>
        %add3A_653 = arith.addf %add3A_644, %unpack3A_651 : vector<16xf32>
        %add3A_654 = arith.constant 13 : i32
        %add3A_655 = arith.addi %mul3A_361, %add3A_654 : i32
        %get3A_656 = arith.index_cast %add3A_655 : i32 to index
        %get3A_657 = arith.constant 32 : index
        %get3A_658 = tpu.vector_load %arg9[%get3A_656, %get3A_657] {strides = array<i32>} : memref<640x64xbf16, #tpu.memory_space<vmem>>, vector<32xbf16>,
        %unpack3A_659 = tpu.unpack_subelements %get3A_658, 0 {pack_format = #tpu.pack_format<interleaved>} : vector<32xbf16> -> vector<16xf32>
        %unpack3A_660 = tpu.unpack_subelements %get3A_658, 1 {pack_format = #tpu.pack_format<interleaved>} : vector<32xbf16> -> vector<16xf32>
        %add3A_661 = arith.addf %add3A_652, %unpack3A_659 : vector<16xf32>
        %add3A_662 = arith.addf %add3A_653, %unpack3A_660 : vector<16xf32>
        %add3A_663 = arith.constant 14 : i32
        %add3A_664 = arith.addi %mul3A_361, %add3A_663 : i32
        %get3A_665 = arith.index_cast %add3A_664 : i32 to index
        %get3A_666 = arith.constant 32 : index
        %get3A_667 = tpu.vector_load %arg9[%get3A_665, %get3A_666] {strides = array<i32>} : memref<640x64xbf16, #tpu.memory_space<vmem>>, vector<32xbf16>,
        %unpack3A_668 = tpu.unpack_subelements %get3A_667, 0 {pack_format = #tpu.pack_format<interleaved>} : vector<32xbf16> -> vector<16xf32>
        %unpack3A_669 = tpu.unpack_subelements %get3A_667, 1 {pack_format = #tpu.pack_format<interleaved>} : vector<32xbf16> -> vector<16xf32>
        %add3A_670 = arith.addf %add3A_661, %unpack3A_668 : vector<16xf32>
        %add3A_671 = arith.addf %add3A_662, %unpack3A_669 : vector<16xf32>
        %add3A_672 = arith.constant 15 : i32
        %add3A_673 = arith.addi %mul3A_361, %add3A_672 : i32
        %get3A_674 = arith.index_cast %add3A_673 : i32 to index
        %get3A_675 = arith.constant 32 : index
        %get3A_676 = tpu.vector_load %arg9[%get3A_674, %get3A_675] {strides = array<i32>} : memref<640x64xbf16, #tpu.memory_space<vmem>>, vector<32xbf16>,
        %unpack3A_677 = tpu.unpack_subelements %get3A_676, 0 {pack_format = #tpu.pack_format<interleaved>} : vector<32xbf16> -> vector<16xf32>
        %unpack3A_678 = tpu.unpack_subelements %get3A_676, 1 {pack_format = #tpu.pack_format<interleaved>} : vector<32xbf16> -> vector<16xf32>
        %add3A_679 = arith.addf %add3A_670, %unpack3A_677 : vector<16xf32>
        %add3A_680 = arith.addf %add3A_671, %unpack3A_678 : vector<16xf32>
        %add3A_681 = arith.constant 16 : i32
        %add3A_682 = arith.addi %mul3A_361, %add3A_681 : i32
        %get3A_683 = arith.index_cast %add3A_682 : i32 to index
        %get3A_684 = arith.constant 32 : index
        %get3A_685 = tpu.vector_load %arg9[%get3A_683, %get3A_684] {strides = array<i32>} : memref<640x64xbf16, #tpu.memory_space<vmem>>, vector<32xbf16>,
        %unpack3A_686 = tpu.unpack_subelements %get3A_685, 0 {pack_format = #tpu.pack_format<interleaved>} : vector<32xbf16> -> vector<16xf32>
        %unpack3A_687 = tpu.unpack_subelements %get3A_685, 1 {pack_format = #tpu.pack_format<interleaved>} : vector<32xbf16> -> vector<16xf32>
        %add3A_688 = arith.addf %add3A_679, %unpack3A_686 : vector<16xf32>
        %add3A_689 = arith.addf %add3A_680, %unpack3A_687 : vector<16xf32>
        %add3A_690 = arith.constant 17 : i32
        %add3A_691 = arith.addi %mul3A_361, %add3A_690 : i32
        %get3A_692 = arith.index_cast %add3A_691 : i32 to index
        %get3A_693 = arith.constant 32 : index
        %get3A_694 = tpu.vector_load %arg9[%get3A_692, %get3A_693] {strides = array<i32>} : memref<640x64xbf16, #tpu.memory_space<vmem>>, vector<32xbf16>,
        %unpack3A_695 = tpu.unpack_subelements %get3A_694, 0 {pack_format = #tpu.pack_format<interleaved>} : vector<32xbf16> -> vector<16xf32>
        %unpack3A_696 = tpu.unpack_subelements %get3A_694, 1 {pack_format = #tpu.pack_format<interleaved>} : vector<32xbf16> -> vector<16xf32>
        %add3A_697 = arith.addf %add3A_688, %unpack3A_695 : vector<16xf32>
        %add3A_698 = arith.addf %add3A_689, %unpack3A_696 : vector<16xf32>
        %add3A_699 = arith.constant 18 : i32
        %add3A_700 = arith.addi %mul3A_361, %add3A_699 : i32
        %get3A_701 = arith.index_cast %add3A_700 : i32 to index
        %get3A_702 = arith.constant 32 : index
        %get3A_703 = tpu.vector_load %arg9[%get3A_701, %get3A_702] {strides = array<i32>} : memref<640x64xbf16, #tpu.memory_space<vmem>>, vector<32xbf16>,
        %unpack3A_704 = tpu.unpack_subelements %get3A_703, 0 {pack_format = #tpu.pack_format<interleaved>} : vector<32xbf16> -> vector<16xf32>
        %unpack3A_705 = tpu.unpack_subelements %get3A_703, 1 {pack_format = #tpu.pack_format<interleaved>} : vector<32xbf16> -> vector<16xf32>
        %add3A_706 = arith.addf %add3A_697, %unpack3A_704 : vector<16xf32>
        %add3A_707 = arith.addf %add3A_698, %unpack3A_705 : vector<16xf32>
        %add3A_708 = arith.constant 19 : i32
        %add3A_709 = arith.addi %mul3A_361, %add3A_708 : i32
        %get3A_710 = arith.index_cast %add3A_709 : i32 to index
        %get3A_711 = arith.constant 32 : index
        %get3A_712 = tpu.vector_load %arg9[%get3A_710, %get3A_711] {strides = array<i32>} : memref<640x64xbf16, #tpu.memory_space<vmem>>, vector<32xbf16>,
        %unpack3A_713 = tpu.unpack_subelements %get3A_712, 0 {pack_format = #tpu.pack_format<interleaved>} : vector<32xbf16> -> vector<16xf32>
        %unpack3A_714 = tpu.unpack_subelements %get3A_712, 1 {pack_format = #tpu.pack_format<interleaved>} : vector<32xbf16> -> vector<16xf32>
        %add3A_715 = arith.addf %add3A_706, %unpack3A_713 : vector<16xf32>
        %add3A_716 = arith.addf %add3A_707, %unpack3A_714 : vector<16xf32>
        %swap3A_717 = arith.index_cast %add3A_359 : i32 to index
        %swap3A_718 = arith.constant 96 : index
        %swap3A_719 = tpu.vector_load %arg10[%swap3A_717, %swap3A_718] {strides = array<i32>} : memref<32x128xf32, #tpu.memory_space<vmem>>, vector<16xf32>,
        tpu.vector_store %arg10[%swap3A_717, %swap3A_718], %add3A_715 {strides = array<i32>} : memref<32x128xf32, #tpu.memory_space<vmem>>, vector<16xf32>,
        %swap3A_720 = arith.index_cast %add3A_359 : i32 to index
        %swap3A_721 = arith.constant 112 : index
        %swap3A_722 = tpu.vector_load %arg10[%swap3A_720, %swap3A_721] {strides = array<i32>} : memref<32x128xf32, #tpu.memory_space<vmem>>, vector<16xf32>,
        tpu.vector_store %arg10[%swap3A_720, %swap3A_721], %add3A_716 {strides = array<i32>} : memref<32x128xf32, #tpu.memory_space<vmem>>, vector<16xf32>,
      }
      %scan3A_352 = arith.constant 32 : i32
      %mul3A_353 = arith.constant 32 : i32
      %mul3A_354 = arith.muli %add3A_154, %mul3A_353 : i32
      "tpu.region"() ({
        %run_scoped3A = tpu.sem_alloc : memref<!tpu.dma_semaphore, #tpu.memory_space<semaphore_mem>>
        %dma_start3A_355 = arith.constant 0 : i32
        %dma_start3A_356 = tpu.memref_slice %arg5[%mul3A_354, %dma_start3A_355] : memref<8192x128xf32, #tpu.memory_space<hbm>> -> memref<32x128xf32, #tpu.memory_space<hbm>>
        %dma_start3A_357 = arith.constant 0 : i32
        %dma_start3A_358 = tpu.memref_slice %arg5[%mul3A_354, %dma_start3A_357] : memref<8192x128xf32, #tpu.memory_space<hbm>> -> memref<32x128xf32, #tpu.memory_space<hbm>>
        tpu.enqueue_dma source(%arg10 : memref<32x128xf32, #tpu.memory_space<vmem>>) target(%dma_start3A_358 : memref<32x128xf32, #tpu.memory_space<hbm>>) target_semaphore(%run_scoped3A : memref<!tpu.dma_semaphore, #tpu.memory_space<semaphore_mem>>)
        %dma_wait3A_359 = arith.constant 0 : i32
        %dma_wait3A_360 = tpu.memref_slice %arg5[%mul3A_354, %dma_wait3A_359] : memref<8192x128xf32, #tpu.memory_space<hbm>> -> memref<32x128xf32, #tpu.memory_space<hbm>>
        %dma_wait3A_361 = arith.constant 0 : i32
        %dma_wait3A_362 = tpu.memref_slice %arg5[%mul3A_354, %dma_wait3A_361] : memref<8192x128xf32, #tpu.memory_space<hbm>> -> memref<32x128xf32, #tpu.memory_space<hbm>>
        tpu.wait_dma2 semaphore(%run_scoped3A : memref<!tpu.dma_semaphore, #tpu.memory_space<semaphore_mem>>) src(%arg10 : memref<32x128xf32, #tpu.memory_space<vmem>>) dst(%dma_wait3A_362 : memref<32x128xf32, #tpu.memory_space<hbm>>)
        tpu.yield
      }) : () -> ()
    }
    %scan3A_148 = arith.constant 8 : i32
    return
  }
}

#map = affine_map<(d0, d1) -> (0, 0)>
#map1 = affine_map<(d0, d1) -> (0, 0, 0)>
module attributes {stable_mosaic.version = 14 : i64} {
  func.func @k(%arg0: i32, %arg1: i32, %arg2: memref<100000x64xbf16, #tpu.memory_space<hbm>>, %arg3: memref<256x5x128xi32, #tpu.memory_space<hbm>>, %arg4: memref<256x5x128xi32, #tpu.memory_space<hbm>>, %arg5: memref<8192x128xf32, #tpu.memory_space<hbm>>, %arg6: memref<2x5x128xi32, #tpu.memory_space<vmem>>, %arg7: memref<2x5x128xi32, #tpu.memory_space<vmem>>, %arg8: memref<640x64xbf16, #tpu.memory_space<vmem>>, %arg9: memref<640x64xbf16, #tpu.memory_space<vmem>>, %arg10: memref<32x128xf32, #tpu.memory_space<vmem>>, %arg11: memref<!tpu.dma_semaphore, #tpu.memory_space<semaphore_mem>>, %arg12: memref<!tpu.dma_semaphore, #tpu.memory_space<semaphore_mem>>, %arg13: memref<!tpu.dma_semaphore, #tpu.memory_space<semaphore_mem>>, %arg14: memref<!tpu.dma_semaphore, #tpu.memory_space<semaphore_mem>>) attributes {dimension_semantics = [#tpu.dimension_semantics<core_parallel>, #tpu.dimension_semantics<subcore_parallel>], iteration_bounds = array<i64: 2, 16>, scalar_prefetch = 0 : i64, scratch_operands = 9 : i64, tpu.core_type = #tpu.core_type<sc_vector_subcore>, window_params = [{transform_indices = #map}, {transform_indices = #map1}, {transform_indices = #map1}, {transform_indices = #map}]} {
    %mul3A = arith.constant 2 : i32
    %mul3A_0 = arith.muli %arg1, %mul3A : i32
    %add3A = arith.addi %mul3A_0, %arg0 : i32
    %mul3A_1 = arith.constant 8 : i32
    %mul3A_2 = arith.muli %add3A, %mul3A_1 : i32
    %dma_start3A = arith.constant 0 : i32
    %dma_start3A_3 = arith.constant 0 : i32
    %dma_start3A_4 = arith.constant 0 : i32
    %dma_start3A_5 = tpu.memref_slice %arg6[%dma_start3A, %dma_start3A_3, %dma_start3A_4] : memref<2x5x128xi32, #tpu.memory_space<vmem>> -> memref<1x5x128xi32, #tpu.memory_space<vmem>>
    %dma_start3A_6 = tpu.memref_squeeze %dma_start3A_5 : memref<1x5x128xi32, #tpu.memory_space<vmem>> -> memref<5x128xi32, #tpu.memory_space<vmem>>
    %dma_start3A_7 = arith.constant 0 : i32
    %dma_start3A_8 = arith.constant 0 : i32
    %dma_start3A_9 = tpu.memref_slice %arg3[%mul3A_2, %dma_start3A_7, %dma_start3A_8] : memref<256x5x128xi32, #tpu.memory_space<hbm>> -> memref<1x5x128xi32, #tpu.memory_space<hbm>>
    %dma_start3A_10 = tpu.memref_squeeze %dma_start3A_9 : memref<1x5x128xi32, #tpu.memory_space<hbm>> -> memref<5x128xi32, #tpu.memory_space<hbm>>
    %dma_start3A_11 = arith.constant 0 : i32
    %dma_start3A_12 = arith.constant 0 : i32
    %dma_start3A_13 = tpu.memref_slice %arg6[%dma_start3A, %dma_start3A_11, %dma_start3A_12] : memref<2x5x128xi32, #tpu.memory_space<vmem>> -> memref<1x5x128xi32, #tpu.memory_space<vmem>>
    %dma_start3A_14 = tpu.memref_squeeze %dma_start3A_13 : memref<1x5x128xi32, #tpu.memory_space<vmem>> -> memref<5x128xi32, #tpu.memory_space<vmem>>
    %dma_start3A_15 = arith.constant 0 : i32
    %dma_start3A_16 = arith.constant 0 : i32
    %dma_start3A_17 = tpu.memref_slice %arg3[%mul3A_2, %dma_start3A_15, %dma_start3A_16] : memref<256x5x128xi32, #tpu.memory_space<hbm>> -> memref<1x5x128xi32, #tpu.memory_space<hbm>>
    %dma_start3A_18 = tpu.memref_squeeze %dma_start3A_17 : memref<1x5x128xi32, #tpu.memory_space<hbm>> -> memref<5x128xi32, #tpu.memory_space<hbm>>
    tpu.enqueue_dma source(%dma_start3A_18 : memref<5x128xi32, #tpu.memory_space<hbm>>) target(%dma_start3A_14 : memref<5x128xi32, #tpu.memory_space<vmem>>) target_semaphore(%arg13 : memref<!tpu.dma_semaphore, #tpu.memory_space<semaphore_mem>>)
    %dma_start3A_19 = arith.constant 0 : i32
    %dma_start3A_20 = arith.constant 0 : i32
    %dma_start3A_21 = arith.constant 0 : i32
    %dma_start3A_22 = tpu.memref_slice %arg7[%dma_start3A_19, %dma_start3A_20, %dma_start3A_21] : memref<2x5x128xi32, #tpu.memory_space<vmem>> -> memref<1x5x128xi32, #tpu.memory_space<vmem>>
    %dma_start3A_23 = tpu.memref_squeeze %dma_start3A_22 : memref<1x5x128xi32, #tpu.memory_space<vmem>> -> memref<5x128xi32, #tpu.memory_space<vmem>>
    %dma_start3A_24 = arith.constant 0 : i32
    %dma_start3A_25 = arith.constant 0 : i32
    %dma_start3A_26 = tpu.memref_slice %arg4[%mul3A_2, %dma_start3A_24, %dma_start3A_25] : memref<256x5x128xi32, #tpu.memory_space<hbm>> -> memref<1x5x128xi32, #tpu.memory_space<hbm>>
    %dma_start3A_27 = tpu.memref_squeeze %dma_start3A_26 : memref<1x5x128xi32, #tpu.memory_space<hbm>> -> memref<5x128xi32, #tpu.memory_space<hbm>>
    %dma_start3A_28 = arith.constant 0 : i32
    %dma_start3A_29 = arith.constant 0 : i32
    %dma_start3A_30 = tpu.memref_slice %arg7[%dma_start3A_19, %dma_start3A_28, %dma_start3A_29] : memref<2x5x128xi32, #tpu.memory_space<vmem>> -> memref<1x5x128xi32, #tpu.memory_space<vmem>>
    %dma_start3A_31 = tpu.memref_squeeze %dma_start3A_30 : memref<1x5x128xi32, #tpu.memory_space<vmem>> -> memref<5x128xi32, #tpu.memory_space<vmem>>
    %dma_start3A_32 = arith.constant 0 : i32
    %dma_start3A_33 = arith.constant 0 : i32
    %dma_start3A_34 = tpu.memref_slice %arg4[%mul3A_2, %dma_start3A_32, %dma_start3A_33] : memref<256x5x128xi32, #tpu.memory_space<hbm>> -> memref<1x5x128xi32, #tpu.memory_space<hbm>>
    %dma_start3A_35 = tpu.memref_squeeze %dma_start3A_34 : memref<1x5x128xi32, #tpu.memory_space<hbm>> -> memref<5x128xi32, #tpu.memory_space<hbm>>
    tpu.enqueue_dma source(%dma_start3A_35 : memref<5x128xi32, #tpu.memory_space<hbm>>) target(%dma_start3A_31 : memref<5x128xi32, #tpu.memory_space<vmem>>) target_semaphore(%arg14 : memref<!tpu.dma_semaphore, #tpu.memory_space<semaphore_mem>>)
    %add3A_36 = arith.constant 1 : i32
    %add3A_37 = arith.addi %mul3A_2, %add3A_36 : i32
    %dma_start3A_38 = arith.constant 1 : i32
    %dma_start3A_39 = arith.constant 0 : i32
    %dma_start3A_40 = arith.constant 0 : i32
    %dma_start3A_41 = tpu.memref_slice %arg6[%dma_start3A_38, %dma_start3A_39, %dma_start3A_40] : memref<2x5x128xi32, #tpu.memory_space<vmem>> -> memref<1x5x128xi32, #tpu.memory_space<vmem>>
    %dma_start3A_42 = tpu.memref_squeeze %dma_start3A_41 : memref<1x5x128xi32, #tpu.memory_space<vmem>> -> memref<5x128xi32, #tpu.memory_space<vmem>>
    %dma_start3A_43 = arith.constant 0 : i32
    %dma_start3A_44 = arith.constant 0 : i32
    %dma_start3A_45 = tpu.memref_slice %arg3[%add3A_37, %dma_start3A_43, %dma_start3A_44] : memref<256x5x128xi32, #tpu.memory_space<hbm>> -> memref<1x5x128xi32, #tpu.memory_space<hbm>>
    %dma_start3A_46 = tpu.memref_squeeze %dma_start3A_45 : memref<1x5x128xi32, #tpu.memory_space<hbm>> -> memref<5x128xi32, #tpu.memory_space<hbm>>
    %dma_start3A_47 = arith.constant 0 : i32
    %dma_start3A_48 = arith.constant 0 : i32
    %dma_start3A_49 = tpu.memref_slice %arg6[%dma_start3A_38, %dma_start3A_47, %dma_start3A_48] : memref<2x5x128xi32, #tpu.memory_space<vmem>> -> memref<1x5x128xi32, #tpu.memory_space<vmem>>
    %dma_start3A_50 = tpu.memref_squeeze %dma_start3A_49 : memref<1x5x128xi32, #tpu.memory_space<vmem>> -> memref<5x128xi32, #tpu.memory_space<vmem>>
    %dma_start3A_51 = arith.constant 0 : i32
    %dma_start3A_52 = arith.constant 0 : i32
    %dma_start3A_53 = tpu.memref_slice %arg3[%add3A_37, %dma_start3A_51, %dma_start3A_52] : memref<256x5x128xi32, #tpu.memory_space<hbm>> -> memref<1x5x128xi32, #tpu.memory_space<hbm>>
    %dma_start3A_54 = tpu.memref_squeeze %dma_start3A_53 : memref<1x5x128xi32, #tpu.memory_space<hbm>> -> memref<5x128xi32, #tpu.memory_space<hbm>>
    tpu.enqueue_dma source(%dma_start3A_54 : memref<5x128xi32, #tpu.memory_space<hbm>>) target(%dma_start3A_50 : memref<5x128xi32, #tpu.memory_space<vmem>>) target_semaphore(%arg13 : memref<!tpu.dma_semaphore, #tpu.memory_space<semaphore_mem>>)
    %add3A_55 = arith.constant 1 : i32
    %add3A_56 = arith.addi %mul3A_2, %add3A_55 : i32
    %dma_start3A_57 = arith.constant 1 : i32
    %dma_start3A_58 = arith.constant 0 : i32
    %dma_start3A_59 = arith.constant 0 : i32
    %dma_start3A_60 = tpu.memref_slice %arg7[%dma_start3A_57, %dma_start3A_58, %dma_start3A_59] : memref<2x5x128xi32, #tpu.memory_space<vmem>> -> memref<1x5x128xi32, #tpu.memory_space<vmem>>
    %dma_start3A_61 = tpu.memref_squeeze %dma_start3A_60 : memref<1x5x128xi32, #tpu.memory_space<vmem>> -> memref<5x128xi32, #tpu.memory_space<vmem>>
    %dma_start3A_62 = arith.constant 0 : i32
    %dma_start3A_63 = arith.constant 0 : i32
    %dma_start3A_64 = tpu.memref_slice %arg4[%add3A_56, %dma_start3A_62, %dma_start3A_63] : memref<256x5x128xi32, #tpu.memory_space<hbm>> -> memref<1x5x128xi32, #tpu.memory_space<hbm>>
    %dma_start3A_65 = tpu.memref_squeeze %dma_start3A_64 : memref<1x5x128xi32, #tpu.memory_space<hbm>> -> memref<5x128xi32, #tpu.memory_space<hbm>>
    %dma_start3A_66 = arith.constant 0 : i32
    %dma_start3A_67 = arith.constant 0 : i32
    %dma_start3A_68 = tpu.memref_slice %arg7[%dma_start3A_57, %dma_start3A_66, %dma_start3A_67] : memref<2x5x128xi32, #tpu.memory_space<vmem>> -> memref<1x5x128xi32, #tpu.memory_space<vmem>>
    %dma_start3A_69 = tpu.memref_squeeze %dma_start3A_68 : memref<1x5x128xi32, #tpu.memory_space<vmem>> -> memref<5x128xi32, #tpu.memory_space<vmem>>
    %dma_start3A_70 = arith.constant 0 : i32
    %dma_start3A_71 = arith.constant 0 : i32
    %dma_start3A_72 = tpu.memref_slice %arg4[%add3A_56, %dma_start3A_70, %dma_start3A_71] : memref<256x5x128xi32, #tpu.memory_space<hbm>> -> memref<1x5x128xi32, #tpu.memory_space<hbm>>
    %dma_start3A_73 = tpu.memref_squeeze %dma_start3A_72 : memref<1x5x128xi32, #tpu.memory_space<hbm>> -> memref<5x128xi32, #tpu.memory_space<hbm>>
    tpu.enqueue_dma source(%dma_start3A_73 : memref<5x128xi32, #tpu.memory_space<hbm>>) target(%dma_start3A_69 : memref<5x128xi32, #tpu.memory_space<vmem>>) target_semaphore(%arg14 : memref<!tpu.dma_semaphore, #tpu.memory_space<semaphore_mem>>)
    %dma_wait3A = arith.constant 0 : i32
    %dma_wait3A_74 = arith.constant 0 : i32
    %dma_wait3A_75 = arith.constant 0 : i32
    %dma_wait3A_76 = tpu.memref_slice %arg6[%dma_wait3A, %dma_wait3A_74, %dma_wait3A_75] : memref<2x5x128xi32, #tpu.memory_space<vmem>> -> memref<1x5x128xi32, #tpu.memory_space<vmem>>
    %dma_wait3A_77 = tpu.memref_squeeze %dma_wait3A_76 : memref<1x5x128xi32, #tpu.memory_space<vmem>> -> memref<5x128xi32, #tpu.memory_space<vmem>>
    %dma_wait3A_78 = arith.constant 0 : i32
    %dma_wait3A_79 = arith.constant 0 : i32
    %dma_wait3A_80 = tpu.memref_slice %arg3[%mul3A_2, %dma_wait3A_78, %dma_wait3A_79] : memref<256x5x128xi32, #tpu.memory_space<hbm>> -> memref<1x5x128xi32, #tpu.memory_space<hbm>>
    %dma_wait3A_81 = tpu.memref_squeeze %dma_wait3A_80 : memref<1x5x128xi32, #tpu.memory_space<hbm>> -> memref<5x128xi32, #tpu.memory_space<hbm>>
    %dma_wait3A_82 = arith.constant 0 : i32
    %dma_wait3A_83 = arith.constant 0 : i32
    %dma_wait3A_84 = tpu.memref_slice %arg6[%dma_wait3A, %dma_wait3A_82, %dma_wait3A_83] : memref<2x5x128xi32, #tpu.memory_space<vmem>> -> memref<1x5x128xi32, #tpu.memory_space<vmem>>
    %dma_wait3A_85 = tpu.memref_squeeze %dma_wait3A_84 : memref<1x5x128xi32, #tpu.memory_space<vmem>> -> memref<5x128xi32, #tpu.memory_space<vmem>>
    %dma_wait3A_86 = arith.constant 0 : i32
    %dma_wait3A_87 = arith.constant 0 : i32
    %dma_wait3A_88 = tpu.memref_slice %arg3[%mul3A_2, %dma_wait3A_86, %dma_wait3A_87] : memref<256x5x128xi32, #tpu.memory_space<hbm>> -> memref<1x5x128xi32, #tpu.memory_space<hbm>>
    %dma_wait3A_89 = tpu.memref_squeeze %dma_wait3A_88 : memref<1x5x128xi32, #tpu.memory_space<hbm>> -> memref<5x128xi32, #tpu.memory_space<hbm>>
    tpu.wait_dma2 semaphore(%arg13 : memref<!tpu.dma_semaphore, #tpu.memory_space<semaphore_mem>>) src(%dma_wait3A_89 : memref<5x128xi32, #tpu.memory_space<hbm>>) dst(%dma_wait3A_85 : memref<5x128xi32, #tpu.memory_space<vmem>>)
    %dma_start3A_90 = arith.constant 0 : i32
    %dma_start3A_91 = arith.constant 0 : i32
    %dma_start3A_92 = arith.constant 0 : i32
    %dma_start3A_93 = arith.constant 0 : i32
    %dma_start3A_94 = tpu.memref_slice %arg8[%dma_start3A_92, %dma_start3A_93] : memref<640x64xbf16, #tpu.memory_space<vmem>> -> memref<128x64xbf16, #tpu.memory_space<vmem>>
    %dma_start3A_95 = arith.constant 0 : i32
    %dma_start3A_96 = tpu.memref_slice %arg6[%dma_start3A_90, %dma_start3A_91, %dma_start3A_95] : memref<2x5x128xi32, #tpu.memory_space<vmem>> -> memref<1x1x128xi32, #tpu.memory_space<vmem>>
    %dma_start3A_97 = tpu.memref_squeeze %dma_start3A_96 : memref<1x1x128xi32, #tpu.memory_space<vmem>> -> memref<128xi32, #tpu.memory_space<vmem>>
    %dma_start3A_98 = arith.constant 0 : i32
    %dma_start3A_99 = arith.constant 0 : i32
    %dma_start3A_100 = tpu.memref_slice %arg2[%dma_start3A_98, %dma_start3A_99] : memref<100000x64xbf16, #tpu.memory_space<hbm>> -> memref<100000x64xbf16, #tpu.memory_space<hbm>>
    tpu.enqueue_indirect_dma source(%dma_start3A_100 : memref<100000x64xbf16, #tpu.memory_space<hbm>>) target(%dma_start3A_94 : memref<128x64xbf16, #tpu.memory_space<vmem>>) offsets(%dma_start3A_97 : memref<128xi32, #tpu.memory_space<vmem>>) semaphore(%arg11 : memref<!tpu.dma_semaphore, #tpu.memory_space<semaphore_mem>>)
    %dma_start3A_101 = arith.constant 0 : i32
    %dma_start3A_102 = arith.constant 1 : i32
    %dma_start3A_103 = arith.constant 128 : i32
    %dma_start3A_104 = arith.constant 0 : i32
    %dma_start3A_105 = tpu.memref_slice %arg8[%dma_start3A_103, %dma_start3A_104] : memref<640x64xbf16, #tpu.memory_space<vmem>> -> memref<128x64xbf16, #tpu.memory_space<vmem>>
    %dma_start3A_106 = arith.constant 0 : i32
    %dma_start3A_107 = tpu.memref_slice %arg6[%dma_start3A_101, %dma_start3A_102, %dma_start3A_106] : memref<2x5x128xi32, #tpu.memory_space<vmem>> -> memref<1x1x128xi32, #tpu.memory_space<vmem>>
    %dma_start3A_108 = tpu.memref_squeeze %dma_start3A_107 : memref<1x1x128xi32, #tpu.memory_space<vmem>> -> memref<128xi32, #tpu.memory_space<vmem>>
    %dma_start3A_109 = arith.constant 0 : i32
    %dma_start3A_110 = arith.constant 0 : i32
    %dma_start3A_111 = tpu.memref_slice %arg2[%dma_start3A_109, %dma_start3A_110] : memref<100000x64xbf16, #tpu.memory_space<hbm>> -> memref<100000x64xbf16, #tpu.memory_space<hbm>>
    tpu.enqueue_indirect_dma source(%dma_start3A_111 : memref<100000x64xbf16, #tpu.memory_space<hbm>>) target(%dma_start3A_105 : memref<128x64xbf16, #tpu.memory_space<vmem>>) offsets(%dma_start3A_108 : memref<128xi32, #tpu.memory_space<vmem>>) semaphore(%arg11 : memref<!tpu.dma_semaphore, #tpu.memory_space<semaphore_mem>>)
    %dma_start3A_112 = arith.constant 0 : i32
    %dma_start3A_113 = arith.constant 2 : i32
    %dma_start3A_114 = arith.constant 256 : i32
    %dma_start3A_115 = arith.constant 0 : i32
    %dma_start3A_116 = tpu.memref_slice %arg8[%dma_start3A_114, %dma_start3A_115] : memref<640x64xbf16, #tpu.memory_space<vmem>> -> memref<128x64xbf16, #tpu.memory_space<vmem>>
    %dma_start3A_117 = arith.constant 0 : i32
    %dma_start3A_118 = tpu.memref_slice %arg6[%dma_start3A_112, %dma_start3A_113, %dma_start3A_117] : memref<2x5x128xi32, #tpu.memory_space<vmem>> -> memref<1x1x128xi32, #tpu.memory_space<vmem>>
    %dma_start3A_119 = tpu.memref_squeeze %dma_start3A_118 : memref<1x1x128xi32, #tpu.memory_space<vmem>> -> memref<128xi32, #tpu.memory_space<vmem>>
    %dma_start3A_120 = arith.constant 0 : i32
    %dma_start3A_121 = arith.constant 0 : i32
    %dma_start3A_122 = tpu.memref_slice %arg2[%dma_start3A_120, %dma_start3A_121] : memref<100000x64xbf16, #tpu.memory_space<hbm>> -> memref<100000x64xbf16, #tpu.memory_space<hbm>>
    tpu.enqueue_indirect_dma source(%dma_start3A_122 : memref<100000x64xbf16, #tpu.memory_space<hbm>>) target(%dma_start3A_116 : memref<128x64xbf16, #tpu.memory_space<vmem>>) offsets(%dma_start3A_119 : memref<128xi32, #tpu.memory_space<vmem>>) semaphore(%arg11 : memref<!tpu.dma_semaphore, #tpu.memory_space<semaphore_mem>>)
    %dma_start3A_123 = arith.constant 0 : i32
    %dma_start3A_124 = arith.constant 3 : i32
    %dma_start3A_125 = arith.constant 384 : i32
    %dma_start3A_126 = arith.constant 0 : i32
    %dma_start3A_127 = tpu.memref_slice %arg8[%dma_start3A_125, %dma_start3A_126] : memref<640x64xbf16, #tpu.memory_space<vmem>> -> memref<128x64xbf16, #tpu.memory_space<vmem>>
    %dma_start3A_128 = arith.constant 0 : i32
    %dma_start3A_129 = tpu.memref_slice %arg6[%dma_start3A_123, %dma_start3A_124, %dma_start3A_128] : memref<2x5x128xi32, #tpu.memory_space<vmem>> -> memref<1x1x128xi32, #tpu.memory_space<vmem>>
    %dma_start3A_130 = tpu.memref_squeeze %dma_start3A_129 : memref<1x1x128xi32, #tpu.memory_space<vmem>> -> memref<128xi32, #tpu.memory_space<vmem>>
    %dma_start3A_131 = arith.constant 0 : i32
    %dma_start3A_132 = arith.constant 0 : i32
    %dma_start3A_133 = tpu.memref_slice %arg2[%dma_start3A_131, %dma_start3A_132] : memref<100000x64xbf16, #tpu.memory_space<hbm>> -> memref<100000x64xbf16, #tpu.memory_space<hbm>>
    tpu.enqueue_indirect_dma source(%dma_start3A_133 : memref<100000x64xbf16, #tpu.memory_space<hbm>>) target(%dma_start3A_127 : memref<128x64xbf16, #tpu.memory_space<vmem>>) offsets(%dma_start3A_130 : memref<128xi32, #tpu.memory_space<vmem>>) semaphore(%arg11 : memref<!tpu.dma_semaphore, #tpu.memory_space<semaphore_mem>>)
    %dma_start3A_134 = arith.constant 0 : i32
    %dma_start3A_135 = arith.constant 4 : i32
    %dma_start3A_136 = arith.constant 512 : i32
    %dma_start3A_137 = arith.constant 0 : i32
    %dma_start3A_138 = tpu.memref_slice %arg8[%dma_start3A_136, %dma_start3A_137] : memref<640x64xbf16, #tpu.memory_space<vmem>> -> memref<128x64xbf16, #tpu.memory_space<vmem>>
    %dma_start3A_139 = arith.constant 0 : i32
    %dma_start3A_140 = tpu.memref_slice %arg6[%dma_start3A_134, %dma_start3A_135, %dma_start3A_139] : memref<2x5x128xi32, #tpu.memory_space<vmem>> -> memref<1x1x128xi32, #tpu.memory_space<vmem>>
    %dma_start3A_141 = tpu.memref_squeeze %dma_start3A_140 : memref<1x1x128xi32, #tpu.memory_space<vmem>> -> memref<128xi32, #tpu.memory_space<vmem>>
    %dma_start3A_142 = arith.constant 0 : i32
    %dma_start3A_143 = arith.constant 0 : i32
    %dma_start3A_144 = tpu.memref_slice %arg2[%dma_start3A_142, %dma_start3A_143] : memref<100000x64xbf16, #tpu.memory_space<hbm>> -> memref<100000x64xbf16, #tpu.memory_space<hbm>>
    tpu.enqueue_indirect_dma source(%dma_start3A_144 : memref<100000x64xbf16, #tpu.memory_space<hbm>>) target(%dma_start3A_138 : memref<128x64xbf16, #tpu.memory_space<vmem>>) offsets(%dma_start3A_141 : memref<128xi32, #tpu.memory_space<vmem>>) semaphore(%arg11 : memref<!tpu.dma_semaphore, #tpu.memory_space<semaphore_mem>>)
    %scan3A = arith.constant 0 : i32
    %scan3A_145 = arith.constant 8 : i32
    %scan3A_146 = arith.addi %scan3A, %scan3A_145 : i32
    %scan3A_147 = arith.constant 1 : i32
    scf.for %scan3A_149 = %scan3A to %scan3A_146 step %scan3A_147  : i32 {
      %mul3A_150 = arith.constant 1 : i32
      %mul3A_151 = arith.muli %scan3A_149, %mul3A_150 : i32
      %add3A_152 = arith.constant 0 : i32
      %add3A_153 = arith.addi %add3A_152, %mul3A_151 : i32
      %add3A_154 = arith.addi %mul3A_2, %add3A_153 : i32
      %jit3A = arith.constant 2 : i32
      %eq3A = arith.constant 0 : i32
      %eq3A_155 = arith.cmpi eq, %jit3A, %eq3A : i32
      %jit3A_156 = arith.constant 1 : i32
      %select_n3A = arith.select %eq3A_155, %jit3A_156, %jit3A : i32
      %rem3A = arith.remsi %add3A_153, %select_n3A : i32
      %ne3A = arith.constant 0 : i32
      %ne3A_157 = arith.cmpi ne, %rem3A, %ne3A : i32
      %lt3A = arith.constant 0 : i32
      %lt3A_158 = arith.cmpi slt, %rem3A, %lt3A : i32
      %lt3A_159 = arith.constant 0 : i32
      %lt3A_160 = arith.cmpi slt, %select_n3A, %lt3A_159 : i32
      %ne3A_161 = arith.xori %lt3A_158, %lt3A_160 : i1
      %and3A = arith.andi %ne3A_161, %ne3A_157 : i1
      %add3A_162 = arith.addi %rem3A, %select_n3A : i32
      %select_n3A_163 = arith.select %and3A, %add3A_162, %rem3A : i32
      %dma_wait3A_164 = arith.constant 0 : i32
      %dma_wait3A_165 = arith.constant 0 : i32
      %dma_wait3A_166 = tpu.memref_slice %arg7[%select_n3A_163, %dma_wait3A_164, %dma_wait3A_165] : memref<2x5x128xi32, #tpu.memory_space<vmem>> -> memref<1x5x128xi32, #tpu.memory_space<vmem>>
      %dma_wait3A_167 = tpu.memref_squeeze %dma_wait3A_166 : memref<1x5x128xi32, #tpu.memory_space<vmem>> -> memref<5x128xi32, #tpu.memory_space<vmem>>
      %dma_wait3A_168 = arith.constant 0 : i32
      %dma_wait3A_169 = arith.constant 0 : i32
      %dma_wait3A_170 = tpu.memref_slice %arg4[%add3A_154, %dma_wait3A_168, %dma_wait3A_169] : memref<256x5x128xi32, #tpu.memory_space<hbm>> -> memref<1x5x128xi32, #tpu.memory_space<hbm>>
      %dma_wait3A_171 = tpu.memref_squeeze %dma_wait3A_170 : memref<1x5x128xi32, #tpu.memory_space<hbm>> -> memref<5x128xi32, #tpu.memory_space<hbm>>
      %dma_wait3A_172 = arith.constant 0 : i32
      %dma_wait3A_173 = arith.constant 0 : i32
      %dma_wait3A_174 = tpu.memref_slice %arg7[%select_n3A_163, %dma_wait3A_172, %dma_wait3A_173] : memref<2x5x128xi32, #tpu.memory_space<vmem>> -> memref<1x5x128xi32, #tpu.memory_space<vmem>>
      %dma_wait3A_175 = tpu.memref_squeeze %dma_wait3A_174 : memref<1x5x128xi32, #tpu.memory_space<vmem>> -> memref<5x128xi32, #tpu.memory_space<vmem>>
      %dma_wait3A_176 = arith.constant 0 : i32
      %dma_wait3A_177 = arith.constant 0 : i32
      %dma_wait3A_178 = tpu.memref_slice %arg4[%add3A_154, %dma_wait3A_176, %dma_wait3A_177] : memref<256x5x128xi32, #tpu.memory_space<hbm>> -> memref<1x5x128xi32, #tpu.memory_space<hbm>>
      %dma_wait3A_179 = tpu.memref_squeeze %dma_wait3A_178 : memref<1x5x128xi32, #tpu.memory_space<hbm>> -> memref<5x128xi32, #tpu.memory_space<hbm>>
      tpu.wait_dma2 semaphore(%arg14 : memref<!tpu.dma_semaphore, #tpu.memory_space<semaphore_mem>>) src(%dma_wait3A_179 : memref<5x128xi32, #tpu.memory_space<hbm>>) dst(%dma_wait3A_175 : memref<5x128xi32, #tpu.memory_space<vmem>>)
      %dma_start3A_180 = arith.constant 0 : i32
      %dma_start3A_181 = arith.constant 0 : i32
      %dma_start3A_182 = arith.constant 0 : i32
      %dma_start3A_183 = tpu.memref_slice %arg9[%dma_start3A_181, %dma_start3A_182] : memref<640x64xbf16, #tpu.memory_space<vmem>> -> memref<128x64xbf16, #tpu.memory_space<vmem>>
      %dma_start3A_184 = arith.constant 0 : i32
      %dma_start3A_185 = tpu.memref_slice %arg7[%select_n3A_163, %dma_start3A_180, %dma_start3A_184] : memref<2x5x128xi32, #tpu.memory_space<vmem>> -> memref<1x1x128xi32, #tpu.memory_space<vmem>>
      %dma_start3A_186 = tpu.memref_squeeze %dma_start3A_185 : memref<1x1x128xi32, #tpu.memory_space<vmem>> -> memref<128xi32, #tpu.memory_space<vmem>>
      %dma_start3A_187 = arith.constant 0 : i32
      %dma_start3A_188 = arith.constant 0 : i32
      %dma_start3A_189 = tpu.memref_slice %arg2[%dma_start3A_187, %dma_start3A_188] : memref<100000x64xbf16, #tpu.memory_space<hbm>> -> memref<100000x64xbf16, #tpu.memory_space<hbm>>
      tpu.enqueue_indirect_dma source(%dma_start3A_189 : memref<100000x64xbf16, #tpu.memory_space<hbm>>) target(%dma_start3A_183 : memref<128x64xbf16, #tpu.memory_space<vmem>>) offsets(%dma_start3A_186 : memref<128xi32, #tpu.memory_space<vmem>>) semaphore(%arg12 : memref<!tpu.dma_semaphore, #tpu.memory_space<semaphore_mem>>)
      %dma_start3A_190 = arith.constant 1 : i32
      %dma_start3A_191 = arith.constant 128 : i32
      %dma_start3A_192 = arith.constant 0 : i32
      %dma_start3A_193 = tpu.memref_slice %arg9[%dma_start3A_191, %dma_start3A_192] : memref<640x64xbf16, #tpu.memory_space<vmem>> -> memref<128x64xbf16, #tpu.memory_space<vmem>>
      %dma_start3A_194 = arith.constant 0 : i32
      %dma_start3A_195 = tpu.memref_slice %arg7[%select_n3A_163, %dma_start3A_190, %dma_start3A_194] : memref<2x5x128xi32, #tpu.memory_space<vmem>> -> memref<1x1x128xi32, #tpu.memory_space<vmem>>
      %dma_start3A_196 = tpu.memref_squeeze %dma_start3A_195 : memref<1x1x128xi32, #tpu.memory_space<vmem>> -> memref<128xi32, #tpu.memory_space<vmem>>
      %dma_start3A_197 = arith.constant 0 : i32
      %dma_start3A_198 = arith.constant 0 : i32
      %dma_start3A_199 = tpu.memref_slice %arg2[%dma_start3A_197, %dma_start3A_198] : memref<100000x64xbf16, #tpu.memory_space<hbm>> -> memref<100000x64xbf16, #tpu.memory_space<hbm>>
      tpu.enqueue_indirect_dma source(%dma_start3A_199 : memref<100000x64xbf16, #tpu.memory_space<hbm>>) target(%dma_start3A_193 : memref<128x64xbf16, #tpu.memory_space<vmem>>) offsets(%dma_start3A_196 : memref<128xi32, #tpu.memory_space<vmem>>) semaphore(%arg12 : memref<!tpu.dma_semaphore, #tpu.memory_space<semaphore_mem>>)
      %dma_start3A_200 = arith.constant 2 : i32
      %dma_start3A_201 = arith.constant 256 : i32
      %dma_start3A_202 = arith.constant 0 : i32
      %dma_start3A_203 = tpu.memref_slice %arg9[%dma_start3A_201, %dma_start3A_202] : memref<640x64xbf16, #tpu.memory_space<vmem>> -> memref<128x64xbf16, #tpu.memory_space<vmem>>
      %dma_start3A_204 = arith.constant 0 : i32
      %dma_start3A_205 = tpu.memref_slice %arg7[%select_n3A_163, %dma_start3A_200, %dma_start3A_204] : memref<2x5x128xi32, #tpu.memory_space<vmem>> -> memref<1x1x128xi32, #tpu.memory_space<vmem>>
      %dma_start3A_206 = tpu.memref_squeeze %dma_start3A_205 : memref<1x1x128xi32, #tpu.memory_space<vmem>> -> memref<128xi32, #tpu.memory_space<vmem>>
      %dma_start3A_207 = arith.constant 0 : i32
      %dma_start3A_208 = arith.constant 0 : i32
      %dma_start3A_209 = tpu.memref_slice %arg2[%dma_start3A_207, %dma_start3A_208] : memref<100000x64xbf16, #tpu.memory_space<hbm>> -> memref<100000x64xbf16, #tpu.memory_space<hbm>>
      tpu.enqueue_indirect_dma source(%dma_start3A_209 : memref<100000x64xbf16, #tpu.memory_space<hbm>>) target(%dma_start3A_203 : memref<128x64xbf16, #tpu.memory_space<vmem>>) offsets(%dma_start3A_206 : memref<128xi32, #tpu.memory_space<vmem>>) semaphore(%arg12 : memref<!tpu.dma_semaphore, #tpu.memory_space<semaphore_mem>>)
      %dma_start3A_210 = arith.constant 3 : i32
      %dma_start3A_211 = arith.constant 384 : i32
      %dma_start3A_212 = arith.constant 0 : i32
      %dma_start3A_213 = tpu.memref_slice %arg9[%dma_start3A_211, %dma_start3A_212] : memref<640x64xbf16, #tpu.memory_space<vmem>> -> memref<128x64xbf16, #tpu.memory_space<vmem>>
      %dma_start3A_214 = arith.constant 0 : i32
      %dma_start3A_215 = tpu.memref_slice %arg7[%select_n3A_163, %dma_start3A_210, %dma_start3A_214] : memref<2x5x128xi32, #tpu.memory_space<vmem>> -> memref<1x1x128xi32, #tpu.memory_space<vmem>>
      %dma_start3A_216 = tpu.memref_squeeze %dma_start3A_215 : memref<1x1x128xi32, #tpu.memory_space<vmem>> -> memref<128xi32, #tpu.memory_space<vmem>>
      %dma_start3A_217 = arith.constant 0 : i32
      %dma_start3A_218 = arith.constant 0 : i32
      %dma_start3A_219 = tpu.memref_slice %arg2[%dma_start3A_217, %dma_start3A_218] : memref<100000x64xbf16, #tpu.memory_space<hbm>> -> memref<100000x64xbf16, #tpu.memory_space<hbm>>
      tpu.enqueue_indirect_dma source(%dma_start3A_219 : memref<100000x64xbf16, #tpu.memory_space<hbm>>) target(%dma_start3A_213 : memref<128x64xbf16, #tpu.memory_space<vmem>>) offsets(%dma_start3A_216 : memref<128xi32, #tpu.memory_space<vmem>>) semaphore(%arg12 : memref<!tpu.dma_semaphore, #tpu.memory_space<semaphore_mem>>)
      %dma_start3A_220 = arith.constant 4 : i32
      %dma_start3A_221 = arith.constant 512 : i32
      %dma_start3A_222 = arith.constant 0 : i32
      %dma_start3A_223 = tpu.memref_slice %arg9[%dma_start3A_221, %dma_start3A_222] : memref<640x64xbf16, #tpu.memory_space<vmem>> -> memref<128x64xbf16, #tpu.memory_space<vmem>>
      %dma_start3A_224 = arith.constant 0 : i32
      %dma_start3A_225 = tpu.memref_slice %arg7[%select_n3A_163, %dma_start3A_220, %dma_start3A_224] : memref<2x5x128xi32, #tpu.memory_space<vmem>> -> memref<1x1x128xi32, #tpu.memory_space<vmem>>
      %dma_start3A_226 = tpu.memref_squeeze %dma_start3A_225 : memref<1x1x128xi32, #tpu.memory_space<vmem>> -> memref<128xi32, #tpu.memory_space<vmem>>
      %dma_start3A_227 = arith.constant 0 : i32
      %dma_start3A_228 = arith.constant 0 : i32
      %dma_start3A_229 = tpu.memref_slice %arg2[%dma_start3A_227, %dma_start3A_228] : memref<100000x64xbf16, #tpu.memory_space<hbm>> -> memref<100000x64xbf16, #tpu.memory_space<hbm>>
      tpu.enqueue_indirect_dma source(%dma_start3A_229 : memref<100000x64xbf16, #tpu.memory_space<hbm>>) target(%dma_start3A_223 : memref<128x64xbf16, #tpu.memory_space<vmem>>) offsets(%dma_start3A_226 : memref<128xi32, #tpu.memory_space<vmem>>) semaphore(%arg12 : memref<!tpu.dma_semaphore, #tpu.memory_space<semaphore_mem>>)
      %dma_wait3A_230 = arith.constant 0 : i32
      %dma_wait3A_231 = arith.constant 0 : i32
      %dma_wait3A_232 = arith.constant 0 : i32
      %dma_wait3A_233 = tpu.memref_slice %arg8[%dma_wait3A_231, %dma_wait3A_232] : memref<640x64xbf16, #tpu.memory_space<vmem>> -> memref<128x64xbf16, #tpu.memory_space<vmem>>
      %dma_wait3A_234 = arith.constant 0 : i32
      %dma_wait3A_235 = tpu.memref_slice %arg6[%select_n3A_163, %dma_wait3A_230, %dma_wait3A_234] : memref<2x5x128xi32, #tpu.memory_space<vmem>> -> memref<1x1x128xi32, #tpu.memory_space<vmem>>
      %dma_wait3A_236 = tpu.memref_squeeze %dma_wait3A_235 : memref<1x1x128xi32, #tpu.memory_space<vmem>> -> memref<128xi32, #tpu.memory_space<vmem>>
      %dma_wait3A_237 = arith.constant 0 : i32
      %dma_wait3A_238 = arith.constant 0 : i32
      %dma_wait3A_239 = tpu.memref_slice %arg2[%dma_wait3A_237, %dma_wait3A_238] : memref<100000x64xbf16, #tpu.memory_space<hbm>> -> memref<100000x64xbf16, #tpu.memory_space<hbm>>
      tpu.wait_indirect_dma semaphore(%arg11 : memref<!tpu.dma_semaphore, #tpu.memory_space<semaphore_mem>>) src(%dma_wait3A_239 : memref<100000x64xbf16, #tpu.memory_space<hbm>>) dst(%dma_wait3A_233 : memref<128x64xbf16, #tpu.memory_space<vmem>>)
      %dma_wait3A_240 = arith.constant 1 : i32
      %dma_wait3A_241 = arith.constant 128 : i32
      %dma_wait3A_242 = arith.constant 0 : i32
      %dma_wait3A_243 = tpu.memref_slice %arg8[%dma_wait3A_241, %dma_wait3A_242] : memref<640x64xbf16, #tpu.memory_space<vmem>> -> memref<128x64xbf16, #tpu.memory_space<vmem>>
      %dma_wait3A_244 = arith.constant 0 : i32
      %dma_wait3A_245 = tpu.memref_slice %arg6[%select_n3A_163, %dma_wait3A_240, %dma_wait3A_244] : memref<2x5x128xi32, #tpu.memory_space<vmem>> -> memref<1x1x128xi32, #tpu.memory_space<vmem>>
      %dma_wait3A_246 = tpu.memref_squeeze %dma_wait3A_245 : memref<1x1x128xi32, #tpu.memory_space<vmem>> -> memref<128xi32, #tpu.memory_space<vmem>>
      %dma_wait3A_247 = arith.constant 0 : i32
      %dma_wait3A_248 = arith.constant 0 : i32
      %dma_wait3A_249 = tpu.memref_slice %arg2[%dma_wait3A_247, %dma_wait3A_248] : memref<100000x64xbf16, #tpu.memory_space<hbm>> -> memref<100000x64xbf16, #tpu.memory_space<hbm>>
      tpu.wait_indirect_dma semaphore(%arg11 : memref<!tpu.dma_semaphore, #tpu.memory_space<semaphore_mem>>) src(%dma_wait3A_249 : memref<100000x64xbf16, #tpu.memory_space<hbm>>) dst(%dma_wait3A_243 : memref<128x64xbf16, #tpu.memory_space<vmem>>)
      %dma_wait3A_250 = arith.constant 2 : i32
      %dma_wait3A_251 = arith.constant 256 : i32
      %dma_wait3A_252 = arith.constant 0 : i32
      %dma_wait3A_253 = tpu.memref_slice %arg8[%dma_wait3A_251, %dma_wait3A_252] : memref<640x64xbf16, #tpu.memory_space<vmem>> -> memref<128x64xbf16, #tpu.memory_space<vmem>>
      %dma_wait3A_254 = arith.constant 0 : i32
      %dma_wait3A_255 = tpu.memref_slice %arg6[%select_n3A_163, %dma_wait3A_250, %dma_wait3A_254] : memref<2x5x128xi32, #tpu.memory_space<vmem>> -> memref<1x1x128xi32, #tpu.memory_space<vmem>>
      %dma_wait3A_256 = tpu.memref_squeeze %dma_wait3A_255 : memref<1x1x128xi32, #tpu.memory_space<vmem>> -> memref<128xi32, #tpu.memory_space<vmem>>
      %dma_wait3A_257 = arith.constant 0 : i32
      %dma_wait3A_258 = arith.constant 0 : i32
      %dma_wait3A_259 = tpu.memref_slice %arg2[%dma_wait3A_257, %dma_wait3A_258] : memref<100000x64xbf16, #tpu.memory_space<hbm>> -> memref<100000x64xbf16, #tpu.memory_space<hbm>>
      tpu.wait_indirect_dma semaphore(%arg11 : memref<!tpu.dma_semaphore, #tpu.memory_space<semaphore_mem>>) src(%dma_wait3A_259 : memref<100000x64xbf16, #tpu.memory_space<hbm>>) dst(%dma_wait3A_253 : memref<128x64xbf16, #tpu.memory_space<vmem>>)
      %dma_wait3A_260 = arith.constant 3 : i32
      %dma_wait3A_261 = arith.constant 384 : i32
      %dma_wait3A_262 = arith.constant 0 : i32
      %dma_wait3A_263 = tpu.memref_slice %arg8[%dma_wait3A_261, %dma_wait3A_262] : memref<640x64xbf16, #tpu.memory_space<vmem>> -> memref<128x64xbf16, #tpu.memory_space<vmem>>
      %dma_wait3A_264 = arith.constant 0 : i32
      %dma_wait3A_265 = tpu.memref_slice %arg6[%select_n3A_163, %dma_wait3A_260, %dma_wait3A_264] : memref<2x5x128xi32, #tpu.memory_space<vmem>> -> memref<1x1x128xi32, #tpu.memory_space<vmem>>
      %dma_wait3A_266 = tpu.memref_squeeze %dma_wait3A_265 : memref<1x1x128xi32, #tpu.memory_space<vmem>> -> memref<128xi32, #tpu.memory_space<vmem>>
      %dma_wait3A_267 = arith.constant 0 : i32
      %dma_wait3A_268 = arith.constant 0 : i32
      %dma_wait3A_269 = tpu.memref_slice %arg2[%dma_wait3A_267, %dma_wait3A_268] : memref<100000x64xbf16, #tpu.memory_space<hbm>> -> memref<100000x64xbf16, #tpu.memory_space<hbm>>
      tpu.wait_indirect_dma semaphore(%arg11 : memref<!tpu.dma_semaphore, #tpu.memory_space<semaphore_mem>>) src(%dma_wait3A_269 : memref<100000x64xbf16, #tpu.memory_space<hbm>>) dst(%dma_wait3A_263 : memref<128x64xbf16, #tpu.memory_space<vmem>>)
      %dma_wait3A_270 = arith.constant 4 : i32
      %dma_wait3A_271 = arith.constant 512 : i32
      %dma_wait3A_272 = arith.constant 0 : i32
      %dma_wait3A_273 = tpu.memref_slice %arg8[%dma_wait3A_271, %dma_wait3A_272] : memref<640x64xbf16, #tpu.memory_space<vmem>> -> memref<128x64xbf16, #tpu.memory_space<vmem>>
      %dma_wait3A_274 = arith.constant 0 : i32
      %dma_wait3A_275 = tpu.memref_slice %arg6[%select_n3A_163, %dma_wait3A_270, %dma_wait3A_274] : memref<2x5x128xi32, #tpu.memory_space<vmem>> -> memref<1x1x128xi32, #tpu.memory_space<vmem>>
      %dma_wait3A_276 = tpu.memref_squeeze %dma_wait3A_275 : memref<1x1x128xi32, #tpu.memory_space<vmem>> -> memref<128xi32, #tpu.memory_space<vmem>>
      %dma_wait3A_277 = arith.constant 0 : i32
      %dma_wait3A_278 = arith.constant 0 : i32
      %dma_wait3A_279 = tpu.memref_slice %arg2[%dma_wait3A_277, %dma_wait3A_278] : memref<100000x64xbf16, #tpu.memory_space<hbm>> -> memref<100000x64xbf16, #tpu.memory_space<hbm>>
      tpu.wait_indirect_dma semaphore(%arg11 : memref<!tpu.dma_semaphore, #tpu.memory_space<semaphore_mem>>) src(%dma_wait3A_279 : memref<100000x64xbf16, #tpu.memory_space<hbm>>) dst(%dma_wait3A_273 : memref<128x64xbf16, #tpu.memory_space<vmem>>)
      %lt3A_280 = arith.constant 6 : i32
      %lt3A_281 = arith.cmpi slt, %add3A_153, %lt3A_280 : i32
      %convert_element_type3A = arith.extui %lt3A_281 : i1 to i32
      %cond3A = arith.constant 0 : i32
      %cond3A_282 = arith.cmpi ne, %convert_element_type3A, %cond3A : i32
      scf.if %cond3A_282 {
        %add3A_355 = arith.constant 2 : i32
        %add3A_356 = arith.addi %add3A_154, %add3A_355 : i32
        %dma_start3A_357 = arith.constant 0 : i32
        %dma_start3A_358 = arith.constant 0 : i32
        %dma_start3A_359 = tpu.memref_slice %arg6[%select_n3A_163, %dma_start3A_357, %dma_start3A_358] : memref<2x5x128xi32, #tpu.memory_space<vmem>> -> memref<1x5x128xi32, #tpu.memory_space<vmem>>
        %dma_start3A_360 = tpu.memref_squeeze %dma_start3A_359 : memref<1x5x128xi32, #tpu.memory_space<vmem>> -> memref<5x128xi32, #tpu.memory_space<vmem>>
        %dma_start3A_361 = arith.constant 0 : i32
        %dma_start3A_362 = arith.constant 0 : i32
        %dma_start3A_363 = tpu.memref_slice %arg3[%add3A_356, %dma_start3A_361, %dma_start3A_362] : memref<256x5x128xi32, #tpu.memory_space<hbm>> -> memref<1x5x128xi32, #tpu.memory_space<hbm>>
        %dma_start3A_364 = tpu.memref_squeeze %dma_start3A_363 : memref<1x5x128xi32, #tpu.memory_space<hbm>> -> memref<5x128xi32, #tpu.memory_space<hbm>>
        %dma_start3A_365 = arith.constant 0 : i32
        %dma_start3A_366 = arith.constant 0 : i32
        %dma_start3A_367 = tpu.memref_slice %arg6[%select_n3A_163, %dma_start3A_365, %dma_start3A_366] : memref<2x5x128xi32, #tpu.memory_space<vmem>> -> memref<1x5x128xi32, #tpu.memory_space<vmem>>
        %dma_start3A_368 = tpu.memref_squeeze %dma_start3A_367 : memref<1x5x128xi32, #tpu.memory_space<vmem>> -> memref<5x128xi32, #tpu.memory_space<vmem>>
        %dma_start3A_369 = arith.constant 0 : i32
        %dma_start3A_370 = arith.constant 0 : i32
        %dma_start3A_371 = tpu.memref_slice %arg3[%add3A_356, %dma_start3A_369, %dma_start3A_370] : memref<256x5x128xi32, #tpu.memory_space<hbm>> -> memref<1x5x128xi32, #tpu.memory_space<hbm>>
        %dma_start3A_372 = tpu.memref_squeeze %dma_start3A_371 : memref<1x5x128xi32, #tpu.memory_space<hbm>> -> memref<5x128xi32, #tpu.memory_space<hbm>>
        tpu.enqueue_dma source(%dma_start3A_372 : memref<5x128xi32, #tpu.memory_space<hbm>>) target(%dma_start3A_368 : memref<5x128xi32, #tpu.memory_space<vmem>>) target_semaphore(%arg13 : memref<!tpu.dma_semaphore, #tpu.memory_space<semaphore_mem>>)
      } else {
      }
      %scan3A_283 = arith.constant 0 : i32
      %scan3A_284 = arith.constant 32 : i32
      %scan3A_285 = arith.addi %scan3A_283, %scan3A_284 : i32
      %scan3A_286 = arith.constant 1 : i32
      scf.for %scan3A_355 = %scan3A_283 to %scan3A_285 step %scan3A_286  : i32 {
        %mul3A_356 = arith.constant 1 : i32
        %mul3A_357 = arith.muli %scan3A_355, %mul3A_356 : i32
        %add3A_358 = arith.constant 0 : i32
        %add3A_359 = arith.addi %add3A_358, %mul3A_357 : i32
        %mul3A_360 = arith.constant 20 : i32
        %mul3A_361 = arith.muli %add3A_359, %mul3A_360 : i32
        %get3A = arith.index_cast %mul3A_361 : i32 to index
        %get3A_362 = arith.constant 0 : index
        %get3A_363 = tpu.vector_load %arg8[%get3A, %get3A_362] {strides = array<i32>} : memref<640x64xbf16, #tpu.memory_space<vmem>>, vector<32xbf16>,
        %unpack3A = tpu.unpack_subelements %get3A_363, 0 {pack_format = #tpu.pack_format<interleaved>} : vector<32xbf16> -> vector<16xf32>
        %unpack3A_364 = tpu.unpack_subelements %get3A_363, 1 {pack_format = #tpu.pack_format<interleaved>} : vector<32xbf16> -> vector<16xf32>
        %add3A_365 = arith.constant 1 : i32
        %add3A_366 = arith.addi %mul3A_361, %add3A_365 : i32
        %get3A_367 = arith.index_cast %add3A_366 : i32 to index
        %get3A_368 = arith.constant 0 : index
        %get3A_369 = tpu.vector_load %arg8[%get3A_367, %get3A_368] {strides = array<i32>} : memref<640x64xbf16, #tpu.memory_space<vmem>>, vector<32xbf16>,
        %unpack3A_370 = tpu.unpack_subelements %get3A_369, 0 {pack_format = #tpu.pack_format<interleaved>} : vector<32xbf16> -> vector<16xf32>
        %unpack3A_371 = tpu.unpack_subelements %get3A_369, 1 {pack_format = #tpu.pack_format<interleaved>} : vector<32xbf16> -> vector<16xf32>
        %add3A_372 = arith.addf %unpack3A, %unpack3A_370 : vector<16xf32>
        %add3A_373 = arith.addf %unpack3A_364, %unpack3A_371 : vector<16xf32>
        %add3A_374 = arith.constant 2 : i32
        %add3A_375 = arith.addi %mul3A_361, %add3A_374 : i32
        %get3A_376 = arith.index_cast %add3A_375 : i32 to index
        %get3A_377 = arith.constant 0 : index
        %get3A_378 = tpu.vector_load %arg8[%get3A_376, %get3A_377] {strides = array<i32>} : memref<640x64xbf16, #tpu.memory_space<vmem>>, vector<32xbf16>,
        %unpack3A_379 = tpu.unpack_subelements %get3A_378, 0 {pack_format = #tpu.pack_format<interleaved>} : vector<32xbf16> -> vector<16xf32>
        %unpack3A_380 = tpu.unpack_subelements %get3A_378, 1 {pack_format = #tpu.pack_format<interleaved>} : vector<32xbf16> -> vector<16xf32>
        %add3A_381 = arith.addf %add3A_372, %unpack3A_379 : vector<16xf32>
        %add3A_382 = arith.addf %add3A_373, %unpack3A_380 : vector<16xf32>
        %add3A_383 = arith.constant 3 : i32
        %add3A_384 = arith.addi %mul3A_361, %add3A_383 : i32
        %get3A_385 = arith.index_cast %add3A_384 : i32 to index
        %get3A_386 = arith.constant 0 : index
        %get3A_387 = tpu.vector_load %arg8[%get3A_385, %get3A_386] {strides = array<i32>} : memref<640x64xbf16, #tpu.memory_space<vmem>>, vector<32xbf16>,
        %unpack3A_388 = tpu.unpack_subelements %get3A_387, 0 {pack_format = #tpu.pack_format<interleaved>} : vector<32xbf16> -> vector<16xf32>
        %unpack3A_389 = tpu.unpack_subelements %get3A_387, 1 {pack_format = #tpu.pack_format<interleaved>} : vector<32xbf16> -> vector<16xf32>
        %add3A_390 = arith.addf %add3A_381, %unpack3A_388 : vector<16xf32>
        %add3A_391 = arith.addf %add3A_382, %unpack3A_389 : vector<16xf32>
        %add3A_392 = arith.constant 4 : i32
        %add3A_393 = arith.addi %mul3A_361, %add3A_392 : i32
        %get3A_394 = arith.index_cast %add3A_393 : i32 to index
        %get3A_395 = arith.constant 0 : index
        %get3A_396 = tpu.vector_load %arg8[%get3A_394, %get3A_395] {strides = array<i32>} : memref<640x64xbf16, #tpu.memory_space<vmem>>, vector<32xbf16>,
        %unpack3A_397 = tpu.unpack_subelements %get3A_396, 0 {pack_format = #tpu.pack_format<interleaved>} : vector<32xbf16> -> vector<16xf32>
        %unpack3A_398 = tpu.unpack_subelements %get3A_396, 1 {pack_format = #tpu.pack_format<interleaved>} : vector<32xbf16> -> vector<16xf32>
        %add3A_399 = arith.addf %add3A_390, %unpack3A_397 : vector<16xf32>
        %add3A_400 = arith.addf %add3A_391, %unpack3A_398 : vector<16xf32>
        %add3A_401 = arith.constant 5 : i32
        %add3A_402 = arith.addi %mul3A_361, %add3A_401 : i32
        %get3A_403 = arith.index_cast %add3A_402 : i32 to index
        %get3A_404 = arith.constant 0 : index
        %get3A_405 = tpu.vector_load %arg8[%get3A_403, %get3A_404] {strides = array<i32>} : memref<640x64xbf16, #tpu.memory_space<vmem>>, vector<32xbf16>,
        %unpack3A_406 = tpu.unpack_subelements %get3A_405, 0 {pack_format = #tpu.pack_format<interleaved>} : vector<32xbf16> -> vector<16xf32>
        %unpack3A_407 = tpu.unpack_subelements %get3A_405, 1 {pack_format = #tpu.pack_format<interleaved>} : vector<32xbf16> -> vector<16xf32>
        %add3A_408 = arith.addf %add3A_399, %unpack3A_406 : vector<16xf32>
        %add3A_409 = arith.addf %add3A_400, %unpack3A_407 : vector<16xf32>
        %add3A_410 = arith.constant 6 : i32
        %add3A_411 = arith.addi %mul3A_361, %add3A_410 : i32
        %get3A_412 = arith.index_cast %add3A_411 : i32 to index
        %get3A_413 = arith.constant 0 : index
        %get3A_414 = tpu.vector_load %arg8[%get3A_412, %get3A_413] {strides = array<i32>} : memref<640x64xbf16, #tpu.memory_space<vmem>>, vector<32xbf16>,
        %unpack3A_415 = tpu.unpack_subelements %get3A_414, 0 {pack_format = #tpu.pack_format<interleaved>} : vector<32xbf16> -> vector<16xf32>
        %unpack3A_416 = tpu.unpack_subelements %get3A_414, 1 {pack_format = #tpu.pack_format<interleaved>} : vector<32xbf16> -> vector<16xf32>
        %add3A_417 = arith.addf %add3A_408, %unpack3A_415 : vector<16xf32>
        %add3A_418 = arith.addf %add3A_409, %unpack3A_416 : vector<16xf32>
        %add3A_419 = arith.constant 7 : i32
        %add3A_420 = arith.addi %mul3A_361, %add3A_419 : i32
        %get3A_421 = arith.index_cast %add3A_420 : i32 to index
        %get3A_422 = arith.constant 0 : index
        %get3A_423 = tpu.vector_load %arg8[%get3A_421, %get3A_422] {strides = array<i32>} : memref<640x64xbf16, #tpu.memory_space<vmem>>, vector<32xbf16>,
        %unpack3A_424 = tpu.unpack_subelements %get3A_423, 0 {pack_format = #tpu.pack_format<interleaved>} : vector<32xbf16> -> vector<16xf32>
        %unpack3A_425 = tpu.unpack_subelements %get3A_423, 1 {pack_format = #tpu.pack_format<interleaved>} : vector<32xbf16> -> vector<16xf32>
        %add3A_426 = arith.addf %add3A_417, %unpack3A_424 : vector<16xf32>
        %add3A_427 = arith.addf %add3A_418, %unpack3A_425 : vector<16xf32>
        %add3A_428 = arith.constant 8 : i32
        %add3A_429 = arith.addi %mul3A_361, %add3A_428 : i32
        %get3A_430 = arith.index_cast %add3A_429 : i32 to index
        %get3A_431 = arith.constant 0 : index
        %get3A_432 = tpu.vector_load %arg8[%get3A_430, %get3A_431] {strides = array<i32>} : memref<640x64xbf16, #tpu.memory_space<vmem>>, vector<32xbf16>,
        %unpack3A_433 = tpu.unpack_subelements %get3A_432, 0 {pack_format = #tpu.pack_format<interleaved>} : vector<32xbf16> -> vector<16xf32>
        %unpack3A_434 = tpu.unpack_subelements %get3A_432, 1 {pack_format = #tpu.pack_format<interleaved>} : vector<32xbf16> -> vector<16xf32>
        %add3A_435 = arith.addf %add3A_426, %unpack3A_433 : vector<16xf32>
        %add3A_436 = arith.addf %add3A_427, %unpack3A_434 : vector<16xf32>
        %add3A_437 = arith.constant 9 : i32
        %add3A_438 = arith.addi %mul3A_361, %add3A_437 : i32
        %get3A_439 = arith.index_cast %add3A_438 : i32 to index
        %get3A_440 = arith.constant 0 : index
        %get3A_441 = tpu.vector_load %arg8[%get3A_439, %get3A_440] {strides = array<i32>} : memref<640x64xbf16, #tpu.memory_space<vmem>>, vector<32xbf16>,
        %unpack3A_442 = tpu.unpack_subelements %get3A_441, 0 {pack_format = #tpu.pack_format<interleaved>} : vector<32xbf16> -> vector<16xf32>
        %unpack3A_443 = tpu.unpack_subelements %get3A_441, 1 {pack_format = #tpu.pack_format<interleaved>} : vector<32xbf16> -> vector<16xf32>
        %add3A_444 = arith.addf %add3A_435, %unpack3A_442 : vector<16xf32>
        %add3A_445 = arith.addf %add3A_436, %unpack3A_443 : vector<16xf32>
        %add3A_446 = arith.constant 10 : i32
        %add3A_447 = arith.addi %mul3A_361, %add3A_446 : i32
        %get3A_448 = arith.index_cast %add3A_447 : i32 to index
        %get3A_449 = arith.constant 0 : index
        %get3A_450 = tpu.vector_load %arg8[%get3A_448, %get3A_449] {strides = array<i32>} : memref<640x64xbf16, #tpu.memory_space<vmem>>, vector<32xbf16>,
        %unpack3A_451 = tpu.unpack_subelements %get3A_450, 0 {pack_format = #tpu.pack_format<interleaved>} : vector<32xbf16> -> vector<16xf32>
        %unpack3A_452 = tpu.unpack_subelements %get3A_450, 1 {pack_format = #tpu.pack_format<interleaved>} : vector<32xbf16> -> vector<16xf32>
        %add3A_453 = arith.addf %add3A_444, %unpack3A_451 : vector<16xf32>
        %add3A_454 = arith.addf %add3A_445, %unpack3A_452 : vector<16xf32>
        %add3A_455 = arith.constant 11 : i32
        %add3A_456 = arith.addi %mul3A_361, %add3A_455 : i32
        %get3A_457 = arith.index_cast %add3A_456 : i32 to index
        %get3A_458 = arith.constant 0 : index
        %get3A_459 = tpu.vector_load %arg8[%get3A_457, %get3A_458] {strides = array<i32>} : memref<640x64xbf16, #tpu.memory_space<vmem>>, vector<32xbf16>,
        %unpack3A_460 = tpu.unpack_subelements %get3A_459, 0 {pack_format = #tpu.pack_format<interleaved>} : vector<32xbf16> -> vector<16xf32>
        %unpack3A_461 = tpu.unpack_subelements %get3A_459, 1 {pack_format = #tpu.pack_format<interleaved>} : vector<32xbf16> -> vector<16xf32>
        %add3A_462 = arith.addf %add3A_453, %unpack3A_460 : vector<16xf32>
        %add3A_463 = arith.addf %add3A_454, %unpack3A_461 : vector<16xf32>
        %add3A_464 = arith.constant 12 : i32
        %add3A_465 = arith.addi %mul3A_361, %add3A_464 : i32
        %get3A_466 = arith.index_cast %add3A_465 : i32 to index
        %get3A_467 = arith.constant 0 : index
        %get3A_468 = tpu.vector_load %arg8[%get3A_466, %get3A_467] {strides = array<i32>} : memref<640x64xbf16, #tpu.memory_space<vmem>>, vector<32xbf16>,
        %unpack3A_469 = tpu.unpack_subelements %get3A_468, 0 {pack_format = #tpu.pack_format<interleaved>} : vector<32xbf16> -> vector<16xf32>
        %unpack3A_470 = tpu.unpack_subelements %get3A_468, 1 {pack_format = #tpu.pack_format<interleaved>} : vector<32xbf16> -> vector<16xf32>
        %add3A_471 = arith.addf %add3A_462, %unpack3A_469 : vector<16xf32>
        %add3A_472 = arith.addf %add3A_463, %unpack3A_470 : vector<16xf32>
        %add3A_473 = arith.constant 13 : i32
        %add3A_474 = arith.addi %mul3A_361, %add3A_473 : i32
        %get3A_475 = arith.index_cast %add3A_474 : i32 to index
        %get3A_476 = arith.constant 0 : index
        %get3A_477 = tpu.vector_load %arg8[%get3A_475, %get3A_476] {strides = array<i32>} : memref<640x64xbf16, #tpu.memory_space<vmem>>, vector<32xbf16>,
        %unpack3A_478 = tpu.unpack_subelements %get3A_477, 0 {pack_format = #tpu.pack_format<interleaved>} : vector<32xbf16> -> vector<16xf32>
        %unpack3A_479 = tpu.unpack_subelements %get3A_477, 1 {pack_format = #tpu.pack_format<interleaved>} : vector<32xbf16> -> vector<16xf32>
        %add3A_480 = arith.addf %add3A_471, %unpack3A_478 : vector<16xf32>
        %add3A_481 = arith.addf %add3A_472, %unpack3A_479 : vector<16xf32>
        %add3A_482 = arith.constant 14 : i32
        %add3A_483 = arith.addi %mul3A_361, %add3A_482 : i32
        %get3A_484 = arith.index_cast %add3A_483 : i32 to index
        %get3A_485 = arith.constant 0 : index
        %get3A_486 = tpu.vector_load %arg8[%get3A_484, %get3A_485] {strides = array<i32>} : memref<640x64xbf16, #tpu.memory_space<vmem>>, vector<32xbf16>,
        %unpack3A_487 = tpu.unpack_subelements %get3A_486, 0 {pack_format = #tpu.pack_format<interleaved>} : vector<32xbf16> -> vector<16xf32>
        %unpack3A_488 = tpu.unpack_subelements %get3A_486, 1 {pack_format = #tpu.pack_format<interleaved>} : vector<32xbf16> -> vector<16xf32>
        %add3A_489 = arith.addf %add3A_480, %unpack3A_487 : vector<16xf32>
        %add3A_490 = arith.addf %add3A_481, %unpack3A_488 : vector<16xf32>
        %add3A_491 = arith.constant 15 : i32
        %add3A_492 = arith.addi %mul3A_361, %add3A_491 : i32
        %get3A_493 = arith.index_cast %add3A_492 : i32 to index
        %get3A_494 = arith.constant 0 : index
        %get3A_495 = tpu.vector_load %arg8[%get3A_493, %get3A_494] {strides = array<i32>} : memref<640x64xbf16, #tpu.memory_space<vmem>>, vector<32xbf16>,
        %unpack3A_496 = tpu.unpack_subelements %get3A_495, 0 {pack_format = #tpu.pack_format<interleaved>} : vector<32xbf16> -> vector<16xf32>
        %unpack3A_497 = tpu.unpack_subelements %get3A_495, 1 {pack_format = #tpu.pack_format<interleaved>} : vector<32xbf16> -> vector<16xf32>
        %add3A_498 = arith.addf %add3A_489, %unpack3A_496 : vector<16xf32>
        %add3A_499 = arith.addf %add3A_490, %unpack3A_497 : vector<16xf32>
        %add3A_500 = arith.constant 16 : i32
        %add3A_501 = arith.addi %mul3A_361, %add3A_500 : i32
        %get3A_502 = arith.index_cast %add3A_501 : i32 to index
        %get3A_503 = arith.constant 0 : index
        %get3A_504 = tpu.vector_load %arg8[%get3A_502, %get3A_503] {strides = array<i32>} : memref<640x64xbf16, #tpu.memory_space<vmem>>, vector<32xbf16>,
        %unpack3A_505 = tpu.unpack_subelements %get3A_504, 0 {pack_format = #tpu.pack_format<interleaved>} : vector<32xbf16> -> vector<16xf32>
        %unpack3A_506 = tpu.unpack_subelements %get3A_504, 1 {pack_format = #tpu.pack_format<interleaved>} : vector<32xbf16> -> vector<16xf32>
        %add3A_507 = arith.addf %add3A_498, %unpack3A_505 : vector<16xf32>
        %add3A_508 = arith.addf %add3A_499, %unpack3A_506 : vector<16xf32>
        %add3A_509 = arith.constant 17 : i32
        %add3A_510 = arith.addi %mul3A_361, %add3A_509 : i32
        %get3A_511 = arith.index_cast %add3A_510 : i32 to index
        %get3A_512 = arith.constant 0 : index
        %get3A_513 = tpu.vector_load %arg8[%get3A_511, %get3A_512] {strides = array<i32>} : memref<640x64xbf16, #tpu.memory_space<vmem>>, vector<32xbf16>,
        %unpack3A_514 = tpu.unpack_subelements %get3A_513, 0 {pack_format = #tpu.pack_format<interleaved>} : vector<32xbf16> -> vector<16xf32>
        %unpack3A_515 = tpu.unpack_subelements %get3A_513, 1 {pack_format = #tpu.pack_format<interleaved>} : vector<32xbf16> -> vector<16xf32>
        %add3A_516 = arith.addf %add3A_507, %unpack3A_514 : vector<16xf32>
        %add3A_517 = arith.addf %add3A_508, %unpack3A_515 : vector<16xf32>
        %add3A_518 = arith.constant 18 : i32
        %add3A_519 = arith.addi %mul3A_361, %add3A_518 : i32
        %get3A_520 = arith.index_cast %add3A_519 : i32 to index
        %get3A_521 = arith.constant 0 : index
        %get3A_522 = tpu.vector_load %arg8[%get3A_520, %get3A_521] {strides = array<i32>} : memref<640x64xbf16, #tpu.memory_space<vmem>>, vector<32xbf16>,
        %unpack3A_523 = tpu.unpack_subelements %get3A_522, 0 {pack_format = #tpu.pack_format<interleaved>} : vector<32xbf16> -> vector<16xf32>
        %unpack3A_524 = tpu.unpack_subelements %get3A_522, 1 {pack_format = #tpu.pack_format<interleaved>} : vector<32xbf16> -> vector<16xf32>
        %add3A_525 = arith.addf %add3A_516, %unpack3A_523 : vector<16xf32>
        %add3A_526 = arith.addf %add3A_517, %unpack3A_524 : vector<16xf32>
        %add3A_527 = arith.constant 19 : i32
        %add3A_528 = arith.addi %mul3A_361, %add3A_527 : i32
        %get3A_529 = arith.index_cast %add3A_528 : i32 to index
        %get3A_530 = arith.constant 0 : index
        %get3A_531 = tpu.vector_load %arg8[%get3A_529, %get3A_530] {strides = array<i32>} : memref<640x64xbf16, #tpu.memory_space<vmem>>, vector<32xbf16>,
        %unpack3A_532 = tpu.unpack_subelements %get3A_531, 0 {pack_format = #tpu.pack_format<interleaved>} : vector<32xbf16> -> vector<16xf32>
        %unpack3A_533 = tpu.unpack_subelements %get3A_531, 1 {pack_format = #tpu.pack_format<interleaved>} : vector<32xbf16> -> vector<16xf32>
        %add3A_534 = arith.addf %add3A_525, %unpack3A_532 : vector<16xf32>
        %add3A_535 = arith.addf %add3A_526, %unpack3A_533 : vector<16xf32>
        %swap3A = arith.index_cast %add3A_359 : i32 to index
        %swap3A_536 = arith.constant 0 : index
        %swap3A_537 = tpu.vector_load %arg10[%swap3A, %swap3A_536] {strides = array<i32>} : memref<32x128xf32, #tpu.memory_space<vmem>>, vector<16xf32>,
        tpu.vector_store %arg10[%swap3A, %swap3A_536], %add3A_534 {strides = array<i32>} : memref<32x128xf32, #tpu.memory_space<vmem>>, vector<16xf32>,
        %swap3A_538 = arith.index_cast %add3A_359 : i32 to index
        %swap3A_539 = arith.constant 16 : index
        %swap3A_540 = tpu.vector_load %arg10[%swap3A_538, %swap3A_539] {strides = array<i32>} : memref<32x128xf32, #tpu.memory_space<vmem>>, vector<16xf32>,
        tpu.vector_store %arg10[%swap3A_538, %swap3A_539], %add3A_535 {strides = array<i32>} : memref<32x128xf32, #tpu.memory_space<vmem>>, vector<16xf32>,
        %get3A_541 = arith.index_cast %mul3A_361 : i32 to index
        %get3A_542 = arith.constant 32 : index
        %get3A_543 = tpu.vector_load %arg8[%get3A_541, %get3A_542] {strides = array<i32>} : memref<640x64xbf16, #tpu.memory_space<vmem>>, vector<32xbf16>,
        %unpack3A_544 = tpu.unpack_subelements %get3A_543, 0 {pack_format = #tpu.pack_format<interleaved>} : vector<32xbf16> -> vector<16xf32>
        %unpack3A_545 = tpu.unpack_subelements %get3A_543, 1 {pack_format = #tpu.pack_format<interleaved>} : vector<32xbf16> -> vector<16xf32>
        %add3A_546 = arith.constant 1 : i32
        %add3A_547 = arith.addi %mul3A_361, %add3A_546 : i32
        %get3A_548 = arith.index_cast %add3A_547 : i32 to index
        %get3A_549 = arith.constant 32 : index
        %get3A_550 = tpu.vector_load %arg8[%get3A_548, %get3A_549] {strides = array<i32>} : memref<640x64xbf16, #tpu.memory_space<vmem>>, vector<32xbf16>,
        %unpack3A_551 = tpu.unpack_subelements %get3A_550, 0 {pack_format = #tpu.pack_format<interleaved>} : vector<32xbf16> -> vector<16xf32>
        %unpack3A_552 = tpu.unpack_subelements %get3A_550, 1 {pack_format = #tpu.pack_format<interleaved>} : vector<32xbf16> -> vector<16xf32>
        %add3A_553 = arith.addf %unpack3A_544, %unpack3A_551 : vector<16xf32>
        %add3A_554 = arith.addf %unpack3A_545, %unpack3A_552 : vector<16xf32>
        %add3A_555 = arith.constant 2 : i32
        %add3A_556 = arith.addi %mul3A_361, %add3A_555 : i32
        %get3A_557 = arith.index_cast %add3A_556 : i32 to index
        %get3A_558 = arith.constant 32 : index
        %get3A_559 = tpu.vector_load %arg8[%get3A_557, %get3A_558] {strides = array<i32>} : memref<640x64xbf16, #tpu.memory_space<vmem>>, vector<32xbf16>,
        %unpack3A_560 = tpu.unpack_subelements %get3A_559, 0 {pack_format = #tpu.pack_format<interleaved>} : vector<32xbf16> -> vector<16xf32>
        %unpack3A_561 = tpu.unpack_subelements %get3A_559, 1 {pack_format = #tpu.pack_format<interleaved>} : vector<32xbf16> -> vector<16xf32>
        %add3A_562 = arith.addf %add3A_553, %unpack3A_560 : vector<16xf32>
        %add3A_563 = arith.addf %add3A_554, %unpack3A_561 : vector<16xf32>
        %add3A_564 = arith.constant 3 : i32
        %add3A_565 = arith.addi %mul3A_361, %add3A_564 : i32
        %get3A_566 = arith.index_cast %add3A_565 : i32 to index
        %get3A_567 = arith.constant 32 : index
        %get3A_568 = tpu.vector_load %arg8[%get3A_566, %get3A_567] {strides = array<i32>} : memref<640x64xbf16, #tpu.memory_space<vmem>>, vector<32xbf16>,
        %unpack3A_569 = tpu.unpack_subelements %get3A_568, 0 {pack_format = #tpu.pack_format<interleaved>} : vector<32xbf16> -> vector<16xf32>
        %unpack3A_570 = tpu.unpack_subelements %get3A_568, 1 {pack_format = #tpu.pack_format<interleaved>} : vector<32xbf16> -> vector<16xf32>
        %add3A_571 = arith.addf %add3A_562, %unpack3A_569 : vector<16xf32>
        %add3A_572 = arith.addf %add3A_563, %unpack3A_570 : vector<16xf32>
        %add3A_573 = arith.constant 4 : i32
        %add3A_574 = arith.addi %mul3A_361, %add3A_573 : i32
        %get3A_575 = arith.index_cast %add3A_574 : i32 to index
        %get3A_576 = arith.constant 32 : index
        %get3A_577 = tpu.vector_load %arg8[%get3A_575, %get3A_576] {strides = array<i32>} : memref<640x64xbf16, #tpu.memory_space<vmem>>, vector<32xbf16>,
        %unpack3A_578 = tpu.unpack_subelements %get3A_577, 0 {pack_format = #tpu.pack_format<interleaved>} : vector<32xbf16> -> vector<16xf32>
        %unpack3A_579 = tpu.unpack_subelements %get3A_577, 1 {pack_format = #tpu.pack_format<interleaved>} : vector<32xbf16> -> vector<16xf32>
        %add3A_580 = arith.addf %add3A_571, %unpack3A_578 : vector<16xf32>
        %add3A_581 = arith.addf %add3A_572, %unpack3A_579 : vector<16xf32>
        %add3A_582 = arith.constant 5 : i32
        %add3A_583 = arith.addi %mul3A_361, %add3A_582 : i32
        %get3A_584 = arith.index_cast %add3A_583 : i32 to index
        %get3A_585 = arith.constant 32 : index
        %get3A_586 = tpu.vector_load %arg8[%get3A_584, %get3A_585] {strides = array<i32>} : memref<640x64xbf16, #tpu.memory_space<vmem>>, vector<32xbf16>,
        %unpack3A_587 = tpu.unpack_subelements %get3A_586, 0 {pack_format = #tpu.pack_format<interleaved>} : vector<32xbf16> -> vector<16xf32>
        %unpack3A_588 = tpu.unpack_subelements %get3A_586, 1 {pack_format = #tpu.pack_format<interleaved>} : vector<32xbf16> -> vector<16xf32>
        %add3A_589 = arith.addf %add3A_580, %unpack3A_587 : vector<16xf32>
        %add3A_590 = arith.addf %add3A_581, %unpack3A_588 : vector<16xf32>
        %add3A_591 = arith.constant 6 : i32
        %add3A_592 = arith.addi %mul3A_361, %add3A_591 : i32
        %get3A_593 = arith.index_cast %add3A_592 : i32 to index
        %get3A_594 = arith.constant 32 : index
        %get3A_595 = tpu.vector_load %arg8[%get3A_593, %get3A_594] {strides = array<i32>} : memref<640x64xbf16, #tpu.memory_space<vmem>>, vector<32xbf16>,
        %unpack3A_596 = tpu.unpack_subelements %get3A_595, 0 {pack_format = #tpu.pack_format<interleaved>} : vector<32xbf16> -> vector<16xf32>
        %unpack3A_597 = tpu.unpack_subelements %get3A_595, 1 {pack_format = #tpu.pack_format<interleaved>} : vector<32xbf16> -> vector<16xf32>
        %add3A_598 = arith.addf %add3A_589, %unpack3A_596 : vector<16xf32>
        %add3A_599 = arith.addf %add3A_590, %unpack3A_597 : vector<16xf32>
        %add3A_600 = arith.constant 7 : i32
        %add3A_601 = arith.addi %mul3A_361, %add3A_600 : i32
        %get3A_602 = arith.index_cast %add3A_601 : i32 to index
        %get3A_603 = arith.constant 32 : index
        %get3A_604 = tpu.vector_load %arg8[%get3A_602, %get3A_603] {strides = array<i32>} : memref<640x64xbf16, #tpu.memory_space<vmem>>, vector<32xbf16>,
        %unpack3A_605 = tpu.unpack_subelements %get3A_604, 0 {pack_format = #tpu.pack_format<interleaved>} : vector<32xbf16> -> vector<16xf32>
        %unpack3A_606 = tpu.unpack_subelements %get3A_604, 1 {pack_format = #tpu.pack_format<interleaved>} : vector<32xbf16> -> vector<16xf32>
        %add3A_607 = arith.addf %add3A_598, %unpack3A_605 : vector<16xf32>
        %add3A_608 = arith.addf %add3A_599, %unpack3A_606 : vector<16xf32>
        %add3A_609 = arith.constant 8 : i32
        %add3A_610 = arith.addi %mul3A_361, %add3A_609 : i32
        %get3A_611 = arith.index_cast %add3A_610 : i32 to index
        %get3A_612 = arith.constant 32 : index
        %get3A_613 = tpu.vector_load %arg8[%get3A_611, %get3A_612] {strides = array<i32>} : memref<640x64xbf16, #tpu.memory_space<vmem>>, vector<32xbf16>,
        %unpack3A_614 = tpu.unpack_subelements %get3A_613, 0 {pack_format = #tpu.pack_format<interleaved>} : vector<32xbf16> -> vector<16xf32>
        %unpack3A_615 = tpu.unpack_subelements %get3A_613, 1 {pack_format = #tpu.pack_format<interleaved>} : vector<32xbf16> -> vector<16xf32>
        %add3A_616 = arith.addf %add3A_607, %unpack3A_614 : vector<16xf32>
        %add3A_617 = arith.addf %add3A_608, %unpack3A_615 : vector<16xf32>
        %add3A_618 = arith.constant 9 : i32
        %add3A_619 = arith.addi %mul3A_361, %add3A_618 : i32
        %get3A_620 = arith.index_cast %add3A_619 : i32 to index
        %get3A_621 = arith.constant 32 : index
        %get3A_622 = tpu.vector_load %arg8[%get3A_620, %get3A_621] {strides = array<i32>} : memref<640x64xbf16, #tpu.memory_space<vmem>>, vector<32xbf16>,
        %unpack3A_623 = tpu.unpack_subelements %get3A_622, 0 {pack_format = #tpu.pack_format<interleaved>} : vector<32xbf16> -> vector<16xf32>
        %unpack3A_624 = tpu.unpack_subelements %get3A_622, 1 {pack_format = #tpu.pack_format<interleaved>} : vector<32xbf16> -> vector<16xf32>
        %add3A_625 = arith.addf %add3A_616, %unpack3A_623 : vector<16xf32>
        %add3A_626 = arith.addf %add3A_617, %unpack3A_624 : vector<16xf32>
        %add3A_627 = arith.constant 10 : i32
        %add3A_628 = arith.addi %mul3A_361, %add3A_627 : i32
        %get3A_629 = arith.index_cast %add3A_628 : i32 to index
        %get3A_630 = arith.constant 32 : index
        %get3A_631 = tpu.vector_load %arg8[%get3A_629, %get3A_630] {strides = array<i32>} : memref<640x64xbf16, #tpu.memory_space<vmem>>, vector<32xbf16>,
        %unpack3A_632 = tpu.unpack_subelements %get3A_631, 0 {pack_format = #tpu.pack_format<interleaved>} : vector<32xbf16> -> vector<16xf32>
        %unpack3A_633 = tpu.unpack_subelements %get3A_631, 1 {pack_format = #tpu.pack_format<interleaved>} : vector<32xbf16> -> vector<16xf32>
        %add3A_634 = arith.addf %add3A_625, %unpack3A_632 : vector<16xf32>
        %add3A_635 = arith.addf %add3A_626, %unpack3A_633 : vector<16xf32>
        %add3A_636 = arith.constant 11 : i32
        %add3A_637 = arith.addi %mul3A_361, %add3A_636 : i32
        %get3A_638 = arith.index_cast %add3A_637 : i32 to index
        %get3A_639 = arith.constant 32 : index
        %get3A_640 = tpu.vector_load %arg8[%get3A_638, %get3A_639] {strides = array<i32>} : memref<640x64xbf16, #tpu.memory_space<vmem>>, vector<32xbf16>,
        %unpack3A_641 = tpu.unpack_subelements %get3A_640, 0 {pack_format = #tpu.pack_format<interleaved>} : vector<32xbf16> -> vector<16xf32>
        %unpack3A_642 = tpu.unpack_subelements %get3A_640, 1 {pack_format = #tpu.pack_format<interleaved>} : vector<32xbf16> -> vector<16xf32>
        %add3A_643 = arith.addf %add3A_634, %unpack3A_641 : vector<16xf32>
        %add3A_644 = arith.addf %add3A_635, %unpack3A_642 : vector<16xf32>
        %add3A_645 = arith.constant 12 : i32
        %add3A_646 = arith.addi %mul3A_361, %add3A_645 : i32
        %get3A_647 = arith.index_cast %add3A_646 : i32 to index
        %get3A_648 = arith.constant 32 : index
        %get3A_649 = tpu.vector_load %arg8[%get3A_647, %get3A_648] {strides = array<i32>} : memref<640x64xbf16, #tpu.memory_space<vmem>>, vector<32xbf16>,
        %unpack3A_650 = tpu.unpack_subelements %get3A_649, 0 {pack_format = #tpu.pack_format<interleaved>} : vector<32xbf16> -> vector<16xf32>
        %unpack3A_651 = tpu.unpack_subelements %get3A_649, 1 {pack_format = #tpu.pack_format<interleaved>} : vector<32xbf16> -> vector<16xf32>
        %add3A_652 = arith.addf %add3A_643, %unpack3A_650 : vector<16xf32>
        %add3A_653 = arith.addf %add3A_644, %unpack3A_651 : vector<16xf32>
        %add3A_654 = arith.constant 13 : i32
        %add3A_655 = arith.addi %mul3A_361, %add3A_654 : i32
        %get3A_656 = arith.index_cast %add3A_655 : i32 to index
        %get3A_657 = arith.constant 32 : index
        %get3A_658 = tpu.vector_load %arg8[%get3A_656, %get3A_657] {strides = array<i32>} : memref<640x64xbf16, #tpu.memory_space<vmem>>, vector<32xbf16>,
        %unpack3A_659 = tpu.unpack_subelements %get3A_658, 0 {pack_format = #tpu.pack_format<interleaved>} : vector<32xbf16> -> vector<16xf32>
        %unpack3A_660 = tpu.unpack_subelements %get3A_658, 1 {pack_format = #tpu.pack_format<interleaved>} : vector<32xbf16> -> vector<16xf32>
        %add3A_661 = arith.addf %add3A_652, %unpack3A_659 : vector<16xf32>
        %add3A_662 = arith.addf %add3A_653, %unpack3A_660 : vector<16xf32>
        %add3A_663 = arith.constant 14 : i32
        %add3A_664 = arith.addi %mul3A_361, %add3A_663 : i32
        %get3A_665 = arith.index_cast %add3A_664 : i32 to index
        %get3A_666 = arith.constant 32 : index
        %get3A_667 = tpu.vector_load %arg8[%get3A_665, %get3A_666] {strides = array<i32>} : memref<640x64xbf16, #tpu.memory_space<vmem>>, vector<32xbf16>,
        %unpack3A_668 = tpu.unpack_subelements %get3A_667, 0 {pack_format = #tpu.pack_format<interleaved>} : vector<32xbf16> -> vector<16xf32>
        %unpack3A_669 = tpu.unpack_subelements %get3A_667, 1 {pack_format = #tpu.pack_format<interleaved>} : vector<32xbf16> -> vector<16xf32>
        %add3A_670 = arith.addf %add3A_661, %unpack3A_668 : vector<16xf32>
        %add3A_671 = arith.addf %add3A_662, %unpack3A_669 : vector<16xf32>
        %add3A_672 = arith.constant 15 : i32
        %add3A_673 = arith.addi %mul3A_361, %add3A_672 : i32
        %get3A_674 = arith.index_cast %add3A_673 : i32 to index
        %get3A_675 = arith.constant 32 : index
        %get3A_676 = tpu.vector_load %arg8[%get3A_674, %get3A_675] {strides = array<i32>} : memref<640x64xbf16, #tpu.memory_space<vmem>>, vector<32xbf16>,
        %unpack3A_677 = tpu.unpack_subelements %get3A_676, 0 {pack_format = #tpu.pack_format<interleaved>} : vector<32xbf16> -> vector<16xf32>
        %unpack3A_678 = tpu.unpack_subelements %get3A_676, 1 {pack_format = #tpu.pack_format<interleaved>} : vector<32xbf16> -> vector<16xf32>
        %add3A_679 = arith.addf %add3A_670, %unpack3A_677 : vector<16xf32>
        %add3A_680 = arith.addf %add3A_671, %unpack3A_678 : vector<16xf32>
        %add3A_681 = arith.constant 16 : i32
        %add3A_682 = arith.addi %mul3A_361, %add3A_681 : i32
        %get3A_683 = arith.index_cast %add3A_682 : i32 to index
        %get3A_684 = arith.constant 32 : index
        %get3A_685 = tpu.vector_load %arg8[%get3A_683, %get3A_684] {strides = array<i32>} : memref<640x64xbf16, #tpu.memory_space<vmem>>, vector<32xbf16>,
        %unpack3A_686 = tpu.unpack_subelements %get3A_685, 0 {pack_format = #tpu.pack_format<interleaved>} : vector<32xbf16> -> vector<16xf32>
        %unpack3A_687 = tpu.unpack_subelements %get3A_685, 1 {pack_format = #tpu.pack_format<interleaved>} : vector<32xbf16> -> vector<16xf32>
        %add3A_688 = arith.addf %add3A_679, %unpack3A_686 : vector<16xf32>
        %add3A_689 = arith.addf %add3A_680, %unpack3A_687 : vector<16xf32>
        %add3A_690 = arith.constant 17 : i32
        %add3A_691 = arith.addi %mul3A_361, %add3A_690 : i32
        %get3A_692 = arith.index_cast %add3A_691 : i32 to index
        %get3A_693 = arith.constant 32 : index
        %get3A_694 = tpu.vector_load %arg8[%get3A_692, %get3A_693] {strides = array<i32>} : memref<640x64xbf16, #tpu.memory_space<vmem>>, vector<32xbf16>,
        %unpack3A_695 = tpu.unpack_subelements %get3A_694, 0 {pack_format = #tpu.pack_format<interleaved>} : vector<32xbf16> -> vector<16xf32>
        %unpack3A_696 = tpu.unpack_subelements %get3A_694, 1 {pack_format = #tpu.pack_format<interleaved>} : vector<32xbf16> -> vector<16xf32>
        %add3A_697 = arith.addf %add3A_688, %unpack3A_695 : vector<16xf32>
        %add3A_698 = arith.addf %add3A_689, %unpack3A_696 : vector<16xf32>
        %add3A_699 = arith.constant 18 : i32
        %add3A_700 = arith.addi %mul3A_361, %add3A_699 : i32
        %get3A_701 = arith.index_cast %add3A_700 : i32 to index
        %get3A_702 = arith.constant 32 : index
        %get3A_703 = tpu.vector_load %arg8[%get3A_701, %get3A_702] {strides = array<i32>} : memref<640x64xbf16, #tpu.memory_space<vmem>>, vector<32xbf16>,
        %unpack3A_704 = tpu.unpack_subelements %get3A_703, 0 {pack_format = #tpu.pack_format<interleaved>} : vector<32xbf16> -> vector<16xf32>
        %unpack3A_705 = tpu.unpack_subelements %get3A_703, 1 {pack_format = #tpu.pack_format<interleaved>} : vector<32xbf16> -> vector<16xf32>
        %add3A_706 = arith.addf %add3A_697, %unpack3A_704 : vector<16xf32>
        %add3A_707 = arith.addf %add3A_698, %unpack3A_705 : vector<16xf32>
        %add3A_708 = arith.constant 19 : i32
        %add3A_709 = arith.addi %mul3A_361, %add3A_708 : i32
        %get3A_710 = arith.index_cast %add3A_709 : i32 to index
        %get3A_711 = arith.constant 32 : index
        %get3A_712 = tpu.vector_load %arg8[%get3A_710, %get3A_711] {strides = array<i32>} : memref<640x64xbf16, #tpu.memory_space<vmem>>, vector<32xbf16>,
        %unpack3A_713 = tpu.unpack_subelements %get3A_712, 0 {pack_format = #tpu.pack_format<interleaved>} : vector<32xbf16> -> vector<16xf32>
        %unpack3A_714 = tpu.unpack_subelements %get3A_712, 1 {pack_format = #tpu.pack_format<interleaved>} : vector<32xbf16> -> vector<16xf32>
        %add3A_715 = arith.addf %add3A_706, %unpack3A_713 : vector<16xf32>
        %add3A_716 = arith.addf %add3A_707, %unpack3A_714 : vector<16xf32>
        %swap3A_717 = arith.index_cast %add3A_359 : i32 to index
        %swap3A_718 = arith.constant 32 : index
        %swap3A_719 = tpu.vector_load %arg10[%swap3A_717, %swap3A_718] {strides = array<i32>} : memref<32x128xf32, #tpu.memory_space<vmem>>, vector<16xf32>,
        tpu.vector_store %arg10[%swap3A_717, %swap3A_718], %add3A_715 {strides = array<i32>} : memref<32x128xf32, #tpu.memory_space<vmem>>, vector<16xf32>,
        %swap3A_720 = arith.index_cast %add3A_359 : i32 to index
        %swap3A_721 = arith.constant 48 : index
        %swap3A_722 = tpu.vector_load %arg10[%swap3A_720, %swap3A_721] {strides = array<i32>} : memref<32x128xf32, #tpu.memory_space<vmem>>, vector<16xf32>,
        tpu.vector_store %arg10[%swap3A_720, %swap3A_721], %add3A_716 {strides = array<i32>} : memref<32x128xf32, #tpu.memory_space<vmem>>, vector<16xf32>,
      }
      %scan3A_287 = arith.constant 32 : i32
      %lt3A_288 = arith.constant 7 : i32
      %lt3A_289 = arith.cmpi slt, %add3A_153, %lt3A_288 : i32
      %convert_element_type3A_290 = arith.extui %lt3A_289 : i1 to i32
      %cond3A_291 = arith.constant 0 : i32
      %cond3A_292 = arith.cmpi ne, %convert_element_type3A_290, %cond3A_291 : i32
      scf.if %cond3A_292 {
        %add3A_355 = arith.constant 1 : i32
        %add3A_356 = arith.addi %add3A_154, %add3A_355 : i32
        %sub3A = arith.constant 1 : i32
        %sub3A_357 = arith.subi %sub3A, %select_n3A_163 : i32
        %dma_wait3A_358 = arith.constant 0 : i32
        %dma_wait3A_359 = arith.constant 0 : i32
        %dma_wait3A_360 = tpu.memref_slice %arg6[%sub3A_357, %dma_wait3A_358, %dma_wait3A_359] : memref<2x5x128xi32, #tpu.memory_space<vmem>> -> memref<1x5x128xi32, #tpu.memory_space<vmem>>
        %dma_wait3A_361 = tpu.memref_squeeze %dma_wait3A_360 : memref<1x5x128xi32, #tpu.memory_space<vmem>> -> memref<5x128xi32, #tpu.memory_space<vmem>>
        %dma_wait3A_362 = arith.constant 0 : i32
        %dma_wait3A_363 = arith.constant 0 : i32
        %dma_wait3A_364 = tpu.memref_slice %arg3[%add3A_356, %dma_wait3A_362, %dma_wait3A_363] : memref<256x5x128xi32, #tpu.memory_space<hbm>> -> memref<1x5x128xi32, #tpu.memory_space<hbm>>
        %dma_wait3A_365 = tpu.memref_squeeze %dma_wait3A_364 : memref<1x5x128xi32, #tpu.memory_space<hbm>> -> memref<5x128xi32, #tpu.memory_space<hbm>>
        %dma_wait3A_366 = arith.constant 0 : i32
        %dma_wait3A_367 = arith.constant 0 : i32
        %dma_wait3A_368 = tpu.memref_slice %arg6[%sub3A_357, %dma_wait3A_366, %dma_wait3A_367] : memref<2x5x128xi32, #tpu.memory_space<vmem>> -> memref<1x5x128xi32, #tpu.memory_space<vmem>>
        %dma_wait3A_369 = tpu.memref_squeeze %dma_wait3A_368 : memref<1x5x128xi32, #tpu.memory_space<vmem>> -> memref<5x128xi32, #tpu.memory_space<vmem>>
        %dma_wait3A_370 = arith.constant 0 : i32
        %dma_wait3A_371 = arith.constant 0 : i32
        %dma_wait3A_372 = tpu.memref_slice %arg3[%add3A_356, %dma_wait3A_370, %dma_wait3A_371] : memref<256x5x128xi32, #tpu.memory_space<hbm>> -> memref<1x5x128xi32, #tpu.memory_space<hbm>>
        %dma_wait3A_373 = tpu.memref_squeeze %dma_wait3A_372 : memref<1x5x128xi32, #tpu.memory_space<hbm>> -> memref<5x128xi32, #tpu.memory_space<hbm>>
        tpu.wait_dma2 semaphore(%arg13 : memref<!tpu.dma_semaphore, #tpu.memory_space<semaphore_mem>>) src(%dma_wait3A_373 : memref<5x128xi32, #tpu.memory_space<hbm>>) dst(%dma_wait3A_369 : memref<5x128xi32, #tpu.memory_space<vmem>>)
        %dma_start3A_374 = arith.constant 0 : i32
        %dma_start3A_375 = arith.constant 0 : i32
        %dma_start3A_376 = arith.constant 0 : i32
        %dma_start3A_377 = tpu.memref_slice %arg8[%dma_start3A_375, %dma_start3A_376] : memref<640x64xbf16, #tpu.memory_space<vmem>> -> memref<128x64xbf16, #tpu.memory_space<vmem>>
        %dma_start3A_378 = arith.constant 0 : i32
        %dma_start3A_379 = tpu.memref_slice %arg6[%sub3A_357, %dma_start3A_374, %dma_start3A_378] : memref<2x5x128xi32, #tpu.memory_space<vmem>> -> memref<1x1x128xi32, #tpu.memory_space<vmem>>
        %dma_start3A_380 = tpu.memref_squeeze %dma_start3A_379 : memref<1x1x128xi32, #tpu.memory_space<vmem>> -> memref<128xi32, #tpu.memory_space<vmem>>
        %dma_start3A_381 = arith.constant 0 : i32
        %dma_start3A_382 = arith.constant 0 : i32
        %dma_start3A_383 = tpu.memref_slice %arg2[%dma_start3A_381, %dma_start3A_382] : memref<100000x64xbf16, #tpu.memory_space<hbm>> -> memref<100000x64xbf16, #tpu.memory_space<hbm>>
        tpu.enqueue_indirect_dma source(%dma_start3A_383 : memref<100000x64xbf16, #tpu.memory_space<hbm>>) target(%dma_start3A_377 : memref<128x64xbf16, #tpu.memory_space<vmem>>) offsets(%dma_start3A_380 : memref<128xi32, #tpu.memory_space<vmem>>) semaphore(%arg11 : memref<!tpu.dma_semaphore, #tpu.memory_space<semaphore_mem>>)
        %dma_start3A_384 = arith.constant 1 : i32
        %dma_start3A_385 = arith.constant 128 : i32
        %dma_start3A_386 = arith.constant 0 : i32
        %dma_start3A_387 = tpu.memref_slice %arg8[%dma_start3A_385, %dma_start3A_386] : memref<640x64xbf16, #tpu.memory_space<vmem>> -> memref<128x64xbf16, #tpu.memory_space<vmem>>
        %dma_start3A_388 = arith.constant 0 : i32
        %dma_start3A_389 = tpu.memref_slice %arg6[%sub3A_357, %dma_start3A_384, %dma_start3A_388] : memref<2x5x128xi32, #tpu.memory_space<vmem>> -> memref<1x1x128xi32, #tpu.memory_space<vmem>>
        %dma_start3A_390 = tpu.memref_squeeze %dma_start3A_389 : memref<1x1x128xi32, #tpu.memory_space<vmem>> -> memref<128xi32, #tpu.memory_space<vmem>>
        %dma_start3A_391 = arith.constant 0 : i32
        %dma_start3A_392 = arith.constant 0 : i32
        %dma_start3A_393 = tpu.memref_slice %arg2[%dma_start3A_391, %dma_start3A_392] : memref<100000x64xbf16, #tpu.memory_space<hbm>> -> memref<100000x64xbf16, #tpu.memory_space<hbm>>
        tpu.enqueue_indirect_dma source(%dma_start3A_393 : memref<100000x64xbf16, #tpu.memory_space<hbm>>) target(%dma_start3A_387 : memref<128x64xbf16, #tpu.memory_space<vmem>>) offsets(%dma_start3A_390 : memref<128xi32, #tpu.memory_space<vmem>>) semaphore(%arg11 : memref<!tpu.dma_semaphore, #tpu.memory_space<semaphore_mem>>)
        %dma_start3A_394 = arith.constant 2 : i32
        %dma_start3A_395 = arith.constant 256 : i32
        %dma_start3A_396 = arith.constant 0 : i32
        %dma_start3A_397 = tpu.memref_slice %arg8[%dma_start3A_395, %dma_start3A_396] : memref<640x64xbf16, #tpu.memory_space<vmem>> -> memref<128x64xbf16, #tpu.memory_space<vmem>>
        %dma_start3A_398 = arith.constant 0 : i32
        %dma_start3A_399 = tpu.memref_slice %arg6[%sub3A_357, %dma_start3A_394, %dma_start3A_398] : memref<2x5x128xi32, #tpu.memory_space<vmem>> -> memref<1x1x128xi32, #tpu.memory_space<vmem>>
        %dma_start3A_400 = tpu.memref_squeeze %dma_start3A_399 : memref<1x1x128xi32, #tpu.memory_space<vmem>> -> memref<128xi32, #tpu.memory_space<vmem>>
        %dma_start3A_401 = arith.constant 0 : i32
        %dma_start3A_402 = arith.constant 0 : i32
        %dma_start3A_403 = tpu.memref_slice %arg2[%dma_start3A_401, %dma_start3A_402] : memref<100000x64xbf16, #tpu.memory_space<hbm>> -> memref<100000x64xbf16, #tpu.memory_space<hbm>>
        tpu.enqueue_indirect_dma source(%dma_start3A_403 : memref<100000x64xbf16, #tpu.memory_space<hbm>>) target(%dma_start3A_397 : memref<128x64xbf16, #tpu.memory_space<vmem>>) offsets(%dma_start3A_400 : memref<128xi32, #tpu.memory_space<vmem>>) semaphore(%arg11 : memref<!tpu.dma_semaphore, #tpu.memory_space<semaphore_mem>>)
        %dma_start3A_404 = arith.constant 3 : i32
        %dma_start3A_405 = arith.constant 384 : i32
        %dma_start3A_406 = arith.constant 0 : i32
        %dma_start3A_407 = tpu.memref_slice %arg8[%dma_start3A_405, %dma_start3A_406] : memref<640x64xbf16, #tpu.memory_space<vmem>> -> memref<128x64xbf16, #tpu.memory_space<vmem>>
        %dma_start3A_408 = arith.constant 0 : i32
        %dma_start3A_409 = tpu.memref_slice %arg6[%sub3A_357, %dma_start3A_404, %dma_start3A_408] : memref<2x5x128xi32, #tpu.memory_space<vmem>> -> memref<1x1x128xi32, #tpu.memory_space<vmem>>
        %dma_start3A_410 = tpu.memref_squeeze %dma_start3A_409 : memref<1x1x128xi32, #tpu.memory_space<vmem>> -> memref<128xi32, #tpu.memory_space<vmem>>
        %dma_start3A_411 = arith.constant 0 : i32
        %dma_start3A_412 = arith.constant 0 : i32
        %dma_start3A_413 = tpu.memref_slice %arg2[%dma_start3A_411, %dma_start3A_412] : memref<100000x64xbf16, #tpu.memory_space<hbm>> -> memref<100000x64xbf16, #tpu.memory_space<hbm>>
        tpu.enqueue_indirect_dma source(%dma_start3A_413 : memref<100000x64xbf16, #tpu.memory_space<hbm>>) target(%dma_start3A_407 : memref<128x64xbf16, #tpu.memory_space<vmem>>) offsets(%dma_start3A_410 : memref<128xi32, #tpu.memory_space<vmem>>) semaphore(%arg11 : memref<!tpu.dma_semaphore, #tpu.memory_space<semaphore_mem>>)
        %dma_start3A_414 = arith.constant 4 : i32
        %dma_start3A_415 = arith.constant 512 : i32
        %dma_start3A_416 = arith.constant 0 : i32
        %dma_start3A_417 = tpu.memref_slice %arg8[%dma_start3A_415, %dma_start3A_416] : memref<640x64xbf16, #tpu.memory_space<vmem>> -> memref<128x64xbf16, #tpu.memory_space<vmem>>
        %dma_start3A_418 = arith.constant 0 : i32
        %dma_start3A_419 = tpu.memref_slice %arg6[%sub3A_357, %dma_start3A_414, %dma_start3A_418] : memref<2x5x128xi32, #tpu.memory_space<vmem>> -> memref<1x1x128xi32, #tpu.memory_space<vmem>>
        %dma_start3A_420 = tpu.memref_squeeze %dma_start3A_419 : memref<1x1x128xi32, #tpu.memory_space<vmem>> -> memref<128xi32, #tpu.memory_space<vmem>>
        %dma_start3A_421 = arith.constant 0 : i32
        %dma_start3A_422 = arith.constant 0 : i32
        %dma_start3A_423 = tpu.memref_slice %arg2[%dma_start3A_421, %dma_start3A_422] : memref<100000x64xbf16, #tpu.memory_space<hbm>> -> memref<100000x64xbf16, #tpu.memory_space<hbm>>
        tpu.enqueue_indirect_dma source(%dma_start3A_423 : memref<100000x64xbf16, #tpu.memory_space<hbm>>) target(%dma_start3A_417 : memref<128x64xbf16, #tpu.memory_space<vmem>>) offsets(%dma_start3A_420 : memref<128xi32, #tpu.memory_space<vmem>>) semaphore(%arg11 : memref<!tpu.dma_semaphore, #tpu.memory_space<semaphore_mem>>)
      } else {
      }
      %dma_wait3A_293 = arith.constant 0 : i32
      %dma_wait3A_294 = arith.constant 0 : i32
      %dma_wait3A_295 = arith.constant 0 : i32
      %dma_wait3A_296 = tpu.memref_slice %arg9[%dma_wait3A_294, %dma_wait3A_295] : memref<640x64xbf16, #tpu.memory_space<vmem>> -> memref<128x64xbf16, #tpu.memory_space<vmem>>
      %dma_wait3A_297 = arith.constant 0 : i32
      %dma_wait3A_298 = tpu.memref_slice %arg7[%select_n3A_163, %dma_wait3A_293, %dma_wait3A_297] : memref<2x5x128xi32, #tpu.memory_space<vmem>> -> memref<1x1x128xi32, #tpu.memory_space<vmem>>
      %dma_wait3A_299 = tpu.memref_squeeze %dma_wait3A_298 : memref<1x1x128xi32, #tpu.memory_space<vmem>> -> memref<128xi32, #tpu.memory_space<vmem>>
      %dma_wait3A_300 = arith.constant 0 : i32
      %dma_wait3A_301 = arith.constant 0 : i32
      %dma_wait3A_302 = tpu.memref_slice %arg2[%dma_wait3A_300, %dma_wait3A_301] : memref<100000x64xbf16, #tpu.memory_space<hbm>> -> memref<100000x64xbf16, #tpu.memory_space<hbm>>
      tpu.wait_indirect_dma semaphore(%arg12 : memref<!tpu.dma_semaphore, #tpu.memory_space<semaphore_mem>>) src(%dma_wait3A_302 : memref<100000x64xbf16, #tpu.memory_space<hbm>>) dst(%dma_wait3A_296 : memref<128x64xbf16, #tpu.memory_space<vmem>>)
      %dma_wait3A_303 = arith.constant 1 : i32
      %dma_wait3A_304 = arith.constant 128 : i32
      %dma_wait3A_305 = arith.constant 0 : i32
      %dma_wait3A_306 = tpu.memref_slice %arg9[%dma_wait3A_304, %dma_wait3A_305] : memref<640x64xbf16, #tpu.memory_space<vmem>> -> memref<128x64xbf16, #tpu.memory_space<vmem>>
      %dma_wait3A_307 = arith.constant 0 : i32
      %dma_wait3A_308 = tpu.memref_slice %arg7[%select_n3A_163, %dma_wait3A_303, %dma_wait3A_307] : memref<2x5x128xi32, #tpu.memory_space<vmem>> -> memref<1x1x128xi32, #tpu.memory_space<vmem>>
      %dma_wait3A_309 = tpu.memref_squeeze %dma_wait3A_308 : memref<1x1x128xi32, #tpu.memory_space<vmem>> -> memref<128xi32, #tpu.memory_space<vmem>>
      %dma_wait3A_310 = arith.constant 0 : i32
      %dma_wait3A_311 = arith.constant 0 : i32
      %dma_wait3A_312 = tpu.memref_slice %arg2[%dma_wait3A_310, %dma_wait3A_311] : memref<100000x64xbf16, #tpu.memory_space<hbm>> -> memref<100000x64xbf16, #tpu.memory_space<hbm>>
      tpu.wait_indirect_dma semaphore(%arg12 : memref<!tpu.dma_semaphore, #tpu.memory_space<semaphore_mem>>) src(%dma_wait3A_312 : memref<100000x64xbf16, #tpu.memory_space<hbm>>) dst(%dma_wait3A_306 : memref<128x64xbf16, #tpu.memory_space<vmem>>)
      %dma_wait3A_313 = arith.constant 2 : i32
      %dma_wait3A_314 = arith.constant 256 : i32
      %dma_wait3A_315 = arith.constant 0 : i32
      %dma_wait3A_316 = tpu.memref_slice %arg9[%dma_wait3A_314, %dma_wait3A_315] : memref<640x64xbf16, #tpu.memory_space<vmem>> -> memref<128x64xbf16, #tpu.memory_space<vmem>>
      %dma_wait3A_317 = arith.constant 0 : i32
      %dma_wait3A_318 = tpu.memref_slice %arg7[%select_n3A_163, %dma_wait3A_313, %dma_wait3A_317] : memref<2x5x128xi32, #tpu.memory_space<vmem>> -> memref<1x1x128xi32, #tpu.memory_space<vmem>>
      %dma_wait3A_319 = tpu.memref_squeeze %dma_wait3A_318 : memref<1x1x128xi32, #tpu.memory_space<vmem>> -> memref<128xi32, #tpu.memory_space<vmem>>
      %dma_wait3A_320 = arith.constant 0 : i32
      %dma_wait3A_321 = arith.constant 0 : i32
      %dma_wait3A_322 = tpu.memref_slice %arg2[%dma_wait3A_320, %dma_wait3A_321] : memref<100000x64xbf16, #tpu.memory_space<hbm>> -> memref<100000x64xbf16, #tpu.memory_space<hbm>>
      tpu.wait_indirect_dma semaphore(%arg12 : memref<!tpu.dma_semaphore, #tpu.memory_space<semaphore_mem>>) src(%dma_wait3A_322 : memref<100000x64xbf16, #tpu.memory_space<hbm>>) dst(%dma_wait3A_316 : memref<128x64xbf16, #tpu.memory_space<vmem>>)
      %dma_wait3A_323 = arith.constant 3 : i32
      %dma_wait3A_324 = arith.constant 384 : i32
      %dma_wait3A_325 = arith.constant 0 : i32
      %dma_wait3A_326 = tpu.memref_slice %arg9[%dma_wait3A_324, %dma_wait3A_325] : memref<640x64xbf16, #tpu.memory_space<vmem>> -> memref<128x64xbf16, #tpu.memory_space<vmem>>
      %dma_wait3A_327 = arith.constant 0 : i32
      %dma_wait3A_328 = tpu.memref_slice %arg7[%select_n3A_163, %dma_wait3A_323, %dma_wait3A_327] : memref<2x5x128xi32, #tpu.memory_space<vmem>> -> memref<1x1x128xi32, #tpu.memory_space<vmem>>
      %dma_wait3A_329 = tpu.memref_squeeze %dma_wait3A_328 : memref<1x1x128xi32, #tpu.memory_space<vmem>> -> memref<128xi32, #tpu.memory_space<vmem>>
      %dma_wait3A_330 = arith.constant 0 : i32
      %dma_wait3A_331 = arith.constant 0 : i32
      %dma_wait3A_332 = tpu.memref_slice %arg2[%dma_wait3A_330, %dma_wait3A_331] : memref<100000x64xbf16, #tpu.memory_space<hbm>> -> memref<100000x64xbf16, #tpu.memory_space<hbm>>
      tpu.wait_indirect_dma semaphore(%arg12 : memref<!tpu.dma_semaphore, #tpu.memory_space<semaphore_mem>>) src(%dma_wait3A_332 : memref<100000x64xbf16, #tpu.memory_space<hbm>>) dst(%dma_wait3A_326 : memref<128x64xbf16, #tpu.memory_space<vmem>>)
      %dma_wait3A_333 = arith.constant 4 : i32
      %dma_wait3A_334 = arith.constant 512 : i32
      %dma_wait3A_335 = arith.constant 0 : i32
      %dma_wait3A_336 = tpu.memref_slice %arg9[%dma_wait3A_334, %dma_wait3A_335] : memref<640x64xbf16, #tpu.memory_space<vmem>> -> memref<128x64xbf16, #tpu.memory_space<vmem>>
      %dma_wait3A_337 = arith.constant 0 : i32
      %dma_wait3A_338 = tpu.memref_slice %arg7[%select_n3A_163, %dma_wait3A_333, %dma_wait3A_337] : memref<2x5x128xi32, #tpu.memory_space<vmem>> -> memref<1x1x128xi32, #tpu.memory_space<vmem>>
      %dma_wait3A_339 = tpu.memref_squeeze %dma_wait3A_338 : memref<1x1x128xi32, #tpu.memory_space<vmem>> -> memref<128xi32, #tpu.memory_space<vmem>>
      %dma_wait3A_340 = arith.constant 0 : i32
      %dma_wait3A_341 = arith.constant 0 : i32
      %dma_wait3A_342 = tpu.memref_slice %arg2[%dma_wait3A_340, %dma_wait3A_341] : memref<100000x64xbf16, #tpu.memory_space<hbm>> -> memref<100000x64xbf16, #tpu.memory_space<hbm>>
      tpu.wait_indirect_dma semaphore(%arg12 : memref<!tpu.dma_semaphore, #tpu.memory_space<semaphore_mem>>) src(%dma_wait3A_342 : memref<100000x64xbf16, #tpu.memory_space<hbm>>) dst(%dma_wait3A_336 : memref<128x64xbf16, #tpu.memory_space<vmem>>)
      %lt3A_343 = arith.constant 6 : i32
      %lt3A_344 = arith.cmpi slt, %add3A_153, %lt3A_343 : i32
      %convert_element_type3A_345 = arith.extui %lt3A_344 : i1 to i32
      %cond3A_346 = arith.constant 0 : i32
      %cond3A_347 = arith.cmpi ne, %convert_element_type3A_345, %cond3A_346 : i32
      scf.if %cond3A_347 {
        %add3A_355 = arith.constant 2 : i32
        %add3A_356 = arith.addi %add3A_154, %add3A_355 : i32
        %dma_start3A_357 = arith.constant 0 : i32
        %dma_start3A_358 = arith.constant 0 : i32
        %dma_start3A_359 = tpu.memref_slice %arg7[%select_n3A_163, %dma_start3A_357, %dma_start3A_358] : memref<2x5x128xi32, #tpu.memory_space<vmem>> -> memref<1x5x128xi32, #tpu.memory_space<vmem>>
        %dma_start3A_360 = tpu.memref_squeeze %dma_start3A_359 : memref<1x5x128xi32, #tpu.memory_space<vmem>> -> memref<5x128xi32, #tpu.memory_space<vmem>>
        %dma_start3A_361 = arith.constant 0 : i32
        %dma_start3A_362 = arith.constant 0 : i32
        %dma_start3A_363 = tpu.memref_slice %arg4[%add3A_356, %dma_start3A_361, %dma_start3A_362] : memref<256x5x128xi32, #tpu.memory_space<hbm>> -> memref<1x5x128xi32, #tpu.memory_space<hbm>>
        %dma_start3A_364 = tpu.memref_squeeze %dma_start3A_363 : memref<1x5x128xi32, #tpu.memory_space<hbm>> -> memref<5x128xi32, #tpu.memory_space<hbm>>
        %dma_start3A_365 = arith.constant 0 : i32
        %dma_start3A_366 = arith.constant 0 : i32
        %dma_start3A_367 = tpu.memref_slice %arg7[%select_n3A_163, %dma_start3A_365, %dma_start3A_366] : memref<2x5x128xi32, #tpu.memory_space<vmem>> -> memref<1x5x128xi32, #tpu.memory_space<vmem>>
        %dma_start3A_368 = tpu.memref_squeeze %dma_start3A_367 : memref<1x5x128xi32, #tpu.memory_space<vmem>> -> memref<5x128xi32, #tpu.memory_space<vmem>>
        %dma_start3A_369 = arith.constant 0 : i32
        %dma_start3A_370 = arith.constant 0 : i32
        %dma_start3A_371 = tpu.memref_slice %arg4[%add3A_356, %dma_start3A_369, %dma_start3A_370] : memref<256x5x128xi32, #tpu.memory_space<hbm>> -> memref<1x5x128xi32, #tpu.memory_space<hbm>>
        %dma_start3A_372 = tpu.memref_squeeze %dma_start3A_371 : memref<1x5x128xi32, #tpu.memory_space<hbm>> -> memref<5x128xi32, #tpu.memory_space<hbm>>
        tpu.enqueue_dma source(%dma_start3A_372 : memref<5x128xi32, #tpu.memory_space<hbm>>) target(%dma_start3A_368 : memref<5x128xi32, #tpu.memory_space<vmem>>) target_semaphore(%arg14 : memref<!tpu.dma_semaphore, #tpu.memory_space<semaphore_mem>>)
      } else {
      }
      %scan3A_348 = arith.constant 0 : i32
      %scan3A_349 = arith.constant 32 : i32
      %scan3A_350 = arith.addi %scan3A_348, %scan3A_349 : i32
      %scan3A_351 = arith.constant 1 : i32
      scf.for %scan3A_355 = %scan3A_348 to %scan3A_350 step %scan3A_351  : i32 {
        %mul3A_356 = arith.constant 1 : i32
        %mul3A_357 = arith.muli %scan3A_355, %mul3A_356 : i32
        %add3A_358 = arith.constant 0 : i32
        %add3A_359 = arith.addi %add3A_358, %mul3A_357 : i32
        %mul3A_360 = arith.constant 20 : i32
        %mul3A_361 = arith.muli %add3A_359, %mul3A_360 : i32
        %get3A = arith.index_cast %mul3A_361 : i32 to index
        %get3A_362 = arith.constant 0 : index
        %get3A_363 = tpu.vector_load %arg9[%get3A, %get3A_362] {strides = array<i32>} : memref<640x64xbf16, #tpu.memory_space<vmem>>, vector<32xbf16>,
        %unpack3A = tpu.unpack_subelements %get3A_363, 0 {pack_format = #tpu.pack_format<interleaved>} : vector<32xbf16> -> vector<16xf32>
        %unpack3A_364 = tpu.unpack_subelements %get3A_363, 1 {pack_format = #tpu.pack_format<interleaved>} : vector<32xbf16> -> vector<16xf32>
        %add3A_365 = arith.constant 1 : i32
        %add3A_366 = arith.addi %mul3A_361, %add3A_365 : i32
        %get3A_367 = arith.index_cast %add3A_366 : i32 to index
        %get3A_368 = arith.constant 0 : index
        %get3A_369 = tpu.vector_load %arg9[%get3A_367, %get3A_368] {strides = array<i32>} : memref<640x64xbf16, #tpu.memory_space<vmem>>, vector<32xbf16>,
        %unpack3A_370 = tpu.unpack_subelements %get3A_369, 0 {pack_format = #tpu.pack_format<interleaved>} : vector<32xbf16> -> vector<16xf32>
        %unpack3A_371 = tpu.unpack_subelements %get3A_369, 1 {pack_format = #tpu.pack_format<interleaved>} : vector<32xbf16> -> vector<16xf32>
        %add3A_372 = arith.addf %unpack3A, %unpack3A_370 : vector<16xf32>
        %add3A_373 = arith.addf %unpack3A_364, %unpack3A_371 : vector<16xf32>
        %add3A_374 = arith.constant 2 : i32
        %add3A_375 = arith.addi %mul3A_361, %add3A_374 : i32
        %get3A_376 = arith.index_cast %add3A_375 : i32 to index
        %get3A_377 = arith.constant 0 : index
        %get3A_378 = tpu.vector_load %arg9[%get3A_376, %get3A_377] {strides = array<i32>} : memref<640x64xbf16, #tpu.memory_space<vmem>>, vector<32xbf16>,
        %unpack3A_379 = tpu.unpack_subelements %get3A_378, 0 {pack_format = #tpu.pack_format<interleaved>} : vector<32xbf16> -> vector<16xf32>
        %unpack3A_380 = tpu.unpack_subelements %get3A_378, 1 {pack_format = #tpu.pack_format<interleaved>} : vector<32xbf16> -> vector<16xf32>
        %add3A_381 = arith.addf %add3A_372, %unpack3A_379 : vector<16xf32>
        %add3A_382 = arith.addf %add3A_373, %unpack3A_380 : vector<16xf32>
        %add3A_383 = arith.constant 3 : i32
        %add3A_384 = arith.addi %mul3A_361, %add3A_383 : i32
        %get3A_385 = arith.index_cast %add3A_384 : i32 to index
        %get3A_386 = arith.constant 0 : index
        %get3A_387 = tpu.vector_load %arg9[%get3A_385, %get3A_386] {strides = array<i32>} : memref<640x64xbf16, #tpu.memory_space<vmem>>, vector<32xbf16>,
        %unpack3A_388 = tpu.unpack_subelements %get3A_387, 0 {pack_format = #tpu.pack_format<interleaved>} : vector<32xbf16> -> vector<16xf32>
        %unpack3A_389 = tpu.unpack_subelements %get3A_387, 1 {pack_format = #tpu.pack_format<interleaved>} : vector<32xbf16> -> vector<16xf32>
        %add3A_390 = arith.addf %add3A_381, %unpack3A_388 : vector<16xf32>
        %add3A_391 = arith.addf %add3A_382, %unpack3A_389 : vector<16xf32>
        %add3A_392 = arith.constant 4 : i32
        %add3A_393 = arith.addi %mul3A_361, %add3A_392 : i32
        %get3A_394 = arith.index_cast %add3A_393 : i32 to index
        %get3A_395 = arith.constant 0 : index
        %get3A_396 = tpu.vector_load %arg9[%get3A_394, %get3A_395] {strides = array<i32>} : memref<640x64xbf16, #tpu.memory_space<vmem>>, vector<32xbf16>,
        %unpack3A_397 = tpu.unpack_subelements %get3A_396, 0 {pack_format = #tpu.pack_format<interleaved>} : vector<32xbf16> -> vector<16xf32>
        %unpack3A_398 = tpu.unpack_subelements %get3A_396, 1 {pack_format = #tpu.pack_format<interleaved>} : vector<32xbf16> -> vector<16xf32>
        %add3A_399 = arith.addf %add3A_390, %unpack3A_397 : vector<16xf32>
        %add3A_400 = arith.addf %add3A_391, %unpack3A_398 : vector<16xf32>
        %add3A_401 = arith.constant 5 : i32
        %add3A_402 = arith.addi %mul3A_361, %add3A_401 : i32
        %get3A_403 = arith.index_cast %add3A_402 : i32 to index
        %get3A_404 = arith.constant 0 : index
        %get3A_405 = tpu.vector_load %arg9[%get3A_403, %get3A_404] {strides = array<i32>} : memref<640x64xbf16, #tpu.memory_space<vmem>>, vector<32xbf16>,
        %unpack3A_406 = tpu.unpack_subelements %get3A_405, 0 {pack_format = #tpu.pack_format<interleaved>} : vector<32xbf16> -> vector<16xf32>
        %unpack3A_407 = tpu.unpack_subelements %get3A_405, 1 {pack_format = #tpu.pack_format<interleaved>} : vector<32xbf16> -> vector<16xf32>
        %add3A_408 = arith.addf %add3A_399, %unpack3A_406 : vector<16xf32>
        %add3A_409 = arith.addf %add3A_400, %unpack3A_407 : vector<16xf32>
        %add3A_410 = arith.constant 6 : i32
        %add3A_411 = arith.addi %mul3A_361, %add3A_410 : i32
        %get3A_412 = arith.index_cast %add3A_411 : i32 to index
        %get3A_413 = arith.constant 0 : index
        %get3A_414 = tpu.vector_load %arg9[%get3A_412, %get3A_413] {strides = array<i32>} : memref<640x64xbf16, #tpu.memory_space<vmem>>, vector<32xbf16>,
        %unpack3A_415 = tpu.unpack_subelements %get3A_414, 0 {pack_format = #tpu.pack_format<interleaved>} : vector<32xbf16> -> vector<16xf32>
        %unpack3A_416 = tpu.unpack_subelements %get3A_414, 1 {pack_format = #tpu.pack_format<interleaved>} : vector<32xbf16> -> vector<16xf32>
        %add3A_417 = arith.addf %add3A_408, %unpack3A_415 : vector<16xf32>
        %add3A_418 = arith.addf %add3A_409, %unpack3A_416 : vector<16xf32>
        %add3A_419 = arith.constant 7 : i32
        %add3A_420 = arith.addi %mul3A_361, %add3A_419 : i32
        %get3A_421 = arith.index_cast %add3A_420 : i32 to index
        %get3A_422 = arith.constant 0 : index
        %get3A_423 = tpu.vector_load %arg9[%get3A_421, %get3A_422] {strides = array<i32>} : memref<640x64xbf16, #tpu.memory_space<vmem>>, vector<32xbf16>,
        %unpack3A_424 = tpu.unpack_subelements %get3A_423, 0 {pack_format = #tpu.pack_format<interleaved>} : vector<32xbf16> -> vector<16xf32>
        %unpack3A_425 = tpu.unpack_subelements %get3A_423, 1 {pack_format = #tpu.pack_format<interleaved>} : vector<32xbf16> -> vector<16xf32>
        %add3A_426 = arith.addf %add3A_417, %unpack3A_424 : vector<16xf32>
        %add3A_427 = arith.addf %add3A_418, %unpack3A_425 : vector<16xf32>
        %add3A_428 = arith.constant 8 : i32
        %add3A_429 = arith.addi %mul3A_361, %add3A_428 : i32
        %get3A_430 = arith.index_cast %add3A_429 : i32 to index
        %get3A_431 = arith.constant 0 : index
        %get3A_432 = tpu.vector_load %arg9[%get3A_430, %get3A_431] {strides = array<i32>} : memref<640x64xbf16, #tpu.memory_space<vmem>>, vector<32xbf16>,
        %unpack3A_433 = tpu.unpack_subelements %get3A_432, 0 {pack_format = #tpu.pack_format<interleaved>} : vector<32xbf16> -> vector<16xf32>
        %unpack3A_434 = tpu.unpack_subelements %get3A_432, 1 {pack_format = #tpu.pack_format<interleaved>} : vector<32xbf16> -> vector<16xf32>
        %add3A_435 = arith.addf %add3A_426, %unpack3A_433 : vector<16xf32>
        %add3A_436 = arith.addf %add3A_427, %unpack3A_434 : vector<16xf32>
        %add3A_437 = arith.constant 9 : i32
        %add3A_438 = arith.addi %mul3A_361, %add3A_437 : i32
        %get3A_439 = arith.index_cast %add3A_438 : i32 to index
        %get3A_440 = arith.constant 0 : index
        %get3A_441 = tpu.vector_load %arg9[%get3A_439, %get3A_440] {strides = array<i32>} : memref<640x64xbf16, #tpu.memory_space<vmem>>, vector<32xbf16>,
        %unpack3A_442 = tpu.unpack_subelements %get3A_441, 0 {pack_format = #tpu.pack_format<interleaved>} : vector<32xbf16> -> vector<16xf32>
        %unpack3A_443 = tpu.unpack_subelements %get3A_441, 1 {pack_format = #tpu.pack_format<interleaved>} : vector<32xbf16> -> vector<16xf32>
        %add3A_444 = arith.addf %add3A_435, %unpack3A_442 : vector<16xf32>
        %add3A_445 = arith.addf %add3A_436, %unpack3A_443 : vector<16xf32>
        %add3A_446 = arith.constant 10 : i32
        %add3A_447 = arith.addi %mul3A_361, %add3A_446 : i32
        %get3A_448 = arith.index_cast %add3A_447 : i32 to index
        %get3A_449 = arith.constant 0 : index
        %get3A_450 = tpu.vector_load %arg9[%get3A_448, %get3A_449] {strides = array<i32>} : memref<640x64xbf16, #tpu.memory_space<vmem>>, vector<32xbf16>,
        %unpack3A_451 = tpu.unpack_subelements %get3A_450, 0 {pack_format = #tpu.pack_format<interleaved>} : vector<32xbf16> -> vector<16xf32>
        %unpack3A_452 = tpu.unpack_subelements %get3A_450, 1 {pack_format = #tpu.pack_format<interleaved>} : vector<32xbf16> -> vector<16xf32>
        %add3A_453 = arith.addf %add3A_444, %unpack3A_451 : vector<16xf32>
        %add3A_454 = arith.addf %add3A_445, %unpack3A_452 : vector<16xf32>
        %add3A_455 = arith.constant 11 : i32
        %add3A_456 = arith.addi %mul3A_361, %add3A_455 : i32
        %get3A_457 = arith.index_cast %add3A_456 : i32 to index
        %get3A_458 = arith.constant 0 : index
        %get3A_459 = tpu.vector_load %arg9[%get3A_457, %get3A_458] {strides = array<i32>} : memref<640x64xbf16, #tpu.memory_space<vmem>>, vector<32xbf16>,
        %unpack3A_460 = tpu.unpack_subelements %get3A_459, 0 {pack_format = #tpu.pack_format<interleaved>} : vector<32xbf16> -> vector<16xf32>
        %unpack3A_461 = tpu.unpack_subelements %get3A_459, 1 {pack_format = #tpu.pack_format<interleaved>} : vector<32xbf16> -> vector<16xf32>
        %add3A_462 = arith.addf %add3A_453, %unpack3A_460 : vector<16xf32>
        %add3A_463 = arith.addf %add3A_454, %unpack3A_461 : vector<16xf32>
        %add3A_464 = arith.constant 12 : i32
        %add3A_465 = arith.addi %mul3A_361, %add3A_464 : i32
        %get3A_466 = arith.index_cast %add3A_465 : i32 to index
        %get3A_467 = arith.constant 0 : index
        %get3A_468 = tpu.vector_load %arg9[%get3A_466, %get3A_467] {strides = array<i32>} : memref<640x64xbf16, #tpu.memory_space<vmem>>, vector<32xbf16>,
        %unpack3A_469 = tpu.unpack_subelements %get3A_468, 0 {pack_format = #tpu.pack_format<interleaved>} : vector<32xbf16> -> vector<16xf32>
        %unpack3A_470 = tpu.unpack_subelements %get3A_468, 1 {pack_format = #tpu.pack_format<interleaved>} : vector<32xbf16> -> vector<16xf32>
        %add3A_471 = arith.addf %add3A_462, %unpack3A_469 : vector<16xf32>
        %add3A_472 = arith.addf %add3A_463, %unpack3A_470 : vector<16xf32>
        %add3A_473 = arith.constant 13 : i32
        %add3A_474 = arith.addi %mul3A_361, %add3A_473 : i32
        %get3A_475 = arith.index_cast %add3A_474 : i32 to index
        %get3A_476 = arith.constant 0 : index
        %get3A_477 = tpu.vector_load %arg9[%get3A_475, %get3A_476] {strides = array<i32>} : memref<640x64xbf16, #tpu.memory_space<vmem>>, vector<32xbf16>,
        %unpack3A_478 = tpu.unpack_subelements %get3A_477, 0 {pack_format = #tpu.pack_format<interleaved>} : vector<32xbf16> -> vector<16xf32>
        %unpack3A_479 = tpu.unpack_subelements %get3A_477, 1 {pack_format = #tpu.pack_format<interleaved>} : vector<32xbf16> -> vector<16xf32>
        %add3A_480 = arith.addf %add3A_471, %unpack3A_478 : vector<16xf32>
        %add3A_481 = arith.addf %add3A_472, %unpack3A_479 : vector<16xf32>
        %add3A_482 = arith.constant 14 : i32
        %add3A_483 = arith.addi %mul3A_361, %add3A_482 : i32
        %get3A_484 = arith.index_cast %add3A_483 : i32 to index
        %get3A_485 = arith.constant 0 : index
        %get3A_486 = tpu.vector_load %arg9[%get3A_484, %get3A_485] {strides = array<i32>} : memref<640x64xbf16, #tpu.memory_space<vmem>>, vector<32xbf16>,
        %unpack3A_487 = tpu.unpack_subelements %get3A_486, 0 {pack_format = #tpu.pack_format<interleaved>} : vector<32xbf16> -> vector<16xf32>
        %unpack3A_488 = tpu.unpack_subelements %get3A_486, 1 {pack_format = #tpu.pack_format<interleaved>} : vector<32xbf16> -> vector<16xf32>
        %add3A_489 = arith.addf %add3A_480, %unpack3A_487 : vector<16xf32>
        %add3A_490 = arith.addf %add3A_481, %unpack3A_488 : vector<16xf32>
        %add3A_491 = arith.constant 15 : i32
        %add3A_492 = arith.addi %mul3A_361, %add3A_491 : i32
        %get3A_493 = arith.index_cast %add3A_492 : i32 to index
        %get3A_494 = arith.constant 0 : index
        %get3A_495 = tpu.vector_load %arg9[%get3A_493, %get3A_494] {strides = array<i32>} : memref<640x64xbf16, #tpu.memory_space<vmem>>, vector<32xbf16>,
        %unpack3A_496 = tpu.unpack_subelements %get3A_495, 0 {pack_format = #tpu.pack_format<interleaved>} : vector<32xbf16> -> vector<16xf32>
        %unpack3A_497 = tpu.unpack_subelements %get3A_495, 1 {pack_format = #tpu.pack_format<interleaved>} : vector<32xbf16> -> vector<16xf32>
        %add3A_498 = arith.addf %add3A_489, %unpack3A_496 : vector<16xf32>
        %add3A_499 = arith.addf %add3A_490, %unpack3A_497 : vector<16xf32>
        %add3A_500 = arith.constant 16 : i32
        %add3A_501 = arith.addi %mul3A_361, %add3A_500 : i32
        %get3A_502 = arith.index_cast %add3A_501 : i32 to index
        %get3A_503 = arith.constant 0 : index
        %get3A_504 = tpu.vector_load %arg9[%get3A_502, %get3A_503] {strides = array<i32>} : memref<640x64xbf16, #tpu.memory_space<vmem>>, vector<32xbf16>,
        %unpack3A_505 = tpu.unpack_subelements %get3A_504, 0 {pack_format = #tpu.pack_format<interleaved>} : vector<32xbf16> -> vector<16xf32>
        %unpack3A_506 = tpu.unpack_subelements %get3A_504, 1 {pack_format = #tpu.pack_format<interleaved>} : vector<32xbf16> -> vector<16xf32>
        %add3A_507 = arith.addf %add3A_498, %unpack3A_505 : vector<16xf32>
        %add3A_508 = arith.addf %add3A_499, %unpack3A_506 : vector<16xf32>
        %add3A_509 = arith.constant 17 : i32
        %add3A_510 = arith.addi %mul3A_361, %add3A_509 : i32
        %get3A_511 = arith.index_cast %add3A_510 : i32 to index
        %get3A_512 = arith.constant 0 : index
        %get3A_513 = tpu.vector_load %arg9[%get3A_511, %get3A_512] {strides = array<i32>} : memref<640x64xbf16, #tpu.memory_space<vmem>>, vector<32xbf16>,
        %unpack3A_514 = tpu.unpack_subelements %get3A_513, 0 {pack_format = #tpu.pack_format<interleaved>} : vector<32xbf16> -> vector<16xf32>
        %unpack3A_515 = tpu.unpack_subelements %get3A_513, 1 {pack_format = #tpu.pack_format<interleaved>} : vector<32xbf16> -> vector<16xf32>
        %add3A_516 = arith.addf %add3A_507, %unpack3A_514 : vector<16xf32>
        %add3A_517 = arith.addf %add3A_508, %unpack3A_515 : vector<16xf32>
        %add3A_518 = arith.constant 18 : i32
        %add3A_519 = arith.addi %mul3A_361, %add3A_518 : i32
        %get3A_520 = arith.index_cast %add3A_519 : i32 to index
        %get3A_521 = arith.constant 0 : index
        %get3A_522 = tpu.vector_load %arg9[%get3A_520, %get3A_521] {strides = array<i32>} : memref<640x64xbf16, #tpu.memory_space<vmem>>, vector<32xbf16>,
        %unpack3A_523 = tpu.unpack_subelements %get3A_522, 0 {pack_format = #tpu.pack_format<interleaved>} : vector<32xbf16> -> vector<16xf32>
        %unpack3A_524 = tpu.unpack_subelements %get3A_522, 1 {pack_format = #tpu.pack_format<interleaved>} : vector<32xbf16> -> vector<16xf32>
        %add3A_525 = arith.addf %add3A_516, %unpack3A_523 : vector<16xf32>
        %add3A_526 = arith.addf %add3A_517, %unpack3A_524 : vector<16xf32>
        %add3A_527 = arith.constant 19 : i32
        %add3A_528 = arith.addi %mul3A_361, %add3A_527 : i32
        %get3A_529 = arith.index_cast %add3A_528 : i32 to index
        %get3A_530 = arith.constant 0 : index
        %get3A_531 = tpu.vector_load %arg9[%get3A_529, %get3A_530] {strides = array<i32>} : memref<640x64xbf16, #tpu.memory_space<vmem>>, vector<32xbf16>,
        %unpack3A_532 = tpu.unpack_subelements %get3A_531, 0 {pack_format = #tpu.pack_format<interleaved>} : vector<32xbf16> -> vector<16xf32>
        %unpack3A_533 = tpu.unpack_subelements %get3A_531, 1 {pack_format = #tpu.pack_format<interleaved>} : vector<32xbf16> -> vector<16xf32>
        %add3A_534 = arith.addf %add3A_525, %unpack3A_532 : vector<16xf32>
        %add3A_535 = arith.addf %add3A_526, %unpack3A_533 : vector<16xf32>
        %swap3A = arith.index_cast %add3A_359 : i32 to index
        %swap3A_536 = arith.constant 64 : index
        %swap3A_537 = tpu.vector_load %arg10[%swap3A, %swap3A_536] {strides = array<i32>} : memref<32x128xf32, #tpu.memory_space<vmem>>, vector<16xf32>,
        tpu.vector_store %arg10[%swap3A, %swap3A_536], %add3A_534 {strides = array<i32>} : memref<32x128xf32, #tpu.memory_space<vmem>>, vector<16xf32>,
        %swap3A_538 = arith.index_cast %add3A_359 : i32 to index
        %swap3A_539 = arith.constant 80 : index
        %swap3A_540 = tpu.vector_load %arg10[%swap3A_538, %swap3A_539] {strides = array<i32>} : memref<32x128xf32, #tpu.memory_space<vmem>>, vector<16xf32>,
        tpu.vector_store %arg10[%swap3A_538, %swap3A_539], %add3A_535 {strides = array<i32>} : memref<32x128xf32, #tpu.memory_space<vmem>>, vector<16xf32>,
        %get3A_541 = arith.index_cast %mul3A_361 : i32 to index
        %get3A_542 = arith.constant 32 : index
        %get3A_543 = tpu.vector_load %arg9[%get3A_541, %get3A_542] {strides = array<i32>} : memref<640x64xbf16, #tpu.memory_space<vmem>>, vector<32xbf16>,
        %unpack3A_544 = tpu.unpack_subelements %get3A_543, 0 {pack_format = #tpu.pack_format<interleaved>} : vector<32xbf16> -> vector<16xf32>
        %unpack3A_545 = tpu.unpack_subelements %get3A_543, 1 {pack_format = #tpu.pack_format<interleaved>} : vector<32xbf16> -> vector<16xf32>
        %add3A_546 = arith.constant 1 : i32
        %add3A_547 = arith.addi %mul3A_361, %add3A_546 : i32
        %get3A_548 = arith.index_cast %add3A_547 : i32 to index
        %get3A_549 = arith.constant 32 : index
        %get3A_550 = tpu.vector_load %arg9[%get3A_548, %get3A_549] {strides = array<i32>} : memref<640x64xbf16, #tpu.memory_space<vmem>>, vector<32xbf16>,
        %unpack3A_551 = tpu.unpack_subelements %get3A_550, 0 {pack_format = #tpu.pack_format<interleaved>} : vector<32xbf16> -> vector<16xf32>
        %unpack3A_552 = tpu.unpack_subelements %get3A_550, 1 {pack_format = #tpu.pack_format<interleaved>} : vector<32xbf16> -> vector<16xf32>
        %add3A_553 = arith.addf %unpack3A_544, %unpack3A_551 : vector<16xf32>
        %add3A_554 = arith.addf %unpack3A_545, %unpack3A_552 : vector<16xf32>
        %add3A_555 = arith.constant 2 : i32
        %add3A_556 = arith.addi %mul3A_361, %add3A_555 : i32
        %get3A_557 = arith.index_cast %add3A_556 : i32 to index
        %get3A_558 = arith.constant 32 : index
        %get3A_559 = tpu.vector_load %arg9[%get3A_557, %get3A_558] {strides = array<i32>} : memref<640x64xbf16, #tpu.memory_space<vmem>>, vector<32xbf16>,
        %unpack3A_560 = tpu.unpack_subelements %get3A_559, 0 {pack_format = #tpu.pack_format<interleaved>} : vector<32xbf16> -> vector<16xf32>
        %unpack3A_561 = tpu.unpack_subelements %get3A_559, 1 {pack_format = #tpu.pack_format<interleaved>} : vector<32xbf16> -> vector<16xf32>
        %add3A_562 = arith.addf %add3A_553, %unpack3A_560 : vector<16xf32>
        %add3A_563 = arith.addf %add3A_554, %unpack3A_561 : vector<16xf32>
        %add3A_564 = arith.constant 3 : i32
        %add3A_565 = arith.addi %mul3A_361, %add3A_564 : i32
        %get3A_566 = arith.index_cast %add3A_565 : i32 to index
        %get3A_567 = arith.constant 32 : index
        %get3A_568 = tpu.vector_load %arg9[%get3A_566, %get3A_567] {strides = array<i32>} : memref<640x64xbf16, #tpu.memory_space<vmem>>, vector<32xbf16>,
        %unpack3A_569 = tpu.unpack_subelements %get3A_568, 0 {pack_format = #tpu.pack_format<interleaved>} : vector<32xbf16> -> vector<16xf32>
        %unpack3A_570 = tpu.unpack_subelements %get3A_568, 1 {pack_format = #tpu.pack_format<interleaved>} : vector<32xbf16> -> vector<16xf32>
        %add3A_571 = arith.addf %add3A_562, %unpack3A_569 : vector<16xf32>
        %add3A_572 = arith.addf %add3A_563, %unpack3A_570 : vector<16xf32>
        %add3A_573 = arith.constant 4 : i32
        %add3A_574 = arith.addi %mul3A_361, %add3A_573 : i32
        %get3A_575 = arith.index_cast %add3A_574 : i32 to index
        %get3A_576 = arith.constant 32 : index
        %get3A_577 = tpu.vector_load %arg9[%get3A_575, %get3A_576] {strides = array<i32>} : memref<640x64xbf16, #tpu.memory_space<vmem>>, vector<32xbf16>,
        %unpack3A_578 = tpu.unpack_subelements %get3A_577, 0 {pack_format = #tpu.pack_format<interleaved>} : vector<32xbf16> -> vector<16xf32>
        %unpack3A_579 = tpu.unpack_subelements %get3A_577, 1 {pack_format = #tpu.pack_format<interleaved>} : vector<32xbf16> -> vector<16xf32>
        %add3A_580 = arith.addf %add3A_571, %unpack3A_578 : vector<16xf32>
        %add3A_581 = arith.addf %add3A_572, %unpack3A_579 : vector<16xf32>
        %add3A_582 = arith.constant 5 : i32
        %add3A_583 = arith.addi %mul3A_361, %add3A_582 : i32
        %get3A_584 = arith.index_cast %add3A_583 : i32 to index
        %get3A_585 = arith.constant 32 : index
        %get3A_586 = tpu.vector_load %arg9[%get3A_584, %get3A_585] {strides = array<i32>} : memref<640x64xbf16, #tpu.memory_space<vmem>>, vector<32xbf16>,
        %unpack3A_587 = tpu.unpack_subelements %get3A_586, 0 {pack_format = #tpu.pack_format<interleaved>} : vector<32xbf16> -> vector<16xf32>
        %unpack3A_588 = tpu.unpack_subelements %get3A_586, 1 {pack_format = #tpu.pack_format<interleaved>} : vector<32xbf16> -> vector<16xf32>
        %add3A_589 = arith.addf %add3A_580, %unpack3A_587 : vector<16xf32>
        %add3A_590 = arith.addf %add3A_581, %unpack3A_588 : vector<16xf32>
        %add3A_591 = arith.constant 6 : i32
        %add3A_592 = arith.addi %mul3A_361, %add3A_591 : i32
        %get3A_593 = arith.index_cast %add3A_592 : i32 to index
        %get3A_594 = arith.constant 32 : index
        %get3A_595 = tpu.vector_load %arg9[%get3A_593, %get3A_594] {strides = array<i32>} : memref<640x64xbf16, #tpu.memory_space<vmem>>, vector<32xbf16>,
        %unpack3A_596 = tpu.unpack_subelements %get3A_595, 0 {pack_format = #tpu.pack_format<interleaved>} : vector<32xbf16> -> vector<16xf32>
        %unpack3A_597 = tpu.unpack_subelements %get3A_595, 1 {pack_format = #tpu.pack_format<interleaved>} : vector<32xbf16> -> vector<16xf32>
        %add3A_598 = arith.addf %add3A_589, %unpack3A_596 : vector<16xf32>
        %add3A_599 = arith.addf %add3A_590, %unpack3A_597 : vector<16xf32>
        %add3A_600 = arith.constant 7 : i32
        %add3A_601 = arith.addi %mul3A_361, %add3A_600 : i32
        %get3A_602 = arith.index_cast %add3A_601 : i32 to index
        %get3A_603 = arith.constant 32 : index
        %get3A_604 = tpu.vector_load %arg9[%get3A_602, %get3A_603] {strides = array<i32>} : memref<640x64xbf16, #tpu.memory_space<vmem>>, vector<32xbf16>,
        %unpack3A_605 = tpu.unpack_subelements %get3A_604, 0 {pack_format = #tpu.pack_format<interleaved>} : vector<32xbf16> -> vector<16xf32>
        %unpack3A_606 = tpu.unpack_subelements %get3A_604, 1 {pack_format = #tpu.pack_format<interleaved>} : vector<32xbf16> -> vector<16xf32>
        %add3A_607 = arith.addf %add3A_598, %unpack3A_605 : vector<16xf32>
        %add3A_608 = arith.addf %add3A_599, %unpack3A_606 : vector<16xf32>
        %add3A_609 = arith.constant 8 : i32
        %add3A_610 = arith.addi %mul3A_361, %add3A_609 : i32
        %get3A_611 = arith.index_cast %add3A_610 : i32 to index
        %get3A_612 = arith.constant 32 : index
        %get3A_613 = tpu.vector_load %arg9[%get3A_611, %get3A_612] {strides = array<i32>} : memref<640x64xbf16, #tpu.memory_space<vmem>>, vector<32xbf16>,
        %unpack3A_614 = tpu.unpack_subelements %get3A_613, 0 {pack_format = #tpu.pack_format<interleaved>} : vector<32xbf16> -> vector<16xf32>
        %unpack3A_615 = tpu.unpack_subelements %get3A_613, 1 {pack_format = #tpu.pack_format<interleaved>} : vector<32xbf16> -> vector<16xf32>
        %add3A_616 = arith.addf %add3A_607, %unpack3A_614 : vector<16xf32>
        %add3A_617 = arith.addf %add3A_608, %unpack3A_615 : vector<16xf32>
        %add3A_618 = arith.constant 9 : i32
        %add3A_619 = arith.addi %mul3A_361, %add3A_618 : i32
        %get3A_620 = arith.index_cast %add3A_619 : i32 to index
        %get3A_621 = arith.constant 32 : index
        %get3A_622 = tpu.vector_load %arg9[%get3A_620, %get3A_621] {strides = array<i32>} : memref<640x64xbf16, #tpu.memory_space<vmem>>, vector<32xbf16>,
        %unpack3A_623 = tpu.unpack_subelements %get3A_622, 0 {pack_format = #tpu.pack_format<interleaved>} : vector<32xbf16> -> vector<16xf32>
        %unpack3A_624 = tpu.unpack_subelements %get3A_622, 1 {pack_format = #tpu.pack_format<interleaved>} : vector<32xbf16> -> vector<16xf32>
        %add3A_625 = arith.addf %add3A_616, %unpack3A_623 : vector<16xf32>
        %add3A_626 = arith.addf %add3A_617, %unpack3A_624 : vector<16xf32>
        %add3A_627 = arith.constant 10 : i32
        %add3A_628 = arith.addi %mul3A_361, %add3A_627 : i32
        %get3A_629 = arith.index_cast %add3A_628 : i32 to index
        %get3A_630 = arith.constant 32 : index
        %get3A_631 = tpu.vector_load %arg9[%get3A_629, %get3A_630] {strides = array<i32>} : memref<640x64xbf16, #tpu.memory_space<vmem>>, vector<32xbf16>,
        %unpack3A_632 = tpu.unpack_subelements %get3A_631, 0 {pack_format = #tpu.pack_format<interleaved>} : vector<32xbf16> -> vector<16xf32>
        %unpack3A_633 = tpu.unpack_subelements %get3A_631, 1 {pack_format = #tpu.pack_format<interleaved>} : vector<32xbf16> -> vector<16xf32>
        %add3A_634 = arith.addf %add3A_625, %unpack3A_632 : vector<16xf32>
        %add3A_635 = arith.addf %add3A_626, %unpack3A_633 : vector<16xf32>
        %add3A_636 = arith.constant 11 : i32
        %add3A_637 = arith.addi %mul3A_361, %add3A_636 : i32
        %get3A_638 = arith.index_cast %add3A_637 : i32 to index
        %get3A_639 = arith.constant 32 : index
        %get3A_640 = tpu.vector_load %arg9[%get3A_638, %get3A_639] {strides = array<i32>} : memref<640x64xbf16, #tpu.memory_space<vmem>>, vector<32xbf16>,
        %unpack3A_641 = tpu.unpack_subelements %get3A_640, 0 {pack_format = #tpu.pack_format<interleaved>} : vector<32xbf16> -> vector<16xf32>
        %unpack3A_642 = tpu.unpack_subelements %get3A_640, 1 {pack_format = #tpu.pack_format<interleaved>} : vector<32xbf16> -> vector<16xf32>
        %add3A_643 = arith.addf %add3A_634, %unpack3A_641 : vector<16xf32>
        %add3A_644 = arith.addf %add3A_635, %unpack3A_642 : vector<16xf32>
        %add3A_645 = arith.constant 12 : i32
        %add3A_646 = arith.addi %mul3A_361, %add3A_645 : i32
        %get3A_647 = arith.index_cast %add3A_646 : i32 to index
        %get3A_648 = arith.constant 32 : index
        %get3A_649 = tpu.vector_load %arg9[%get3A_647, %get3A_648] {strides = array<i32>} : memref<640x64xbf16, #tpu.memory_space<vmem>>, vector<32xbf16>,
        %unpack3A_650 = tpu.unpack_subelements %get3A_649, 0 {pack_format = #tpu.pack_format<interleaved>} : vector<32xbf16> -> vector<16xf32>
        %unpack3A_651 = tpu.unpack_subelements %get3A_649, 1 {pack_format = #tpu.pack_format<interleaved>} : vector<32xbf16> -> vector<16xf32>
        %add3A_652 = arith.addf %add3A_643, %unpack3A_650 : vector<16xf32>
        %add3A_653 = arith.addf %add3A_644, %unpack3A_651 : vector<16xf32>
        %add3A_654 = arith.constant 13 : i32
        %add3A_655 = arith.addi %mul3A_361, %add3A_654 : i32
        %get3A_656 = arith.index_cast %add3A_655 : i32 to index
        %get3A_657 = arith.constant 32 : index
        %get3A_658 = tpu.vector_load %arg9[%get3A_656, %get3A_657] {strides = array<i32>} : memref<640x64xbf16, #tpu.memory_space<vmem>>, vector<32xbf16>,
        %unpack3A_659 = tpu.unpack_subelements %get3A_658, 0 {pack_format = #tpu.pack_format<interleaved>} : vector<32xbf16> -> vector<16xf32>
        %unpack3A_660 = tpu.unpack_subelements %get3A_658, 1 {pack_format = #tpu.pack_format<interleaved>} : vector<32xbf16> -> vector<16xf32>
        %add3A_661 = arith.addf %add3A_652, %unpack3A_659 : vector<16xf32>
        %add3A_662 = arith.addf %add3A_653, %unpack3A_660 : vector<16xf32>
        %add3A_663 = arith.constant 14 : i32
        %add3A_664 = arith.addi %mul3A_361, %add3A_663 : i32
        %get3A_665 = arith.index_cast %add3A_664 : i32 to index
        %get3A_666 = arith.constant 32 : index
        %get3A_667 = tpu.vector_load %arg9[%get3A_665, %get3A_666] {strides = array<i32>} : memref<640x64xbf16, #tpu.memory_space<vmem>>, vector<32xbf16>,
        %unpack3A_668 = tpu.unpack_subelements %get3A_667, 0 {pack_format = #tpu.pack_format<interleaved>} : vector<32xbf16> -> vector<16xf32>
        %unpack3A_669 = tpu.unpack_subelements %get3A_667, 1 {pack_format = #tpu.pack_format<interleaved>} : vector<32xbf16> -> vector<16xf32>
        %add3A_670 = arith.addf %add3A_661, %unpack3A_668 : vector<16xf32>
        %add3A_671 = arith.addf %add3A_662, %unpack3A_669 : vector<16xf32>
        %add3A_672 = arith.constant 15 : i32
        %add3A_673 = arith.addi %mul3A_361, %add3A_672 : i32
        %get3A_674 = arith.index_cast %add3A_673 : i32 to index
        %get3A_675 = arith.constant 32 : index
        %get3A_676 = tpu.vector_load %arg9[%get3A_674, %get3A_675] {strides = array<i32>} : memref<640x64xbf16, #tpu.memory_space<vmem>>, vector<32xbf16>,
        %unpack3A_677 = tpu.unpack_subelements %get3A_676, 0 {pack_format = #tpu.pack_format<interleaved>} : vector<32xbf16> -> vector<16xf32>
        %unpack3A_678 = tpu.unpack_subelements %get3A_676, 1 {pack_format = #tpu.pack_format<interleaved>} : vector<32xbf16> -> vector<16xf32>
        %add3A_679 = arith.addf %add3A_670, %unpack3A_677 : vector<16xf32>
        %add3A_680 = arith.addf %add3A_671, %unpack3A_678 : vector<16xf32>
        %add3A_681 = arith.constant 16 : i32
        %add3A_682 = arith.addi %mul3A_361, %add3A_681 : i32
        %get3A_683 = arith.index_cast %add3A_682 : i32 to index
        %get3A_684 = arith.constant 32 : index
        %get3A_685 = tpu.vector_load %arg9[%get3A_683, %get3A_684] {strides = array<i32>} : memref<640x64xbf16, #tpu.memory_space<vmem>>, vector<32xbf16>,
        %unpack3A_686 = tpu.unpack_subelements %get3A_685, 0 {pack_format = #tpu.pack_format<interleaved>} : vector<32xbf16> -> vector<16xf32>
        %unpack3A_687 = tpu.unpack_subelements %get3A_685, 1 {pack_format = #tpu.pack_format<interleaved>} : vector<32xbf16> -> vector<16xf32>
        %add3A_688 = arith.addf %add3A_679, %unpack3A_686 : vector<16xf32>
        %add3A_689 = arith.addf %add3A_680, %unpack3A_687 : vector<16xf32>
        %add3A_690 = arith.constant 17 : i32
        %add3A_691 = arith.addi %mul3A_361, %add3A_690 : i32
        %get3A_692 = arith.index_cast %add3A_691 : i32 to index
        %get3A_693 = arith.constant 32 : index
        %get3A_694 = tpu.vector_load %arg9[%get3A_692, %get3A_693] {strides = array<i32>} : memref<640x64xbf16, #tpu.memory_space<vmem>>, vector<32xbf16>,
        %unpack3A_695 = tpu.unpack_subelements %get3A_694, 0 {pack_format = #tpu.pack_format<interleaved>} : vector<32xbf16> -> vector<16xf32>
        %unpack3A_696 = tpu.unpack_subelements %get3A_694, 1 {pack_format = #tpu.pack_format<interleaved>} : vector<32xbf16> -> vector<16xf32>
        %add3A_697 = arith.addf %add3A_688, %unpack3A_695 : vector<16xf32>
        %add3A_698 = arith.addf %add3A_689, %unpack3A_696 : vector<16xf32>
        %add3A_699 = arith.constant 18 : i32
        %add3A_700 = arith.addi %mul3A_361, %add3A_699 : i32
        %get3A_701 = arith.index_cast %add3A_700 : i32 to index
        %get3A_702 = arith.constant 32 : index
        %get3A_703 = tpu.vector_load %arg9[%get3A_701, %get3A_702] {strides = array<i32>} : memref<640x64xbf16, #tpu.memory_space<vmem>>, vector<32xbf16>,
        %unpack3A_704 = tpu.unpack_subelements %get3A_703, 0 {pack_format = #tpu.pack_format<interleaved>} : vector<32xbf16> -> vector<16xf32>
        %unpack3A_705 = tpu.unpack_subelements %get3A_703, 1 {pack_format = #tpu.pack_format<interleaved>} : vector<32xbf16> -> vector<16xf32>
        %add3A_706 = arith.addf %add3A_697, %unpack3A_704 : vector<16xf32>
        %add3A_707 = arith.addf %add3A_698, %unpack3A_705 : vector<16xf32>
        %add3A_708 = arith.constant 19 : i32
        %add3A_709 = arith.addi %mul3A_361, %add3A_708 : i32
        %get3A_710 = arith.index_cast %add3A_709 : i32 to index
        %get3A_711 = arith.constant 32 : index
        %get3A_712 = tpu.vector_load %arg9[%get3A_710, %get3A_711] {strides = array<i32>} : memref<640x64xbf16, #tpu.memory_space<vmem>>, vector<32xbf16>,
        %unpack3A_713 = tpu.unpack_subelements %get3A_712, 0 {pack_format = #tpu.pack_format<interleaved>} : vector<32xbf16> -> vector<16xf32>
        %unpack3A_714 = tpu.unpack_subelements %get3A_712, 1 {pack_format = #tpu.pack_format<interleaved>} : vector<32xbf16> -> vector<16xf32>
        %add3A_715 = arith.addf %add3A_706, %unpack3A_713 : vector<16xf32>
        %add3A_716 = arith.addf %add3A_707, %unpack3A_714 : vector<16xf32>
        %swap3A_717 = arith.index_cast %add3A_359 : i32 to index
        %swap3A_718 = arith.constant 96 : index
        %swap3A_719 = tpu.vector_load %arg10[%swap3A_717, %swap3A_718] {strides = array<i32>} : memref<32x128xf32, #tpu.memory_space<vmem>>, vector<16xf32>,
        tpu.vector_store %arg10[%swap3A_717, %swap3A_718], %add3A_715 {strides = array<i32>} : memref<32x128xf32, #tpu.memory_space<vmem>>, vector<16xf32>,
        %swap3A_720 = arith.index_cast %add3A_359 : i32 to index
        %swap3A_721 = arith.constant 112 : index
        %swap3A_722 = tpu.vector_load %arg10[%swap3A_720, %swap3A_721] {strides = array<i32>} : memref<32x128xf32, #tpu.memory_space<vmem>>, vector<16xf32>,
        tpu.vector_store %arg10[%swap3A_720, %swap3A_721], %add3A_716 {strides = array<i32>} : memref<32x128xf32, #tpu.memory_space<vmem>>, vector<16xf32>,
      }
      %scan3A_352 = arith.constant 32 : i32
      %mul3A_353 = arith.constant 32 : i32
      %mul3A_354 = arith.muli %add3A_154, %mul3A_353 : i32
      "tpu.region"() ({
        %run_scoped3A = tpu.sem_alloc : memref<!tpu.dma_semaphore, #tpu.memory_space<semaphore_mem>>
        %dma_start3A_355 = arith.constant 0 : i32
        %dma_start3A_356 = tpu.memref_slice %arg5[%mul3A_354, %dma_start3A_355] : memref<8192x128xf32, #tpu.memory_space<hbm>> -> memref<32x128xf32, #tpu.memory_space<hbm>>
        %dma_start3A_357 = arith.constant 0 : i32
        %dma_start3A_358 = tpu.memref_slice %arg5[%mul3A_354, %dma_start3A_357] : memref<8192x128xf32, #tpu.memory_space<hbm>> -> memref<32x128xf32, #tpu.memory_space<hbm>>
        tpu.enqueue_dma source(%arg10 : memref<32x128xf32, #tpu.memory_space<vmem>>) target(%dma_start3A_358 : memref<32x128xf32, #tpu.memory_space<hbm>>) target_semaphore(%run_scoped3A : memref<!tpu.dma_semaphore, #tpu.memory_space<semaphore_mem>>)
        %dma_wait3A_359 = arith.constant 0 : i32
        %dma_wait3A_360 = tpu.memref_slice %arg5[%mul3A_354, %dma_wait3A_359] : memref<8192x128xf32, #tpu.memory_space<hbm>> -> memref<32x128xf32, #tpu.memory_space<hbm>>
        %dma_wait3A_361 = arith.constant 0 : i32
        %dma_wait3A_362 = tpu.memref_slice %arg5[%mul3A_354, %dma_wait3A_361] : memref<8192x128xf32, #tpu.memory_space<hbm>> -> memref<32x128xf32, #tpu.memory_space<hbm>>
        tpu.wait_dma2 semaphore(%run_scoped3A : memref<!tpu.dma_semaphore, #tpu.memory_space<semaphore_mem>>) src(%arg10 : memref<32x128xf32, #tpu.memory_space<vmem>>) dst(%dma_wait3A_362 : memref<32x128xf32, #tpu.memory_space<hbm>>)
        tpu.yield
      }) : () -> ()
    }
    %scan3A_148 = arith.constant 8 : i32
    return
  }
}

module attributes {stable_mosaic.version = 14 : i64} {
  func.func @_mlp_body(%arg0: i32, %arg1: memref<1024x128xf32, #tpu.memory_space<vmem>>, %arg2: memref<128x128xf32, #tpu.memory_space<vmem>>, %arg3: memref<1x128xf32, #tpu.memory_space<vmem>>, %arg4: memref<1x128xf32, #tpu.memory_space<vmem>>, %arg5: memref<1x1xf32, #tpu.memory_space<vmem>>, %arg6: memref<1024x1xf32, #tpu.memory_space<vmem>>) attributes {dimension_semantics = [#tpu.dimension_semantics<arbitrary>], iteration_bounds = array<i64: 8>, scalar_prefetch = 0 : i64, scratch_operands = 0 : i64, tpu.core_type = #tpu.core_type<tc>, window_params = [{transform_indices = @transform_0, window_bounds = array<i64: 1024, 128>}, {pipeline_mode = #tpu.pipeline_mode<synchronous>, transform_indices = @transform_1, window_bounds = array<i64: 128, 128>}, {pipeline_mode = #tpu.pipeline_mode<synchronous>, transform_indices = @transform_2, window_bounds = array<i64: 1, 128>}, {pipeline_mode = #tpu.pipeline_mode<synchronous>, transform_indices = @transform_3, window_bounds = array<i64: 1, 128>}, {pipeline_mode = #tpu.pipeline_mode<synchronous>, transform_indices = @transform_4, window_bounds = array<i64: 1, 1>}, {transform_indices = @transform_5, window_bounds = array<i64: 1024, 1>}]} {
    %get3A = arith.constant 0 : index
    %get3A_0 = arith.constant 0 : index
    %get3A_1 = vector.load %arg1[%get3A, %get3A_0] : memref<1024x128xf32, #tpu.memory_space<vmem>>, vector<1024x128xf32>
    %get3A_2 = arith.constant 0 : index
    %get3A_3 = arith.constant 0 : index
    %get3A_4 = vector.load %arg2[%get3A_2, %get3A_3] : memref<128x128xf32, #tpu.memory_space<vmem>>, vector<128x128xf32>
    %dot_general3A = arith.constant dense<0.000000e+00> : vector<1024x128xf32>
    %dot_general3A_5 = tpu.matmul %get3A_1, %get3A_4, %dot_general3A {dimension_numbers = #tpu.dot_dimension_numbers<[1], [0], [0], [1], [0, 0, 1, 1], [], []>, transpose_lhs_hint = false} : vector<1024x128xf32>, vector<128x128xf32>, vector<1024x128xf32> -> vector<1024x128xf32>
    %get3A_6 = arith.constant 0 : index
    %get3A_7 = arith.constant 0 : index
    %get3A_8 = vector.load %arg3[%get3A_6, %get3A_7] : memref<1x128xf32, #tpu.memory_space<vmem>>, vector<1x128xf32>
    %add3A = vector.broadcast %get3A_8 : vector<1x128xf32> to vector<1024x128xf32>
    %add3A_9 = arith.addf %dot_general3A_5, %add3A : vector<1024x128xf32>
    %max3A = arith.constant 0.000000e+00 : f32
    %max3A_10 = vector.broadcast %max3A : f32 to vector<1024x128xf32>
    %max3A_11 = arith.maximumf %add3A_9, %max3A_10 : vector<1024x128xf32>
    %get3A_12 = arith.constant 0 : index
    %get3A_13 = arith.constant 0 : index
    %get3A_14 = vector.load %arg4[%get3A_12, %get3A_13] : memref<1x128xf32, #tpu.memory_space<vmem>>, vector<1x128xf32>
    %mul3A = vector.broadcast %get3A_14 : vector<1x128xf32> to vector<1024x128xf32>
    %mul3A_15 = arith.mulf %max3A_11, %mul3A : vector<1024x128xf32>
    %reduce_sum3A = arith.constant dense<0.000000e+00> : vector<1024xf32>
    %reduce_sum3A_16 = vector.multi_reduction <add>, %mul3A_15, %reduce_sum3A [1] : vector<1024x128xf32> to vector<1024xf32>
    %broadcast_in_dim3A = vector.shape_cast %reduce_sum3A_16 : vector<1024xf32> to vector<1024x1xf32>
    %get3A_17 = arith.constant 0 : index
    %get3A_18 = arith.constant 0 : index
    %get3A_19 = vector.load %arg5[%get3A_17, %get3A_18] : memref<1x1xf32, #tpu.memory_space<vmem>>, vector<1x1xf32>
    %add3A_20 = vector.broadcast %get3A_19 : vector<1x1xf32> to vector<1024x1xf32>
    %add3A_21 = arith.addf %broadcast_in_dim3A, %add3A_20 : vector<1024x1xf32>
    %neg3A = arith.constant 0.000000e+00 : f32
    %neg3A_22 = vector.broadcast %neg3A : f32 to vector<1024x1xf32>
    %neg3A_23 = arith.subf %neg3A_22, %add3A_21 : vector<1024x1xf32>
    %exp3A = math.exp %neg3A_23 : vector<1024x1xf32>
    %add3A_24 = arith.constant 1.000000e+00 : f32
    %add3A_25 = vector.broadcast %add3A_24 : f32 to vector<1024x1xf32>
    %add3A_26 = arith.addf %add3A_25, %exp3A : vector<1024x1xf32>
    %div3A = arith.constant 1.000000e+00 : f32
    %div3A_27 = vector.broadcast %div3A : f32 to vector<1024x1xf32>
    %div3A_28 = arith.divf %div3A_27, %add3A_26 : vector<1024x1xf32>
    %swap3A = arith.constant 0 : index
    %swap3A_29 = arith.constant 0 : index
    %swap3A_30 = vector.load %arg6[%swap3A, %swap3A_29] : memref<1024x1xf32, #tpu.memory_space<vmem>>, vector<1024x1xf32>
    tpu.vector_store %arg6[%swap3A, %swap3A_29], %div3A_28 {strides = array<i32>} : memref<1024x1xf32, #tpu.memory_space<vmem>>, vector<1024x1xf32>,
    return
  }
  func.func @transform_0(%arg0: i32) -> (i32, i32) {
    %c0_i32 = arith.constant 0 : i32
    %c0_i32_0 = arith.constant 0 : i32
    return %arg0, %c0_i32 : i32, i32
  }
  func.func @transform_1(%arg0: i32) -> (i32, i32) {
    %c0_i32 = arith.constant 0 : i32
    %c0_i32_0 = arith.constant 0 : i32
    %c0_i32_1 = arith.constant 0 : i32
    return %c0_i32, %c0_i32_0 : i32, i32
  }
  func.func @transform_2(%arg0: i32) -> (i32, i32) {
    %c0_i32 = arith.constant 0 : i32
    %c0_i32_0 = arith.constant 0 : i32
    %c0_i32_1 = arith.constant 0 : i32
    return %c0_i32, %c0_i32_0 : i32, i32
  }
  func.func @transform_3(%arg0: i32) -> (i32, i32) {
    %c0_i32 = arith.constant 0 : i32
    %c0_i32_0 = arith.constant 0 : i32
    %c0_i32_1 = arith.constant 0 : i32
    return %c0_i32, %c0_i32_0 : i32, i32
  }
  func.func @transform_4(%arg0: i32) -> (i32, i32) {
    %c0_i32 = arith.constant 0 : i32
    %c0_i32_0 = arith.constant 0 : i32
    %c0_i32_1 = arith.constant 0 : i32
    return %c0_i32, %c0_i32_0 : i32, i32
  }
  func.func @transform_5(%arg0: i32) -> (i32, i32) {
    %c0_i32 = arith.constant 0 : i32
    %c0_i32_0 = arith.constant 0 : i32
    return %arg0, %c0_i32 : i32, i32
  }
}

</mosaic_0001>

<sc_bundles>
// kernel: kernel.6.cloned.1.call-start
scs
__scs_entry_jumppad:
0x0: {  	(pc) =	sbr.rel $0x88, $3  }
0x1: {  	(tag) =	ssettag $0x0;
	lr =	simm.s32 $0x1  }
0x2: {  	[smem:$0x3F9A] =	sst lr;
	_ =	strace $0xD0000000  }
0x3: {  	_ = 	snop  }
0x4: {  	_ = 	snop  }
0x5: {  	_ = 	snop  }
0x6: {  	_ = 	snop  }
0x7: {  	_ = 	snop  }
__scs_overlays_trampoline_lowered:
0x8: {  	[smem:$0x3FA9] =	sst s0  }
0x9: {  	[smem:$0x3FAA] =	sst s1  }
0xa: {  	[smem:$0x3FAB] =	sst s2  }
0xb: {  	[smem:$0x3FAC] =	sst s3  }
0xc: {  	[smem:$0x3FAD] =	sst s4  }
0xd: {  	[smem:$0x3FAE] =	sst s5  }
0xe: {  	[smem:$0x3FAF] =	sst s6  }
0xf: {  	[smem:$0x3FB0] =	sst s7  }
0x10: {  	[smem:$0x3FB1] =	sst s8  }
0x11: {  	[smem:$0x3FB2] =	sst s9;
	s0 =	simm.s32 @!p0 $0x0  }
0x12: {  	s1 =	sld [smem:$0x3F98];
	s0 =	simm.s32 @p0 $0x1  }
0x13: {  	[smem:$0x3FB3] =	sst s0;
	s0 =	simm.s32 @!p1 $0x0  }
0x14: {  	s2 =	sld [smem:$0x3F97];
	s0 =	simm.s32 @p1 $0x1  }
0x15: {  	[smem:$0x3FB4] =	sst s0;
	s0 =	simm.s32 @!p2 $0x0  }
0x16: {  	s3 =	sld [smem:$0x3FDB];
	s0 =	simm.s32 @p2 $0x1  }
0x17: {  	s4 =	simm.s32 $0x1BF5;
	[smem:$0x3FB6] =	sst s0  }
0x18: {  	s0 =	sld [smem:$0x3F99];
	_ =	swait.ge [sflag:s4], $0x0  }
0x19: {  	s7 =	sld [smem:$0x3F9A]  }
0x1a: {  	s8 =	sadd.s32 $0xFFFFE003, lr  }
0x1b: {  	s9 =	sadd.s32 $0xFFFFFEF7, lr;
	s5 =	simm.s32 $0xFFFFFFFF;
	p2 =	slt.u32 s8, $0xFFFFF086  }
0x1c: {  	p1 =	slt.u32 s9, $0xF7A;
	s5 =	simm.s32 @!p2 $0x0  }
0x1d: {  	s5 =	simm.s32 @p1 $0x1;
	p0 =	seq.s32 s7, s2  }
0x1e: {  	s7 =	smul.u32 @!p0 $0xF7A, s2;
	p2 =	seq.s32 @!p0 s5, $0x0  }
0x1f: {  	s9 =	smul.u32 $0xF7A, s1;
	s8 =	simm.s32 @!p0 $0x1BF5;
	p2 =	por !p2, p0  }
0x20: {  	[sflag:s8] =	ssyncset.s32 @!p0 $0xFFFFF086;
	s6 =	sadd.s32 @!p0 s3, s7;
	s7 =	simm.s32 @!p0 $0x108  }
0x21: {  	s3 =	sadd.s32 s3, s9;
	s6 =	sadd.s32 @!p0 $0x88, s6;
	s7 =	simm.s32 @p2 $0x1082  }
0x22: {  	[simem:s7], [sflag:s8] =	dma.local @!p0 [hbm:s6], $0xF7A  }
0x23: {  	s9 =	sor.u32 $0xD0000000, s2;
	s6 =	simm.s32 $0x108;
	_ =	swait.ge @!p0 [sflag:s8], $0x0  }
0x24: {  	s3 =	sadd.s32 $0x88, s3;
	s6 =	simm.s32 @!p1 $0x1082;
	[sflag:s4] =	ssyncset.s32 $0xFFFFF086  }
0x25: {  	[simem:s6], [sflag:s4] =	dma.local [hbm:s3], $0xF7A  }
0x26: {  	[smem:$0x3F9A] =	sst s1;
	(tag) =	ssettag s2;
	_ =	strace s9  }
0x27: {  	s1 =	sld [smem:$0x3FAA]  }
0x28: {  	s2 =	sld [smem:$0x3FAB]  }
0x29: {  	s4 =	sld [smem:$0x3FAD]  }
0x2a: {  	p0 =	seq.s32 s5, $0x0;
	s5 =	sld [smem:$0x3FAE]  }
0x2b: {  	s6 =	sld [smem:$0x3FAF]  }
0x2c: {  	s7 =	sld [smem:$0x3FB0]  }
0x2d: {  	s3 =	simm.s32 $0x108;
	s8 =	sld [smem:$0x3FB1]  }
0x2e: {  	s3 =	simm.s32 @!p0 $0x1082;
	s9 =	sld [smem:$0x3FB2]  }
0x2f: {  	lr =	sadd.s32 s0, s3;
	s0 =	sld [smem:$0x3FA9]  }
0x30: {  	s3 =	sld [smem:$0x3FAC]  }
0x31: {  	[smem:$0x3FB5] =	sst s10  }
0x32: {  	s10 =	sld [smem:$0x3FB3];
	_ =	sdelay $0x3  }
0x33: {  	p0 =	seq.s32 s10, $0x1;
	s10 =	sld [smem:$0x3FB5];
	_ =	sdelay $0x3  }
0x34: {  	[smem:$0x3FB5] =	sst s10  }
0x35: {  	s10 =	sld [smem:$0x3FB4];
	_ =	sdelay $0x3  }
0x36: {  	p1 =	seq.s32 s10, $0x1;
	s10 =	sld [smem:$0x3FB5];
	_ =	sdelay $0x3  }
0x37: {  	[smem:$0x3FB5] =	sst s10  }
0x38: {  	s10 =	sld [smem:$0x3FB6]  }
0x39: {  	_ = 	snop;
	(pc) =	sbr.ind lr, $3  }
0x3a: {  	_ = 	snop  }
0x3b: {  	_ = 	snop  }
0x3c: {  	p2 =	seq.s32 s10, $0x1;
	s10 =	sld [smem:$0x3FB5]  }
0x3d: {  	_ =	shalt  }
0x3e: {  	_ =	shalt  }
0x3f: {  	_ =	shalt  }
0x40: {  	_ =	shalt  }
0x41: {  	_ =	shalt  }
0x42: {  	_ =	shalt  }
0x43: {  	_ =	shalt  }
0x44: {  	_ =	shalt  }
0x45: {  	_ =	shalt  }
0x46: {  	_ =	shalt  }
0x47: {  	_ =	shalt  }
0x48: {  	_ =	shalt  }
0x49: {  	_ =	shalt  }
0x4a: {  	_ =	shalt  }
0x4b: {  	_ =	shalt  }
0x4c: {  	_ =	shalt  }
0x4d: {  	_ =	shalt  }
0x4e: {  	_ =	shalt  }
0x4f: {  	_ =	shalt  }
0x50: {  	_ =	shalt  }
0x51: {  	_ =	shalt  }
0x52: {  	_ =	shalt  }
0x53: {  	_ =	shalt  }
0x54: {  	_ =	shalt  }
0x55: {  	_ =	shalt  }
0x56: {  	_ =	shalt  }
0x57: {  	_ =	shalt  }
0x58: {  	_ =	shalt  }
0x59: {  	_ =	shalt  }
0x5a: {  	_ =	shalt  }
0x5b: {  	_ =	shalt  }
0x5c: {  	_ =	shalt  }
0x5d: {  	_ =	shalt  }
0x5e: {  	_ =	shalt  }
0x5f: {  	_ =	shalt  }
0x60: {  	_ =	shalt  }
0x61: {  	_ =	shalt  }
0x62: {  	_ =	shalt  }
0x63: {  	_ =	shalt  }
0x64: {  	_ =	shalt  }
0x65: {  	_ =	shalt  }
0x66: {  	_ =	shalt  }
0x67: {  	_ =	shalt  }
0x68: {  	_ =	shalt  }
0x69: {  	_ =	shalt  }
0x6a: {  	_ =	shalt  }
0x6b: {  	_ =	shalt  }
0x6c: {  	_ =	shalt  }
0x6d: {  	_ =	shalt  }
0x6e: {  	_ =	shalt  }
0x6f: {  	_ =	shalt  }
0x70: {  	_ =	shalt  }
0x71: {  	_ =	shalt  }
0x72: {  	_ =	shalt  }
0x73: {  	_ =	shalt  }
0x74: {  	_ =	shalt  }
0x75: {  	_ =	shalt  }
0x76: {  	_ =	shalt  }
0x77: {  	_ =	shalt  }
0x78: {  	_ =	shalt  }
0x79: {  	_ =	shalt  }
0x7a: {  	_ =	shalt  }
0x7b: {  	_ =	shalt  }
0x7c: {  	_ =	shalt  }
0x7d: {  	_ =	shalt  }
0x7e: {  	_ =	shalt  }
0x7f: {  	_ =	shalt  }
0x80: {  	_ =	shalt  }
0x81: {  	_ =	shalt  }
0x82: {  	_ =	shalt  }
0x83: {  	_ =	shalt  }
0x84: {  	_ =	shalt  }
0x85: {  	_ =	shalt  }
0x86: {  	_ =	shalt  }
0x87: {  	_ =	shalt  }
.Lfunc_end0:
.L_simem_size_0:
called_computation_lowered:
.L_overlay_start_0:
0x88: {  	s2 =	sld [smem:$0x3FD9]  }
0x89: {  	s3 =	sld [smem:$0x3FFE];
	_ =	sdelay $0x1  }
0x8a: {  	s1 =	srdreg.scid  }
0x8b: {  	s0 =	sand.u32 $0x1, s1  }
0x8c: {  	s16 =	sshll.u32 s0, $0xA;
	s2 =	sadd.s32 s3, s2  }
0x8d: {  	s2 =	sadd.s32 s2, s16  }
0x8e: {  	[smem:$0x3FC1] =	sst s2  }
0x8f: {  	_ = 	snop  }
0x90: {  	(tm) =	ssettm $0x1  }
0x91: {  	s17 =	sld [smem:$0x3FFB];
	_ =	sdelay $0x3  }
0x92: {  	_ =	strace s17  }
0x93: {  	s2 =	sld [smem:$0x3FFC];
	_ =	sdelay $0x3  }
0x94: {  	_ =	strace s2  }
0x95: {  	s2 =	sld [smem:$0x3FFD];
	_ =	sdelay $0x3  }
0x96: {  	_ =	strace s2  }
0x97: {  	_ =	strace $0x8FFFFFFF  }
0x98: {  	s18 =	sld [smem:$0x3FDB];
	_ =	sdelay $0x1  }
0x99: {  	s19 =	simm.s32 $_scs_section_size  }
0x9a: {  	s4 =	simm.s32 $_size__tile_overlayer_lowered;
	s5 =	simm.s32 $_tile_overlayer_lowered  }
0x9b: {  	s22 =	simm.s32 $0x1BFF;
	s21 =	sshll.u32 s5, $0x1;
	s2 =	sadd.s32 s19, s18  }
0x9c: {  	s6 =	simm.s32 $0x0;
	s20 =	sshll.u32 s4, $0x1;
	s4 =	sadd.s32 s21, s2  }
0x9d: {  	[timem:s6], [sflag:s22] =	dma.local [hbm:s4], s20  }
0x9e: {  	_ =	swait.ge [sflag:s22], s20  }
0x9f: {  	s3 =	ssub.s32 $0x0, s20;
	[sflag:s22] =	ssyncset.done $0x0  }
0xa0: {  	[sflag:s22] =	ssyncadd.s32 s3;
	_ =	sdelay $0x1  }
0xa1: {  	s23 =	simm.s32 $0x1B8B  }
0xa2: {  	_ =	swait.ge [sflag:s23], $0x1  }
0xa3: {  	[sflag:s23] =	ssyncset.done $0x0  }
0xa4: {  	s25 =	simm.s32 $0x1B8E;
	s24 =	sld [smem:$0x3FFE];
	[sflag:s23] =	ssyncadd.s32 $0xFFFFFFFF  }
0xa5: {  	s26 =	simm.s32 $execute0_lowered;
	[smem:$0x3FD2] =	sst s25  }
0xa6: {  	s4 =	sshll.u32 s26, $0x1;
	_ =	strace $0x80000046;
	[dreg:$0x1] =	wrdreg $0xFFFFFFFF  }
0xa7: {  	s28 =	simm.s32 $_size_execute0_lowered;
	s2 =	sadd.s32 s2, s4;
	[dreg:$0x0] =	wrdreg $0x0  }
0xa8: {  	s4 =	sshll.u32 s28, $0x1;
	[dreg:$0x2] =	wrdreg s2  }
0xa9: {  	[dreg:$0x3] =	wrdreg s4  }
0xaa: {  	[dreg:$0x4] =	wrdreg $0xC0  }
0xab: {  	_ =	task [dreg:s6], $0x5FFFF  }
0xac: {  	[dreg:$0x1] =	wrdreg $0xFFFFFFFF  }
0xad: {  	[dreg:$0x0] =	wrdreg $0x60  }
0xae: {  	[dreg:$0x2] =	wrdreg s24  }
0xaf: {  	[dreg:$0x3] =	wrdreg $0x9  }
0xb0: {  	_ =	task.clear_ibuf [dreg:s6], $0x4FFFF;
	_ =	strace $0x90000046  }
0xb1: {  	s29 =	simm.s32 $0x9;
	_ =	strace $0x80000048  }
0xb2: {  	_ =	swait.ge [sflag:s29], $0x1  }
0xb3: {  	[sflag:s29] =	ssyncadd.s32 $0xFFFFFFFF  }
0xb4: {  	_ =	strace $0x90000048  }
0xb5: {  	_ =	sfence  }
0xb6: {  	s30 =	sld [smem:$0x0];
	_ =	sdelay $0x2  }
0xb7: {  	s31 =	sshll.u32 s1, $0xD;
	s1 =	sshrl.u32 s1, $0x2  }
0xb8: {  	s3 =	sand.u32 $0x4000, s31;
	s1 =	sadd.s32 s1, s30  }
0xb9: {  	s0 =	sor.u32 s3, s0;
	s1 =	sshll.u32 s1, $0x11  }
0xba: {  	s0 =	sor.u32 s1, s0  }
0xbb: {  	s0 =	sadd.s32 $0x8F2B, s0  }
0xbc: {  	[sflag:s0] =	ssyncadd.remote.s32 $0x1  }
0xbd: {  	_ =	sfence.sel $0xFFFF  }
0xbe: {  	[dreg:$0x0] =	wrdreg $0xFFFFFFFF;
	(pc) =	sbr.abs _section_cstart, $3  }
0xbf: {  	[dreg:$0x1] =	wrdreg $0xFFFFFFFF  }
0xc0: {  	_ =	task.clear_ibuf [dreg:s6], $0x2FFFF;
	_ =	strace $0x9FFFFFFF  }
0xc1: {  	(tm) =	ssettm $0x7FFFFFFF  }
tec
execute0_lowered:
.L_overlay_start_1:
0x0: {  	(tag) =	ssettag $0x1  }
0x1: {  	s0 =	rddreg [dreg:$0x0];
	s2 =	simm.s32 $0x0;
	s1 =	srdreg.scid  }
0x2: {  	s3 =	stileid.u32;
	s16 =	simm.s32 $0x3;
	s17 =	simm.s32 $0x80  }
0x3: {  	s28 =	simm.s32 $0x5A00;
	s29 =	simm.s32 $0x6A00;
	s30 =	simm.s32 $0x7A00  }
0x4: {  	s31 =	simm.s32 $0x8A00;
	s13 =	simm.s32 $0x2;
	s14 =	simm.s32 $0xAA00  }
0x5: {  	s15 =	simm.s32 $0x5;
	s18 =	simm.s32 $0x0;
	s1 =	sand.u32 $0x1, s1  }
0x6: {  	[smem:$0x7FF] =	sst s2;
	s4 =	sshll.u32 s3, $0x4;
	s5 =	sshll.u32 s1, $0x3  }
0x7: {  	s3 =	sadd.s32 $0x1C00, s0;
	s6 =	sadd.s32 $0x63800, s0;
	s4 =	sor.u32 s5, s4  }
0x8: {  	s7 =	sadd.s32 $0x6D800, s0;
	s1 =	ssub.s32 $0x2, s1;
	s9 =	smul.u32 $0x50, s4  }
0x9: {  	_ =	strace $0x80000047;
	s5 =	sadd.s32 $0x68800, s0;
	s8 =	sshrl.u32 s1, $0x1  }
0xa: {  	s0 =	simm.s32 $0x9A00;
	s23 =	ssub.s32 s1, s8;
	s24 =	sadd.s32 s5, s9  }
0xb: {  	s1 =	simm.s32 $0x1;
	s25 =	sadd.s32 s6, s9;
	[dreg:$0x2] =	wrdreg s24  }
0xc: {  	s12 =	smax.u32 s23, $0x1;
	s26 =	sor.u32 $0x50, s9;
	[dreg:$0x3] =	wrdreg s25  }
0xd: {  	s10 =	sadd.s32 s5, s26;
	s11 =	sadd.s32 s6, s26;
	s26 =	simm.s32 $0x4  }
.LBB2_1:
0xe: {  	s8 =	rddreg [dreg:$0x2]  }
0xf: {  	[tilespmem:s2], [sflag:$0x3] =	stream.linear.gather [hbm4b:s8+s2], $0x280, $0x38;
	[tilespmem:$0xBA00] =	vst v63  }
0x10: {  	s23 =	rddreg [dreg:$0x3];
	s9 =	simm.s32 $0x500  }
0x11: {  	[tilespmem:s9], [sflag:$0x4] =	stream.linear.gather [hbm4b:s23+s2], $0x280, $0x38;
	[tilespmem:$0xBA00] =	vst v63  }
0x12: {  	s24 =	simm.s32 $0x280  }
0x13: {  	[tilespmem:s24], [sflag:$0x3] =	stream.linear.gather [hbm4b:s10+s2], $0x280, $0x38;
	[tilespmem:$0xBA00] =	vst v63  }
0x14: {  	s25 =	simm.s32 $0x780  }
0x15: {  	[tilespmem:s25], [sflag:$0x4] =	stream.linear.gather [hbm4b:s11+s2], $0x280, $0x38;
	[tilespmem:$0xBA00] =	vst v63  }
0x16: {  	_ =	swait.ge [sflag:s16], $0x280  }
0x17: {  	[sflag:s16] =	ssyncset.done $0x0  }
0x18: {  	s9 =	simm.s32 $0xA00;
	[sflag:s16] =	ssyncadd.s32 $0xFFFFFD80  }
0x19: {  	[tilespmem:s9], [sflag:$0x1] =	stream.indirect.gather [hbm4b:s3+s17], $0x20, s2, s17, $0xb8;
	[tilespmem:$0xBA00] =	vst v63  }
0x1a: {  	s19 =	simm.s32 $0x1A00  }
0x1b: {  	[tilespmem:s19], [sflag:$0x1] =	stream.indirect.gather [hbm4b:s3+s17], $0x20, s17, s17, $0xb8;
	[tilespmem:$0xBA00] =	vst v63  }
0x1c: {  	s20 =	simm.s32 $0x100;
	s21 =	simm.s32 $0x2A00  }
0x1d: {  	[tilespmem:s21], [sflag:$0x1] =	stream.indirect.gather [hbm4b:s3+s17], $0x20, s20, s17, $0xb8;
	[tilespmem:$0xBA00] =	vst v63  }
0x1e: {  	s22 =	simm.s32 $0x180;
	s23 =	simm.s32 $0x3A00  }
0x1f: {  	[tilespmem:s23], [sflag:$0x1] =	stream.indirect.gather [hbm4b:s3+s17], $0x20, s22, s17, $0xb8;
	[tilespmem:$0xBA00] =	vst v63  }
0x20: {  	s24 =	simm.s32 $0x200;
	s25 =	simm.s32 $0x4A00;
	s19 =	simm.s32 $0x0  }
0x21: {  	[tilespmem:s25], [sflag:$0x1] =	stream.indirect.gather [hbm4b:s3+s17], $0x20, s24, s17, $0xb8;
	[tilespmem:$0xBA00] =	vst v63  }
.LBB2_2:
0x22: {  	s23 =	sand.u32 $0x1, s19  }
0x23: {  	_ =	swait.ge [sflag:s26], $0x280;
	s8 =	smul.u32 $0x280, s23  }
0x24: {  	[sflag:s26] =	ssyncset.done $0x0  }
0x25: {  	[sflag:s26] =	ssyncadd.s32 $0xFFFFFD80;
	s21 =	sadd.s32 $0x500, s8  }
0x26: {  	[tilespmem:s28], [sflag:$0x2] =	stream.indirect.gather [hbm4b:s3+s17], $0x20, s21, s17, $0xb8;
	[tilespmem:$0xBA00] =	vst v63  }
0x27: {  	s9 =	sadd.s32 $0x580, s8  }
0x28: {  	[tilespmem:s29], [sflag:$0x2] =	stream.indirect.gather [hbm4b:s3+s17], $0x20, s9, s17, $0xb8;
	[tilespmem:$0xBA00] =	vst v63  }
0x29: {  	s22 =	sadd.s32 $0x600, s8  }
0x2a: {  	[tilespmem:s30], [sflag:$0x2] =	stream.indirect.gather [hbm4b:s3+s17], $0x20, s22, s17, $0xb8;
	[tilespmem:$0xBA00] =	vst v63  }
0x2b: {  	s24 =	sadd.s32 $0x680, s8  }
0x2c: {  	[tilespmem:s31], [sflag:$0x2] =	stream.indirect.gather [hbm4b:s3+s17], $0x20, s24, s17, $0xb8;
	[tilespmem:$0xBA00] =	vst v63  }
0x2d: {  	s25 =	sadd.s32 $0x700, s8  }
0x2e: {  	[tilespmem:s0], [sflag:$0x2] =	stream.indirect.gather [hbm4b:s3+s17], $0x20, s25, s17, $0xb8;
	[tilespmem:$0xBA00] =	vst v63  }
0x2f: {  	_ =	swait.ge [sflag:s1], $0x1000  }
0x30: {  	[sflag:s1] =	ssyncset.done $0x0  }
0x31: {  	[sflag:s1] =	ssyncadd.s32 $0xFFFFF000  }
0x32: {  	_ =	swait.ge [sflag:s1], $0x1000  }
0x33: {  	[sflag:s1] =	ssyncset.done $0x0  }
0x34: {  	[sflag:s1] =	ssyncadd.s32 $0xFFFFF000  }
0x35: {  	_ =	swait.ge [sflag:s1], $0x1000  }
0x36: {  	[sflag:s1] =	ssyncset.done $0x0  }
0x37: {  	[sflag:s1] =	ssyncadd.s32 $0xFFFFF000  }
0x38: {  	s20 =	sor.u32 s4, s19;
	p0 =	sgt.u32 s19, $0x5;
	_ =	swait.ge [sflag:s1], $0x1000  }
0x39: {  	s9 =	smul.u32 @!p0 $0x280, s20;
	[sflag:s1] =	ssyncset.done $0x0  }
0x3a: {  	[sflag:s1] =	ssyncadd.s32 $0xFFFFF000  }
0x3b: {  	s22 =	sshrl.u32 @!p0 s9, $0x3;
	_ =	swait.ge [sflag:s1], $0x1000  }
0x3c: {  	s9 =	sadd.s32 @!p0 s5, s22;
	[sflag:s1] =	ssyncset.done $0x0  }
0x3d: {  	s9 =	sadd.s32 @!p0 $0xA0, s9;
	s24 =	simm.s32 @!p0 $0x0;
	[sflag:s1] =	ssyncadd.s32 $0xFFFFF000  }
0x3e: {  	[tilespmem:s8], [sflag:$0x3] =	stream.linear.gather @!p0 [hbm4b:s9+s24], $0x280, $0x38;
	[tilespmem:$0xBA00] =	vst v63  }
0x3f: {  	s24 =	simm.s32 $0xB40  }
0x40: {  	v0 =	vld [tilespmem:s24+$0xFFFFFEE0]  }
0x41: {  	v1 =	vld [tilespmem:s24+$0xFFFFFEC0];
	_ =	sdelay $0x1  }
0x42: {  	v2 =	vld [tilespmem:s24+$0xFFFFFF00];
	_ =	sdelay $0x1  }
0x43: {  	v3 =	vld [tilespmem:s24+$0xFFFFFF20]  }
0x44: {  	v4 =	vunpack.i.l.bf16.f32 v0;
	v5 =	vunpack.i.l.bf16.f32 v1  }
0x45: {  	v25 =	vld [tilespmem:s24+$0xFFFFFF40];
	v1 =	vunpack.i.u.bf16.f32 v1;
	v0 =	vunpack.i.u.bf16.f32 v0;
	v4 =	vadd.f32 v4, v5  }
0x46: {  	v0 =	vadd.f32 v0, v1;
	v1 =	vunpack.i.l.bf16.f32 v2  }
0x47: {  	v26 =	vld [tilespmem:s24+$0xFFFFFF60];
	v2 =	vunpack.i.u.bf16.f32 v2;
	v1 =	vadd.f32 v1, v4  }
0x48: {  	v0 =	vadd.f32 v2, v0;
	v2 =	vunpack.i.l.bf16.f32 v3  }
0x49: {  	v3 =	vunpack.i.u.bf16.f32 v3;
	v1 =	vadd.f32 v2, v1;
	v2 =	vld [tilespmem:s24+$0xFFFFFF80]  }
0x4a: {  	v0 =	vadd.f32 v3, v0;
	v3 =	vunpack.i.l.bf16.f32 v25  }
0x4b: {  	v5 =	vunpack.i.u.bf16.f32 v25;
	v1 =	vadd.f32 v3, v1;
	v3 =	vld [tilespmem:s24+$0xFFFFFFA0]  }
0x4c: {  	v27 =	vunpack.i.l.bf16.f32 v26;
	v0 =	vadd.f32 v5, v0  }
0x4d: {  	v28 =	vld [tilespmem:s24+$0xFFFFFFC0];
	v4 =	vunpack.i.u.bf16.f32 v26;
	v1 =	vadd.f32 v27, v1  }
0x4e: {  	v0 =	vadd.f32 v4, v0;
	v29 =	vunpack.i.l.bf16.f32 v2  }
0x4f: {  	v30 =	vld [tilespmem:s24+$0xFFFFFFE0];
	v2 =	vunpack.i.u.bf16.f32 v2;
	v1 =	vadd.f32 v29, v1  }
0x50: {  	v0 =	vadd.f32 v2, v0;
	v2 =	vunpack.i.l.bf16.f32 v3  }
0x51: {  	v3 =	vunpack.i.u.bf16.f32 v3;
	v1 =	vadd.f32 v2, v1;
	v2 =	vld [tilespmem:s24+$0x0]  }
0x52: {  	v0 =	vadd.f32 v3, v0;
	v3 =	vunpack.i.l.bf16.f32 v28  }
0x53: {  	v5 =	vunpack.i.u.bf16.f32 v28;
	v1 =	vadd.f32 v3, v1;
	v3 =	vld [tilespmem:s24+$0x20]  }
0x54: {  	v31 =	vunpack.i.l.bf16.f32 v30;
	v0 =	vadd.f32 v5, v0  }
0x55: {  	v32 =	vld [tilespmem:s24+$0x40];
	v4 =	vunpack.i.u.bf16.f32 v30;
	v1 =	vadd.f32 v31, v1  }
0x56: {  	v0 =	vadd.f32 v4, v0;
	v33 =	vunpack.i.l.bf16.f32 v2  }
0x57: {  	v34 =	vld [tilespmem:s24+$0x60];
	v2 =	vunpack.i.u.bf16.f32 v2;
	v1 =	vadd.f32 v33, v1  }
0x58: {  	v0 =	vadd.f32 v2, v0;
	v2 =	vunpack.i.l.bf16.f32 v3  }
0x59: {  	v3 =	vunpack.i.u.bf16.f32 v3;
	v1 =	vadd.f32 v2, v1;
	v2 =	vld [tilespmem:s24+$0x80]  }
0x5a: {  	v0 =	vadd.f32 v3, v0;
	v3 =	vunpack.i.l.bf16.f32 v32  }
0x5b: {  	v5 =	vunpack.i.u.bf16.f32 v32;
	v1 =	vadd.f32 v3, v1;
	v3 =	vld [tilespmem:s24+$0xA0]  }
0x5c: {  	v35 =	vunpack.i.l.bf16.f32 v34;
	v0 =	vadd.f32 v5, v0  }
0x5d: {  	v36 =	vld [tilespmem:s24+$0xC0];
	v4 =	vunpack.i.u.bf16.f32 v34;
	v1 =	vadd.f32 v35, v1  }
0x5e: {  	v0 =	vadd.f32 v4, v0;
	v37 =	vunpack.i.l.bf16.f32 v2  }
0x5f: {  	v38 =	vld [tilespmem:s24+$0xE0];
	v2 =	vunpack.i.u.bf16.f32 v2;
	v1 =	vadd.f32 v37, v1  }
0x60: {  	v0 =	vadd.f32 v2, v0;
	v2 =	vunpack.i.l.bf16.f32 v3  }
0x61: {  	v3 =	vunpack.i.u.bf16.f32 v3;
	v1 =	vadd.f32 v2, v1;
	v2 =	vld [tilespmem:s24+$0x100]  }
0x62: {  	v0 =	vadd.f32 v3, v0;
	v3 =	vunpack.i.l.bf16.f32 v36  }
0x63: {  	v5 =	vunpack.i.u.bf16.f32 v36;
	v1 =	vadd.f32 v3, v1;
	v3 =	vld [tilespmem:s24+$0x120]  }
0x64: {  	v39 =	vunpack.i.l.bf16.f32 v38;
	v0 =	vadd.f32 v5, v0  }
0x65: {  	v4 =	vunpack.i.u.bf16.f32 v38;
	v1 =	vadd.f32 v39, v1  }
0x66: {  	v0 =	vadd.f32 v4, v0;
	v40 =	vunpack.i.l.bf16.f32 v2  }
0x67: {  	v2 =	vunpack.i.u.bf16.f32 v2;
	v1 =	vadd.f32 v40, v1  }
0x68: {  	v0 =	vadd.f32 v2, v0;
	v2 =	vunpack.i.l.bf16.f32 v3  }
0x69: {  	v3 =	vunpack.i.u.bf16.f32 v3;
	v1 =	vadd.f32 v2, v1  }
0x6a: {  	s8 =	simm.s32 $0x0;
	v0 =	vadd.f32 v3, v0  }
0x6b: {  	[tilespmem:s8+$0xAA00] =	vst v1  }
0x6c: {  	[tilespmem:s8+$0xAA10] =	vst v0  }
0x6d: {  	v0 =	vld [tilespmem:s24+$0xFFFFFED0]  }
0x6e: {  	v1 =	vld [tilespmem:s24+$0xFFFFFEF0];
	_ =	sdelay $0x1  }
0x6f: {  	v2 =	vld [tilespmem:s24+$0xFFFFFF10];
	_ =	sdelay $0x1  }
0x70: {  	v41 =	vld [tilespmem:s24+$0xFFFFFF30];
	v3 =	vunpack.i.u.bf16.f32 v0  }
0x71: {  	v0 =	vunpack.i.l.bf16.f32 v0;
	v42 =	vunpack.i.u.bf16.f32 v1;
	v1 =	vunpack.i.l.bf16.f32 v1  }
0x72: {  	v0 =	vadd.f32 v1, v0;
	v1 =	vadd.f32 v42, v3;
	v3 =	vld [tilespmem:s24+$0xFFFFFF50]  }
0x73: {  	v43 =	vunpack.i.u.bf16.f32 v2;
	v2 =	vunpack.i.l.bf16.f32 v2  }
0x74: {  	v0 =	vadd.f32 v2, v0;
	v2 =	vld [tilespmem:s24+$0xFFFFFF70]  }
0x75: {  	v4 =	vunpack.i.l.bf16.f32 v41;
	v1 =	vadd.f32 v43, v1  }
0x76: {  	v45 =	vld [tilespmem:s24+$0xFFFFFF90];
	v44 =	vunpack.i.u.bf16.f32 v41;
	v0 =	vadd.f32 v4, v0  }
0x77: {  	v1 =	vadd.f32 v44, v1;
	v46 =	vunpack.i.u.bf16.f32 v3;
	v3 =	vunpack.i.l.bf16.f32 v3  }
0x78: {  	v0 =	vadd.f32 v3, v0;
	v3 =	vld [tilespmem:s24+$0xFFFFFFB0]  }
0x79: {  	v1 =	vadd.f32 v46, v1;
	v47 =	vunpack.i.u.bf16.f32 v2;
	v2 =	vunpack.i.l.bf16.f32 v2  }
0x7a: {  	v0 =	vadd.f32 v2, v0;
	v2 =	vld [tilespmem:s24+$0xFFFFFFD0]  }
0x7b: {  	v4 =	vunpack.i.l.bf16.f32 v45;
	v1 =	vadd.f32 v47, v1  }
0x7c: {  	v49 =	vld [tilespmem:s24+$0xFFFFFFF0];
	v48 =	vunpack.i.u.bf16.f32 v45;
	v0 =	vadd.f32 v4, v0  }
0x7d: {  	v1 =	vadd.f32 v48, v1;
	v50 =	vunpack.i.u.bf16.f32 v3;
	v3 =	vunpack.i.l.bf16.f32 v3  }
0x7e: {  	v0 =	vadd.f32 v3, v0;
	v3 =	vld [tilespmem:s24+$0x10]  }
0x7f: {  	v1 =	vadd.f32 v50, v1;
	v51 =	vunpack.i.u.bf16.f32 v2;
	v2 =	vunpack.i.l.bf16.f32 v2  }
0x80: {  	v0 =	vadd.f32 v2, v0;
	v2 =	vld [tilespmem:s24+$0x30]  }
0x81: {  	v4 =	vunpack.i.l.bf16.f32 v49;
	v1 =	vadd.f32 v51, v1  }
0x82: {  	v53 =	vld [tilespmem:s24+$0x50];
	v52 =	vunpack.i.u.bf16.f32 v49;
	v0 =	vadd.f32 v4, v0  }
0x83: {  	v1 =	vadd.f32 v52, v1;
	v54 =	vunpack.i.u.bf16.f32 v3;
	v3 =	vunpack.i.l.bf16.f32 v3  }
0x84: {  	v0 =	vadd.f32 v3, v0;
	v3 =	vld [tilespmem:s24+$0x70]  }
0x85: {  	v1 =	vadd.f32 v54, v1;
	v55 =	vunpack.i.u.bf16.f32 v2;
	v2 =	vunpack.i.l.bf16.f32 v2  }
0x86: {  	v0 =	vadd.f32 v2, v0;
	v2 =	vld [tilespmem:s24+$0x90]  }
0x87: {  	v4 =	vunpack.i.l.bf16.f32 v53;
	v1 =	vadd.f32 v55, v1  }
0x88: {  	v57 =	vld [tilespmem:s24+$0xB0];
	v56 =	vunpack.i.u.bf16.f32 v53;
	v0 =	vadd.f32 v4, v0  }
0x89: {  	v1 =	vadd.f32 v56, v1;
	v58 =	vunpack.i.u.bf16.f32 v3;
	v3 =	vunpack.i.l.bf16.f32 v3  }
0x8a: {  	v0 =	vadd.f32 v3, v0;
	v3 =	vld [tilespmem:s24+$0xD0]  }
0x8b: {  	v1 =	vadd.f32 v58, v1;
	v59 =	vunpack.i.u.bf16.f32 v2;
	v2 =	vunpack.i.l.bf16.f32 v2  }
0x8c: {  	v0 =	vadd.f32 v2, v0;
	v2 =	vld [tilespmem:s24+$0xF0]  }
0x8d: {  	v4 =	vunpack.i.l.bf16.f32 v57;
	v1 =	vadd.f32 v59, v1  }
0x8e: {  	v60 =	vunpack.i.u.bf16.f32 v57;
	v0 =	vadd.f32 v4, v0  }
0x8f: {  	v61 =	vld [tilespmem:s24+$0x110];
	v1 =	vadd.f32 v60, v1;
	v62 =	vunpack.i.u.bf16.f32 v3;
	v3 =	vunpack.i.l.bf16.f32 v3  }
0x90: {  	v0 =	vadd.f32 v3, v0  }
0x91: {  	v1 =	vadd.f32 v62, v1;
	v3 =	vunpack.i.u.bf16.f32 v2;
	v2 =	vunpack.i.l.bf16.f32 v2  }
0x92: {  	v2 =	vadd.f32 v2, v0;
	v0 =	vld [tilespmem:s24+$0x130]  }
0x93: {  	v3 =	vadd.f32 v3, v1  }
0x94: {  	v63 =	vunpack.i.u.bf16.f32 v61;
	v1 =	vunpack.i.l.bf16.f32 v61  }
0x95: {  	s25 =	simm.s32 $0x200;
	v1 =	vadd.f32 v1, v2;
	v2 =	vadd.f32 v63, v3  }
.LBB2_3:
0x96: {  	p1 =	sne.s32 s25, $0x3E00  }
0x97: {  	v3 =	vunpack.i.u.bf16.f32 v0;
	v0 =	vunpack.i.l.bf16.f32 v0;
	s24 =	sadd.s32 $0x280, s24;
	s9 =	smov.u32 s25;
	s25 =	sadd.s32 $0x200, s25  }
0x98: {  	v0 =	vadd.f32 v0, v1;
	v1 =	vadd.f32 v3, v2;
	_ =	sdelay $0x1  }
0x99: {  	[tilespmem:s8+$0xAA30] =	vst v1  }
0x9a: {  	[tilespmem:s8+$0xAA20] =	vst v0  }
0x9b: {  	v0 =	vld [tilespmem:s24+$0xFFFFFEE0]  }
0x9c: {  	v1 =	vld [tilespmem:s24+$0xFFFFFEC0];
	_ =	sdelay $0x1  }
0x9d: {  	v2 =	vld [tilespmem:s24+$0xFFFFFF00];
	_ =	sdelay $0x1  }
0x9e: {  	v3 =	vunpack.i.l.bf16.f32 v0;
	v4 =	vld [tilespmem:s24+$0xFFFFFF20]  }
0x9f: {  	v0 =	vunpack.i.u.bf16.f32 v0;
	v5 =	vunpack.i.u.bf16.f32 v1;
	v1 =	vunpack.i.l.bf16.f32 v1  }
0xa0: {  	v1 =	vadd.f32 v3, v1;
	v0 =	vadd.f32 v0, v5;
	v3 =	vld [tilespmem:s24+$0xFFFFFF40]  }
0xa1: {  	v5 =	vunpack.i.u.bf16.f32 v2;
	v2 =	vunpack.i.l.bf16.f32 v2  }
0xa2: {  	v1 =	vadd.f32 v2, v1;
	v0 =	vadd.f32 v5, v0;
	v2 =	vld [tilespmem:s24+$0xFFFFFF60]  }
0xa3: {  	v5 =	vunpack.i.u.bf16.f32 v4;
	v4 =	vunpack.i.l.bf16.f32 v4  }
0xa4: {  	v1 =	vadd.f32 v4, v1;
	v0 =	vadd.f32 v5, v0;
	v4 =	vld [tilespmem:s24+$0xFFFFFF80]  }
0xa5: {  	v5 =	vunpack.i.u.bf16.f32 v3;
	v3 =	vunpack.i.l.bf16.f32 v3  }
0xa6: {  	v1 =	vadd.f32 v3, v1;
	v0 =	vadd.f32 v5, v0;
	v3 =	vld [tilespmem:s24+$0xFFFFFFA0]  }
0xa7: {  	v5 =	vunpack.i.u.bf16.f32 v2;
	v2 =	vunpack.i.l.bf16.f32 v2  }
0xa8: {  	v1 =	vadd.f32 v2, v1;
	v0 =	vadd.f32 v5, v0;
	v2 =	vld [tilespmem:s24+$0xFFFFFFC0]  }
0xa9: {  	v5 =	vunpack.i.u.bf16.f32 v4;
	v4 =	vunpack.i.l.bf16.f32 v4  }
0xaa: {  	v1 =	vadd.f32 v4, v1;
	v0 =	vadd.f32 v5, v0;
	v4 =	vld [tilespmem:s24+$0xFFFFFFE0]  }
0xab: {  	v5 =	vunpack.i.u.bf16.f32 v3;
	v3 =	vunpack.i.l.bf16.f32 v3  }
0xac: {  	v1 =	vadd.f32 v3, v1;
	v0 =	vadd.f32 v5, v0;
	v3 =	vld [tilespmem:s24+$0x0]  }
0xad: {  	v5 =	vunpack.i.u.bf16.f32 v2;
	v2 =	vunpack.i.l.bf16.f32 v2  }
0xae: {  	v1 =	vadd.f32 v2, v1;
	v0 =	vadd.f32 v5, v0;
	v2 =	vld [tilespmem:s24+$0x20]  }
0xaf: {  	v5 =	vunpack.i.u.bf16.f32 v4;
	v4 =	vunpack.i.l.bf16.f32 v4  }
0xb0: {  	v1 =	vadd.f32 v4, v1;
	v0 =	vadd.f32 v5, v0;
	v4 =	vld [tilespmem:s24+$0x40]  }
0xb1: {  	v5 =	vunpack.i.u.bf16.f32 v3;
	v3 =	vunpack.i.l.bf16.f32 v3  }
0xb2: {  	v1 =	vadd.f32 v3, v1;
	v0 =	vadd.f32 v5, v0;
	v3 =	vld [tilespmem:s24+$0x60]  }
0xb3: {  	v5 =	vunpack.i.u.bf16.f32 v2;
	v2 =	vunpack.i.l.bf16.f32 v2  }
0xb4: {  	v1 =	vadd.f32 v2, v1;
	v0 =	vadd.f32 v5, v0;
	v2 =	vld [tilespmem:s24+$0x80]  }
0xb5: {  	v5 =	vunpack.i.u.bf16.f32 v4;
	v4 =	vunpack.i.l.bf16.f32 v4  }
0xb6: {  	v1 =	vadd.f32 v4, v1;
	v0 =	vadd.f32 v5, v0;
	v4 =	vld [tilespmem:s24+$0xA0]  }
0xb7: {  	v5 =	vunpack.i.u.bf16.f32 v3;
	v3 =	vunpack.i.l.bf16.f32 v3  }
0xb8: {  	v1 =	vadd.f32 v3, v1;
	v0 =	vadd.f32 v5, v0;
	v3 =	vld [tilespmem:s24+$0xC0]  }
0xb9: {  	v5 =	vunpack.i.u.bf16.f32 v2;
	v2 =	vunpack.i.l.bf16.f32 v2  }
0xba: {  	v1 =	vadd.f32 v2, v1;
	v0 =	vadd.f32 v5, v0;
	v2 =	vld [tilespmem:s24+$0xE0]  }
0xbb: {  	v5 =	vunpack.i.u.bf16.f32 v4;
	v4 =	vunpack.i.l.bf16.f32 v4  }
0xbc: {  	v1 =	vadd.f32 v4, v1;
	v0 =	vadd.f32 v5, v0;
	v4 =	vld [tilespmem:s24+$0x100]  }
0xbd: {  	v5 =	vunpack.i.u.bf16.f32 v3;
	v3 =	vunpack.i.l.bf16.f32 v3  }
0xbe: {  	v1 =	vadd.f32 v3, v1;
	v0 =	vadd.f32 v5, v0;
	v3 =	vld [tilespmem:s24+$0x120]  }
0xbf: {  	v5 =	vunpack.i.u.bf16.f32 v2;
	v2 =	vunpack.i.l.bf16.f32 v2  }
0xc0: {  	v1 =	vadd.f32 v2, v1;
	v0 =	vadd.f32 v5, v0  }
0xc1: {  	v2 =	vunpack.i.u.bf16.f32 v4;
	v4 =	vunpack.i.l.bf16.f32 v4  }
0xc2: {  	v1 =	vadd.f32 v4, v1;
	v0 =	vadd.f32 v2, v0  }
0xc3: {  	v2 =	vunpack.i.u.bf16.f32 v3;
	v3 =	vunpack.i.l.bf16.f32 v3  }
0xc4: {  	v1 =	vadd.f32 v3, v1;
	v0 =	vadd.f32 v2, v0  }
0xc5: {  	s8 =	sshra.s32 s9, $0x2  }
0xc6: {  	[tilespmem:s8+$0xAA00] =	vst v1  }
0xc7: {  	[tilespmem:s8+$0xAA10] =	vst v0  }
0xc8: {  	v0 =	vld [tilespmem:s24+$0xFFFFFED0]  }
0xc9: {  	v1 =	vld [tilespmem:s24+$0xFFFFFEF0];
	_ =	sdelay $0x1  }
0xca: {  	v2 =	vld [tilespmem:s24+$0xFFFFFF10];
	_ =	sdelay $0x1  }
0xcb: {  	v3 =	vunpack.i.u.bf16.f32 v0;
	v4 =	vld [tilespmem:s24+$0xFFFFFF30]  }
0xcc: {  	v0 =	vunpack.i.l.bf16.f32 v0;
	v5 =	vunpack.i.u.bf16.f32 v1;
	v1 =	vunpack.i.l.bf16.f32 v1  }
0xcd: {  	v0 =	vadd.f32 v1, v0;
	v1 =	vadd.f32 v5, v3;
	v3 =	vld [tilespmem:s24+$0xFFFFFF50]  }
0xce: {  	v5 =	vunpack.i.u.bf16.f32 v2;
	v2 =	vunpack.i.l.bf16.f32 v2  }
0xcf: {  	v0 =	vadd.f32 v2, v0;
	v1 =	vadd.f32 v5, v1;
	v2 =	vld [tilespmem:s24+$0xFFFFFF70]  }
0xd0: {  	v5 =	vunpack.i.u.bf16.f32 v4;
	v4 =	vunpack.i.l.bf16.f32 v4  }
0xd1: {  	v0 =	vadd.f32 v4, v0;
	v1 =	vadd.f32 v5, v1;
	v4 =	vld [tilespmem:s24+$0xFFFFFF90]  }
0xd2: {  	v5 =	vunpack.i.u.bf16.f32 v3;
	v3 =	vunpack.i.l.bf16.f32 v3  }
0xd3: {  	v0 =	vadd.f32 v3, v0;
	v1 =	vadd.f32 v5, v1;
	v3 =	vld [tilespmem:s24+$0xFFFFFFB0]  }
0xd4: {  	v5 =	vunpack.i.u.bf16.f32 v2;
	v2 =	vunpack.i.l.bf16.f32 v2  }
0xd5: {  	v0 =	vadd.f32 v2, v0;
	v1 =	vadd.f32 v5, v1;
	v2 =	vld [tilespmem:s24+$0xFFFFFFD0]  }
0xd6: {  	v5 =	vunpack.i.u.bf16.f32 v4;
	v4 =	vunpack.i.l.bf16.f32 v4  }
0xd7: {  	v0 =	vadd.f32 v4, v0;
	v1 =	vadd.f32 v5, v1;
	v4 =	vld [tilespmem:s24+$0xFFFFFFF0]  }
0xd8: {  	v5 =	vunpack.i.u.bf16.f32 v3;
	v3 =	vunpack.i.l.bf16.f32 v3  }
0xd9: {  	v0 =	vadd.f32 v3, v0;
	v1 =	vadd.f32 v5, v1;
	v3 =	vld [tilespmem:s24+$0x10]  }
0xda: {  	v5 =	vunpack.i.u.bf16.f32 v2;
	v2 =	vunpack.i.l.bf16.f32 v2  }
0xdb: {  	v0 =	vadd.f32 v2, v0;
	v1 =	vadd.f32 v5, v1;
	v2 =	vld [tilespmem:s24+$0x30]  }
0xdc: {  	v5 =	vunpack.i.u.bf16.f32 v4;
	v4 =	vunpack.i.l.bf16.f32 v4  }
0xdd: {  	v0 =	vadd.f32 v4, v0;
	v1 =	vadd.f32 v5, v1;
	v4 =	vld [tilespmem:s24+$0x50]  }
0xde: {  	v5 =	vunpack.i.u.bf16.f32 v3;
	v3 =	vunpack.i.l.bf16.f32 v3  }
0xdf: {  	v0 =	vadd.f32 v3, v0;
	v1 =	vadd.f32 v5, v1;
	v3 =	vld [tilespmem:s24+$0x70]  }
0xe0: {  	v5 =	vunpack.i.u.bf16.f32 v2;
	v2 =	vunpack.i.l.bf16.f32 v2  }
0xe1: {  	v0 =	vadd.f32 v2, v0;
	v1 =	vadd.f32 v5, v1;
	v2 =	vld [tilespmem:s24+$0x90]  }
0xe2: {  	v5 =	vunpack.i.u.bf16.f32 v4;
	v4 =	vunpack.i.l.bf16.f32 v4  }
0xe3: {  	v0 =	vadd.f32 v4, v0;
	v1 =	vadd.f32 v5, v1;
	v4 =	vld [tilespmem:s24+$0xB0]  }
0xe4: {  	v5 =	vunpack.i.u.bf16.f32 v3;
	v3 =	vunpack.i.l.bf16.f32 v3  }
0xe5: {  	v0 =	vadd.f32 v3, v0;
	v1 =	vadd.f32 v5, v1;
	v3 =	vld [tilespmem:s24+$0xD0]  }
0xe6: {  	v5 =	vunpack.i.u.bf16.f32 v2;
	v2 =	vunpack.i.l.bf16.f32 v2  }
0xe7: {  	v0 =	vadd.f32 v2, v0;
	v1 =	vadd.f32 v5, v1;
	v2 =	vld [tilespmem:s24+$0xF0]  }
0xe8: {  	v5 =	vunpack.i.u.bf16.f32 v4;
	v4 =	vunpack.i.l.bf16.f32 v4  }
0xe9: {  	v0 =	vadd.f32 v4, v0;
	v1 =	vadd.f32 v5, v1;
	v4 =	vld [tilespmem:s24+$0x110]  }
0xea: {  	v5 =	vunpack.i.u.bf16.f32 v3;
	v3 =	vunpack.i.l.bf16.f32 v3  }
.Ltmp0:
0xeb: {  	v3 =	vadd.f32 v3, v0;
	v1 =	vadd.f32 v5, v1;
	v0 =	vld [tilespmem:s24+$0x130];
	(pc) =	sbr.rel @p1 .LBB2_3-.Ltmp0, $4  }
0xec: {  	v5 =	vunpack.i.u.bf16.f32 v2;
	v2 =	vunpack.i.l.bf16.f32 v2  }
0xed: {  	v2 =	vadd.f32 v2, v3;
	v3 =	vadd.f32 v5, v1  }
0xee: {  	v5 =	vunpack.i.u.bf16.f32 v4;
	v1 =	vunpack.i.l.bf16.f32 v4  }
0xef: {  	v1 =	vadd.f32 v1, v2;
	v2 =	vadd.f32 v5, v3  }
0xf0: {  	v3 =	vunpack.i.u.bf16.f32 v0  }
0xf1: {  	v0 =	vunpack.i.l.bf16.f32 v0;
	v2 =	vadd.f32 v3, v2  }
0xf2: {  	v0 =	vadd.f32 v0, v1  }
0xf3: {  	p1 =	seq.s32 s19, $0x7;
	[tilespmem:s8+$0xAA30] =	vst v2  }
0xf4: {  	s9 =	sxor.u32 @!p1 $0x1, s23;
	[tilespmem:s8+$0xAA20] =	vst v0;
	s8 =	simm.s32 @!p1 $0x3  }
0xf5: {  	s9 =	smul.u32 @!p1 $0xA00, s9;
	_ =	swait.ge @!p1 [sflag:s8], $0x280  }
0xf6: {  	s23 =	simm.s32 @!p1 $0xA00;
	[sflag:s8] =	ssyncset.done @!p1 $0x0  }
0xf7: {  	[sflag:s8] =	ssyncadd.s32 @!p1 $0xFFFFFD80;
	s8 =	sshrl.u32 @!p1 s9, $0x2;
	s9 =	simm.s32 @!p1 $0x80  }
0xf8: {  	[tilespmem:s23], [sflag:$0x1] =	stream.indirect.gather @!p1 [hbm4b:s3+s9], $0x20, s8, s9, $0xb8;
	[tilespmem:$0xBA00] =	vst v63  }
0xf9: {  	s24 =	simm.s32 @!p1 $0x1A00;
	s23 =	sadd.s32 @!p1 $0x80, s8  }
0xfa: {  	[tilespmem:s24], [sflag:$0x1] =	stream.indirect.gather @!p1 [hbm4b:s3+s9], $0x20, s23, s9, $0xb8;
	[tilespmem:$0xBA00] =	vst v63  }
0xfb: {  	s23 =	sadd.s32 @!p1 $0x100, s8;
	s24 =	simm.s32 @!p1 $0x2A00  }
0xfc: {  	[tilespmem:s24], [sflag:$0x1] =	stream.indirect.gather @!p1 [hbm4b:s3+s9], $0x20, s23, s9, $0xb8;
	[tilespmem:$0xBA00] =	vst v63  }
0xfd: {  	s23 =	sadd.s32 @!p1 $0x180, s8;
	s24 =	simm.s32 @!p1 $0x3A00  }
0xfe: {  	[tilespmem:s24], [sflag:$0x1] =	stream.indirect.gather @!p1 [hbm4b:s3+s9], $0x20, s23, s9, $0xb8;
	[tilespmem:$0xBA00] =	vst v63  }
0xff: {  	s8 =	sadd.s32 @!p1 $0x200, s8;
	s23 =	simm.s32 @!p1 $0x4A00  }
0x100: {  	[tilespmem:s23], [sflag:$0x1] =	stream.indirect.gather @!p1 [hbm4b:s3+s9], $0x20, s8, s9, $0xb8;
	[tilespmem:$0xBA00] =	vst v63  }
0x101: {  	_ =	swait.ge [sflag:s13], $0x1000  }
0x102: {  	[sflag:s13] =	ssyncset.done $0x0  }
0x103: {  	[sflag:s13] =	ssyncadd.s32 $0xFFFFF000  }
0x104: {  	_ =	swait.ge [sflag:s13], $0x1000  }
0x105: {  	[sflag:s13] =	ssyncset.done $0x0  }
0x106: {  	[sflag:s13] =	ssyncadd.s32 $0xFFFFF000  }
0x107: {  	_ =	swait.ge [sflag:s13], $0x1000  }
0x108: {  	[sflag:s13] =	ssyncset.done $0x0  }
0x109: {  	[sflag:s13] =	ssyncadd.s32 $0xFFFFF000  }
0x10a: {  	_ =	swait.ge [sflag:s13], $0x1000  }
0x10b: {  	[sflag:s13] =	ssyncset.done $0x0  }
0x10c: {  	[sflag:s13] =	ssyncadd.s32 $0xFFFFF000  }
0x10d: {  	_ =	swait.ge [sflag:s13], $0x1000  }
0x10e: {  	s8 =	sadd.s32 @!p0 s6, s22;
	[sflag:s13] =	ssyncset.done $0x0  }
0x10f: {  	s9 =	simm.s32 @!p0 $0x0;
	s8 =	sadd.s32 @!p0 $0xA0, s8;
	[sflag:s13] =	ssyncadd.s32 $0xFFFFF000  }
0x110: {  	[tilespmem:s21], [sflag:$0x4] =	stream.linear.gather @!p0 [hbm4b:s8+s9], $0x280, $0x38;
	[tilespmem:$0xBA00] =	vst v63  }
0x111: {  	s21 =	simm.s32 $0x5B40  }
0x112: {  	v0 =	vld [tilespmem:s21+$0xFFFFFEE0]  }
0x113: {  	v1 =	vld [tilespmem:s21+$0xFFFFFEC0];
	_ =	sdelay $0x1  }
0x114: {  	v2 =	vld [tilespmem:s21+$0xFFFFFF00];
	_ =	sdelay $0x1  }
0x115: {  	v3 =	vld [tilespmem:s21+$0xFFFFFF20]  }
0x116: {  	v4 =	vunpack.i.l.bf16.f32 v0;
	v5 =	vunpack.i.l.bf16.f32 v1  }
0x117: {  	v25 =	vld [tilespmem:s21+$0xFFFFFF40];
	v1 =	vunpack.i.u.bf16.f32 v1;
	v0 =	vunpack.i.u.bf16.f32 v0;
	v4 =	vadd.f32 v4, v5  }
0x118: {  	v0 =	vadd.f32 v0, v1;
	v1 =	vunpack.i.l.bf16.f32 v2  }
0x119: {  	v26 =	vld [tilespmem:s21+$0xFFFFFF60];
	v2 =	vunpack.i.u.bf16.f32 v2;
	v1 =	vadd.f32 v1, v4  }
0x11a: {  	v0 =	vadd.f32 v2, v0;
	v2 =	vunpack.i.l.bf16.f32 v3  }
0x11b: {  	v3 =	vunpack.i.u.bf16.f32 v3;
	v1 =	vadd.f32 v2, v1;
	v2 =	vld [tilespmem:s21+$0xFFFFFF80]  }
0x11c: {  	v0 =	vadd.f32 v3, v0;
	v3 =	vunpack.i.l.bf16.f32 v25  }
0x11d: {  	v5 =	vunpack.i.u.bf16.f32 v25;
	v1 =	vadd.f32 v3, v1;
	v3 =	vld [tilespmem:s21+$0xFFFFFFA0]  }
0x11e: {  	v27 =	vunpack.i.l.bf16.f32 v26;
	v0 =	vadd.f32 v5, v0  }
0x11f: {  	v28 =	vld [tilespmem:s21+$0xFFFFFFC0];
	v4 =	vunpack.i.u.bf16.f32 v26;
	v1 =	vadd.f32 v27, v1  }
0x120: {  	v0 =	vadd.f32 v4, v0;
	v29 =	vunpack.i.l.bf16.f32 v2  }
0x121: {  	v30 =	vld [tilespmem:s21+$0xFFFFFFE0];
	v2 =	vunpack.i.u.bf16.f32 v2;
	v1 =	vadd.f32 v29, v1  }
0x122: {  	v0 =	vadd.f32 v2, v0;
	v2 =	vunpack.i.l.bf16.f32 v3  }
0x123: {  	v3 =	vunpack.i.u.bf16.f32 v3;
	v1 =	vadd.f32 v2, v1;
	v2 =	vld [tilespmem:s21+$0x0]  }
0x124: {  	v0 =	vadd.f32 v3, v0;
	v3 =	vunpack.i.l.bf16.f32 v28  }
0x125: {  	v5 =	vunpack.i.u.bf16.f32 v28;
	v1 =	vadd.f32 v3, v1;
	v3 =	vld [tilespmem:s21+$0x20]  }
0x126: {  	v31 =	vunpack.i.l.bf16.f32 v30;
	v0 =	vadd.f32 v5, v0  }
0x127: {  	v32 =	vld [tilespmem:s21+$0x40];
	v4 =	vunpack.i.u.bf16.f32 v30;
	v1 =	vadd.f32 v31, v1  }
0x128: {  	v0 =	vadd.f32 v4, v0;
	v33 =	vunpack.i.l.bf16.f32 v2  }
0x129: {  	v34 =	vld [tilespmem:s21+$0x60];
	v2 =	vunpack.i.u.bf16.f32 v2;
	v1 =	vadd.f32 v33, v1  }
0x12a: {  	v0 =	vadd.f32 v2, v0;
	v2 =	vunpack.i.l.bf16.f32 v3  }
0x12b: {  	v3 =	vunpack.i.u.bf16.f32 v3;
	v1 =	vadd.f32 v2, v1;
	v2 =	vld [tilespmem:s21+$0x80]  }
0x12c: {  	v0 =	vadd.f32 v3, v0;
	v3 =	vunpack.i.l.bf16.f32 v32  }
0x12d: {  	v5 =	vunpack.i.u.bf16.f32 v32;
	v1 =	vadd.f32 v3, v1;
	v3 =	vld [tilespmem:s21+$0xA0]  }
0x12e: {  	v35 =	vunpack.i.l.bf16.f32 v34;
	v0 =	vadd.f32 v5, v0  }
0x12f: {  	v36 =	vld [tilespmem:s21+$0xC0];
	v4 =	vunpack.i.u.bf16.f32 v34;
	v1 =	vadd.f32 v35, v1  }
0x130: {  	v0 =	vadd.f32 v4, v0;
	v37 =	vunpack.i.l.bf16.f32 v2  }
0x131: {  	v38 =	vld [tilespmem:s21+$0xE0];
	v2 =	vunpack.i.u.bf16.f32 v2;
	v1 =	vadd.f32 v37, v1  }
0x132: {  	v0 =	vadd.f32 v2, v0;
	v2 =	vunpack.i.l.bf16.f32 v3  }
0x133: {  	v3 =	vunpack.i.u.bf16.f32 v3;
	v1 =	vadd.f32 v2, v1;
	v2 =	vld [tilespmem:s21+$0x100]  }
0x134: {  	v0 =	vadd.f32 v3, v0;
	v3 =	vunpack.i.l.bf16.f32 v36  }
0x135: {  	v5 =	vunpack.i.u.bf16.f32 v36;
	v1 =	vadd.f32 v3, v1;
	v3 =	vld [tilespmem:s21+$0x120]  }
0x136: {  	v39 =	vunpack.i.l.bf16.f32 v38;
	v0 =	vadd.f32 v5, v0  }
0x137: {  	v4 =	vunpack.i.u.bf16.f32 v38;
	v1 =	vadd.f32 v39, v1  }
0x138: {  	v0 =	vadd.f32 v4, v0;
	v40 =	vunpack.i.l.bf16.f32 v2  }
0x139: {  	v2 =	vunpack.i.u.bf16.f32 v2;
	v1 =	vadd.f32 v40, v1  }
0x13a: {  	v0 =	vadd.f32 v2, v0;
	v2 =	vunpack.i.l.bf16.f32 v3  }
0x13b: {  	v3 =	vunpack.i.u.bf16.f32 v3;
	v1 =	vadd.f32 v2, v1  }
0x13c: {  	s8 =	simm.s32 $0x0;
	v0 =	vadd.f32 v3, v0  }
0x13d: {  	[tilespmem:s8+$0xAA40] =	vst v1  }
0x13e: {  	[tilespmem:s8+$0xAA50] =	vst v0  }
0x13f: {  	v0 =	vld [tilespmem:s21+$0xFFFFFED0]  }
0x140: {  	v1 =	vld [tilespmem:s21+$0xFFFFFEF0];
	_ =	sdelay $0x1  }
0x141: {  	v2 =	vld [tilespmem:s21+$0xFFFFFF10];
	_ =	sdelay $0x1  }
0x142: {  	v41 =	vld [tilespmem:s21+$0xFFFFFF30];
	v3 =	vunpack.i.u.bf16.f32 v0  }
0x143: {  	v0 =	vunpack.i.l.bf16.f32 v0;
	v42 =	vunpack.i.u.bf16.f32 v1;
	v1 =	vunpack.i.l.bf16.f32 v1  }
0x144: {  	v0 =	vadd.f32 v1, v0;
	v1 =	vadd.f32 v42, v3;
	v3 =	vld [tilespmem:s21+$0xFFFFFF50]  }
0x145: {  	v43 =	vunpack.i.u.bf16.f32 v2;
	v2 =	vunpack.i.l.bf16.f32 v2  }
0x146: {  	v0 =	vadd.f32 v2, v0;
	v2 =	vld [tilespmem:s21+$0xFFFFFF70]  }
0x147: {  	v4 =	vunpack.i.l.bf16.f32 v41;
	v1 =	vadd.f32 v43, v1  }
0x148: {  	v45 =	vld [tilespmem:s21+$0xFFFFFF90];
	v44 =	vunpack.i.u.bf16.f32 v41;
	v0 =	vadd.f32 v4, v0  }
0x149: {  	v1 =	vadd.f32 v44, v1;
	v46 =	vunpack.i.u.bf16.f32 v3;
	v3 =	vunpack.i.l.bf16.f32 v3  }
0x14a: {  	v0 =	vadd.f32 v3, v0;
	v3 =	vld [tilespmem:s21+$0xFFFFFFB0]  }
0x14b: {  	v1 =	vadd.f32 v46, v1;
	v47 =	vunpack.i.u.bf16.f32 v2;
	v2 =	vunpack.i.l.bf16.f32 v2  }
0x14c: {  	v0 =	vadd.f32 v2, v0;
	v2 =	vld [tilespmem:s21+$0xFFFFFFD0]  }
0x14d: {  	v4 =	vunpack.i.l.bf16.f32 v45;
	v1 =	vadd.f32 v47, v1  }
0x14e: {  	v49 =	vld [tilespmem:s21+$0xFFFFFFF0];
	v48 =	vunpack.i.u.bf16.f32 v45;
	v0 =	vadd.f32 v4, v0  }
0x14f: {  	v1 =	vadd.f32 v48, v1;
	v50 =	vunpack.i.u.bf16.f32 v3;
	v3 =	vunpack.i.l.bf16.f32 v3  }
0x150: {  	v0 =	vadd.f32 v3, v0;
	v3 =	vld [tilespmem:s21+$0x10]  }
0x151: {  	v1 =	vadd.f32 v50, v1;
	v51 =	vunpack.i.u.bf16.f32 v2;
	v2 =	vunpack.i.l.bf16.f32 v2  }
0x152: {  	v0 =	vadd.f32 v2, v0;
	v2 =	vld [tilespmem:s21+$0x30]  }
0x153: {  	v4 =	vunpack.i.l.bf16.f32 v49;
	v1 =	vadd.f32 v51, v1  }
0x154: {  	v53 =	vld [tilespmem:s21+$0x50];
	v52 =	vunpack.i.u.bf16.f32 v49;
	v0 =	vadd.f32 v4, v0  }
0x155: {  	v1 =	vadd.f32 v52, v1;
	v54 =	vunpack.i.u.bf16.f32 v3;
	v3 =	vunpack.i.l.bf16.f32 v3  }
0x156: {  	v0 =	vadd.f32 v3, v0;
	v3 =	vld [tilespmem:s21+$0x70]  }
0x157: {  	v1 =	vadd.f32 v54, v1;
	v55 =	vunpack.i.u.bf16.f32 v2;
	v2 =	vunpack.i.l.bf16.f32 v2  }
0x158: {  	v0 =	vadd.f32 v2, v0;
	v2 =	vld [tilespmem:s21+$0x90]  }
0x159: {  	v4 =	vunpack.i.l.bf16.f32 v53;
	v1 =	vadd.f32 v55, v1  }
0x15a: {  	v57 =	vld [tilespmem:s21+$0xB0];
	v56 =	vunpack.i.u.bf16.f32 v53;
	v0 =	vadd.f32 v4, v0  }
0x15b: {  	v1 =	vadd.f32 v56, v1;
	v58 =	vunpack.i.u.bf16.f32 v3;
	v3 =	vunpack.i.l.bf16.f32 v3  }
0x15c: {  	v0 =	vadd.f32 v3, v0;
	v3 =	vld [tilespmem:s21+$0xD0]  }
0x15d: {  	v1 =	vadd.f32 v58, v1;
	v59 =	vunpack.i.u.bf16.f32 v2;
	v2 =	vunpack.i.l.bf16.f32 v2  }
0x15e: {  	v0 =	vadd.f32 v2, v0;
	v2 =	vld [tilespmem:s21+$0xF0]  }
0x15f: {  	v4 =	vunpack.i.l.bf16.f32 v57;
	v1 =	vadd.f32 v59, v1  }
0x160: {  	v60 =	vunpack.i.u.bf16.f32 v57;
	v0 =	vadd.f32 v4, v0  }
0x161: {  	v61 =	vld [tilespmem:s21+$0x110];
	v1 =	vadd.f32 v60, v1;
	v62 =	vunpack.i.u.bf16.f32 v3;
	v3 =	vunpack.i.l.bf16.f32 v3  }
0x162: {  	v0 =	vadd.f32 v3, v0  }
0x163: {  	v1 =	vadd.f32 v62, v1;
	v3 =	vunpack.i.u.bf16.f32 v2;
	v2 =	vunpack.i.l.bf16.f32 v2  }
0x164: {  	v2 =	vadd.f32 v2, v0;
	v0 =	vld [tilespmem:s21+$0x130]  }
0x165: {  	v3 =	vadd.f32 v3, v1  }
0x166: {  	v63 =	vunpack.i.u.bf16.f32 v61;
	v1 =	vunpack.i.l.bf16.f32 v61  }
0x167: {  	s22 =	simm.s32 $0x200;
	v1 =	vadd.f32 v1, v2;
	v2 =	vadd.f32 v63, v3  }
.LBB2_5:
0x168: {  	p0 =	sne.s32 s22, $0x3E00  }
0x169: {  	v3 =	vunpack.i.u.bf16.f32 v0;
	v0 =	vunpack.i.l.bf16.f32 v0;
	s21 =	sadd.s32 $0x280, s21;
	s9 =	smov.u32 s22;
	s22 =	sadd.s32 $0x200, s22  }
0x16a: {  	v0 =	vadd.f32 v0, v1;
	v1 =	vadd.f32 v3, v2;
	_ =	sdelay $0x1  }
0x16b: {  	[tilespmem:s8+$0xAA70] =	vst v1  }
0x16c: {  	[tilespmem:s8+$0xAA60] =	vst v0  }
0x16d: {  	v0 =	vld [tilespmem:s21+$0xFFFFFEE0]  }
0x16e: {  	v1 =	vld [tilespmem:s21+$0xFFFFFEC0];
	_ =	sdelay $0x1  }
0x16f: {  	v2 =	vld [tilespmem:s21+$0xFFFFFF00];
	_ =	sdelay $0x1  }
0x170: {  	v3 =	vunpack.i.l.bf16.f32 v0;
	v4 =	vld [tilespmem:s21+$0xFFFFFF20]  }
0x171: {  	v0 =	vunpack.i.u.bf16.f32 v0;
	v5 =	vunpack.i.u.bf16.f32 v1;
	v1 =	vunpack.i.l.bf16.f32 v1  }
0x172: {  	v1 =	vadd.f32 v3, v1;
	v0 =	vadd.f32 v0, v5;
	v3 =	vld [tilespmem:s21+$0xFFFFFF40]  }
0x173: {  	v5 =	vunpack.i.u.bf16.f32 v2;
	v2 =	vunpack.i.l.bf16.f32 v2  }
0x174: {  	v1 =	vadd.f32 v2, v1;
	v0 =	vadd.f32 v5, v0;
	v2 =	vld [tilespmem:s21+$0xFFFFFF60]  }
0x175: {  	v5 =	vunpack.i.u.bf16.f32 v4;
	v4 =	vunpack.i.l.bf16.f32 v4  }
0x176: {  	v1 =	vadd.f32 v4, v1;
	v0 =	vadd.f32 v5, v0;
	v4 =	vld [tilespmem:s21+$0xFFFFFF80]  }
0x177: {  	v5 =	vunpack.i.u.bf16.f32 v3;
	v3 =	vunpack.i.l.bf16.f32 v3  }
0x178: {  	v1 =	vadd.f32 v3, v1;
	v0 =	vadd.f32 v5, v0;
	v3 =	vld [tilespmem:s21+$0xFFFFFFA0]  }
0x179: {  	v5 =	vunpack.i.u.bf16.f32 v2;
	v2 =	vunpack.i.l.bf16.f32 v2  }
0x17a: {  	v1 =	vadd.f32 v2, v1;
	v0 =	vadd.f32 v5, v0;
	v2 =	vld [tilespmem:s21+$0xFFFFFFC0]  }
0x17b: {  	v5 =	vunpack.i.u.bf16.f32 v4;
	v4 =	vunpack.i.l.bf16.f32 v4  }
0x17c: {  	v1 =	vadd.f32 v4, v1;
	v0 =	vadd.f32 v5, v0;
	v4 =	vld [tilespmem:s21+$0xFFFFFFE0]  }
0x17d: {  	v5 =	vunpack.i.u.bf16.f32 v3;
	v3 =	vunpack.i.l.bf16.f32 v3  }
0x17e: {  	v1 =	vadd.f32 v3, v1;
	v0 =	vadd.f32 v5, v0;
	v3 =	vld [tilespmem:s21+$0x0]  }
0x17f: {  	v5 =	vunpack.i.u.bf16.f32 v2;
	v2 =	vunpack.i.l.bf16.f32 v2  }
0x180: {  	v1 =	vadd.f32 v2, v1;
	v0 =	vadd.f32 v5, v0;
	v2 =	vld [tilespmem:s21+$0x20]  }
0x181: {  	v5 =	vunpack.i.u.bf16.f32 v4;
	v4 =	vunpack.i.l.bf16.f32 v4  }
0x182: {  	v1 =	vadd.f32 v4, v1;
	v0 =	vadd.f32 v5, v0;
	v4 =	vld [tilespmem:s21+$0x40]  }
0x183: {  	v5 =	vunpack.i.u.bf16.f32 v3;
	v3 =	vunpack.i.l.bf16.f32 v3  }
0x184: {  	v1 =	vadd.f32 v3, v1;
	v0 =	vadd.f32 v5, v0;
	v3 =	vld [tilespmem:s21+$0x60]  }
0x185: {  	v5 =	vunpack.i.u.bf16.f32 v2;
	v2 =	vunpack.i.l.bf16.f32 v2  }
0x186: {  	v1 =	vadd.f32 v2, v1;
	v0 =	vadd.f32 v5, v0;
	v2 =	vld [tilespmem:s21+$0x80]  }
0x187: {  	v5 =	vunpack.i.u.bf16.f32 v4;
	v4 =	vunpack.i.l.bf16.f32 v4  }
0x188: {  	v1 =	vadd.f32 v4, v1;
	v0 =	vadd.f32 v5, v0;
	v4 =	vld [tilespmem:s21+$0xA0]  }
0x189: {  	v5 =	vunpack.i.u.bf16.f32 v3;
	v3 =	vunpack.i.l.bf16.f32 v3  }
0x18a: {  	v1 =	vadd.f32 v3, v1;
	v0 =	vadd.f32 v5, v0;
	v3 =	vld [tilespmem:s21+$0xC0]  }
0x18b: {  	v5 =	vunpack.i.u.bf16.f32 v2;
	v2 =	vunpack.i.l.bf16.f32 v2  }
0x18c: {  	v1 =	vadd.f32 v2, v1;
	v0 =	vadd.f32 v5, v0;
	v2 =	vld [tilespmem:s21+$0xE0]  }
0x18d: {  	v5 =	vunpack.i.u.bf16.f32 v4;
	v4 =	vunpack.i.l.bf16.f32 v4  }
0x18e: {  	v1 =	vadd.f32 v4, v1;
	v0 =	vadd.f32 v5, v0;
	v4 =	vld [tilespmem:s21+$0x100]  }
0x18f: {  	v5 =	vunpack.i.u.bf16.f32 v3;
	v3 =	vunpack.i.l.bf16.f32 v3  }
0x190: {  	v1 =	vadd.f32 v3, v1;
	v0 =	vadd.f32 v5, v0;
	v3 =	vld [tilespmem:s21+$0x120]  }
0x191: {  	v5 =	vunpack.i.u.bf16.f32 v2;
	v2 =	vunpack.i.l.bf16.f32 v2  }
0x192: {  	v1 =	vadd.f32 v2, v1;
	v0 =	vadd.f32 v5, v0  }
0x193: {  	v2 =	vunpack.i.u.bf16.f32 v4;
	v4 =	vunpack.i.l.bf16.f32 v4  }
0x194: {  	v1 =	vadd.f32 v4, v1;
	v0 =	vadd.f32 v2, v0  }
0x195: {  	v2 =	vunpack.i.u.bf16.f32 v3;
	v3 =	vunpack.i.l.bf16.f32 v3  }
0x196: {  	v1 =	vadd.f32 v3, v1;
	v0 =	vadd.f32 v2, v0  }
0x197: {  	s8 =	sshra.s32 s9, $0x2  }
0x198: {  	[tilespmem:s8+$0xAA40] =	vst v1  }
0x199: {  	[tilespmem:s8+$0xAA50] =	vst v0  }
0x19a: {  	v0 =	vld [tilespmem:s21+$0xFFFFFED0]  }
0x19b: {  	v1 =	vld [tilespmem:s21+$0xFFFFFEF0];
	_ =	sdelay $0x1  }
0x19c: {  	v2 =	vld [tilespmem:s21+$0xFFFFFF10];
	_ =	sdelay $0x1  }
0x19d: {  	v3 =	vunpack.i.u.bf16.f32 v0;
	v4 =	vld [tilespmem:s21+$0xFFFFFF30]  }
0x19e: {  	v0 =	vunpack.i.l.bf16.f32 v0;
	v5 =	vunpack.i.u.bf16.f32 v1;
	v1 =	vunpack.i.l.bf16.f32 v1  }
0x19f: {  	v0 =	vadd.f32 v1, v0;
	v1 =	vadd.f32 v5, v3;
	v3 =	vld [tilespmem:s21+$0xFFFFFF50]  }
0x1a0: {  	v5 =	vunpack.i.u.bf16.f32 v2;
	v2 =	vunpack.i.l.bf16.f32 v2  }
0x1a1: {  	v0 =	vadd.f32 v2, v0;
	v1 =	vadd.f32 v5, v1;
	v2 =	vld [tilespmem:s21+$0xFFFFFF70]  }
0x1a2: {  	v5 =	vunpack.i.u.bf16.f32 v4;
	v4 =	vunpack.i.l.bf16.f32 v4  }
0x1a3: {  	v0 =	vadd.f32 v4, v0;
	v1 =	vadd.f32 v5, v1;
	v4 =	vld [tilespmem:s21+$0xFFFFFF90]  }
0x1a4: {  	v5 =	vunpack.i.u.bf16.f32 v3;
	v3 =	vunpack.i.l.bf16.f32 v3  }
0x1a5: {  	v0 =	vadd.f32 v3, v0;
	v1 =	vadd.f32 v5, v1;
	v3 =	vld [tilespmem:s21+$0xFFFFFFB0]  }
0x1a6: {  	v5 =	vunpack.i.u.bf16.f32 v2;
	v2 =	vunpack.i.l.bf16.f32 v2  }
0x1a7: {  	v0 =	vadd.f32 v2, v0;
	v1 =	vadd.f32 v5, v1;
	v2 =	vld [tilespmem:s21+$0xFFFFFFD0]  }
0x1a8: {  	v5 =	vunpack.i.u.bf16.f32 v4;
	v4 =	vunpack.i.l.bf16.f32 v4  }
0x1a9: {  	v0 =	vadd.f32 v4, v0;
	v1 =	vadd.f32 v5, v1;
	v4 =	vld [tilespmem:s21+$0xFFFFFFF0]  }
0x1aa: {  	v5 =	vunpack.i.u.bf16.f32 v3;
	v3 =	vunpack.i.l.bf16.f32 v3  }
0x1ab: {  	v0 =	vadd.f32 v3, v0;
	v1 =	vadd.f32 v5, v1;
	v3 =	vld [tilespmem:s21+$0x10]  }
0x1ac: {  	v5 =	vunpack.i.u.bf16.f32 v2;
	v2 =	vunpack.i.l.bf16.f32 v2  }
0x1ad: {  	v0 =	vadd.f32 v2, v0;
	v1 =	vadd.f32 v5, v1;
	v2 =	vld [tilespmem:s21+$0x30]  }
0x1ae: {  	v5 =	vunpack.i.u.bf16.f32 v4;
	v4 =	vunpack.i.l.bf16.f32 v4  }
0x1af: {  	v0 =	vadd.f32 v4, v0;
	v1 =	vadd.f32 v5, v1;
	v4 =	vld [tilespmem:s21+$0x50]  }
0x1b0: {  	v5 =	vunpack.i.u.bf16.f32 v3;
	v3 =	vunpack.i.l.bf16.f32 v3  }
0x1b1: {  	v0 =	vadd.f32 v3, v0;
	v1 =	vadd.f32 v5, v1;
	v3 =	vld [tilespmem:s21+$0x70]  }
0x1b2: {  	v5 =	vunpack.i.u.bf16.f32 v2;
	v2 =	vunpack.i.l.bf16.f32 v2  }
0x1b3: {  	v0 =	vadd.f32 v2, v0;
	v1 =	vadd.f32 v5, v1;
	v2 =	vld [tilespmem:s21+$0x90]  }
0x1b4: {  	v5 =	vunpack.i.u.bf16.f32 v4;
	v4 =	vunpack.i.l.bf16.f32 v4  }
0x1b5: {  	v0 =	vadd.f32 v4, v0;
	v1 =	vadd.f32 v5, v1;
	v4 =	vld [tilespmem:s21+$0xB0]  }
0x1b6: {  	v5 =	vunpack.i.u.bf16.f32 v3;
	v3 =	vunpack.i.l.bf16.f32 v3  }
0x1b7: {  	v0 =	vadd.f32 v3, v0;
	v1 =	vadd.f32 v5, v1;
	v3 =	vld [tilespmem:s21+$0xD0]  }
0x1b8: {  	v5 =	vunpack.i.u.bf16.f32 v2;
	v2 =	vunpack.i.l.bf16.f32 v2  }
0x1b9: {  	v0 =	vadd.f32 v2, v0;
	v1 =	vadd.f32 v5, v1;
	v2 =	vld [tilespmem:s21+$0xF0]  }
0x1ba: {  	v5 =	vunpack.i.u.bf16.f32 v4;
	v4 =	vunpack.i.l.bf16.f32 v4  }
0x1bb: {  	v0 =	vadd.f32 v4, v0;
	v1 =	vadd.f32 v5, v1;
	v4 =	vld [tilespmem:s21+$0x110]  }
0x1bc: {  	v5 =	vunpack.i.u.bf16.f32 v3;
	v3 =	vunpack.i.l.bf16.f32 v3  }
.Ltmp1:
0x1bd: {  	v3 =	vadd.f32 v3, v0;
	v1 =	vadd.f32 v5, v1;
	v0 =	vld [tilespmem:s21+$0x130];
	(pc) =	sbr.rel @p0 .LBB2_5-.Ltmp1, $4  }
0x1be: {  	v5 =	vunpack.i.u.bf16.f32 v2;
	v2 =	vunpack.i.l.bf16.f32 v2  }
0x1bf: {  	v2 =	vadd.f32 v2, v3;
	v3 =	vadd.f32 v5, v1  }
0x1c0: {  	v5 =	vunpack.i.u.bf16.f32 v4;
	v1 =	vunpack.i.l.bf16.f32 v4  }
0x1c1: {  	v1 =	vadd.f32 v1, v2;
	v2 =	vadd.f32 v5, v3  }
0x1c2: {  	v3 =	vunpack.i.u.bf16.f32 v0  }
0x1c3: {  	v63 =	vunpack.i.l.bf16.f32 v0;
	v2 =	vadd.f32 v3, v2  }
0x1c4: {  	s19 =	sadd.s32 $0x1, s19;
	v0 =	vadd.f32 v63, v1  }
0x1c5: {  	s9 =	sshll.u32 s20, $0x9;
	p0 =	sne.s32 s19, $0x8;
	[tilespmem:s8+$0xAA70] =	vst v2  }
.Ltmp2:
0x1c6: {  	s25 =	sadd.s32 s7, s9;
	[tilespmem:s8+$0xAA60] =	vst v0;
	(pc) =	sbr.rel @p0 .LBB2_2-.Ltmp2, $4  }
0x1c7: {  	[hbm4b:s25+s2] =	stream.linear.scatter [tilespmem:s14], [sflag:$0x5], $0x1000, $0x38;
	[tilespmem:$0xBA00] =	vst v63  }
0x1c8: {  	_ =	swait.ge [sflag:s15], $0x1000  }
0x1c9: {  	[sflag:s15] =	ssyncset.done $0x0  }
0x1ca: {  	[sflag:s15] =	ssyncadd.s32 $0xFFFFF000  }
0x1cb: {  	s18 =	sadd.s32 $0x1, s18  }
0x1cc: {  	p0 =	sne.s32 s18, s12  }
.Ltmp3:
0x1cd: {  	_ = 	snop;
	(pc) =	sbr.rel @p0 .LBB2_1-.Ltmp3, $1  }
0x1ce: {  	_ =	sdelay $0x3  }
0x1cf: {  	_ =	sfence.sel $0x180000  }
0x1d0: {  	[bflag:$0x0] =	sbarrier.arrive $0xFFFF  }
0x1d1: {  	_ =	strace $0x90000047  }
0x1d2: {  	s0 =	stileid.u32;
	[bflag:$0x2] =	sbarrier.arrive $0xFFFF  }
0x1d3: {  	p0 =	sne.s32 s0, $0x0;
	s0 =	rddreg [dreg:$0x1]  }
0x1d4: {  	s0 =	sadd.s32 @!p0 $0x100000, s0  }
0x1d5: {  	[sflag:s0] =	ssyncadd.tile.s32 @!p0 $0x1;
	_ =	shalt  }
.Lfunc_end2:
_tile_overlayer_lowered:
.L_overlay_start_2:
0x1d6: {  	(tag) =	ssettag $0x2  }
0x1d7: {  	s0 =	rddreg [dreg:$0x0];
	s2 =	stileid.u32  }
0x1d8: {  	s1 =	rddreg [dreg:$0x1];
	p0 =	sne.s32 s2, $0x0  }
0x1d9: {  	s3 =	rddreg [dreg:$0x2];
	[bflag:$0x3] =	sbarrier.arrive $0xFFFF;
	s2 =	simm.s32 @!p0 $0x1C05  }
0x1da: {  	[timem:s3], [sflag:s2] =	dma.local @!p0 [hbm:s0], s1  }
0x1db: {  	s0 =	simm.s32 @!p0 $0x5  }
0x1dc: {  	_ =	swait.ge @!p0 [sflag:s0], s1  }
0x1dd: {  	s1 =	ssub.s32 @!p0 $0x0, s1;
	[sflag:s0] =	ssyncset.done @!p0 $0x0  }
0x1de: {  	[sflag:s0] =	ssyncadd.s32 @!p0 s1  }
0x1df: {  	[bflag:$0x3] =	sbarrier.arrive $0xFFFF  }
0x1e0: {  	_ =	shalt  }

// kernel: kernel.9.cloned.1.call-start
scs
__scs_entry_jumppad:
0x0: {  	(pc) =	sbr.rel $0x88, $3  }
0x1: {  	(tag) =	ssettag $0x0;
	lr =	simm.s32 $0x1  }
0x2: {  	[smem:$0x3F9A] =	sst lr;
	_ =	strace $0xD0000000  }
0x3: {  	_ = 	snop  }
0x4: {  	_ = 	snop  }
0x5: {  	_ = 	snop  }
0x6: {  	_ = 	snop  }
0x7: {  	_ = 	snop  }
__scs_overlays_trampoline_lowered:
0x8: {  	[smem:$0x3FA9] =	sst s0  }
0x9: {  	[smem:$0x3FAA] =	sst s1  }
0xa: {  	[smem:$0x3FAB] =	sst s2  }
0xb: {  	[smem:$0x3FAC] =	sst s3  }
0xc: {  	[smem:$0x3FAD] =	sst s4  }
0xd: {  	[smem:$0x3FAE] =	sst s5  }
0xe: {  	[smem:$0x3FAF] =	sst s6  }
0xf: {  	[smem:$0x3FB0] =	sst s7  }
0x10: {  	[smem:$0x3FB1] =	sst s8  }
0x11: {  	[smem:$0x3FB2] =	sst s9;
	s0 =	simm.s32 @!p0 $0x0  }
0x12: {  	s1 =	sld [smem:$0x3F98];
	s0 =	simm.s32 @p0 $0x1  }
0x13: {  	[smem:$0x3FB3] =	sst s0;
	s0 =	simm.s32 @!p1 $0x0  }
0x14: {  	s2 =	sld [smem:$0x3F97];
	s0 =	simm.s32 @p1 $0x1  }
0x15: {  	[smem:$0x3FB4] =	sst s0;
	s0 =	simm.s32 @!p2 $0x0  }
0x16: {  	s3 =	sld [smem:$0x3FDB];
	s0 =	simm.s32 @p2 $0x1  }
0x17: {  	s4 =	simm.s32 $0x1BF5;
	[smem:$0x3FB6] =	sst s0  }
0x18: {  	s0 =	sld [smem:$0x3F99];
	_ =	swait.ge [sflag:s4], $0x0  }
0x19: {  	s7 =	sld [smem:$0x3F9A]  }
0x1a: {  	s8 =	sadd.s32 $0xFFFFE003, lr  }
0x1b: {  	s9 =	sadd.s32 $0xFFFFFEF7, lr;
	s5 =	simm.s32 $0xFFFFFFFF;
	p2 =	slt.u32 s8, $0xFFFFF086  }
0x1c: {  	p1 =	slt.u32 s9, $0xF7A;
	s5 =	simm.s32 @!p2 $0x0  }
0x1d: {  	s5 =	simm.s32 @p1 $0x1;
	p0 =	seq.s32 s7, s2  }
0x1e: {  	s7 =	smul.u32 @!p0 $0xF7A, s2;
	p2 =	seq.s32 @!p0 s5, $0x0  }
0x1f: {  	s9 =	smul.u32 $0xF7A, s1;
	s8 =	simm.s32 @!p0 $0x1BF5;
	p2 =	por !p2, p0  }
0x20: {  	[sflag:s8] =	ssyncset.s32 @!p0 $0xFFFFF086;
	s6 =	sadd.s32 @!p0 s3, s7;
	s7 =	simm.s32 @!p0 $0x108  }
0x21: {  	s3 =	sadd.s32 s3, s9;
	s6 =	sadd.s32 @!p0 $0x88, s6;
	s7 =	simm.s32 @p2 $0x1082  }
0x22: {  	[simem:s7], [sflag:s8] =	dma.local @!p0 [hbm:s6], $0xF7A  }
0x23: {  	s9 =	sor.u32 $0xD0000000, s2;
	s6 =	simm.s32 $0x108;
	_ =	swait.ge @!p0 [sflag:s8], $0x0  }
0x24: {  	s3 =	sadd.s32 $0x88, s3;
	s6 =	simm.s32 @!p1 $0x1082;
	[sflag:s4] =	ssyncset.s32 $0xFFFFF086  }
0x25: {  	[simem:s6], [sflag:s4] =	dma.local [hbm:s3], $0xF7A  }
0x26: {  	[smem:$0x3F9A] =	sst s1;
	(tag) =	ssettag s2;
	_ =	strace s9  }
0x27: {  	s1 =	sld [smem:$0x3FAA]  }
0x28: {  	s2 =	sld [smem:$0x3FAB]  }
0x29: {  	s4 =	sld [smem:$0x3FAD]  }
0x2a: {  	p0 =	seq.s32 s5, $0x0;
	s5 =	sld [smem:$0x3FAE]  }
0x2b: {  	s6 =	sld [smem:$0x3FAF]  }
0x2c: {  	s7 =	sld [smem:$0x3FB0]  }
0x2d: {  	s3 =	simm.s32 $0x108;
	s8 =	sld [smem:$0x3FB1]  }
0x2e: {  	s3 =	simm.s32 @!p0 $0x1082;
	s9 =	sld [smem:$0x3FB2]  }
0x2f: {  	lr =	sadd.s32 s0, s3;
	s0 =	sld [smem:$0x3FA9]  }
0x30: {  	s3 =	sld [smem:$0x3FAC]  }
0x31: {  	[smem:$0x3FB5] =	sst s10  }
0x32: {  	s10 =	sld [smem:$0x3FB3];
	_ =	sdelay $0x3  }
0x33: {  	p0 =	seq.s32 s10, $0x1;
	s10 =	sld [smem:$0x3FB5];
	_ =	sdelay $0x3  }
0x34: {  	[smem:$0x3FB5] =	sst s10  }
0x35: {  	s10 =	sld [smem:$0x3FB4];
	_ =	sdelay $0x3  }
0x36: {  	p1 =	seq.s32 s10, $0x1;
	s10 =	sld [smem:$0x3FB5];
	_ =	sdelay $0x3  }
0x37: {  	[smem:$0x3FB5] =	sst s10  }
0x38: {  	s10 =	sld [smem:$0x3FB6]  }
0x39: {  	_ = 	snop;
	(pc) =	sbr.ind lr, $3  }
0x3a: {  	_ = 	snop  }
0x3b: {  	_ = 	snop  }
0x3c: {  	p2 =	seq.s32 s10, $0x1;
	s10 =	sld [smem:$0x3FB5]  }
0x3d: {  	_ =	shalt  }
0x3e: {  	_ =	shalt  }
0x3f: {  	_ =	shalt  }
0x40: {  	_ =	shalt  }
0x41: {  	_ =	shalt  }
0x42: {  	_ =	shalt  }
0x43: {  	_ =	shalt  }
0x44: {  	_ =	shalt  }
0x45: {  	_ =	shalt  }
0x46: {  	_ =	shalt  }
0x47: {  	_ =	shalt  }
0x48: {  	_ =	shalt  }
0x49: {  	_ =	shalt  }
0x4a: {  	_ =	shalt  }
0x4b: {  	_ =	shalt  }
0x4c: {  	_ =	shalt  }
0x4d: {  	_ =	shalt  }
0x4e: {  	_ =	shalt  }
0x4f: {  	_ =	shalt  }
0x50: {  	_ =	shalt  }
0x51: {  	_ =	shalt  }
0x52: {  	_ =	shalt  }
0x53: {  	_ =	shalt  }
0x54: {  	_ =	shalt  }
0x55: {  	_ =	shalt  }
0x56: {  	_ =	shalt  }
0x57: {  	_ =	shalt  }
0x58: {  	_ =	shalt  }
0x59: {  	_ =	shalt  }
0x5a: {  	_ =	shalt  }
0x5b: {  	_ =	shalt  }
0x5c: {  	_ =	shalt  }
0x5d: {  	_ =	shalt  }
0x5e: {  	_ =	shalt  }
0x5f: {  	_ =	shalt  }
0x60: {  	_ =	shalt  }
0x61: {  	_ =	shalt  }
0x62: {  	_ =	shalt  }
0x63: {  	_ =	shalt  }
0x64: {  	_ =	shalt  }
0x65: {  	_ =	shalt  }
0x66: {  	_ =	shalt  }
0x67: {  	_ =	shalt  }
0x68: {  	_ =	shalt  }
0x69: {  	_ =	shalt  }
0x6a: {  	_ =	shalt  }
0x6b: {  	_ =	shalt  }
0x6c: {  	_ =	shalt  }
0x6d: {  	_ =	shalt  }
0x6e: {  	_ =	shalt  }
0x6f: {  	_ =	shalt  }
0x70: {  	_ =	shalt  }
0x71: {  	_ =	shalt  }
0x72: {  	_ =	shalt  }
0x73: {  	_ =	shalt  }
0x74: {  	_ =	shalt  }
0x75: {  	_ =	shalt  }
0x76: {  	_ =	shalt  }
0x77: {  	_ =	shalt  }
0x78: {  	_ =	shalt  }
0x79: {  	_ =	shalt  }
0x7a: {  	_ =	shalt  }
0x7b: {  	_ =	shalt  }
0x7c: {  	_ =	shalt  }
0x7d: {  	_ =	shalt  }
0x7e: {  	_ =	shalt  }
0x7f: {  	_ =	shalt  }
0x80: {  	_ =	shalt  }
0x81: {  	_ =	shalt  }
0x82: {  	_ =	shalt  }
0x83: {  	_ =	shalt  }
0x84: {  	_ =	shalt  }
0x85: {  	_ =	shalt  }
0x86: {  	_ =	shalt  }
0x87: {  	_ =	shalt  }
.Lfunc_end0:
.L_simem_size_0:
called_computation.1_lowered:
.L_overlay_start_0:
0x88: {  	s2 =	sld [smem:$0x3FD9]  }
0x89: {  	s3 =	sld [smem:$0x3FFE];
	_ =	sdelay $0x1  }
0x8a: {  	s1 =	srdreg.scid  }
0x8b: {  	s0 =	sand.u32 $0x1, s1  }
0x8c: {  	s17 =	sshll.u32 s0, $0xA;
	s2 =	sadd.s32 s3, s2  }
0x8d: {  	s2 =	sadd.s32 s2, s17  }
0x8e: {  	[smem:$0x3FC1] =	sst s2  }
0x8f: {  	_ = 	snop  }
0x90: {  	(tm) =	ssettm $0x1  }
0x91: {  	s18 =	sld [smem:$0x3FFB];
	_ =	sdelay $0x3  }
0x92: {  	_ =	strace s18  }
0x93: {  	s2 =	sld [smem:$0x3FFC];
	_ =	sdelay $0x3  }
0x94: {  	_ =	strace s2  }
0x95: {  	s2 =	sld [smem:$0x3FFD];
	_ =	sdelay $0x3  }
0x96: {  	_ =	strace s2  }
0x97: {  	_ =	strace $0x8FFFFFFF  }
0x98: {  	s19 =	sld [smem:$0x3FDB];
	_ =	sdelay $0x1  }
0x99: {  	s20 =	simm.s32 $_scs_section_size  }
0x9a: {  	s4 =	simm.s32 $_size__tile_overlayer_lowered;
	s5 =	simm.s32 $_tile_overlayer_lowered  }
0x9b: {  	s6 =	simm.s32 $0x1BFF;
	s21 =	sshll.u32 s5, $0x1;
	s3 =	sadd.s32 s20, s19  }
0x9c: {  	s22 =	simm.s32 $0x0;
	s4 =	sshll.u32 s4, $0x1;
	s5 =	sadd.s32 s21, s3  }
0x9d: {  	[timem:s22], [sflag:s6] =	dma.local [hbm:s5], s4  }
0x9e: {  	_ =	swait.ge [sflag:s6], s4  }
0x9f: {  	s4 =	ssub.s32 $0x0, s4;
	[sflag:s6] =	ssyncset.done $0x0  }
0xa0: {  	[sflag:s6] =	ssyncadd.s32 s4;
	_ =	sdelay $0x1  }
0xa1: {  	s23 =	simm.s32 $0x1B8B  }
0xa2: {  	_ =	swait.ge [sflag:s23], $0x1  }
0xa3: {  	[sflag:s23] =	ssyncset.done $0x0  }
0xa4: {  	[sflag:s23] =	ssyncadd.s32 $0xFFFFFFFF  }
0xa5: {  	s4 =	sld [smem:$0x0]  }
0xa6: {  	s5 =	sand.u32 $0xFFFFFFFE, s1  }
0xa7: {  	p0 =	sne.s32 s1, s5  }
0xa8: {  	s5 =	sshll.u32 @p0 s5, $0xE  }
0xa9: {  	s5 =	sadd.s32 @p0 $0x11B8D, s5;
	s6 =	sshll.u32 @p0 s4, $0x11  }
0xaa: {  	s5 =	sor.u32 @p0 s6, s5  }
0xab: {  	[sflag:s5] =	ssyncadd.remote.s32 @p0 $0x1;
	_ =	sdelay $0x1  }
0xac: {  	s5 =	simm.s32 @p0 $0x1B8D  }
0xad: {  	_ =	swait.eq @p0 [sflag:s5], $0x1  }
0xae: {  	[sflag:s5] =	ssyncadd.s32 @p0 $0xFFFFFFFF  }
0xaf: {  	s6 =	sshll.u32 @!p0 s1, $0xE  }
0xb0: {  	s6 =	sor.u32 @!p0 $0x4000, s6;
	s5 =	simm.s32 @!p0 $0x1B8D  }
0xb1: {  	s4 =	sshll.u32 @!p0 s4, $0x11;
	s6 =	sadd.s32 @!p0 $0x11B8D, s6;
	_ =	swait.eq @!p0 [sflag:s5], $0x1  }
0xb2: {  	s4 =	sor.u32 @!p0 s4, s6;
	[sflag:s5] =	ssyncadd.s32 @!p0 $0xFFFFFFFF  }
0xb3: {  	s25 =	simm.s32 $0x1B8E;
	s24 =	sld [smem:$0x3FFE];
	[sflag:s4] =	ssyncadd.remote.s32 @!p0 $0x1  }
0xb4: {  	s26 =	simm.s32 $execute0_lowered;
	[smem:$0x3FD2] =	sst s25  }
0xb5: {  	s5 =	sshll.u32 s26, $0x1;
	_ =	strace $0x80000049;
	[dreg:$0x1] =	wrdreg $0xFFFFFFFF  }
0xb6: {  	s28 =	simm.s32 $_size_execute0_lowered;
	s3 =	sadd.s32 s3, s5;
	[dreg:$0x0] =	wrdreg $0x0  }
0xb7: {  	s5 =	sshll.u32 s28, $0x1;
	[dreg:$0x2] =	wrdreg s3  }
0xb8: {  	[dreg:$0x3] =	wrdreg s5  }
0xb9: {  	[dreg:$0x4] =	wrdreg $0xC0  }
0xba: {  	_ =	task [dreg:s22], $0x5FFFF  }
0xbb: {  	[dreg:$0x1] =	wrdreg $0xFFFFFFFF  }
0xbc: {  	[dreg:$0x0] =	wrdreg $0x60  }
0xbd: {  	[dreg:$0x2] =	wrdreg s24  }
0xbe: {  	[dreg:$0x3] =	wrdreg $0xA  }
0xbf: {  	_ =	task.clear_ibuf [dreg:s22], $0x4FFFF;
	_ =	strace $0x90000049  }
0xc0: {  	s29 =	simm.s32 $0xA;
	_ =	strace $0x8000004B  }
0xc1: {  	_ =	swait.ge [sflag:s29], $0x1  }
0xc2: {  	[sflag:s29] =	ssyncadd.s32 $0xFFFFFFFF  }
0xc3: {  	_ =	strace $0x9000004B  }
0xc4: {  	_ =	sfence  }
0xc5: {  	s30 =	sld [smem:$0x0];
	_ =	sdelay $0x2  }
0xc6: {  	s31 =	sshll.u32 s1, $0xD;
	s1 =	sshrl.u32 s1, $0x2  }
0xc7: {  	s4 =	sand.u32 $0x4000, s31;
	s1 =	sadd.s32 s1, s30  }
0xc8: {  	s0 =	sor.u32 s4, s0;
	s1 =	sshll.u32 s1, $0x11  }
0xc9: {  	s0 =	sor.u32 s1, s0  }
0xca: {  	s0 =	sadd.s32 $0x8F2B, s0  }
0xcb: {  	[sflag:s0] =	ssyncadd.remote.s32 $0x1  }
0xcc: {  	_ =	sfence.sel $0xFFFF  }
0xcd: {  	[dreg:$0x0] =	wrdreg $0xFFFFFFFF;
	(pc) =	sbr.abs _section_cstart, $3  }
0xce: {  	[dreg:$0x1] =	wrdreg $0xFFFFFFFF  }
0xcf: {  	_ =	task.clear_ibuf [dreg:s22], $0x2FFFF;
	_ =	strace $0x9FFFFFFF  }
0xd0: {  	(tm) =	ssettm $0x7FFFFFFF  }
0xd1: {  	_ =	shalt  }
tec
execute0_lowered:
.L_overlay_start_1:
0x0: {  	(tag) =	ssettag $0x1  }
0x1: {  	s0 =	rddreg [dreg:$0x0];
	s2 =	simm.s32 $0x0;
	s1 =	srdreg.scid  }
0x2: {  	s3 =	stileid.u32;
	s16 =	simm.s32 $0x3;
	s17 =	simm.s32 $0x80  }
0x3: {  	s28 =	simm.s32 $0x5A00;
	s29 =	simm.s32 $0x6A00;
	s30 =	simm.s32 $0x7A00  }
0x4: {  	s31 =	simm.s32 $0x8A00;
	s13 =	simm.s32 $0x2;
	s14 =	simm.s32 $0xAA00  }
0x5: {  	s15 =	simm.s32 $0x5;
	s18 =	simm.s32 $0x0;
	s1 =	sand.u32 $0x1, s1  }
0x6: {  	[smem:$0x7FF] =	sst s2;
	s4 =	sshll.u32 s3, $0x4;
	s5 =	sshll.u32 s1, $0x3  }
0x7: {  	s3 =	sadd.s32 $0x1C00, s0;
	s6 =	sadd.s32 $0x8D800, s0;
	s4 =	sor.u32 s5, s4  }
0x8: {  	s7 =	sadd.s32 $0x97800, s0;
	s1 =	ssub.s32 $0x2, s1;
	s9 =	smul.u32 $0x50, s4  }
0x9: {  	_ =	strace $0x8000004A;
	s5 =	sadd.s32 $0x92800, s0;
	s8 =	sshrl.u32 s1, $0x1  }
0xa: {  	s0 =	simm.s32 $0x9A00;
	s23 =	ssub.s32 s1, s8;
	s24 =	sadd.s32 s5, s9  }
0xb: {  	s1 =	simm.s32 $0x1;
	s25 =	sadd.s32 s6, s9;
	[dreg:$0x2] =	wrdreg s24  }
0xc: {  	s12 =	smax.u32 s23, $0x1;
	s26 =	sor.u32 $0x50, s9;
	[dreg:$0x3] =	wrdreg s25  }
0xd: {  	s10 =	sadd.s32 s5, s26;
	s11 =	sadd.s32 s6, s26;
	s26 =	simm.s32 $0x4  }
.LBB2_1:
0xe: {  	s8 =	rddreg [dreg:$0x2]  }
0xf: {  	[tilespmem:s2], [sflag:$0x3] =	stream.linear.gather [hbm4b:s8+s2], $0x280, $0x38;
	[tilespmem:$0xBA00] =	vst v63  }
0x10: {  	s23 =	rddreg [dreg:$0x3];
	s9 =	simm.s32 $0x500  }
0x11: {  	[tilespmem:s9], [sflag:$0x4] =	stream.linear.gather [hbm4b:s23+s2], $0x280, $0x38;
	[tilespmem:$0xBA00] =	vst v63  }
0x12: {  	s24 =	simm.s32 $0x280  }
0x13: {  	[tilespmem:s24], [sflag:$0x3] =	stream.linear.gather [hbm4b:s10+s2], $0x280, $0x38;
	[tilespmem:$0xBA00] =	vst v63  }
0x14: {  	s25 =	simm.s32 $0x780  }
0x15: {  	[tilespmem:s25], [sflag:$0x4] =	stream.linear.gather [hbm4b:s11+s2], $0x280, $0x38;
	[tilespmem:$0xBA00] =	vst v63  }
0x16: {  	_ =	swait.ge [sflag:s16], $0x280  }
0x17: {  	[sflag:s16] =	ssyncset.done $0x0  }
0x18: {  	s9 =	simm.s32 $0xA00;
	[sflag:s16] =	ssyncadd.s32 $0xFFFFFD80  }
0x19: {  	[tilespmem:s9], [sflag:$0x1] =	stream.indirect.gather [hbm4b:s3+s17], $0x20, s2, s17, $0xb8;
	[tilespmem:$0xBA00] =	vst v63  }
0x1a: {  	s19 =	simm.s32 $0x1A00  }
0x1b: {  	[tilespmem:s19], [sflag:$0x1] =	stream.indirect.gather [hbm4b:s3+s17], $0x20, s17, s17, $0xb8;
	[tilespmem:$0xBA00] =	vst v63  }
0x1c: {  	s20 =	simm.s32 $0x100;
	s21 =	simm.s32 $0x2A00  }
0x1d: {  	[tilespmem:s21], [sflag:$0x1] =	stream.indirect.gather [hbm4b:s3+s17], $0x20, s20, s17, $0xb8;
	[tilespmem:$0xBA00] =	vst v63  }
0x1e: {  	s22 =	simm.s32 $0x180;
	s23 =	simm.s32 $0x3A00  }
0x1f: {  	[tilespmem:s23], [sflag:$0x1] =	stream.indirect.gather [hbm4b:s3+s17], $0x20, s22, s17, $0xb8;
	[tilespmem:$0xBA00] =	vst v63  }
0x20: {  	s24 =	simm.s32 $0x200;
	s25 =	simm.s32 $0x4A00;
	s19 =	simm.s32 $0x0  }
0x21: {  	[tilespmem:s25], [sflag:$0x1] =	stream.indirect.gather [hbm4b:s3+s17], $0x20, s24, s17, $0xb8;
	[tilespmem:$0xBA00] =	vst v63  }
.LBB2_2:
0x22: {  	s23 =	sand.u32 $0x1, s19  }
0x23: {  	_ =	swait.ge [sflag:s26], $0x280;
	s8 =	smul.u32 $0x280, s23  }
0x24: {  	[sflag:s26] =	ssyncset.done $0x0  }
0x25: {  	[sflag:s26] =	ssyncadd.s32 $0xFFFFFD80;
	s21 =	sadd.s32 $0x500, s8  }
0x26: {  	[tilespmem:s28], [sflag:$0x2] =	stream.indirect.gather [hbm4b:s3+s17], $0x20, s21, s17, $0xb8;
	[tilespmem:$0xBA00] =	vst v63  }
0x27: {  	s9 =	sadd.s32 $0x580, s8  }
0x28: {  	[tilespmem:s29], [sflag:$0x2] =	stream.indirect.gather [hbm4b:s3+s17], $0x20, s9, s17, $0xb8;
	[tilespmem:$0xBA00] =	vst v63  }
0x29: {  	s22 =	sadd.s32 $0x600, s8  }
0x2a: {  	[tilespmem:s30], [sflag:$0x2] =	stream.indirect.gather [hbm4b:s3+s17], $0x20, s22, s17, $0xb8;
	[tilespmem:$0xBA00] =	vst v63  }
0x2b: {  	s24 =	sadd.s32 $0x680, s8  }
0x2c: {  	[tilespmem:s31], [sflag:$0x2] =	stream.indirect.gather [hbm4b:s3+s17], $0x20, s24, s17, $0xb8;
	[tilespmem:$0xBA00] =	vst v63  }
0x2d: {  	s25 =	sadd.s32 $0x700, s8  }
0x2e: {  	[tilespmem:s0], [sflag:$0x2] =	stream.indirect.gather [hbm4b:s3+s17], $0x20, s25, s17, $0xb8;
	[tilespmem:$0xBA00] =	vst v63  }
0x2f: {  	_ =	swait.ge [sflag:s1], $0x1000  }
0x30: {  	[sflag:s1] =	ssyncset.done $0x0  }
0x31: {  	[sflag:s1] =	ssyncadd.s32 $0xFFFFF000  }
0x32: {  	_ =	swait.ge [sflag:s1], $0x1000  }
0x33: {  	[sflag:s1] =	ssyncset.done $0x0  }
0x34: {  	[sflag:s1] =	ssyncadd.s32 $0xFFFFF000  }
0x35: {  	_ =	swait.ge [sflag:s1], $0x1000  }
0x36: {  	[sflag:s1] =	ssyncset.done $0x0  }
0x37: {  	[sflag:s1] =	ssyncadd.s32 $0xFFFFF000  }
0x38: {  	s20 =	sor.u32 s4, s19;
	p0 =	sgt.u32 s19, $0x5;
	_ =	swait.ge [sflag:s1], $0x1000  }
0x39: {  	s9 =	smul.u32 @!p0 $0x280, s20;
	[sflag:s1] =	ssyncset.done $0x0  }
0x3a: {  	[sflag:s1] =	ssyncadd.s32 $0xFFFFF000  }
0x3b: {  	s22 =	sshrl.u32 @!p0 s9, $0x3;
	_ =	swait.ge [sflag:s1], $0x1000  }
0x3c: {  	s9 =	sadd.s32 @!p0 s5, s22;
	[sflag:s1] =	ssyncset.done $0x0  }
0x3d: {  	s9 =	sadd.s32 @!p0 $0xA0, s9;
	s24 =	simm.s32 @!p0 $0x0;
	[sflag:s1] =	ssyncadd.s32 $0xFFFFF000  }
0x3e: {  	[tilespmem:s8], [sflag:$0x3] =	stream.linear.gather @!p0 [hbm4b:s9+s24], $0x280, $0x38;
	[tilespmem:$0xBA00] =	vst v63  }
0x3f: {  	s24 =	simm.s32 $0xB40  }
0x40: {  	v0 =	vld [tilespmem:s24+$0xFFFFFEE0]  }
0x41: {  	v1 =	vld [tilespmem:s24+$0xFFFFFEC0];
	_ =	sdelay $0x1  }
0x42: {  	v2 =	vld [tilespmem:s24+$0xFFFFFF00];
	_ =	sdelay $0x1  }
0x43: {  	v3 =	vld [tilespmem:s24+$0xFFFFFF20]  }
0x44: {  	v4 =	vunpack.i.l.bf16.f32 v0;
	v5 =	vunpack.i.l.bf16.f32 v1  }
0x45: {  	v25 =	vld [tilespmem:s24+$0xFFFFFF40];
	v1 =	vunpack.i.u.bf16.f32 v1;
	v0 =	vunpack.i.u.bf16.f32 v0;
	v4 =	vadd.f32 v4, v5  }
0x46: {  	v0 =	vadd.f32 v0, v1;
	v1 =	vunpack.i.l.bf16.f32 v2  }
0x47: {  	v26 =	vld [tilespmem:s24+$0xFFFFFF60];
	v2 =	vunpack.i.u.bf16.f32 v2;
	v1 =	vadd.f32 v1, v4  }
0x48: {  	v0 =	vadd.f32 v2, v0;
	v2 =	vunpack.i.l.bf16.f32 v3  }
0x49: {  	v3 =	vunpack.i.u.bf16.f32 v3;
	v1 =	vadd.f32 v2, v1;
	v2 =	vld [tilespmem:s24+$0xFFFFFF80]  }
0x4a: {  	v0 =	vadd.f32 v3, v0;
	v3 =	vunpack.i.l.bf16.f32 v25  }
0x4b: {  	v5 =	vunpack.i.u.bf16.f32 v25;
	v1 =	vadd.f32 v3, v1;
	v3 =	vld [tilespmem:s24+$0xFFFFFFA0]  }
0x4c: {  	v27 =	vunpack.i.l.bf16.f32 v26;
	v0 =	vadd.f32 v5, v0  }
0x4d: {  	v28 =	vld [tilespmem:s24+$0xFFFFFFC0];
	v4 =	vunpack.i.u.bf16.f32 v26;
	v1 =	vadd.f32 v27, v1  }
0x4e: {  	v0 =	vadd.f32 v4, v0;
	v29 =	vunpack.i.l.bf16.f32 v2  }
0x4f: {  	v30 =	vld [tilespmem:s24+$0xFFFFFFE0];
	v2 =	vunpack.i.u.bf16.f32 v2;
	v1 =	vadd.f32 v29, v1  }
0x50: {  	v0 =	vadd.f32 v2, v0;
	v2 =	vunpack.i.l.bf16.f32 v3  }
0x51: {  	v3 =	vunpack.i.u.bf16.f32 v3;
	v1 =	vadd.f32 v2, v1;
	v2 =	vld [tilespmem:s24+$0x0]  }
0x52: {  	v0 =	vadd.f32 v3, v0;
	v3 =	vunpack.i.l.bf16.f32 v28  }
0x53: {  	v5 =	vunpack.i.u.bf16.f32 v28;
	v1 =	vadd.f32 v3, v1;
	v3 =	vld [tilespmem:s24+$0x20]  }
0x54: {  	v31 =	vunpack.i.l.bf16.f32 v30;
	v0 =	vadd.f32 v5, v0  }
0x55: {  	v32 =	vld [tilespmem:s24+$0x40];
	v4 =	vunpack.i.u.bf16.f32 v30;
	v1 =	vadd.f32 v31, v1  }
0x56: {  	v0 =	vadd.f32 v4, v0;
	v33 =	vunpack.i.l.bf16.f32 v2  }
0x57: {  	v34 =	vld [tilespmem:s24+$0x60];
	v2 =	vunpack.i.u.bf16.f32 v2;
	v1 =	vadd.f32 v33, v1  }
0x58: {  	v0 =	vadd.f32 v2, v0;
	v2 =	vunpack.i.l.bf16.f32 v3  }
0x59: {  	v3 =	vunpack.i.u.bf16.f32 v3;
	v1 =	vadd.f32 v2, v1;
	v2 =	vld [tilespmem:s24+$0x80]  }
0x5a: {  	v0 =	vadd.f32 v3, v0;
	v3 =	vunpack.i.l.bf16.f32 v32  }
0x5b: {  	v5 =	vunpack.i.u.bf16.f32 v32;
	v1 =	vadd.f32 v3, v1;
	v3 =	vld [tilespmem:s24+$0xA0]  }
0x5c: {  	v35 =	vunpack.i.l.bf16.f32 v34;
	v0 =	vadd.f32 v5, v0  }
0x5d: {  	v36 =	vld [tilespmem:s24+$0xC0];
	v4 =	vunpack.i.u.bf16.f32 v34;
	v1 =	vadd.f32 v35, v1  }
0x5e: {  	v0 =	vadd.f32 v4, v0;
	v37 =	vunpack.i.l.bf16.f32 v2  }
0x5f: {  	v38 =	vld [tilespmem:s24+$0xE0];
	v2 =	vunpack.i.u.bf16.f32 v2;
	v1 =	vadd.f32 v37, v1  }
0x60: {  	v0 =	vadd.f32 v2, v0;
	v2 =	vunpack.i.l.bf16.f32 v3  }
0x61: {  	v3 =	vunpack.i.u.bf16.f32 v3;
	v1 =	vadd.f32 v2, v1;
	v2 =	vld [tilespmem:s24+$0x100]  }
0x62: {  	v0 =	vadd.f32 v3, v0;
	v3 =	vunpack.i.l.bf16.f32 v36  }
0x63: {  	v5 =	vunpack.i.u.bf16.f32 v36;
	v1 =	vadd.f32 v3, v1;
	v3 =	vld [tilespmem:s24+$0x120]  }
0x64: {  	v39 =	vunpack.i.l.bf16.f32 v38;
	v0 =	vadd.f32 v5, v0  }
0x65: {  	v4 =	vunpack.i.u.bf16.f32 v38;
	v1 =	vadd.f32 v39, v1  }
0x66: {  	v0 =	vadd.f32 v4, v0;
	v40 =	vunpack.i.l.bf16.f32 v2  }
0x67: {  	v2 =	vunpack.i.u.bf16.f32 v2;
	v1 =	vadd.f32 v40, v1  }
0x68: {  	v0 =	vadd.f32 v2, v0;
	v2 =	vunpack.i.l.bf16.f32 v3  }
0x69: {  	v3 =	vunpack.i.u.bf16.f32 v3;
	v1 =	vadd.f32 v2, v1  }
0x6a: {  	s8 =	simm.s32 $0x0;
	v0 =	vadd.f32 v3, v0  }
0x6b: {  	[tilespmem:s8+$0xAA00] =	vst v1  }
0x6c: {  	[tilespmem:s8+$0xAA10] =	vst v0  }
0x6d: {  	v0 =	vld [tilespmem:s24+$0xFFFFFED0]  }
0x6e: {  	v1 =	vld [tilespmem:s24+$0xFFFFFEF0];
	_ =	sdelay $0x1  }
0x6f: {  	v2 =	vld [tilespmem:s24+$0xFFFFFF10];
	_ =	sdelay $0x1  }
0x70: {  	v41 =	vld [tilespmem:s24+$0xFFFFFF30];
	v3 =	vunpack.i.u.bf16.f32 v0  }
0x71: {  	v0 =	vunpack.i.l.bf16.f32 v0;
	v42 =	vunpack.i.u.bf16.f32 v1;
	v1 =	vunpack.i.l.bf16.f32 v1  }
0x72: {  	v0 =	vadd.f32 v1, v0;
	v1 =	vadd.f32 v42, v3;
	v3 =	vld [tilespmem:s24+$0xFFFFFF50]  }
0x73: {  	v43 =	vunpack.i.u.bf16.f32 v2;
	v2 =	vunpack.i.l.bf16.f32 v2  }
0x74: {  	v0 =	vadd.f32 v2, v0;
	v2 =	vld [tilespmem:s24+$0xFFFFFF70]  }
0x75: {  	v4 =	vunpack.i.l.bf16.f32 v41;
	v1 =	vadd.f32 v43, v1  }
0x76: {  	v45 =	vld [tilespmem:s24+$0xFFFFFF90];
	v44 =	vunpack.i.u.bf16.f32 v41;
	v0 =	vadd.f32 v4, v0  }
0x77: {  	v1 =	vadd.f32 v44, v1;
	v46 =	vunpack.i.u.bf16.f32 v3;
	v3 =	vunpack.i.l.bf16.f32 v3  }
0x78: {  	v0 =	vadd.f32 v3, v0;
	v3 =	vld [tilespmem:s24+$0xFFFFFFB0]  }
0x79: {  	v1 =	vadd.f32 v46, v1;
	v47 =	vunpack.i.u.bf16.f32 v2;
	v2 =	vunpack.i.l.bf16.f32 v2  }
0x7a: {  	v0 =	vadd.f32 v2, v0;
	v2 =	vld [tilespmem:s24+$0xFFFFFFD0]  }
0x7b: {  	v4 =	vunpack.i.l.bf16.f32 v45;
	v1 =	vadd.f32 v47, v1  }
0x7c: {  	v49 =	vld [tilespmem:s24+$0xFFFFFFF0];
	v48 =	vunpack.i.u.bf16.f32 v45;
	v0 =	vadd.f32 v4, v0  }
0x7d: {  	v1 =	vadd.f32 v48, v1;
	v50 =	vunpack.i.u.bf16.f32 v3;
	v3 =	vunpack.i.l.bf16.f32 v3  }
0x7e: {  	v0 =	vadd.f32 v3, v0;
	v3 =	vld [tilespmem:s24+$0x10]  }
0x7f: {  	v1 =	vadd.f32 v50, v1;
	v51 =	vunpack.i.u.bf16.f32 v2;
	v2 =	vunpack.i.l.bf16.f32 v2  }
0x80: {  	v0 =	vadd.f32 v2, v0;
	v2 =	vld [tilespmem:s24+$0x30]  }
0x81: {  	v4 =	vunpack.i.l.bf16.f32 v49;
	v1 =	vadd.f32 v51, v1  }
0x82: {  	v53 =	vld [tilespmem:s24+$0x50];
	v52 =	vunpack.i.u.bf16.f32 v49;
	v0 =	vadd.f32 v4, v0  }
0x83: {  	v1 =	vadd.f32 v52, v1;
	v54 =	vunpack.i.u.bf16.f32 v3;
	v3 =	vunpack.i.l.bf16.f32 v3  }
0x84: {  	v0 =	vadd.f32 v3, v0;
	v3 =	vld [tilespmem:s24+$0x70]  }
0x85: {  	v1 =	vadd.f32 v54, v1;
	v55 =	vunpack.i.u.bf16.f32 v2;
	v2 =	vunpack.i.l.bf16.f32 v2  }
0x86: {  	v0 =	vadd.f32 v2, v0;
	v2 =	vld [tilespmem:s24+$0x90]  }
0x87: {  	v4 =	vunpack.i.l.bf16.f32 v53;
	v1 =	vadd.f32 v55, v1  }
0x88: {  	v57 =	vld [tilespmem:s24+$0xB0];
	v56 =	vunpack.i.u.bf16.f32 v53;
	v0 =	vadd.f32 v4, v0  }
0x89: {  	v1 =	vadd.f32 v56, v1;
	v58 =	vunpack.i.u.bf16.f32 v3;
	v3 =	vunpack.i.l.bf16.f32 v3  }
0x8a: {  	v0 =	vadd.f32 v3, v0;
	v3 =	vld [tilespmem:s24+$0xD0]  }
0x8b: {  	v1 =	vadd.f32 v58, v1;
	v59 =	vunpack.i.u.bf16.f32 v2;
	v2 =	vunpack.i.l.bf16.f32 v2  }
0x8c: {  	v0 =	vadd.f32 v2, v0;
	v2 =	vld [tilespmem:s24+$0xF0]  }
0x8d: {  	v4 =	vunpack.i.l.bf16.f32 v57;
	v1 =	vadd.f32 v59, v1  }
0x8e: {  	v60 =	vunpack.i.u.bf16.f32 v57;
	v0 =	vadd.f32 v4, v0  }
0x8f: {  	v61 =	vld [tilespmem:s24+$0x110];
	v1 =	vadd.f32 v60, v1;
	v62 =	vunpack.i.u.bf16.f32 v3;
	v3 =	vunpack.i.l.bf16.f32 v3  }
0x90: {  	v0 =	vadd.f32 v3, v0  }
0x91: {  	v1 =	vadd.f32 v62, v1;
	v3 =	vunpack.i.u.bf16.f32 v2;
	v2 =	vunpack.i.l.bf16.f32 v2  }
0x92: {  	v2 =	vadd.f32 v2, v0;
	v0 =	vld [tilespmem:s24+$0x130]  }
0x93: {  	v3 =	vadd.f32 v3, v1  }
0x94: {  	v63 =	vunpack.i.u.bf16.f32 v61;
	v1 =	vunpack.i.l.bf16.f32 v61  }
0x95: {  	s25 =	simm.s32 $0x200;
	v1 =	vadd.f32 v1, v2;
	v2 =	vadd.f32 v63, v3  }
.LBB2_3:
0x96: {  	p1 =	sne.s32 s25, $0x3E00  }
0x97: {  	v3 =	vunpack.i.u.bf16.f32 v0;
	v0 =	vunpack.i.l.bf16.f32 v0;
	s24 =	sadd.s32 $0x280, s24;
	s9 =	smov.u32 s25;
	s25 =	sadd.s32 $0x200, s25  }
0x98: {  	v0 =	vadd.f32 v0, v1;
	v1 =	vadd.f32 v3, v2;
	_ =	sdelay $0x1  }
0x99: {  	[tilespmem:s8+$0xAA30] =	vst v1  }
0x9a: {  	[tilespmem:s8+$0xAA20] =	vst v0  }
0x9b: {  	v0 =	vld [tilespmem:s24+$0xFFFFFEE0]  }
0x9c: {  	v1 =	vld [tilespmem:s24+$0xFFFFFEC0];
	_ =	sdelay $0x1  }
0x9d: {  	v2 =	vld [tilespmem:s24+$0xFFFFFF00];
	_ =	sdelay $0x1  }
0x9e: {  	v3 =	vunpack.i.l.bf16.f32 v0;
	v4 =	vld [tilespmem:s24+$0xFFFFFF20]  }
0x9f: {  	v0 =	vunpack.i.u.bf16.f32 v0;
	v5 =	vunpack.i.u.bf16.f32 v1;
	v1 =	vunpack.i.l.bf16.f32 v1  }
0xa0: {  	v1 =	vadd.f32 v3, v1;
	v0 =	vadd.f32 v0, v5;
	v3 =	vld [tilespmem:s24+$0xFFFFFF40]  }
0xa1: {  	v5 =	vunpack.i.u.bf16.f32 v2;
	v2 =	vunpack.i.l.bf16.f32 v2  }
0xa2: {  	v1 =	vadd.f32 v2, v1;
	v0 =	vadd.f32 v5, v0;
	v2 =	vld [tilespmem:s24+$0xFFFFFF60]  }
0xa3: {  	v5 =	vunpack.i.u.bf16.f32 v4;
	v4 =	vunpack.i.l.bf16.f32 v4  }
0xa4: {  	v1 =	vadd.f32 v4, v1;
	v0 =	vadd.f32 v5, v0;
	v4 =	vld [tilespmem:s24+$0xFFFFFF80]  }
0xa5: {  	v5 =	vunpack.i.u.bf16.f32 v3;
	v3 =	vunpack.i.l.bf16.f32 v3  }
0xa6: {  	v1 =	vadd.f32 v3, v1;
	v0 =	vadd.f32 v5, v0;
	v3 =	vld [tilespmem:s24+$0xFFFFFFA0]  }
0xa7: {  	v5 =	vunpack.i.u.bf16.f32 v2;
	v2 =	vunpack.i.l.bf16.f32 v2  }
0xa8: {  	v1 =	vadd.f32 v2, v1;
	v0 =	vadd.f32 v5, v0;
	v2 =	vld [tilespmem:s24+$0xFFFFFFC0]  }
0xa9: {  	v5 =	vunpack.i.u.bf16.f32 v4;
	v4 =	vunpack.i.l.bf16.f32 v4  }
0xaa: {  	v1 =	vadd.f32 v4, v1;
	v0 =	vadd.f32 v5, v0;
	v4 =	vld [tilespmem:s24+$0xFFFFFFE0]  }
0xab: {  	v5 =	vunpack.i.u.bf16.f32 v3;
	v3 =	vunpack.i.l.bf16.f32 v3  }
0xac: {  	v1 =	vadd.f32 v3, v1;
	v0 =	vadd.f32 v5, v0;
	v3 =	vld [tilespmem:s24+$0x0]  }
0xad: {  	v5 =	vunpack.i.u.bf16.f32 v2;
	v2 =	vunpack.i.l.bf16.f32 v2  }
0xae: {  	v1 =	vadd.f32 v2, v1;
	v0 =	vadd.f32 v5, v0;
	v2 =	vld [tilespmem:s24+$0x20]  }
0xaf: {  	v5 =	vunpack.i.u.bf16.f32 v4;
	v4 =	vunpack.i.l.bf16.f32 v4  }
0xb0: {  	v1 =	vadd.f32 v4, v1;
	v0 =	vadd.f32 v5, v0;
	v4 =	vld [tilespmem:s24+$0x40]  }
0xb1: {  	v5 =	vunpack.i.u.bf16.f32 v3;
	v3 =	vunpack.i.l.bf16.f32 v3  }
0xb2: {  	v1 =	vadd.f32 v3, v1;
	v0 =	vadd.f32 v5, v0;
	v3 =	vld [tilespmem:s24+$0x60]  }
0xb3: {  	v5 =	vunpack.i.u.bf16.f32 v2;
	v2 =	vunpack.i.l.bf16.f32 v2  }
0xb4: {  	v1 =	vadd.f32 v2, v1;
	v0 =	vadd.f32 v5, v0;
	v2 =	vld [tilespmem:s24+$0x80]  }
0xb5: {  	v5 =	vunpack.i.u.bf16.f32 v4;
	v4 =	vunpack.i.l.bf16.f32 v4  }
0xb6: {  	v1 =	vadd.f32 v4, v1;
	v0 =	vadd.f32 v5, v0;
	v4 =	vld [tilespmem:s24+$0xA0]  }
0xb7: {  	v5 =	vunpack.i.u.bf16.f32 v3;
	v3 =	vunpack.i.l.bf16.f32 v3  }
0xb8: {  	v1 =	vadd.f32 v3, v1;
	v0 =	vadd.f32 v5, v0;
	v3 =	vld [tilespmem:s24+$0xC0]  }
0xb9: {  	v5 =	vunpack.i.u.bf16.f32 v2;
	v2 =	vunpack.i.l.bf16.f32 v2  }
0xba: {  	v1 =	vadd.f32 v2, v1;
	v0 =	vadd.f32 v5, v0;
	v2 =	vld [tilespmem:s24+$0xE0]  }
0xbb: {  	v5 =	vunpack.i.u.bf16.f32 v4;
	v4 =	vunpack.i.l.bf16.f32 v4  }
0xbc: {  	v1 =	vadd.f32 v4, v1;
	v0 =	vadd.f32 v5, v0;
	v4 =	vld [tilespmem:s24+$0x100]  }
0xbd: {  	v5 =	vunpack.i.u.bf16.f32 v3;
	v3 =	vunpack.i.l.bf16.f32 v3  }
0xbe: {  	v1 =	vadd.f32 v3, v1;
	v0 =	vadd.f32 v5, v0;
	v3 =	vld [tilespmem:s24+$0x120]  }
0xbf: {  	v5 =	vunpack.i.u.bf16.f32 v2;
	v2 =	vunpack.i.l.bf16.f32 v2  }
0xc0: {  	v1 =	vadd.f32 v2, v1;
	v0 =	vadd.f32 v5, v0  }
0xc1: {  	v2 =	vunpack.i.u.bf16.f32 v4;
	v4 =	vunpack.i.l.bf16.f32 v4  }
0xc2: {  	v1 =	vadd.f32 v4, v1;
	v0 =	vadd.f32 v2, v0  }
0xc3: {  	v2 =	vunpack.i.u.bf16.f32 v3;
	v3 =	vunpack.i.l.bf16.f32 v3  }
0xc4: {  	v1 =	vadd.f32 v3, v1;
	v0 =	vadd.f32 v2, v0  }
0xc5: {  	s8 =	sshra.s32 s9, $0x2  }
0xc6: {  	[tilespmem:s8+$0xAA00] =	vst v1  }
0xc7: {  	[tilespmem:s8+$0xAA10] =	vst v0  }
0xc8: {  	v0 =	vld [tilespmem:s24+$0xFFFFFED0]  }
0xc9: {  	v1 =	vld [tilespmem:s24+$0xFFFFFEF0];
	_ =	sdelay $0x1  }
0xca: {  	v2 =	vld [tilespmem:s24+$0xFFFFFF10];
	_ =	sdelay $0x1  }
0xcb: {  	v3 =	vunpack.i.u.bf16.f32 v0;
	v4 =	vld [tilespmem:s24+$0xFFFFFF30]  }
0xcc: {  	v0 =	vunpack.i.l.bf16.f32 v0;
	v5 =	vunpack.i.u.bf16.f32 v1;
	v1 =	vunpack.i.l.bf16.f32 v1  }
0xcd: {  	v0 =	vadd.f32 v1, v0;
	v1 =	vadd.f32 v5, v3;
	v3 =	vld [tilespmem:s24+$0xFFFFFF50]  }
0xce: {  	v5 =	vunpack.i.u.bf16.f32 v2;
	v2 =	vunpack.i.l.bf16.f32 v2  }
0xcf: {  	v0 =	vadd.f32 v2, v0;
	v1 =	vadd.f32 v5, v1;
	v2 =	vld [tilespmem:s24+$0xFFFFFF70]  }
0xd0: {  	v5 =	vunpack.i.u.bf16.f32 v4;
	v4 =	vunpack.i.l.bf16.f32 v4  }
0xd1: {  	v0 =	vadd.f32 v4, v0;
	v1 =	vadd.f32 v5, v1;
	v4 =	vld [tilespmem:s24+$0xFFFFFF90]  }
0xd2: {  	v5 =	vunpack.i.u.bf16.f32 v3;
	v3 =	vunpack.i.l.bf16.f32 v3  }
0xd3: {  	v0 =	vadd.f32 v3, v0;
	v1 =	vadd.f32 v5, v1;
	v3 =	vld [tilespmem:s24+$0xFFFFFFB0]  }
0xd4: {  	v5 =	vunpack.i.u.bf16.f32 v2;
	v2 =	vunpack.i.l.bf16.f32 v2  }
0xd5: {  	v0 =	vadd.f32 v2, v0;
	v1 =	vadd.f32 v5, v1;
	v2 =	vld [tilespmem:s24+$0xFFFFFFD0]  }
0xd6: {  	v5 =	vunpack.i.u.bf16.f32 v4;
	v4 =	vunpack.i.l.bf16.f32 v4  }
0xd7: {  	v0 =	vadd.f32 v4, v0;
	v1 =	vadd.f32 v5, v1;
	v4 =	vld [tilespmem:s24+$0xFFFFFFF0]  }
0xd8: {  	v5 =	vunpack.i.u.bf16.f32 v3;
	v3 =	vunpack.i.l.bf16.f32 v3  }
0xd9: {  	v0 =	vadd.f32 v3, v0;
	v1 =	vadd.f32 v5, v1;
	v3 =	vld [tilespmem:s24+$0x10]  }
0xda: {  	v5 =	vunpack.i.u.bf16.f32 v2;
	v2 =	vunpack.i.l.bf16.f32 v2  }
0xdb: {  	v0 =	vadd.f32 v2, v0;
	v1 =	vadd.f32 v5, v1;
	v2 =	vld [tilespmem:s24+$0x30]  }
0xdc: {  	v5 =	vunpack.i.u.bf16.f32 v4;
	v4 =	vunpack.i.l.bf16.f32 v4  }
0xdd: {  	v0 =	vadd.f32 v4, v0;
	v1 =	vadd.f32 v5, v1;
	v4 =	vld [tilespmem:s24+$0x50]  }
0xde: {  	v5 =	vunpack.i.u.bf16.f32 v3;
	v3 =	vunpack.i.l.bf16.f32 v3  }
0xdf: {  	v0 =	vadd.f32 v3, v0;
	v1 =	vadd.f32 v5, v1;
	v3 =	vld [tilespmem:s24+$0x70]  }
0xe0: {  	v5 =	vunpack.i.u.bf16.f32 v2;
	v2 =	vunpack.i.l.bf16.f32 v2  }
0xe1: {  	v0 =	vadd.f32 v2, v0;
	v1 =	vadd.f32 v5, v1;
	v2 =	vld [tilespmem:s24+$0x90]  }
0xe2: {  	v5 =	vunpack.i.u.bf16.f32 v4;
	v4 =	vunpack.i.l.bf16.f32 v4  }
0xe3: {  	v0 =	vadd.f32 v4, v0;
	v1 =	vadd.f32 v5, v1;
	v4 =	vld [tilespmem:s24+$0xB0]  }
0xe4: {  	v5 =	vunpack.i.u.bf16.f32 v3;
	v3 =	vunpack.i.l.bf16.f32 v3  }
0xe5: {  	v0 =	vadd.f32 v3, v0;
	v1 =	vadd.f32 v5, v1;
	v3 =	vld [tilespmem:s24+$0xD0]  }
0xe6: {  	v5 =	vunpack.i.u.bf16.f32 v2;
	v2 =	vunpack.i.l.bf16.f32 v2  }
0xe7: {  	v0 =	vadd.f32 v2, v0;
	v1 =	vadd.f32 v5, v1;
	v2 =	vld [tilespmem:s24+$0xF0]  }
0xe8: {  	v5 =	vunpack.i.u.bf16.f32 v4;
	v4 =	vunpack.i.l.bf16.f32 v4  }
0xe9: {  	v0 =	vadd.f32 v4, v0;
	v1 =	vadd.f32 v5, v1;
	v4 =	vld [tilespmem:s24+$0x110]  }
0xea: {  	v5 =	vunpack.i.u.bf16.f32 v3;
	v3 =	vunpack.i.l.bf16.f32 v3  }
.Ltmp0:
0xeb: {  	v3 =	vadd.f32 v3, v0;
	v1 =	vadd.f32 v5, v1;
	v0 =	vld [tilespmem:s24+$0x130];
	(pc) =	sbr.rel @p1 .LBB2_3-.Ltmp0, $4  }
0xec: {  	v5 =	vunpack.i.u.bf16.f32 v2;
	v2 =	vunpack.i.l.bf16.f32 v2  }
0xed: {  	v2 =	vadd.f32 v2, v3;
	v3 =	vadd.f32 v5, v1  }
0xee: {  	v5 =	vunpack.i.u.bf16.f32 v4;
	v1 =	vunpack.i.l.bf16.f32 v4  }
0xef: {  	v1 =	vadd.f32 v1, v2;
	v2 =	vadd.f32 v5, v3  }
0xf0: {  	v3 =	vunpack.i.u.bf16.f32 v0  }
0xf1: {  	v0 =	vunpack.i.l.bf16.f32 v0;
	v2 =	vadd.f32 v3, v2  }
0xf2: {  	v0 =	vadd.f32 v0, v1  }
0xf3: {  	p1 =	seq.s32 s19, $0x7;
	[tilespmem:s8+$0xAA30] =	vst v2  }
0xf4: {  	s9 =	sxor.u32 @!p1 $0x1, s23;
	[tilespmem:s8+$0xAA20] =	vst v0;
	s8 =	simm.s32 @!p1 $0x3  }
0xf5: {  	s9 =	smul.u32 @!p1 $0xA00, s9;
	_ =	swait.ge @!p1 [sflag:s8], $0x280  }
0xf6: {  	s23 =	simm.s32 @!p1 $0xA00;
	[sflag:s8] =	ssyncset.done @!p1 $0x0  }
0xf7: {  	[sflag:s8] =	ssyncadd.s32 @!p1 $0xFFFFFD80;
	s8 =	sshrl.u32 @!p1 s9, $0x2;
	s9 =	simm.s32 @!p1 $0x80  }
0xf8: {  	[tilespmem:s23], [sflag:$0x1] =	stream.indirect.gather @!p1 [hbm4b:s3+s9], $0x20, s8, s9, $0xb8;
	[tilespmem:$0xBA00] =	vst v63  }
0xf9: {  	s24 =	simm.s32 @!p1 $0x1A00;
	s23 =	sadd.s32 @!p1 $0x80, s8  }
0xfa: {  	[tilespmem:s24], [sflag:$0x1] =	stream.indirect.gather @!p1 [hbm4b:s3+s9], $0x20, s23, s9, $0xb8;
	[tilespmem:$0xBA00] =	vst v63  }
0xfb: {  	s23 =	sadd.s32 @!p1 $0x100, s8;
	s24 =	simm.s32 @!p1 $0x2A00  }
0xfc: {  	[tilespmem:s24], [sflag:$0x1] =	stream.indirect.gather @!p1 [hbm4b:s3+s9], $0x20, s23, s9, $0xb8;
	[tilespmem:$0xBA00] =	vst v63  }
0xfd: {  	s23 =	sadd.s32 @!p1 $0x180, s8;
	s24 =	simm.s32 @!p1 $0x3A00  }
0xfe: {  	[tilespmem:s24], [sflag:$0x1] =	stream.indirect.gather @!p1 [hbm4b:s3+s9], $0x20, s23, s9, $0xb8;
	[tilespmem:$0xBA00] =	vst v63  }
0xff: {  	s8 =	sadd.s32 @!p1 $0x200, s8;
	s23 =	simm.s32 @!p1 $0x4A00  }
0x100: {  	[tilespmem:s23], [sflag:$0x1] =	stream.indirect.gather @!p1 [hbm4b:s3+s9], $0x20, s8, s9, $0xb8;
	[tilespmem:$0xBA00] =	vst v63  }
0x101: {  	_ =	swait.ge [sflag:s13], $0x1000  }
0x102: {  	[sflag:s13] =	ssyncset.done $0x0  }
0x103: {  	[sflag:s13] =	ssyncadd.s32 $0xFFFFF000  }
0x104: {  	_ =	swait.ge [sflag:s13], $0x1000  }
0x105: {  	[sflag:s13] =	ssyncset.done $0x0  }
0x106: {  	[sflag:s13] =	ssyncadd.s32 $0xFFFFF000  }
0x107: {  	_ =	swait.ge [sflag:s13], $0x1000  }
0x108: {  	[sflag:s13] =	ssyncset.done $0x0  }
0x109: {  	[sflag:s13] =	ssyncadd.s32 $0xFFFFF000  }
0x10a: {  	_ =	swait.ge [sflag:s13], $0x1000  }
0x10b: {  	[sflag:s13] =	ssyncset.done $0x0  }
0x10c: {  	[sflag:s13] =	ssyncadd.s32 $0xFFFFF000  }
0x10d: {  	_ =	swait.ge [sflag:s13], $0x1000  }
0x10e: {  	s8 =	sadd.s32 @!p0 s6, s22;
	[sflag:s13] =	ssyncset.done $0x0  }
0x10f: {  	s9 =	simm.s32 @!p0 $0x0;
	s8 =	sadd.s32 @!p0 $0xA0, s8;
	[sflag:s13] =	ssyncadd.s32 $0xFFFFF000  }
0x110: {  	[tilespmem:s21], [sflag:$0x4] =	stream.linear.gather @!p0 [hbm4b:s8+s9], $0x280, $0x38;
	[tilespmem:$0xBA00] =	vst v63  }
0x111: {  	s21 =	simm.s32 $0x5B40  }
0x112: {  	v0 =	vld [tilespmem:s21+$0xFFFFFEE0]  }
0x113: {  	v1 =	vld [tilespmem:s21+$0xFFFFFEC0];
	_ =	sdelay $0x1  }
0x114: {  	v2 =	vld [tilespmem:s21+$0xFFFFFF00];
	_ =	sdelay $0x1  }
0x115: {  	v3 =	vld [tilespmem:s21+$0xFFFFFF20]  }
0x116: {  	v4 =	vunpack.i.l.bf16.f32 v0;
	v5 =	vunpack.i.l.bf16.f32 v1  }
0x117: {  	v25 =	vld [tilespmem:s21+$0xFFFFFF40];
	v1 =	vunpack.i.u.bf16.f32 v1;
	v0 =	vunpack.i.u.bf16.f32 v0;
	v4 =	vadd.f32 v4, v5  }
0x118: {  	v0 =	vadd.f32 v0, v1;
	v1 =	vunpack.i.l.bf16.f32 v2  }
0x119: {  	v26 =	vld [tilespmem:s21+$0xFFFFFF60];
	v2 =	vunpack.i.u.bf16.f32 v2;
	v1 =	vadd.f32 v1, v4  }
0x11a: {  	v0 =	vadd.f32 v2, v0;
	v2 =	vunpack.i.l.bf16.f32 v3  }
0x11b: {  	v3 =	vunpack.i.u.bf16.f32 v3;
	v1 =	vadd.f32 v2, v1;
	v2 =	vld [tilespmem:s21+$0xFFFFFF80]  }
0x11c: {  	v0 =	vadd.f32 v3, v0;
	v3 =	vunpack.i.l.bf16.f32 v25  }
0x11d: {  	v5 =	vunpack.i.u.bf16.f32 v25;
	v1 =	vadd.f32 v3, v1;
	v3 =	vld [tilespmem:s21+$0xFFFFFFA0]  }
0x11e: {  	v27 =	vunpack.i.l.bf16.f32 v26;
	v0 =	vadd.f32 v5, v0  }
0x11f: {  	v28 =	vld [tilespmem:s21+$0xFFFFFFC0];
	v4 =	vunpack.i.u.bf16.f32 v26;
	v1 =	vadd.f32 v27, v1  }
0x120: {  	v0 =	vadd.f32 v4, v0;
	v29 =	vunpack.i.l.bf16.f32 v2  }
0x121: {  	v30 =	vld [tilespmem:s21+$0xFFFFFFE0];
	v2 =	vunpack.i.u.bf16.f32 v2;
	v1 =	vadd.f32 v29, v1  }
0x122: {  	v0 =	vadd.f32 v2, v0;
	v2 =	vunpack.i.l.bf16.f32 v3  }
0x123: {  	v3 =	vunpack.i.u.bf16.f32 v3;
	v1 =	vadd.f32 v2, v1;
	v2 =	vld [tilespmem:s21+$0x0]  }
0x124: {  	v0 =	vadd.f32 v3, v0;
	v3 =	vunpack.i.l.bf16.f32 v28  }
0x125: {  	v5 =	vunpack.i.u.bf16.f32 v28;
	v1 =	vadd.f32 v3, v1;
	v3 =	vld [tilespmem:s21+$0x20]  }
0x126: {  	v31 =	vunpack.i.l.bf16.f32 v30;
	v0 =	vadd.f32 v5, v0  }
0x127: {  	v32 =	vld [tilespmem:s21+$0x40];
	v4 =	vunpack.i.u.bf16.f32 v30;
	v1 =	vadd.f32 v31, v1  }
0x128: {  	v0 =	vadd.f32 v4, v0;
	v33 =	vunpack.i.l.bf16.f32 v2  }
0x129: {  	v34 =	vld [tilespmem:s21+$0x60];
	v2 =	vunpack.i.u.bf16.f32 v2;
	v1 =	vadd.f32 v33, v1  }
0x12a: {  	v0 =	vadd.f32 v2, v0;
	v2 =	vunpack.i.l.bf16.f32 v3  }
0x12b: {  	v3 =	vunpack.i.u.bf16.f32 v3;
	v1 =	vadd.f32 v2, v1;
	v2 =	vld [tilespmem:s21+$0x80]  }
0x12c: {  	v0 =	vadd.f32 v3, v0;
	v3 =	vunpack.i.l.bf16.f32 v32  }
0x12d: {  	v5 =	vunpack.i.u.bf16.f32 v32;
	v1 =	vadd.f32 v3, v1;
	v3 =	vld [tilespmem:s21+$0xA0]  }
0x12e: {  	v35 =	vunpack.i.l.bf16.f32 v34;
	v0 =	vadd.f32 v5, v0  }
0x12f: {  	v36 =	vld [tilespmem:s21+$0xC0];
	v4 =	vunpack.i.u.bf16.f32 v34;
	v1 =	vadd.f32 v35, v1  }
0x130: {  	v0 =	vadd.f32 v4, v0;
	v37 =	vunpack.i.l.bf16.f32 v2  }
0x131: {  	v38 =	vld [tilespmem:s21+$0xE0];
	v2 =	vunpack.i.u.bf16.f32 v2;
	v1 =	vadd.f32 v37, v1  }
0x132: {  	v0 =	vadd.f32 v2, v0;
	v2 =	vunpack.i.l.bf16.f32 v3  }
0x133: {  	v3 =	vunpack.i.u.bf16.f32 v3;
	v1 =	vadd.f32 v2, v1;
	v2 =	vld [tilespmem:s21+$0x100]  }
0x134: {  	v0 =	vadd.f32 v3, v0;
	v3 =	vunpack.i.l.bf16.f32 v36  }
0x135: {  	v5 =	vunpack.i.u.bf16.f32 v36;
	v1 =	vadd.f32 v3, v1;
	v3 =	vld [tilespmem:s21+$0x120]  }
0x136: {  	v39 =	vunpack.i.l.bf16.f32 v38;
	v0 =	vadd.f32 v5, v0  }
0x137: {  	v4 =	vunpack.i.u.bf16.f32 v38;
	v1 =	vadd.f32 v39, v1  }
0x138: {  	v0 =	vadd.f32 v4, v0;
	v40 =	vunpack.i.l.bf16.f32 v2  }
0x139: {  	v2 =	vunpack.i.u.bf16.f32 v2;
	v1 =	vadd.f32 v40, v1  }
0x13a: {  	v0 =	vadd.f32 v2, v0;
	v2 =	vunpack.i.l.bf16.f32 v3  }
0x13b: {  	v3 =	vunpack.i.u.bf16.f32 v3;
	v1 =	vadd.f32 v2, v1  }
0x13c: {  	s8 =	simm.s32 $0x0;
	v0 =	vadd.f32 v3, v0  }
0x13d: {  	[tilespmem:s8+$0xAA40] =	vst v1  }
0x13e: {  	[tilespmem:s8+$0xAA50] =	vst v0  }
0x13f: {  	v0 =	vld [tilespmem:s21+$0xFFFFFED0]  }
0x140: {  	v1 =	vld [tilespmem:s21+$0xFFFFFEF0];
	_ =	sdelay $0x1  }
0x141: {  	v2 =	vld [tilespmem:s21+$0xFFFFFF10];
	_ =	sdelay $0x1  }
0x142: {  	v41 =	vld [tilespmem:s21+$0xFFFFFF30];
	v3 =	vunpack.i.u.bf16.f32 v0  }
0x143: {  	v0 =	vunpack.i.l.bf16.f32 v0;
	v42 =	vunpack.i.u.bf16.f32 v1;
	v1 =	vunpack.i.l.bf16.f32 v1  }
0x144: {  	v0 =	vadd.f32 v1, v0;
	v1 =	vadd.f32 v42, v3;
	v3 =	vld [tilespmem:s21+$0xFFFFFF50]  }
0x145: {  	v43 =	vunpack.i.u.bf16.f32 v2;
	v2 =	vunpack.i.l.bf16.f32 v2  }
0x146: {  	v0 =	vadd.f32 v2, v0;
	v2 =	vld [tilespmem:s21+$0xFFFFFF70]  }
0x147: {  	v4 =	vunpack.i.l.bf16.f32 v41;
	v1 =	vadd.f32 v43, v1  }
0x148: {  	v45 =	vld [tilespmem:s21+$0xFFFFFF90];
	v44 =	vunpack.i.u.bf16.f32 v41;
	v0 =	vadd.f32 v4, v0  }
0x149: {  	v1 =	vadd.f32 v44, v1;
	v46 =	vunpack.i.u.bf16.f32 v3;
	v3 =	vunpack.i.l.bf16.f32 v3  }
0x14a: {  	v0 =	vadd.f32 v3, v0;
	v3 =	vld [tilespmem:s21+$0xFFFFFFB0]  }
0x14b: {  	v1 =	vadd.f32 v46, v1;
	v47 =	vunpack.i.u.bf16.f32 v2;
	v2 =	vunpack.i.l.bf16.f32 v2  }
0x14c: {  	v0 =	vadd.f32 v2, v0;
	v2 =	vld [tilespmem:s21+$0xFFFFFFD0]  }
0x14d: {  	v4 =	vunpack.i.l.bf16.f32 v45;
	v1 =	vadd.f32 v47, v1  }
0x14e: {  	v49 =	vld [tilespmem:s21+$0xFFFFFFF0];
	v48 =	vunpack.i.u.bf16.f32 v45;
	v0 =	vadd.f32 v4, v0  }
0x14f: {  	v1 =	vadd.f32 v48, v1;
	v50 =	vunpack.i.u.bf16.f32 v3;
	v3 =	vunpack.i.l.bf16.f32 v3  }
0x150: {  	v0 =	vadd.f32 v3, v0;
	v3 =	vld [tilespmem:s21+$0x10]  }
0x151: {  	v1 =	vadd.f32 v50, v1;
	v51 =	vunpack.i.u.bf16.f32 v2;
	v2 =	vunpack.i.l.bf16.f32 v2  }
0x152: {  	v0 =	vadd.f32 v2, v0;
	v2 =	vld [tilespmem:s21+$0x30]  }
0x153: {  	v4 =	vunpack.i.l.bf16.f32 v49;
	v1 =	vadd.f32 v51, v1  }
0x154: {  	v53 =	vld [tilespmem:s21+$0x50];
	v52 =	vunpack.i.u.bf16.f32 v49;
	v0 =	vadd.f32 v4, v0  }
0x155: {  	v1 =	vadd.f32 v52, v1;
	v54 =	vunpack.i.u.bf16.f32 v3;
	v3 =	vunpack.i.l.bf16.f32 v3  }
0x156: {  	v0 =	vadd.f32 v3, v0;
	v3 =	vld [tilespmem:s21+$0x70]  }
0x157: {  	v1 =	vadd.f32 v54, v1;
	v55 =	vunpack.i.u.bf16.f32 v2;
	v2 =	vunpack.i.l.bf16.f32 v2  }
0x158: {  	v0 =	vadd.f32 v2, v0;
	v2 =	vld [tilespmem:s21+$0x90]  }
0x159: {  	v4 =	vunpack.i.l.bf16.f32 v53;
	v1 =	vadd.f32 v55, v1  }
0x15a: {  	v57 =	vld [tilespmem:s21+$0xB0];
	v56 =	vunpack.i.u.bf16.f32 v53;
	v0 =	vadd.f32 v4, v0  }
0x15b: {  	v1 =	vadd.f32 v56, v1;
	v58 =	vunpack.i.u.bf16.f32 v3;
	v3 =	vunpack.i.l.bf16.f32 v3  }
0x15c: {  	v0 =	vadd.f32 v3, v0;
	v3 =	vld [tilespmem:s21+$0xD0]  }
0x15d: {  	v1 =	vadd.f32 v58, v1;
	v59 =	vunpack.i.u.bf16.f32 v2;
	v2 =	vunpack.i.l.bf16.f32 v2  }
0x15e: {  	v0 =	vadd.f32 v2, v0;
	v2 =	vld [tilespmem:s21+$0xF0]  }
0x15f: {  	v4 =	vunpack.i.l.bf16.f32 v57;
	v1 =	vadd.f32 v59, v1  }
0x160: {  	v60 =	vunpack.i.u.bf16.f32 v57;
	v0 =	vadd.f32 v4, v0  }
0x161: {  	v61 =	vld [tilespmem:s21+$0x110];
	v1 =	vadd.f32 v60, v1;
	v62 =	vunpack.i.u.bf16.f32 v3;
	v3 =	vunpack.i.l.bf16.f32 v3  }
0x162: {  	v0 =	vadd.f32 v3, v0  }
0x163: {  	v1 =	vadd.f32 v62, v1;
	v3 =	vunpack.i.u.bf16.f32 v2;
	v2 =	vunpack.i.l.bf16.f32 v2  }
0x164: {  	v2 =	vadd.f32 v2, v0;
	v0 =	vld [tilespmem:s21+$0x130]  }
0x165: {  	v3 =	vadd.f32 v3, v1  }
0x166: {  	v63 =	vunpack.i.u.bf16.f32 v61;
	v1 =	vunpack.i.l.bf16.f32 v61  }
0x167: {  	s22 =	simm.s32 $0x200;
	v1 =	vadd.f32 v1, v2;
	v2 =	vadd.f32 v63, v3  }
.LBB2_5:
0x168: {  	p0 =	sne.s32 s22, $0x3E00  }
0x169: {  	v3 =	vunpack.i.u.bf16.f32 v0;
	v0 =	vunpack.i.l.bf16.f32 v0;
	s21 =	sadd.s32 $0x280, s21;
	s9 =	smov.u32 s22;
	s22 =	sadd.s32 $0x200, s22  }
0x16a: {  	v0 =	vadd.f32 v0, v1;
	v1 =	vadd.f32 v3, v2;
	_ =	sdelay $0x1  }
0x16b: {  	[tilespmem:s8+$0xAA70] =	vst v1  }
0x16c: {  	[tilespmem:s8+$0xAA60] =	vst v0  }
0x16d: {  	v0 =	vld [tilespmem:s21+$0xFFFFFEE0]  }
0x16e: {  	v1 =	vld [tilespmem:s21+$0xFFFFFEC0];
	_ =	sdelay $0x1  }
0x16f: {  	v2 =	vld [tilespmem:s21+$0xFFFFFF00];
	_ =	sdelay $0x1  }
0x170: {  	v3 =	vunpack.i.l.bf16.f32 v0;
	v4 =	vld [tilespmem:s21+$0xFFFFFF20]  }
0x171: {  	v0 =	vunpack.i.u.bf16.f32 v0;
	v5 =	vunpack.i.u.bf16.f32 v1;
	v1 =	vunpack.i.l.bf16.f32 v1  }
0x172: {  	v1 =	vadd.f32 v3, v1;
	v0 =	vadd.f32 v0, v5;
	v3 =	vld [tilespmem:s21+$0xFFFFFF40]  }
0x173: {  	v5 =	vunpack.i.u.bf16.f32 v2;
	v2 =	vunpack.i.l.bf16.f32 v2  }
0x174: {  	v1 =	vadd.f32 v2, v1;
	v0 =	vadd.f32 v5, v0;
	v2 =	vld [tilespmem:s21+$0xFFFFFF60]  }
0x175: {  	v5 =	vunpack.i.u.bf16.f32 v4;
	v4 =	vunpack.i.l.bf16.f32 v4  }
0x176: {  	v1 =	vadd.f32 v4, v1;
	v0 =	vadd.f32 v5, v0;
	v4 =	vld [tilespmem:s21+$0xFFFFFF80]  }
0x177: {  	v5 =	vunpack.i.u.bf16.f32 v3;
	v3 =	vunpack.i.l.bf16.f32 v3  }
0x178: {  	v1 =	vadd.f32 v3, v1;
	v0 =	vadd.f32 v5, v0;
	v3 =	vld [tilespmem:s21+$0xFFFFFFA0]  }
0x179: {  	v5 =	vunpack.i.u.bf16.f32 v2;
	v2 =	vunpack.i.l.bf16.f32 v2  }
0x17a: {  	v1 =	vadd.f32 v2, v1;
	v0 =	vadd.f32 v5, v0;
	v2 =	vld [tilespmem:s21+$0xFFFFFFC0]  }
0x17b: {  	v5 =	vunpack.i.u.bf16.f32 v4;
	v4 =	vunpack.i.l.bf16.f32 v4  }
0x17c: {  	v1 =	vadd.f32 v4, v1;
	v0 =	vadd.f32 v5, v0;
	v4 =	vld [tilespmem:s21+$0xFFFFFFE0]  }
0x17d: {  	v5 =	vunpack.i.u.bf16.f32 v3;
	v3 =	vunpack.i.l.bf16.f32 v3  }
0x17e: {  	v1 =	vadd.f32 v3, v1;
	v0 =	vadd.f32 v5, v0;
	v3 =	vld [tilespmem:s21+$0x0]  }
0x17f: {  	v5 =	vunpack.i.u.bf16.f32 v2;
	v2 =	vunpack.i.l.bf16.f32 v2  }
0x180: {  	v1 =	vadd.f32 v2, v1;
	v0 =	vadd.f32 v5, v0;
	v2 =	vld [tilespmem:s21+$0x20]  }
0x181: {  	v5 =	vunpack.i.u.bf16.f32 v4;
	v4 =	vunpack.i.l.bf16.f32 v4  }
0x182: {  	v1 =	vadd.f32 v4, v1;
	v0 =	vadd.f32 v5, v0;
	v4 =	vld [tilespmem:s21+$0x40]  }
0x183: {  	v5 =	vunpack.i.u.bf16.f32 v3;
	v3 =	vunpack.i.l.bf16.f32 v3  }
0x184: {  	v1 =	vadd.f32 v3, v1;
	v0 =	vadd.f32 v5, v0;
	v3 =	vld [tilespmem:s21+$0x60]  }
0x185: {  	v5 =	vunpack.i.u.bf16.f32 v2;
	v2 =	vunpack.i.l.bf16.f32 v2  }
0x186: {  	v1 =	vadd.f32 v2, v1;
	v0 =	vadd.f32 v5, v0;
	v2 =	vld [tilespmem:s21+$0x80]  }
0x187: {  	v5 =	vunpack.i.u.bf16.f32 v4;
	v4 =	vunpack.i.l.bf16.f32 v4  }
0x188: {  	v1 =	vadd.f32 v4, v1;
	v0 =	vadd.f32 v5, v0;
	v4 =	vld [tilespmem:s21+$0xA0]  }
0x189: {  	v5 =	vunpack.i.u.bf16.f32 v3;
	v3 =	vunpack.i.l.bf16.f32 v3  }
0x18a: {  	v1 =	vadd.f32 v3, v1;
	v0 =	vadd.f32 v5, v0;
	v3 =	vld [tilespmem:s21+$0xC0]  }
0x18b: {  	v5 =	vunpack.i.u.bf16.f32 v2;
	v2 =	vunpack.i.l.bf16.f32 v2  }
0x18c: {  	v1 =	vadd.f32 v2, v1;
	v0 =	vadd.f32 v5, v0;
	v2 =	vld [tilespmem:s21+$0xE0]  }
0x18d: {  	v5 =	vunpack.i.u.bf16.f32 v4;
	v4 =	vunpack.i.l.bf16.f32 v4  }
0x18e: {  	v1 =	vadd.f32 v4, v1;
	v0 =	vadd.f32 v5, v0;
	v4 =	vld [tilespmem:s21+$0x100]  }
0x18f: {  	v5 =	vunpack.i.u.bf16.f32 v3;
	v3 =	vunpack.i.l.bf16.f32 v3  }
0x190: {  	v1 =	vadd.f32 v3, v1;
	v0 =	vadd.f32 v5, v0;
	v3 =	vld [tilespmem:s21+$0x120]  }
0x191: {  	v5 =	vunpack.i.u.bf16.f32 v2;
	v2 =	vunpack.i.l.bf16.f32 v2  }
0x192: {  	v1 =	vadd.f32 v2, v1;
	v0 =	vadd.f32 v5, v0  }
0x193: {  	v2 =	vunpack.i.u.bf16.f32 v4;
	v4 =	vunpack.i.l.bf16.f32 v4  }
0x194: {  	v1 =	vadd.f32 v4, v1;
	v0 =	vadd.f32 v2, v0  }
0x195: {  	v2 =	vunpack.i.u.bf16.f32 v3;
	v3 =	vunpack.i.l.bf16.f32 v3  }
0x196: {  	v1 =	vadd.f32 v3, v1;
	v0 =	vadd.f32 v2, v0  }
0x197: {  	s8 =	sshra.s32 s9, $0x2  }
0x198: {  	[tilespmem:s8+$0xAA40] =	vst v1  }
0x199: {  	[tilespmem:s8+$0xAA50] =	vst v0  }
0x19a: {  	v0 =	vld [tilespmem:s21+$0xFFFFFED0]  }
0x19b: {  	v1 =	vld [tilespmem:s21+$0xFFFFFEF0];
	_ =	sdelay $0x1  }
0x19c: {  	v2 =	vld [tilespmem:s21+$0xFFFFFF10];
	_ =	sdelay $0x1  }
0x19d: {  	v3 =	vunpack.i.u.bf16.f32 v0;
	v4 =	vld [tilespmem:s21+$0xFFFFFF30]  }
0x19e: {  	v0 =	vunpack.i.l.bf16.f32 v0;
	v5 =	vunpack.i.u.bf16.f32 v1;
	v1 =	vunpack.i.l.bf16.f32 v1  }
0x19f: {  	v0 =	vadd.f32 v1, v0;
	v1 =	vadd.f32 v5, v3;
	v3 =	vld [tilespmem:s21+$0xFFFFFF50]  }
0x1a0: {  	v5 =	vunpack.i.u.bf16.f32 v2;
	v2 =	vunpack.i.l.bf16.f32 v2  }
0x1a1: {  	v0 =	vadd.f32 v2, v0;
	v1 =	vadd.f32 v5, v1;
	v2 =	vld [tilespmem:s21+$0xFFFFFF70]  }
0x1a2: {  	v5 =	vunpack.i.u.bf16.f32 v4;
	v4 =	vunpack.i.l.bf16.f32 v4  }
0x1a3: {  	v0 =	vadd.f32 v4, v0;
	v1 =	vadd.f32 v5, v1;
	v4 =	vld [tilespmem:s21+$0xFFFFFF90]  }
0x1a4: {  	v5 =	vunpack.i.u.bf16.f32 v3;
	v3 =	vunpack.i.l.bf16.f32 v3  }
0x1a5: {  	v0 =	vadd.f32 v3, v0;
	v1 =	vadd.f32 v5, v1;
	v3 =	vld [tilespmem:s21+$0xFFFFFFB0]  }
0x1a6: {  	v5 =	vunpack.i.u.bf16.f32 v2;
	v2 =	vunpack.i.l.bf16.f32 v2  }
0x1a7: {  	v0 =	vadd.f32 v2, v0;
	v1 =	vadd.f32 v5, v1;
	v2 =	vld [tilespmem:s21+$0xFFFFFFD0]  }
0x1a8: {  	v5 =	vunpack.i.u.bf16.f32 v4;
	v4 =	vunpack.i.l.bf16.f32 v4  }
0x1a9: {  	v0 =	vadd.f32 v4, v0;
	v1 =	vadd.f32 v5, v1;
	v4 =	vld [tilespmem:s21+$0xFFFFFFF0]  }
0x1aa: {  	v5 =	vunpack.i.u.bf16.f32 v3;
	v3 =	vunpack.i.l.bf16.f32 v3  }
0x1ab: {  	v0 =	vadd.f32 v3, v0;
	v1 =	vadd.f32 v5, v1;
	v3 =	vld [tilespmem:s21+$0x10]  }
0x1ac: {  	v5 =	vunpack.i.u.bf16.f32 v2;
	v2 =	vunpack.i.l.bf16.f32 v2  }
0x1ad: {  	v0 =	vadd.f32 v2, v0;
	v1 =	vadd.f32 v5, v1;
	v2 =	vld [tilespmem:s21+$0x30]  }
0x1ae: {  	v5 =	vunpack.i.u.bf16.f32 v4;
	v4 =	vunpack.i.l.bf16.f32 v4  }
0x1af: {  	v0 =	vadd.f32 v4, v0;
	v1 =	vadd.f32 v5, v1;
	v4 =	vld [tilespmem:s21+$0x50]  }
0x1b0: {  	v5 =	vunpack.i.u.bf16.f32 v3;
	v3 =	vunpack.i.l.bf16.f32 v3  }
0x1b1: {  	v0 =	vadd.f32 v3, v0;
	v1 =	vadd.f32 v5, v1;
	v3 =	vld [tilespmem:s21+$0x70]  }
0x1b2: {  	v5 =	vunpack.i.u.bf16.f32 v2;
	v2 =	vunpack.i.l.bf16.f32 v2  }
0x1b3: {  	v0 =	vadd.f32 v2, v0;
	v1 =	vadd.f32 v5, v1;
	v2 =	vld [tilespmem:s21+$0x90]  }
0x1b4: {  	v5 =	vunpack.i.u.bf16.f32 v4;
	v4 =	vunpack.i.l.bf16.f32 v4  }
0x1b5: {  	v0 =	vadd.f32 v4, v0;
	v1 =	vadd.f32 v5, v1;
	v4 =	vld [tilespmem:s21+$0xB0]  }
0x1b6: {  	v5 =	vunpack.i.u.bf16.f32 v3;
	v3 =	vunpack.i.l.bf16.f32 v3  }
0x1b7: {  	v0 =	vadd.f32 v3, v0;
	v1 =	vadd.f32 v5, v1;
	v3 =	vld [tilespmem:s21+$0xD0]  }
0x1b8: {  	v5 =	vunpack.i.u.bf16.f32 v2;
	v2 =	vunpack.i.l.bf16.f32 v2  }
0x1b9: {  	v0 =	vadd.f32 v2, v0;
	v1 =	vadd.f32 v5, v1;
	v2 =	vld [tilespmem:s21+$0xF0]  }
0x1ba: {  	v5 =	vunpack.i.u.bf16.f32 v4;
	v4 =	vunpack.i.l.bf16.f32 v4  }
0x1bb: {  	v0 =	vadd.f32 v4, v0;
	v1 =	vadd.f32 v5, v1;
	v4 =	vld [tilespmem:s21+$0x110]  }
0x1bc: {  	v5 =	vunpack.i.u.bf16.f32 v3;
	v3 =	vunpack.i.l.bf16.f32 v3  }
.Ltmp1:
0x1bd: {  	v3 =	vadd.f32 v3, v0;
	v1 =	vadd.f32 v5, v1;
	v0 =	vld [tilespmem:s21+$0x130];
	(pc) =	sbr.rel @p0 .LBB2_5-.Ltmp1, $4  }
0x1be: {  	v5 =	vunpack.i.u.bf16.f32 v2;
	v2 =	vunpack.i.l.bf16.f32 v2  }
0x1bf: {  	v2 =	vadd.f32 v2, v3;
	v3 =	vadd.f32 v5, v1  }
0x1c0: {  	v5 =	vunpack.i.u.bf16.f32 v4;
	v1 =	vunpack.i.l.bf16.f32 v4  }
0x1c1: {  	v1 =	vadd.f32 v1, v2;
	v2 =	vadd.f32 v5, v3  }
0x1c2: {  	v3 =	vunpack.i.u.bf16.f32 v0  }
0x1c3: {  	v63 =	vunpack.i.l.bf16.f32 v0;
	v2 =	vadd.f32 v3, v2  }
0x1c4: {  	s19 =	sadd.s32 $0x1, s19;
	v0 =	vadd.f32 v63, v1  }
0x1c5: {  	s9 =	sshll.u32 s20, $0x9;
	p0 =	sne.s32 s19, $0x8;
	[tilespmem:s8+$0xAA70] =	vst v2  }
.Ltmp2:
0x1c6: {  	s25 =	sadd.s32 s7, s9;
	[tilespmem:s8+$0xAA60] =	vst v0;
	(pc) =	sbr.rel @p0 .LBB2_2-.Ltmp2, $4  }
0x1c7: {  	[hbm4b:s25+s2] =	stream.linear.scatter [tilespmem:s14], [sflag:$0x5], $0x1000, $0x38;
	[tilespmem:$0xBA00] =	vst v63  }
0x1c8: {  	_ =	swait.ge [sflag:s15], $0x1000  }
0x1c9: {  	[sflag:s15] =	ssyncset.done $0x0  }
0x1ca: {  	[sflag:s15] =	ssyncadd.s32 $0xFFFFF000  }
0x1cb: {  	s18 =	sadd.s32 $0x1, s18  }
0x1cc: {  	p0 =	sne.s32 s18, s12  }
.Ltmp3:
0x1cd: {  	_ = 	snop;
	(pc) =	sbr.rel @p0 .LBB2_1-.Ltmp3, $1  }
0x1ce: {  	_ =	sdelay $0x3  }
0x1cf: {  	_ =	sfence.sel $0x180000  }
0x1d0: {  	[bflag:$0x0] =	sbarrier.arrive $0xFFFF  }
0x1d1: {  	_ =	strace $0x9000004A  }
0x1d2: {  	s0 =	stileid.u32;
	[bflag:$0x2] =	sbarrier.arrive $0xFFFF  }
0x1d3: {  	p0 =	sne.s32 s0, $0x0;
	s0 =	rddreg [dreg:$0x1]  }
0x1d4: {  	s0 =	sadd.s32 @!p0 $0x100000, s0  }
0x1d5: {  	[sflag:s0] =	ssyncadd.tile.s32 @!p0 $0x1;
	_ =	shalt  }
.Lfunc_end2:
_tile_overlayer_lowered:
.L_overlay_start_2:
0x1d6: {  	(tag) =	ssettag $0x2  }
0x1d7: {  	s0 =	rddreg [dreg:$0x0];
	s2 =	stileid.u32  }
0x1d8: {  	s1 =	rddreg [dreg:$0x1];
	p0 =	sne.s32 s2, $0x0  }
0x1d9: {  	s3 =	rddreg [dreg:$0x2];
	[bflag:$0x3] =	sbarrier.arrive $0xFFFF;
	s2 =	simm.s32 @!p0 $0x1C05  }
0x1da: {  	[timem:s3], [sflag:s2] =	dma.local @!p0 [hbm:s0], s1  }
0x1db: {  	s0 =	simm.s32 @!p0 $0x5  }
0x1dc: {  	_ =	swait.ge @!p0 [sflag:s0], s1  }
0x1dd: {  	s1 =	ssub.s32 @!p0 $0x0, s1;
	[sflag:s0] =	ssyncset.done @!p0 $0x0  }
0x1de: {  	[sflag:s0] =	ssyncadd.s32 @!p0 s1  }
0x1df: {  	[bflag:$0x3] =	sbarrier.arrive $0xFFFF  }
0x1e0: {  	_ =	shalt  }

</sc_bundles>
